<compile_context>
chip_gen: v7x
topology: tpu7x:2x2x1
jax: 0.10.2.dev20260603
libtpu: 0.0.44.dev20260713+nightly
codegen_flags: <defaults>
</compile_context>

<pallas_src>
import functools

import jax
import jax.numpy as jnp
from jax import lax
from jax.experimental import pallas as pl
from jax.experimental.pallas import tpu as pltpu
from jax.experimental.pallas import tpu_sc as plsc

NUM_NODES = 10000
NUM_EDGES = 320000
FEAT = 128

NC = 2
NS = 16
NW = NC * NS

NPAD = 10240
EDGES_PER_W = NUM_EDGES // NW
CHUNK = 56
NCHUNK = 179
EPAD = NCHUNK * CHUNK
APAD = 10112
AROWS = APAD // NS
DUMMY_DST = APAD - 1

BM = 2000

_mesh = plsc.VectorSubcoreMesh(core_axis_name="c", subcore_axis_name="s")
_sc_params = pltpu.CompilerParams(needs_layout_passes=False)


@functools.partial(
    pl.kernel,
    mesh=_mesh,
    out_type=jax.ShapeDtypeStruct((NC * NPAD,), jnp.float32),
    scratch_types=[
        pltpu.VMEM((EDGES_PER_W,), jnp.int32),
        pltpu.VMEM((NPAD,), jnp.float32),
        pltpu.VMEM_SHARED((NS * (NPAD // 2),), jnp.float32),
        pltpu.VMEM((NS * (NPAD // 2 // NS),), jnp.float32),
    ],
    compiler_params=_sc_params,
)
def _sc_degree(dst_hbm, out_hbm, dbuf, hist, shist, rbuf):
    cid = lax.axis_index("c")
    sid = lax.axis_index("s")
    wid = cid * NS + sid

    def zero(i, _):
        hist[pl.ds(i * 16, 16)] = jnp.zeros((16,), jnp.float32)
        return 0

    lax.fori_loop(0, NPAD // 16, zero, 0)

    pltpu.sync_copy(dst_hbm.at[pl.ds(wid * EDGES_PER_W, EDGES_PER_W)], dbuf)
    ones = jnp.ones((16,), jnp.float32)

    def body(i, _):
        idxv = dbuf[pl.ds(i * 16, 16)]
        plsc.addupdate_scatter(hist, [idxv], ones)
        return 0

    lax.fori_loop(0, EDGES_PER_W // 16, body, 0)

    half_n = NPAD // 2
    seg = half_n // NS
    for h in range(2):
        pltpu.sync_copy(hist.at[pl.ds(h * half_n, half_n)],
                        shist.at[pl.ds(sid * half_n, half_n)])
        plsc.subcore_barrier()
        cbase = sid * seg
        for k in range(NS):
            pltpu.sync_copy(shist.at[pl.ds(k * half_n + cbase, seg)],
                            rbuf.at[pl.ds(k * seg, seg)])

        def reduce(j, _):
            acc = jnp.zeros((16,), jnp.float32)
            for k in range(NS):
                acc = acc + rbuf[pl.ds(k * seg + j * 16, 16)]
            hist[pl.ds(j * 16, 16)] = acc
            return 0

        lax.fori_loop(0, seg // 16, reduce, 0)
        pltpu.sync_copy(hist.at[pl.ds(0, seg)],
                        out_hbm.at[pl.ds(cid * NPAD + h * half_n + cbase,
                                         seg)])
        plsc.subcore_barrier()


@functools.partial(
    pl.kernel,
    mesh=_mesh,
    out_type=jax.ShapeDtypeStruct((NC, APAD, FEAT), jnp.float32),
    scratch_types=[
        pltpu.VMEM((6, 2, CHUNK), jnp.int32),
        pltpu.VMEM((6, CHUNK, FEAT), jnp.float32),
        pltpu.VMEM_SHARED((APAD, FEAT), jnp.float32),
        pltpu.VMEM((8, FEAT), jnp.float32),
        pltpu.SemaphoreType.DMA,
        pltpu.SemaphoreType.DMA,
    ],
    compiler_params=_sc_params,
)
def _sc_propagate(y_hbm, ei_hbm, out_hbm, eidx, rows, acc, zbuf, sem, ssem):
    cid = lax.axis_index("c")
    sid = lax.axis_index("s")
    wid = cid * NS + sid

    for r in range(8):
        for c in range(FEAT // 16):
            zbuf[r, pl.ds(c * 16, 16)] = jnp.zeros((16,), jnp.float32)

    zbase = sid * AROWS

    def zero(i, _):
        pltpu.sync_copy(zbuf, acc.at[pl.ds(zbase + i * 8, 8), :])
        return 0

    lax.fori_loop(0, AROWS // 8, zero, 0)
    plsc.subcore_barrier()

    G = 6
    for b in range(G):
        pltpu.async_copy(ei_hbm.at[wid, b], eidx.at[b], ssem).wait()
        pltpu.async_copy(y_hbm.at[eidx.at[b, 0]], rows.at[b], sem)

    def body(i, _):
        cur = lax.rem(i, G)
        pltpu.make_async_copy(y_hbm.at[pl.ds(0, CHUNK)], rows.at[cur],
                              sem).wait()
        pltpu.async_copy(rows.at[cur], acc.at[eidx.at[cur, 1]], ssem,
                         add=True).wait()
        pltpu.async_copy(ei_hbm.at[wid, i + G], eidx.at[cur], ssem).wait()
        pltpu.async_copy(y_hbm.at[eidx.at[cur, 0]], rows.at[cur], sem)
        return 0

    lax.fori_loop(0, NCHUNK - G, body, 0)

    def tail(i, _):
        cur = lax.rem(i, G)
        pltpu.make_async_copy(y_hbm.at[pl.ds(0, CHUNK)], rows.at[cur],
                              sem).wait()
        pltpu.async_copy(rows.at[cur], acc.at[eidx.at[cur, 1]], ssem,
                         add=True).wait()
        return 0

    lax.fori_loop(NCHUNK - G, NCHUNK, tail, 0)
    plsc.subcore_barrier()

    pltpu.sync_copy(acc.at[pl.ds(zbase, AROWS), :],
                    out_hbm.at[cid, pl.ds(zbase, AROWS), :])


def _scale_body(x_ref, d_ref, o_ref):
    o_ref[...] = x_ref[...] * d_ref[...]


def _layer1_body(s_ref, y_ref, d_ref, w_ref, b_ref, o_ref):
    p = (s_ref[0] + s_ref[1] + y_ref[...]) * d_ref[...]
    h = jnp.dot(p, w_ref[...], preferred_element_type=jnp.float32)
    h = jnp.maximum(h + b_ref[...], 0.0)
    o_ref[...] = h * d_ref[...]


def _layer23_body(s_ref, y_ref, d_ref, w2_ref, b2_ref, w3_ref, b3_ref,
                  mu_ref, ls_ref):
    p = (s_ref[0] + s_ref[1] + y_ref[...]) * d_ref[...]
    mu_ref[...] = jnp.dot(p, w2_ref[...],
                          preferred_element_type=jnp.float32) + b2_ref[...]
    ls_ref[...] = jnp.dot(p, w3_ref[...],
                          preferred_element_type=jnp.float32) + b3_ref[...]


_row_spec = pl.BlockSpec((BM, FEAT), lambda i: (i, 0))
_d_spec = pl.BlockSpec((BM, 1), lambda i: (i, 0))
_part_spec = pl.BlockSpec((NC, BM, FEAT), lambda i: (0, i, 0))
_w_spec = pl.BlockSpec((FEAT, FEAT), lambda i: (0, 0))
_b_spec = pl.BlockSpec((1, FEAT), lambda i: (0, 0))
_grid = (NUM_NODES // BM,)


def _scale(x, dinv):
    return pl.pallas_call(
        _scale_body,
        grid=_grid,
        in_specs=[_row_spec, _d_spec],
        out_specs=_row_spec,
        out_shape=jax.ShapeDtypeStruct((NUM_NODES, FEAT), jnp.float32),
    )(x, dinv)


def _layer1(s_parts, y0, dinv, W1, b1):
    return pl.pallas_call(
        _layer1_body,
        grid=_grid,
        in_specs=[_part_spec, _row_spec, _d_spec, _w_spec, _b_spec],
        out_specs=_row_spec,
        out_shape=jax.ShapeDtypeStruct((NUM_NODES, FEAT), jnp.float32),
    )(s_parts, y0, dinv, W1, b1)


def _layer23(s_parts, y1, dinv, W2, b2, W3, b3):
    return pl.pallas_call(
        _layer23_body,
        grid=_grid,
        in_specs=[_part_spec, _row_spec, _d_spec, _w_spec, _b_spec,
                  _w_spec, _b_spec],
        out_specs=[_row_spec, _row_spec],
        out_shape=[jax.ShapeDtypeStruct((NUM_NODES, FEAT), jnp.float32),
                   jax.ShapeDtypeStruct((NUM_NODES, FEAT), jnp.float32)],
    )(s_parts, y1, dinv, W2, b2, W3, b3)


def kernel(x, edge_index, W1, b1, W2, b2, W3, b3):
    src = edge_index[0].astype(jnp.int32)
    dst = edge_index[1].astype(jnp.int32)
    src2 = src.reshape(NW, EDGES_PER_W)
    dst2 = dst.reshape(NW, EDGES_PER_W)
    pad = ((0, 0), (0, EPAD - EDGES_PER_W))
    src3 = jnp.pad(src2, pad).reshape(NW, NCHUNK, CHUNK)
    dst3 = jnp.pad(dst2, pad,
                   constant_values=DUMMY_DST).reshape(NW, NCHUNK, CHUNK)
    ei4 = jnp.stack([src3, dst3], axis=2)

    deg_parts = _sc_degree(dst)
    deg = (deg_parts[:NUM_NODES]
           + deg_parts[NPAD:NPAD + NUM_NODES] + 1.0)
    dinv = lax.rsqrt(deg).reshape(NUM_NODES, 1)

    y0 = _scale(x, dinv)
    s0 = _sc_propagate(y0, ei4)
    y1 = _layer1(s0, y0, dinv, W1, b1.reshape(1, FEAT))
    s1 = _sc_propagate(y1, ei4)
    mu, logstd = _layer23(s1, y1, dinv, W2, b2.reshape(1, FEAT),
                          W3, b3.reshape(1, FEAT))
    return (mu, logstd)

# --- scband reference (transcript-rebuilt; emitter-appended) ---
"""Pipeline reference for scband-encoder-40922448396975 (READ-ONLY COPY).

The authoritative reference and input builder live on the scoring server;
editing this copy changes nothing except your own understanding.
"""

import jax, jax.numpy as jnp
import numpy as np

N = 10000
E = 320000
C_IN = 128
C_OUT = 128


def gcn_conv(x, edge_index, W, b):
    n = x.shape[0]
    loop = jnp.arange(n, dtype=edge_index.dtype)
    src = jnp.concatenate([edge_index[0], loop])
    dst = jnp.concatenate([edge_index[1], loop])
    deg = jax.ops.segment_sum(jnp.ones(src.shape[0], dtype=x.dtype), dst, num_segments=n)
    dinv = jnp.where(deg > 0, 1.0 / jnp.sqrt(deg), 0.0)
    norm = dinv[src] * dinv[dst]
    h = x @ W
    msg = h[src] * norm[:, None]
    out = jax.ops.segment_sum(msg, dst, num_segments=n)
    return out + b


def setup_inputs(seed: int = 0) -> dict:
    key = jax.random.key(seed)
    ks = jax.random.split(key, 8)
    x = jax.random.normal(ks[0], (N, C_IN), dtype=jnp.float32)
    edge_index = jax.random.randint(ks[1], (2, E), 0, N, dtype=jnp.int64)
    s1 = 1.0 / np.sqrt(C_IN)
    s2 = 1.0 / np.sqrt(C_OUT)
    W1 = jax.random.normal(ks[2], (C_IN, C_OUT), dtype=jnp.float32) * s1
    b1 = jnp.zeros((C_OUT,), dtype=jnp.float32)
    W2 = jax.random.normal(ks[3], (C_OUT, C_OUT), dtype=jnp.float32) * s2
    b2 = jnp.zeros((C_OUT,), dtype=jnp.float32)
    W3 = jax.random.normal(ks[4], (C_OUT, C_OUT), dtype=jnp.float32) * s2
    b3 = jnp.zeros((C_OUT,), dtype=jnp.float32)
    return {"x": x, "edge_index": edge_index, "W1": W1, "b1": b1, "W2": W2, "b2": b2, "W3": W3, "b3": b3}


def reference(x, edge_index, W1, b1, W2, b2, W3, b3):
    h = jax.nn.relu(gcn_conv(x, edge_index, W1, b1))
    mu = gcn_conv(h, edge_index, W2, b2)
    logstd = gcn_conv(h, edge_index, W3, b3)
    return (mu, logstd)

if __name__ == "__main__":
    import jax
    _d = setup_inputs()
    print(jax.jit(kernel)(*tuple(_d.values())))

</pallas_src>

<mosaic_0001>
#map = affine_map<(d0, d1) -> (0, 0)>
#map1 = affine_map<(d0, d1) -> (0, 0, 0, 0)>
#map2 = affine_map<(d0, d1) -> (0, 0, 0)>
module attributes {stable_mosaic.version = 14 : i64} {
  func.func @_sc_propagate(%arg0: i32, %arg1: i32, %arg2: memref<10000x128xf32, #tpu.memory_space<hbm>>, %arg3: memref<32x179x2x56xi32, #tpu.memory_space<hbm>>, %arg4: memref<2x10112x128xf32, #tpu.memory_space<hbm>>, %arg5: memref<6x2x56xi32, #tpu.memory_space<vmem>>, %arg6: memref<6x56x128xf32, #tpu.memory_space<vmem>>, %arg7: memref<10112x128xf32, #tpu.memory_space<vmem_shared>>, %arg8: memref<8x128xf32, #tpu.memory_space<vmem>>, %arg9: memref<!tpu.dma_semaphore, #tpu.memory_space<semaphore_mem>>, %arg10: memref<!tpu.dma_semaphore, #tpu.memory_space<semaphore_mem>>) attributes {dimension_semantics = [#tpu.dimension_semantics<core_parallel>, #tpu.dimension_semantics<subcore_parallel>], iteration_bounds = array<i64: 2, 16>, scalar_prefetch = 0 : i64, scratch_operands = 6 : i64, tpu.core_type = #tpu.core_type<sc_vector_subcore>, window_params = [{transform_indices = #map}, {transform_indices = #map1}, {transform_indices = #map2}]} {
    %mul3A = arith.constant 16 : i32
    %mul3A_0 = arith.muli %arg0, %mul3A : i32
    %add3A = arith.addi %mul3A_0, %arg1 : i32
    %broadcast_in_dim3A = arith.constant 0.000000e+00 : f32
    %broadcast_in_dim3A_1 = vector.broadcast %broadcast_in_dim3A : f32 to vector<16xf32>
    %swap3A = arith.constant 0 : i32
    %swap3A_2 = arith.index_cast %swap3A : i32 to index
    %swap3A_3 = arith.constant 0 : index
    %swap3A_4 = tpu.vector_load %arg8[%swap3A_2, %swap3A_3] {strides = array<i32>} : memref<8x128xf32, #tpu.memory_space<vmem>>, vector<16xf32>,
    tpu.vector_store %arg8[%swap3A_2, %swap3A_3], %broadcast_in_dim3A_1 {strides = array<i32>} : memref<8x128xf32, #tpu.memory_space<vmem>>, vector<16xf32>,
    %broadcast_in_dim3A_5 = arith.constant 0.000000e+00 : f32
    %broadcast_in_dim3A_6 = vector.broadcast %broadcast_in_dim3A_5 : f32 to vector<16xf32>
    %swap3A_7 = arith.constant 0 : i32
    %swap3A_8 = arith.index_cast %swap3A_7 : i32 to index
    %swap3A_9 = arith.constant 16 : index
    %swap3A_10 = tpu.vector_load %arg8[%swap3A_8, %swap3A_9] {strides = array<i32>} : memref<8x128xf32, #tpu.memory_space<vmem>>, vector<16xf32>,
    tpu.vector_store %arg8[%swap3A_8, %swap3A_9], %broadcast_in_dim3A_6 {strides = array<i32>} : memref<8x128xf32, #tpu.memory_space<vmem>>, vector<16xf32>,
    %broadcast_in_dim3A_11 = arith.constant 0.000000e+00 : f32
    %broadcast_in_dim3A_12 = vector.broadcast %broadcast_in_dim3A_11 : f32 to vector<16xf32>
    %swap3A_13 = arith.constant 0 : i32
    %swap3A_14 = arith.index_cast %swap3A_13 : i32 to index
    %swap3A_15 = arith.constant 32 : index
    %swap3A_16 = tpu.vector_load %arg8[%swap3A_14, %swap3A_15] {strides = array<i32>} : memref<8x128xf32, #tpu.memory_space<vmem>>, vector<16xf32>,
    tpu.vector_store %arg8[%swap3A_14, %swap3A_15], %broadcast_in_dim3A_12 {strides = array<i32>} : memref<8x128xf32, #tpu.memory_space<vmem>>, vector<16xf32>,
    %broadcast_in_dim3A_17 = arith.constant 0.000000e+00 : f32
    %broadcast_in_dim3A_18 = vector.broadcast %broadcast_in_dim3A_17 : f32 to vector<16xf32>
    %swap3A_19 = arith.constant 0 : i32
    %swap3A_20 = arith.index_cast %swap3A_19 : i32 to index
    %swap3A_21 = arith.constant 48 : index
    %swap3A_22 = tpu.vector_load %arg8[%swap3A_20, %swap3A_21] {strides = array<i32>} : memref<8x128xf32, #tpu.memory_space<vmem>>, vector<16xf32>,
    tpu.vector_store %arg8[%swap3A_20, %swap3A_21], %broadcast_in_dim3A_18 {strides = array<i32>} : memref<8x128xf32, #tpu.memory_space<vmem>>, vector<16xf32>,
    %broadcast_in_dim3A_23 = arith.constant 0.000000e+00 : f32
    %broadcast_in_dim3A_24 = vector.broadcast %broadcast_in_dim3A_23 : f32 to vector<16xf32>
    %swap3A_25 = arith.constant 0 : i32
    %swap3A_26 = arith.index_cast %swap3A_25 : i32 to index
    %swap3A_27 = arith.constant 64 : index
    %swap3A_28 = tpu.vector_load %arg8[%swap3A_26, %swap3A_27] {strides = array<i32>} : memref<8x128xf32, #tpu.memory_space<vmem>>, vector<16xf32>,
    tpu.vector_store %arg8[%swap3A_26, %swap3A_27], %broadcast_in_dim3A_24 {strides = array<i32>} : memref<8x128xf32, #tpu.memory_space<vmem>>, vector<16xf32>,
    %broadcast_in_dim3A_29 = arith.constant 0.000000e+00 : f32
    %broadcast_in_dim3A_30 = vector.broadcast %broadcast_in_dim3A_29 : f32 to vector<16xf32>
    %swap3A_31 = arith.constant 0 : i32
    %swap3A_32 = arith.index_cast %swap3A_31 : i32 to index
    %swap3A_33 = arith.constant 80 : index
    %swap3A_34 = tpu.vector_load %arg8[%swap3A_32, %swap3A_33] {strides = array<i32>} : memref<8x128xf32, #tpu.memory_space<vmem>>, vector<16xf32>,
    tpu.vector_store %arg8[%swap3A_32, %swap3A_33], %broadcast_in_dim3A_30 {strides = array<i32>} : memref<8x128xf32, #tpu.memory_space<vmem>>, vector<16xf32>,
    %broadcast_in_dim3A_35 = arith.constant 0.000000e+00 : f32
    %broadcast_in_dim3A_36 = vector.broadcast %broadcast_in_dim3A_35 : f32 to vector<16xf32>
    %swap3A_37 = arith.constant 0 : i32
    %swap3A_38 = arith.index_cast %swap3A_37 : i32 to index
    %swap3A_39 = arith.constant 96 : index
    %swap3A_40 = tpu.vector_load %arg8[%swap3A_38, %swap3A_39] {strides = array<i32>} : memref<8x128xf32, #tpu.memory_space<vmem>>, vector<16xf32>,
    tpu.vector_store %arg8[%swap3A_38, %swap3A_39], %broadcast_in_dim3A_36 {strides = array<i32>} : memref<8x128xf32, #tpu.memory_space<vmem>>, vector<16xf32>,
    %broadcast_in_dim3A_41 = arith.constant 0.000000e+00 : f32
    %broadcast_in_dim3A_42 = vector.broadcast %broadcast_in_dim3A_41 : f32 to vector<16xf32>
    %swap3A_43 = arith.constant 0 : i32
    %swap3A_44 = arith.index_cast %swap3A_43 : i32 to index
    %swap3A_45 = arith.constant 112 : index
    %swap3A_46 = tpu.vector_load %arg8[%swap3A_44, %swap3A_45] {strides = array<i32>} : memref<8x128xf32, #tpu.memory_space<vmem>>, vector<16xf32>,
    tpu.vector_store %arg8[%swap3A_44, %swap3A_45], %broadcast_in_dim3A_42 {strides = array<i32>} : memref<8x128xf32, #tpu.memory_space<vmem>>, vector<16xf32>,
    %broadcast_in_dim3A_47 = arith.constant 0.000000e+00 : f32
    %broadcast_in_dim3A_48 = vector.broadcast %broadcast_in_dim3A_47 : f32 to vector<16xf32>
    %swap3A_49 = arith.constant 1 : i32
    %swap3A_50 = arith.index_cast %swap3A_49 : i32 to index
    %swap3A_51 = arith.constant 0 : index
    %swap3A_52 = tpu.vector_load %arg8[%swap3A_50, %swap3A_51] {strides = array<i32>} : memref<8x128xf32, #tpu.memory_space<vmem>>, vector<16xf32>,
    tpu.vector_store %arg8[%swap3A_50, %swap3A_51], %broadcast_in_dim3A_48 {strides = array<i32>} : memref<8x128xf32, #tpu.memory_space<vmem>>, vector<16xf32>,
    %broadcast_in_dim3A_53 = arith.constant 0.000000e+00 : f32
    %broadcast_in_dim3A_54 = vector.broadcast %broadcast_in_dim3A_53 : f32 to vector<16xf32>
    %swap3A_55 = arith.constant 1 : i32
    %swap3A_56 = arith.index_cast %swap3A_55 : i32 to index
    %swap3A_57 = arith.constant 16 : index
    %swap3A_58 = tpu.vector_load %arg8[%swap3A_56, %swap3A_57] {strides = array<i32>} : memref<8x128xf32, #tpu.memory_space<vmem>>, vector<16xf32>,
    tpu.vector_store %arg8[%swap3A_56, %swap3A_57], %broadcast_in_dim3A_54 {strides = array<i32>} : memref<8x128xf32, #tpu.memory_space<vmem>>, vector<16xf32>,
    %broadcast_in_dim3A_59 = arith.constant 0.000000e+00 : f32
    %broadcast_in_dim3A_60 = vector.broadcast %broadcast_in_dim3A_59 : f32 to vector<16xf32>
    %swap3A_61 = arith.constant 1 : i32
    %swap3A_62 = arith.index_cast %swap3A_61 : i32 to index
    %swap3A_63 = arith.constant 32 : index
    %swap3A_64 = tpu.vector_load %arg8[%swap3A_62, %swap3A_63] {strides = array<i32>} : memref<8x128xf32, #tpu.memory_space<vmem>>, vector<16xf32>,
    tpu.vector_store %arg8[%swap3A_62, %swap3A_63], %broadcast_in_dim3A_60 {strides = array<i32>} : memref<8x128xf32, #tpu.memory_space<vmem>>, vector<16xf32>,
    %broadcast_in_dim3A_65 = arith.constant 0.000000e+00 : f32
    %broadcast_in_dim3A_66 = vector.broadcast %broadcast_in_dim3A_65 : f32 to vector<16xf32>
    %swap3A_67 = arith.constant 1 : i32
    %swap3A_68 = arith.index_cast %swap3A_67 : i32 to index
    %swap3A_69 = arith.constant 48 : index
    %swap3A_70 = tpu.vector_load %arg8[%swap3A_68, %swap3A_69] {strides = array<i32>} : memref<8x128xf32, #tpu.memory_space<vmem>>, vector<16xf32>,
    tpu.vector_store %arg8[%swap3A_68, %swap3A_69], %broadcast_in_dim3A_66 {strides = array<i32>} : memref<8x128xf32, #tpu.memory_space<vmem>>, vector<16xf32>,
    %broadcast_in_dim3A_71 = arith.constant 0.000000e+00 : f32
    %broadcast_in_dim3A_72 = vector.broadcast %broadcast_in_dim3A_71 : f32 to vector<16xf32>
    %swap3A_73 = arith.constant 1 : i32
    %swap3A_74 = arith.index_cast %swap3A_73 : i32 to index
    %swap3A_75 = arith.constant 64 : index
    %swap3A_76 = tpu.vector_load %arg8[%swap3A_74, %swap3A_75] {strides = array<i32>} : memref<8x128xf32, #tpu.memory_space<vmem>>, vector<16xf32>,
    tpu.vector_store %arg8[%swap3A_74, %swap3A_75], %broadcast_in_dim3A_72 {strides = array<i32>} : memref<8x128xf32, #tpu.memory_space<vmem>>, vector<16xf32>,
    %broadcast_in_dim3A_77 = arith.constant 0.000000e+00 : f32
    %broadcast_in_dim3A_78 = vector.broadcast %broadcast_in_dim3A_77 : f32 to vector<16xf32>
    %swap3A_79 = arith.constant 1 : i32
    %swap3A_80 = arith.index_cast %swap3A_79 : i32 to index
    %swap3A_81 = arith.constant 80 : index
    %swap3A_82 = tpu.vector_load %arg8[%swap3A_80, %swap3A_81] {strides = array<i32>} : memref<8x128xf32, #tpu.memory_space<vmem>>, vector<16xf32>,
    tpu.vector_store %arg8[%swap3A_80, %swap3A_81], %broadcast_in_dim3A_78 {strides = array<i32>} : memref<8x128xf32, #tpu.memory_space<vmem>>, vector<16xf32>,
    %broadcast_in_dim3A_83 = arith.constant 0.000000e+00 : f32
    %broadcast_in_dim3A_84 = vector.broadcast %broadcast_in_dim3A_83 : f32 to vector<16xf32>
    %swap3A_85 = arith.constant 1 : i32
    %swap3A_86 = arith.index_cast %swap3A_85 : i32 to index
    %swap3A_87 = arith.constant 96 : index
    %swap3A_88 = tpu.vector_load %arg8[%swap3A_86, %swap3A_87] {strides = array<i32>} : memref<8x128xf32, #tpu.memory_space<vmem>>, vector<16xf32>,
    tpu.vector_store %arg8[%swap3A_86, %swap3A_87], %broadcast_in_dim3A_84 {strides = array<i32>} : memref<8x128xf32, #tpu.memory_space<vmem>>, vector<16xf32>,
    %broadcast_in_dim3A_89 = arith.constant 0.000000e+00 : f32
    %broadcast_in_dim3A_90 = vector.broadcast %broadcast_in_dim3A_89 : f32 to vector<16xf32>
    %swap3A_91 = arith.constant 1 : i32
    %swap3A_92 = arith.index_cast %swap3A_91 : i32 to index
    %swap3A_93 = arith.constant 112 : index
    %swap3A_94 = tpu.vector_load %arg8[%swap3A_92, %swap3A_93] {strides = array<i32>} : memref<8x128xf32, #tpu.memory_space<vmem>>, vector<16xf32>,
    tpu.vector_store %arg8[%swap3A_92, %swap3A_93], %broadcast_in_dim3A_90 {strides = array<i32>} : memref<8x128xf32, #tpu.memory_space<vmem>>, vector<16xf32>,
    %broadcast_in_dim3A_95 = arith.constant 0.000000e+00 : f32
    %broadcast_in_dim3A_96 = vector.broadcast %broadcast_in_dim3A_95 : f32 to vector<16xf32>
    %swap3A_97 = arith.constant 2 : i32
    %swap3A_98 = arith.index_cast %swap3A_97 : i32 to index
    %swap3A_99 = arith.constant 0 : index
    %swap3A_100 = tpu.vector_load %arg8[%swap3A_98, %swap3A_99] {strides = array<i32>} : memref<8x128xf32, #tpu.memory_space<vmem>>, vector<16xf32>,
    tpu.vector_store %arg8[%swap3A_98, %swap3A_99], %broadcast_in_dim3A_96 {strides = array<i32>} : memref<8x128xf32, #tpu.memory_space<vmem>>, vector<16xf32>,
    %broadcast_in_dim3A_101 = arith.constant 0.000000e+00 : f32
    %broadcast_in_dim3A_102 = vector.broadcast %broadcast_in_dim3A_101 : f32 to vector<16xf32>
    %swap3A_103 = arith.constant 2 : i32
    %swap3A_104 = arith.index_cast %swap3A_103 : i32 to index
    %swap3A_105 = arith.constant 16 : index
    %swap3A_106 = tpu.vector_load %arg8[%swap3A_104, %swap3A_105] {strides = array<i32>} : memref<8x128xf32, #tpu.memory_space<vmem>>, vector<16xf32>,
    tpu.vector_store %arg8[%swap3A_104, %swap3A_105], %broadcast_in_dim3A_102 {strides = array<i32>} : memref<8x128xf32, #tpu.memory_space<vmem>>, vector<16xf32>,
    %broadcast_in_dim3A_107 = arith.constant 0.000000e+00 : f32
    %broadcast_in_dim3A_108 = vector.broadcast %broadcast_in_dim3A_107 : f32 to vector<16xf32>
    %swap3A_109 = arith.constant 2 : i32
    %swap3A_110 = arith.index_cast %swap3A_109 : i32 to index
    %swap3A_111 = arith.constant 32 : index
    %swap3A_112 = tpu.vector_load %arg8[%swap3A_110, %swap3A_111] {strides = array<i32>} : memref<8x128xf32, #tpu.memory_space<vmem>>, vector<16xf32>,
    tpu.vector_store %arg8[%swap3A_110, %swap3A_111], %broadcast_in_dim3A_108 {strides = array<i32>} : memref<8x128xf32, #tpu.memory_space<vmem>>, vector<16xf32>,
    %broadcast_in_dim3A_113 = arith.constant 0.000000e+00 : f32
    %broadcast_in_dim3A_114 = vector.broadcast %broadcast_in_dim3A_113 : f32 to vector<16xf32>
    %swap3A_115 = arith.constant 2 : i32
    %swap3A_116 = arith.index_cast %swap3A_115 : i32 to index
    %swap3A_117 = arith.constant 48 : index
    %swap3A_118 = tpu.vector_load %arg8[%swap3A_116, %swap3A_117] {strides = array<i32>} : memref<8x128xf32, #tpu.memory_space<vmem>>, vector<16xf32>,
    tpu.vector_store %arg8[%swap3A_116, %swap3A_117], %broadcast_in_dim3A_114 {strides = array<i32>} : memref<8x128xf32, #tpu.memory_space<vmem>>, vector<16xf32>,
    %broadcast_in_dim3A_119 = arith.constant 0.000000e+00 : f32
    %broadcast_in_dim3A_120 = vector.broadcast %broadcast_in_dim3A_119 : f32 to vector<16xf32>
    %swap3A_121 = arith.constant 2 : i32
    %swap3A_122 = arith.index_cast %swap3A_121 : i32 to index
    %swap3A_123 = arith.constant 64 : index
    %swap3A_124 = tpu.vector_load %arg8[%swap3A_122, %swap3A_123] {strides = array<i32>} : memref<8x128xf32, #tpu.memory_space<vmem>>, vector<16xf32>,
    tpu.vector_store %arg8[%swap3A_122, %swap3A_123], %broadcast_in_dim3A_120 {strides = array<i32>} : memref<8x128xf32, #tpu.memory_space<vmem>>, vector<16xf32>,
    %broadcast_in_dim3A_125 = arith.constant 0.000000e+00 : f32
    %broadcast_in_dim3A_126 = vector.broadcast %broadcast_in_dim3A_125 : f32 to vector<16xf32>
    %swap3A_127 = arith.constant 2 : i32
    %swap3A_128 = arith.index_cast %swap3A_127 : i32 to index
    %swap3A_129 = arith.constant 80 : index
    %swap3A_130 = tpu.vector_load %arg8[%swap3A_128, %swap3A_129] {strides = array<i32>} : memref<8x128xf32, #tpu.memory_space<vmem>>, vector<16xf32>,
    tpu.vector_store %arg8[%swap3A_128, %swap3A_129], %broadcast_in_dim3A_126 {strides = array<i32>} : memref<8x128xf32, #tpu.memory_space<vmem>>, vector<16xf32>,
    %broadcast_in_dim3A_131 = arith.constant 0.000000e+00 : f32
    %broadcast_in_dim3A_132 = vector.broadcast %broadcast_in_dim3A_131 : f32 to vector<16xf32>
    %swap3A_133 = arith.constant 2 : i32
    %swap3A_134 = arith.index_cast %swap3A_133 : i32 to index
    %swap3A_135 = arith.constant 96 : index
    %swap3A_136 = tpu.vector_load %arg8[%swap3A_134, %swap3A_135] {strides = array<i32>} : memref<8x128xf32, #tpu.memory_space<vmem>>, vector<16xf32>,
    tpu.vector_store %arg8[%swap3A_134, %swap3A_135], %broadcast_in_dim3A_132 {strides = array<i32>} : memref<8x128xf32, #tpu.memory_space<vmem>>, vector<16xf32>,
    %broadcast_in_dim3A_137 = arith.constant 0.000000e+00 : f32
    %broadcast_in_dim3A_138 = vector.broadcast %broadcast_in_dim3A_137 : f32 to vector<16xf32>
    %swap3A_139 = arith.constant 2 : i32
    %swap3A_140 = arith.index_cast %swap3A_139 : i32 to index
    %swap3A_141 = arith.constant 112 : index
    %swap3A_142 = tpu.vector_load %arg8[%swap3A_140, %swap3A_141] {strides = array<i32>} : memref<8x128xf32, #tpu.memory_space<vmem>>, vector<16xf32>,
    tpu.vector_store %arg8[%swap3A_140, %swap3A_141], %broadcast_in_dim3A_138 {strides = array<i32>} : memref<8x128xf32, #tpu.memory_space<vmem>>, vector<16xf32>,
    %broadcast_in_dim3A_143 = arith.constant 0.000000e+00 : f32
    %broadcast_in_dim3A_144 = vector.broadcast %broadcast_in_dim3A_143 : f32 to vector<16xf32>
    %swap3A_145 = arith.constant 3 : i32
    %swap3A_146 = arith.index_cast %swap3A_145 : i32 to index
    %swap3A_147 = arith.constant 0 : index
    %swap3A_148 = tpu.vector_load %arg8[%swap3A_146, %swap3A_147] {strides = array<i32>} : memref<8x128xf32, #tpu.memory_space<vmem>>, vector<16xf32>,
    tpu.vector_store %arg8[%swap3A_146, %swap3A_147], %broadcast_in_dim3A_144 {strides = array<i32>} : memref<8x128xf32, #tpu.memory_space<vmem>>, vector<16xf32>,
    %broadcast_in_dim3A_149 = arith.constant 0.000000e+00 : f32
    %broadcast_in_dim3A_150 = vector.broadcast %broadcast_in_dim3A_149 : f32 to vector<16xf32>
    %swap3A_151 = arith.constant 3 : i32
    %swap3A_152 = arith.index_cast %swap3A_151 : i32 to index
    %swap3A_153 = arith.constant 16 : index
    %swap3A_154 = tpu.vector_load %arg8[%swap3A_152, %swap3A_153] {strides = array<i32>} : memref<8x128xf32, #tpu.memory_space<vmem>>, vector<16xf32>,
    tpu.vector_store %arg8[%swap3A_152, %swap3A_153], %broadcast_in_dim3A_150 {strides = array<i32>} : memref<8x128xf32, #tpu.memory_space<vmem>>, vector<16xf32>,
    %broadcast_in_dim3A_155 = arith.constant 0.000000e+00 : f32
    %broadcast_in_dim3A_156 = vector.broadcast %broadcast_in_dim3A_155 : f32 to vector<16xf32>
    %swap3A_157 = arith.constant 3 : i32
    %swap3A_158 = arith.index_cast %swap3A_157 : i32 to index
    %swap3A_159 = arith.constant 32 : index
    %swap3A_160 = tpu.vector_load %arg8[%swap3A_158, %swap3A_159] {strides = array<i32>} : memref<8x128xf32, #tpu.memory_space<vmem>>, vector<16xf32>,
    tpu.vector_store %arg8[%swap3A_158, %swap3A_159], %broadcast_in_dim3A_156 {strides = array<i32>} : memref<8x128xf32, #tpu.memory_space<vmem>>, vector<16xf32>,
    %broadcast_in_dim3A_161 = arith.constant 0.000000e+00 : f32
    %broadcast_in_dim3A_162 = vector.broadcast %broadcast_in_dim3A_161 : f32 to vector<16xf32>
    %swap3A_163 = arith.constant 3 : i32
    %swap3A_164 = arith.index_cast %swap3A_163 : i32 to index
    %swap3A_165 = arith.constant 48 : index
    %swap3A_166 = tpu.vector_load %arg8[%swap3A_164, %swap3A_165] {strides = array<i32>} : memref<8x128xf32, #tpu.memory_space<vmem>>, vector<16xf32>,
    tpu.vector_store %arg8[%swap3A_164, %swap3A_165], %broadcast_in_dim3A_162 {strides = array<i32>} : memref<8x128xf32, #tpu.memory_space<vmem>>, vector<16xf32>,
    %broadcast_in_dim3A_167 = arith.constant 0.000000e+00 : f32
    %broadcast_in_dim3A_168 = vector.broadcast %broadcast_in_dim3A_167 : f32 to vector<16xf32>
    %swap3A_169 = arith.constant 3 : i32
    %swap3A_170 = arith.index_cast %swap3A_169 : i32 to index
    %swap3A_171 = arith.constant 64 : index
    %swap3A_172 = tpu.vector_load %arg8[%swap3A_170, %swap3A_171] {strides = array<i32>} : memref<8x128xf32, #tpu.memory_space<vmem>>, vector<16xf32>,
    tpu.vector_store %arg8[%swap3A_170, %swap3A_171], %broadcast_in_dim3A_168 {strides = array<i32>} : memref<8x128xf32, #tpu.memory_space<vmem>>, vector<16xf32>,
    %broadcast_in_dim3A_173 = arith.constant 0.000000e+00 : f32
    %broadcast_in_dim3A_174 = vector.broadcast %broadcast_in_dim3A_173 : f32 to vector<16xf32>
    %swap3A_175 = arith.constant 3 : i32
    %swap3A_176 = arith.index_cast %swap3A_175 : i32 to index
    %swap3A_177 = arith.constant 80 : index
    %swap3A_178 = tpu.vector_load %arg8[%swap3A_176, %swap3A_177] {strides = array<i32>} : memref<8x128xf32, #tpu.memory_space<vmem>>, vector<16xf32>,
    tpu.vector_store %arg8[%swap3A_176, %swap3A_177], %broadcast_in_dim3A_174 {strides = array<i32>} : memref<8x128xf32, #tpu.memory_space<vmem>>, vector<16xf32>,
    %broadcast_in_dim3A_179 = arith.constant 0.000000e+00 : f32
    %broadcast_in_dim3A_180 = vector.broadcast %broadcast_in_dim3A_179 : f32 to vector<16xf32>
    %swap3A_181 = arith.constant 3 : i32
    %swap3A_182 = arith.index_cast %swap3A_181 : i32 to index
    %swap3A_183 = arith.constant 96 : index
    %swap3A_184 = tpu.vector_load %arg8[%swap3A_182, %swap3A_183] {strides = array<i32>} : memref<8x128xf32, #tpu.memory_space<vmem>>, vector<16xf32>,
    tpu.vector_store %arg8[%swap3A_182, %swap3A_183], %broadcast_in_dim3A_180 {strides = array<i32>} : memref<8x128xf32, #tpu.memory_space<vmem>>, vector<16xf32>,
    %broadcast_in_dim3A_185 = arith.constant 0.000000e+00 : f32
    %broadcast_in_dim3A_186 = vector.broadcast %broadcast_in_dim3A_185 : f32 to vector<16xf32>
    %swap3A_187 = arith.constant 3 : i32
    %swap3A_188 = arith.index_cast %swap3A_187 : i32 to index
    %swap3A_189 = arith.constant 112 : index
    %swap3A_190 = tpu.vector_load %arg8[%swap3A_188, %swap3A_189] {strides = array<i32>} : memref<8x128xf32, #tpu.memory_space<vmem>>, vector<16xf32>,
    tpu.vector_store %arg8[%swap3A_188, %swap3A_189], %broadcast_in_dim3A_186 {strides = array<i32>} : memref<8x128xf32, #tpu.memory_space<vmem>>, vector<16xf32>,
    %broadcast_in_dim3A_191 = arith.constant 0.000000e+00 : f32
    %broadcast_in_dim3A_192 = vector.broadcast %broadcast_in_dim3A_191 : f32 to vector<16xf32>
    %swap3A_193 = arith.constant 4 : i32
    %swap3A_194 = arith.index_cast %swap3A_193 : i32 to index
    %swap3A_195 = arith.constant 0 : index
    %swap3A_196 = tpu.vector_load %arg8[%swap3A_194, %swap3A_195] {strides = array<i32>} : memref<8x128xf32, #tpu.memory_space<vmem>>, vector<16xf32>,
    tpu.vector_store %arg8[%swap3A_194, %swap3A_195], %broadcast_in_dim3A_192 {strides = array<i32>} : memref<8x128xf32, #tpu.memory_space<vmem>>, vector<16xf32>,
    %broadcast_in_dim3A_197 = arith.constant 0.000000e+00 : f32
    %broadcast_in_dim3A_198 = vector.broadcast %broadcast_in_dim3A_197 : f32 to vector<16xf32>
    %swap3A_199 = arith.constant 4 : i32
    %swap3A_200 = arith.index_cast %swap3A_199 : i32 to index
    %swap3A_201 = arith.constant 16 : index
    %swap3A_202 = tpu.vector_load %arg8[%swap3A_200, %swap3A_201] {strides = array<i32>} : memref<8x128xf32, #tpu.memory_space<vmem>>, vector<16xf32>,
    tpu.vector_store %arg8[%swap3A_200, %swap3A_201], %broadcast_in_dim3A_198 {strides = array<i32>} : memref<8x128xf32, #tpu.memory_space<vmem>>, vector<16xf32>,
    %broadcast_in_dim3A_203 = arith.constant 0.000000e+00 : f32
    %broadcast_in_dim3A_204 = vector.broadcast %broadcast_in_dim3A_203 : f32 to vector<16xf32>
    %swap3A_205 = arith.constant 4 : i32
    %swap3A_206 = arith.index_cast %swap3A_205 : i32 to index
    %swap3A_207 = arith.constant 32 : index
    %swap3A_208 = tpu.vector_load %arg8[%swap3A_206, %swap3A_207] {strides = array<i32>} : memref<8x128xf32, #tpu.memory_space<vmem>>, vector<16xf32>,
    tpu.vector_store %arg8[%swap3A_206, %swap3A_207], %broadcast_in_dim3A_204 {strides = array<i32>} : memref<8x128xf32, #tpu.memory_space<vmem>>, vector<16xf32>,
    %broadcast_in_dim3A_209 = arith.constant 0.000000e+00 : f32
    %broadcast_in_dim3A_210 = vector.broadcast %broadcast_in_dim3A_209 : f32 to vector<16xf32>
    %swap3A_211 = arith.constant 4 : i32
    %swap3A_212 = arith.index_cast %swap3A_211 : i32 to index
    %swap3A_213 = arith.constant 48 : index
    %swap3A_214 = tpu.vector_load %arg8[%swap3A_212, %swap3A_213] {strides = array<i32>} : memref<8x128xf32, #tpu.memory_space<vmem>>, vector<16xf32>,
    tpu.vector_store %arg8[%swap3A_212, %swap3A_213], %broadcast_in_dim3A_210 {strides = array<i32>} : memref<8x128xf32, #tpu.memory_space<vmem>>, vector<16xf32>,
    %broadcast_in_dim3A_215 = arith.constant 0.000000e+00 : f32
    %broadcast_in_dim3A_216 = vector.broadcast %broadcast_in_dim3A_215 : f32 to vector<16xf32>
    %swap3A_217 = arith.constant 4 : i32
    %swap3A_218 = arith.index_cast %swap3A_217 : i32 to index
    %swap3A_219 = arith.constant 64 : index
    %swap3A_220 = tpu.vector_load %arg8[%swap3A_218, %swap3A_219] {strides = array<i32>} : memref<8x128xf32, #tpu.memory_space<vmem>>, vector<16xf32>,
    tpu.vector_store %arg8[%swap3A_218, %swap3A_219], %broadcast_in_dim3A_216 {strides = array<i32>} : memref<8x128xf32, #tpu.memory_space<vmem>>, vector<16xf32>,
    %broadcast_in_dim3A_221 = arith.constant 0.000000e+00 : f32
    %broadcast_in_dim3A_222 = vector.broadcast %broadcast_in_dim3A_221 : f32 to vector<16xf32>
    %swap3A_223 = arith.constant 4 : i32
    %swap3A_224 = arith.index_cast %swap3A_223 : i32 to index
    %swap3A_225 = arith.constant 80 : index
    %swap3A_226 = tpu.vector_load %arg8[%swap3A_224, %swap3A_225] {strides = array<i32>} : memref<8x128xf32, #tpu.memory_space<vmem>>, vector<16xf32>,
    tpu.vector_store %arg8[%swap3A_224, %swap3A_225], %broadcast_in_dim3A_222 {strides = array<i32>} : memref<8x128xf32, #tpu.memory_space<vmem>>, vector<16xf32>,
    %broadcast_in_dim3A_227 = arith.constant 0.000000e+00 : f32
    %broadcast_in_dim3A_228 = vector.broadcast %broadcast_in_dim3A_227 : f32 to vector<16xf32>
    %swap3A_229 = arith.constant 4 : i32
    %swap3A_230 = arith.index_cast %swap3A_229 : i32 to index
    %swap3A_231 = arith.constant 96 : index
    %swap3A_232 = tpu.vector_load %arg8[%swap3A_230, %swap3A_231] {strides = array<i32>} : memref<8x128xf32, #tpu.memory_space<vmem>>, vector<16xf32>,
    tpu.vector_store %arg8[%swap3A_230, %swap3A_231], %broadcast_in_dim3A_228 {strides = array<i32>} : memref<8x128xf32, #tpu.memory_space<vmem>>, vector<16xf32>,
    %broadcast_in_dim3A_233 = arith.constant 0.000000e+00 : f32
    %broadcast_in_dim3A_234 = vector.broadcast %broadcast_in_dim3A_233 : f32 to vector<16xf32>
    %swap3A_235 = arith.constant 4 : i32
    %swap3A_236 = arith.index_cast %swap3A_235 : i32 to index
    %swap3A_237 = arith.constant 112 : index
    %swap3A_238 = tpu.vector_load %arg8[%swap3A_236, %swap3A_237] {strides = array<i32>} : memref<8x128xf32, #tpu.memory_space<vmem>>, vector<16xf32>,
    tpu.vector_store %arg8[%swap3A_236, %swap3A_237], %broadcast_in_dim3A_234 {strides = array<i32>} : memref<8x128xf32, #tpu.memory_space<vmem>>, vector<16xf32>,
    %broadcast_in_dim3A_239 = arith.constant 0.000000e+00 : f32
    %broadcast_in_dim3A_240 = vector.broadcast %broadcast_in_dim3A_239 : f32 to vector<16xf32>
    %swap3A_241 = arith.constant 5 : i32
    %swap3A_242 = arith.index_cast %swap3A_241 : i32 to index
    %swap3A_243 = arith.constant 0 : index
    %swap3A_244 = tpu.vector_load %arg8[%swap3A_242, %swap3A_243] {strides = array<i32>} : memref<8x128xf32, #tpu.memory_space<vmem>>, vector<16xf32>,
    tpu.vector_store %arg8[%swap3A_242, %swap3A_243], %broadcast_in_dim3A_240 {strides = array<i32>} : memref<8x128xf32, #tpu.memory_space<vmem>>, vector<16xf32>,
    %broadcast_in_dim3A_245 = arith.constant 0.000000e+00 : f32
    %broadcast_in_dim3A_246 = vector.broadcast %broadcast_in_dim3A_245 : f32 to vector<16xf32>
    %swap3A_247 = arith.constant 5 : i32
    %swap3A_248 = arith.index_cast %swap3A_247 : i32 to index
    %swap3A_249 = arith.constant 16 : index
    %swap3A_250 = tpu.vector_load %arg8[%swap3A_248, %swap3A_249] {strides = array<i32>} : memref<8x128xf32, #tpu.memory_space<vmem>>, vector<16xf32>,
    tpu.vector_store %arg8[%swap3A_248, %swap3A_249], %broadcast_in_dim3A_246 {strides = array<i32>} : memref<8x128xf32, #tpu.memory_space<vmem>>, vector<16xf32>,
    %broadcast_in_dim3A_251 = arith.constant 0.000000e+00 : f32
    %broadcast_in_dim3A_252 = vector.broadcast %broadcast_in_dim3A_251 : f32 to vector<16xf32>
    %swap3A_253 = arith.constant 5 : i32
    %swap3A_254 = arith.index_cast %swap3A_253 : i32 to index
    %swap3A_255 = arith.constant 32 : index
    %swap3A_256 = tpu.vector_load %arg8[%swap3A_254, %swap3A_255] {strides = array<i32>} : memref<8x128xf32, #tpu.memory_space<vmem>>, vector<16xf32>,
    tpu.vector_store %arg8[%swap3A_254, %swap3A_255], %broadcast_in_dim3A_252 {strides = array<i32>} : memref<8x128xf32, #tpu.memory_space<vmem>>, vector<16xf32>,
    %broadcast_in_dim3A_257 = arith.constant 0.000000e+00 : f32
    %broadcast_in_dim3A_258 = vector.broadcast %broadcast_in_dim3A_257 : f32 to vector<16xf32>
    %swap3A_259 = arith.constant 5 : i32
    %swap3A_260 = arith.index_cast %swap3A_259 : i32 to index
    %swap3A_261 = arith.constant 48 : index
    %swap3A_262 = tpu.vector_load %arg8[%swap3A_260, %swap3A_261] {strides = array<i32>} : memref<8x128xf32, #tpu.memory_space<vmem>>, vector<16xf32>,
    tpu.vector_store %arg8[%swap3A_260, %swap3A_261], %broadcast_in_dim3A_258 {strides = array<i32>} : memref<8x128xf32, #tpu.memory_space<vmem>>, vector<16xf32>,
    %broadcast_in_dim3A_263 = arith.constant 0.000000e+00 : f32
    %broadcast_in_dim3A_264 = vector.broadcast %broadcast_in_dim3A_263 : f32 to vector<16xf32>
    %swap3A_265 = arith.constant 5 : i32
    %swap3A_266 = arith.index_cast %swap3A_265 : i32 to index
    %swap3A_267 = arith.constant 64 : index
    %swap3A_268 = tpu.vector_load %arg8[%swap3A_266, %swap3A_267] {strides = array<i32>} : memref<8x128xf32, #tpu.memory_space<vmem>>, vector<16xf32>,
    tpu.vector_store %arg8[%swap3A_266, %swap3A_267], %broadcast_in_dim3A_264 {strides = array<i32>} : memref<8x128xf32, #tpu.memory_space<vmem>>, vector<16xf32>,
    %broadcast_in_dim3A_269 = arith.constant 0.000000e+00 : f32
    %broadcast_in_dim3A_270 = vector.broadcast %broadcast_in_dim3A_269 : f32 to vector<16xf32>
    %swap3A_271 = arith.constant 5 : i32
    %swap3A_272 = arith.index_cast %swap3A_271 : i32 to index
    %swap3A_273 = arith.constant 80 : index
    %swap3A_274 = tpu.vector_load %arg8[%swap3A_272, %swap3A_273] {strides = array<i32>} : memref<8x128xf32, #tpu.memory_space<vmem>>, vector<16xf32>,
    tpu.vector_store %arg8[%swap3A_272, %swap3A_273], %broadcast_in_dim3A_270 {strides = array<i32>} : memref<8x128xf32, #tpu.memory_space<vmem>>, vector<16xf32>,
    %broadcast_in_dim3A_275 = arith.constant 0.000000e+00 : f32
    %broadcast_in_dim3A_276 = vector.broadcast %broadcast_in_dim3A_275 : f32 to vector<16xf32>
    %swap3A_277 = arith.constant 5 : i32
    %swap3A_278 = arith.index_cast %swap3A_277 : i32 to index
    %swap3A_279 = arith.constant 96 : index
    %swap3A_280 = tpu.vector_load %arg8[%swap3A_278, %swap3A_279] {strides = array<i32>} : memref<8x128xf32, #tpu.memory_space<vmem>>, vector<16xf32>,
    tpu.vector_store %arg8[%swap3A_278, %swap3A_279], %broadcast_in_dim3A_276 {strides = array<i32>} : memref<8x128xf32, #tpu.memory_space<vmem>>, vector<16xf32>,
    %broadcast_in_dim3A_281 = arith.constant 0.000000e+00 : f32
    %broadcast_in_dim3A_282 = vector.broadcast %broadcast_in_dim3A_281 : f32 to vector<16xf32>
    %swap3A_283 = arith.constant 5 : i32
    %swap3A_284 = arith.index_cast %swap3A_283 : i32 to index
    %swap3A_285 = arith.constant 112 : index
    %swap3A_286 = tpu.vector_load %arg8[%swap3A_284, %swap3A_285] {strides = array<i32>} : memref<8x128xf32, #tpu.memory_space<vmem>>, vector<16xf32>,
    tpu.vector_store %arg8[%swap3A_284, %swap3A_285], %broadcast_in_dim3A_282 {strides = array<i32>} : memref<8x128xf32, #tpu.memory_space<vmem>>, vector<16xf32>,
    %broadcast_in_dim3A_287 = arith.constant 0.000000e+00 : f32
    %broadcast_in_dim3A_288 = vector.broadcast %broadcast_in_dim3A_287 : f32 to vector<16xf32>
    %swap3A_289 = arith.constant 6 : i32
    %swap3A_290 = arith.index_cast %swap3A_289 : i32 to index
    %swap3A_291 = arith.constant 0 : index
    %swap3A_292 = tpu.vector_load %arg8[%swap3A_290, %swap3A_291] {strides = array<i32>} : memref<8x128xf32, #tpu.memory_space<vmem>>, vector<16xf32>,
    tpu.vector_store %arg8[%swap3A_290, %swap3A_291], %broadcast_in_dim3A_288 {strides = array<i32>} : memref<8x128xf32, #tpu.memory_space<vmem>>, vector<16xf32>,
    %broadcast_in_dim3A_293 = arith.constant 0.000000e+00 : f32
    %broadcast_in_dim3A_294 = vector.broadcast %broadcast_in_dim3A_293 : f32 to vector<16xf32>
    %swap3A_295 = arith.constant 6 : i32
    %swap3A_296 = arith.index_cast %swap3A_295 : i32 to index
    %swap3A_297 = arith.constant 16 : index
    %swap3A_298 = tpu.vector_load %arg8[%swap3A_296, %swap3A_297] {strides = array<i32>} : memref<8x128xf32, #tpu.memory_space<vmem>>, vector<16xf32>,
    tpu.vector_store %arg8[%swap3A_296, %swap3A_297], %broadcast_in_dim3A_294 {strides = array<i32>} : memref<8x128xf32, #tpu.memory_space<vmem>>, vector<16xf32>,
    %broadcast_in_dim3A_299 = arith.constant 0.000000e+00 : f32
    %broadcast_in_dim3A_300 = vector.broadcast %broadcast_in_dim3A_299 : f32 to vector<16xf32>
    %swap3A_301 = arith.constant 6 : i32
    %swap3A_302 = arith.index_cast %swap3A_301 : i32 to index
    %swap3A_303 = arith.constant 32 : index
    %swap3A_304 = tpu.vector_load %arg8[%swap3A_302, %swap3A_303] {strides = array<i32>} : memref<8x128xf32, #tpu.memory_space<vmem>>, vector<16xf32>,
    tpu.vector_store %arg8[%swap3A_302, %swap3A_303], %broadcast_in_dim3A_300 {strides = array<i32>} : memref<8x128xf32, #tpu.memory_space<vmem>>, vector<16xf32>,
    %broadcast_in_dim3A_305 = arith.constant 0.000000e+00 : f32
    %broadcast_in_dim3A_306 = vector.broadcast %broadcast_in_dim3A_305 : f32 to vector<16xf32>
    %swap3A_307 = arith.constant 6 : i32
    %swap3A_308 = arith.index_cast %swap3A_307 : i32 to index
    %swap3A_309 = arith.constant 48 : index
    %swap3A_310 = tpu.vector_load %arg8[%swap3A_308, %swap3A_309] {strides = array<i32>} : memref<8x128xf32, #tpu.memory_space<vmem>>, vector<16xf32>,
    tpu.vector_store %arg8[%swap3A_308, %swap3A_309], %broadcast_in_dim3A_306 {strides = array<i32>} : memref<8x128xf32, #tpu.memory_space<vmem>>, vector<16xf32>,
    %broadcast_in_dim3A_311 = arith.constant 0.000000e+00 : f32
    %broadcast_in_dim3A_312 = vector.broadcast %broadcast_in_dim3A_311 : f32 to vector<16xf32>
    %swap3A_313 = arith.constant 6 : i32
    %swap3A_314 = arith.index_cast %swap3A_313 : i32 to index
    %swap3A_315 = arith.constant 64 : index
    %swap3A_316 = tpu.vector_load %arg8[%swap3A_314, %swap3A_315] {strides = array<i32>} : memref<8x128xf32, #tpu.memory_space<vmem>>, vector<16xf32>,
    tpu.vector_store %arg8[%swap3A_314, %swap3A_315], %broadcast_in_dim3A_312 {strides = array<i32>} : memref<8x128xf32, #tpu.memory_space<vmem>>, vector<16xf32>,
    %broadcast_in_dim3A_317 = arith.constant 0.000000e+00 : f32
    %broadcast_in_dim3A_318 = vector.broadcast %broadcast_in_dim3A_317 : f32 to vector<16xf32>
    %swap3A_319 = arith.constant 6 : i32
    %swap3A_320 = arith.index_cast %swap3A_319 : i32 to index
    %swap3A_321 = arith.constant 80 : index
    %swap3A_322 = tpu.vector_load %arg8[%swap3A_320, %swap3A_321] {strides = array<i32>} : memref<8x128xf32, #tpu.memory_space<vmem>>, vector<16xf32>,
    tpu.vector_store %arg8[%swap3A_320, %swap3A_321], %broadcast_in_dim3A_318 {strides = array<i32>} : memref<8x128xf32, #tpu.memory_space<vmem>>, vector<16xf32>,
    %broadcast_in_dim3A_323 = arith.constant 0.000000e+00 : f32
    %broadcast_in_dim3A_324 = vector.broadcast %broadcast_in_dim3A_323 : f32 to vector<16xf32>
    %swap3A_325 = arith.constant 6 : i32
    %swap3A_326 = arith.index_cast %swap3A_325 : i32 to index
    %swap3A_327 = arith.constant 96 : index
    %swap3A_328 = tpu.vector_load %arg8[%swap3A_326, %swap3A_327] {strides = array<i32>} : memref<8x128xf32, #tpu.memory_space<vmem>>, vector<16xf32>,
    tpu.vector_store %arg8[%swap3A_326, %swap3A_327], %broadcast_in_dim3A_324 {strides = array<i32>} : memref<8x128xf32, #tpu.memory_space<vmem>>, vector<16xf32>,
    %broadcast_in_dim3A_329 = arith.constant 0.000000e+00 : f32
    %broadcast_in_dim3A_330 = vector.broadcast %broadcast_in_dim3A_329 : f32 to vector<16xf32>
    %swap3A_331 = arith.constant 6 : i32
    %swap3A_332 = arith.index_cast %swap3A_331 : i32 to index
    %swap3A_333 = arith.constant 112 : index
    %swap3A_334 = tpu.vector_load %arg8[%swap3A_332, %swap3A_333] {strides = array<i32>} : memref<8x128xf32, #tpu.memory_space<vmem>>, vector<16xf32>,
    tpu.vector_store %arg8[%swap3A_332, %swap3A_333], %broadcast_in_dim3A_330 {strides = array<i32>} : memref<8x128xf32, #tpu.memory_space<vmem>>, vector<16xf32>,
    %broadcast_in_dim3A_335 = arith.constant 0.000000e+00 : f32
    %broadcast_in_dim3A_336 = vector.broadcast %broadcast_in_dim3A_335 : f32 to vector<16xf32>
    %swap3A_337 = arith.constant 7 : i32
    %swap3A_338 = arith.index_cast %swap3A_337 : i32 to index
    %swap3A_339 = arith.constant 0 : index
    %swap3A_340 = tpu.vector_load %arg8[%swap3A_338, %swap3A_339] {strides = array<i32>} : memref<8x128xf32, #tpu.memory_space<vmem>>, vector<16xf32>,
    tpu.vector_store %arg8[%swap3A_338, %swap3A_339], %broadcast_in_dim3A_336 {strides = array<i32>} : memref<8x128xf32, #tpu.memory_space<vmem>>, vector<16xf32>,
    %broadcast_in_dim3A_341 = arith.constant 0.000000e+00 : f32
    %broadcast_in_dim3A_342 = vector.broadcast %broadcast_in_dim3A_341 : f32 to vector<16xf32>
    %swap3A_343 = arith.constant 7 : i32
    %swap3A_344 = arith.index_cast %swap3A_343 : i32 to index
    %swap3A_345 = arith.constant 16 : index
    %swap3A_346 = tpu.vector_load %arg8[%swap3A_344, %swap3A_345] {strides = array<i32>} : memref<8x128xf32, #tpu.memory_space<vmem>>, vector<16xf32>,
    tpu.vector_store %arg8[%swap3A_344, %swap3A_345], %broadcast_in_dim3A_342 {strides = array<i32>} : memref<8x128xf32, #tpu.memory_space<vmem>>, vector<16xf32>,
    %broadcast_in_dim3A_347 = arith.constant 0.000000e+00 : f32
    %broadcast_in_dim3A_348 = vector.broadcast %broadcast_in_dim3A_347 : f32 to vector<16xf32>
    %swap3A_349 = arith.constant 7 : i32
    %swap3A_350 = arith.index_cast %swap3A_349 : i32 to index
    %swap3A_351 = arith.constant 32 : index
    %swap3A_352 = tpu.vector_load %arg8[%swap3A_350, %swap3A_351] {strides = array<i32>} : memref<8x128xf32, #tpu.memory_space<vmem>>, vector<16xf32>,
    tpu.vector_store %arg8[%swap3A_350, %swap3A_351], %broadcast_in_dim3A_348 {strides = array<i32>} : memref<8x128xf32, #tpu.memory_space<vmem>>, vector<16xf32>,
    %broadcast_in_dim3A_353 = arith.constant 0.000000e+00 : f32
    %broadcast_in_dim3A_354 = vector.broadcast %broadcast_in_dim3A_353 : f32 to vector<16xf32>
    %swap3A_355 = arith.constant 7 : i32
    %swap3A_356 = arith.index_cast %swap3A_355 : i32 to index
    %swap3A_357 = arith.constant 48 : index
    %swap3A_358 = tpu.vector_load %arg8[%swap3A_356, %swap3A_357] {strides = array<i32>} : memref<8x128xf32, #tpu.memory_space<vmem>>, vector<16xf32>,
    tpu.vector_store %arg8[%swap3A_356, %swap3A_357], %broadcast_in_dim3A_354 {strides = array<i32>} : memref<8x128xf32, #tpu.memory_space<vmem>>, vector<16xf32>,
    %broadcast_in_dim3A_359 = arith.constant 0.000000e+00 : f32
    %broadcast_in_dim3A_360 = vector.broadcast %broadcast_in_dim3A_359 : f32 to vector<16xf32>
    %swap3A_361 = arith.constant 7 : i32
    %swap3A_362 = arith.index_cast %swap3A_361 : i32 to index
    %swap3A_363 = arith.constant 64 : index
    %swap3A_364 = tpu.vector_load %arg8[%swap3A_362, %swap3A_363] {strides = array<i32>} : memref<8x128xf32, #tpu.memory_space<vmem>>, vector<16xf32>,
    tpu.vector_store %arg8[%swap3A_362, %swap3A_363], %broadcast_in_dim3A_360 {strides = array<i32>} : memref<8x128xf32, #tpu.memory_space<vmem>>, vector<16xf32>,
    %broadcast_in_dim3A_365 = arith.constant 0.000000e+00 : f32
    %broadcast_in_dim3A_366 = vector.broadcast %broadcast_in_dim3A_365 : f32 to vector<16xf32>
    %swap3A_367 = arith.constant 7 : i32
    %swap3A_368 = arith.index_cast %swap3A_367 : i32 to index
    %swap3A_369 = arith.constant 80 : index
    %swap3A_370 = tpu.vector_load %arg8[%swap3A_368, %swap3A_369] {strides = array<i32>} : memref<8x128xf32, #tpu.memory_space<vmem>>, vector<16xf32>,
    tpu.vector_store %arg8[%swap3A_368, %swap3A_369], %broadcast_in_dim3A_366 {strides = array<i32>} : memref<8x128xf32, #tpu.memory_space<vmem>>, vector<16xf32>,
    %broadcast_in_dim3A_371 = arith.constant 0.000000e+00 : f32
    %broadcast_in_dim3A_372 = vector.broadcast %broadcast_in_dim3A_371 : f32 to vector<16xf32>
    %swap3A_373 = arith.constant 7 : i32
    %swap3A_374 = arith.index_cast %swap3A_373 : i32 to index
    %swap3A_375 = arith.constant 96 : index
    %swap3A_376 = tpu.vector_load %arg8[%swap3A_374, %swap3A_375] {strides = array<i32>} : memref<8x128xf32, #tpu.memory_space<vmem>>, vector<16xf32>,
    tpu.vector_store %arg8[%swap3A_374, %swap3A_375], %broadcast_in_dim3A_372 {strides = array<i32>} : memref<8x128xf32, #tpu.memory_space<vmem>>, vector<16xf32>,
    %broadcast_in_dim3A_377 = arith.constant 0.000000e+00 : f32
    %broadcast_in_dim3A_378 = vector.broadcast %broadcast_in_dim3A_377 : f32 to vector<16xf32>
    %swap3A_379 = arith.constant 7 : i32
    %swap3A_380 = arith.index_cast %swap3A_379 : i32 to index
    %swap3A_381 = arith.constant 112 : index
    %swap3A_382 = tpu.vector_load %arg8[%swap3A_380, %swap3A_381] {strides = array<i32>} : memref<8x128xf32, #tpu.memory_space<vmem>>, vector<16xf32>,
    tpu.vector_store %arg8[%swap3A_380, %swap3A_381], %broadcast_in_dim3A_378 {strides = array<i32>} : memref<8x128xf32, #tpu.memory_space<vmem>>, vector<16xf32>,
    %mul3A_383 = arith.constant 632 : i32
    %mul3A_384 = arith.muli %arg1, %mul3A_383 : i32
    %scan3A = arith.constant 0 : i32
    %scan3A_385 = arith.constant 0 : i32
    %scan3A_386 = arith.constant 79 : i32
    %scan3A_387 = arith.addi %scan3A_385, %scan3A_386 : i32
    %scan3A_388 = arith.constant 1 : i32
    %scan3A_389 = scf.for %scan3A_698 = %scan3A_385 to %scan3A_387 step %scan3A_388 iter_args(%scan3A_699 = %scan3A) -> (i32)  : i32 {
      %mul3A_700 = arith.constant 8 : i32
      %mul3A_701 = arith.muli %scan3A_698, %mul3A_700 : i32
      %add3A_702 = arith.addi %mul3A_384, %mul3A_701 : i32
      "tpu.region"() ({
        %run_scoped3A = tpu.sem_alloc : memref<!tpu.dma_semaphore, #tpu.memory_space<semaphore_mem>>
        %dma_start3A_704 = arith.constant 0 : i32
        %dma_start3A_705 = tpu.memref_slice %arg7[%add3A_702, %dma_start3A_704] : memref<10112x128xf32, #tpu.memory_space<vmem_shared>> -> memref<8x128xf32, #tpu.memory_space<vmem_shared>>
        %dma_start3A_706 = arith.constant 0 : i32
        %dma_start3A_707 = tpu.memref_slice %arg7[%add3A_702, %dma_start3A_706] : memref<10112x128xf32, #tpu.memory_space<vmem_shared>> -> memref<8x128xf32, #tpu.memory_space<vmem_shared>>
        tpu.enqueue_dma source(%arg8 : memref<8x128xf32, #tpu.memory_space<vmem>>) target(%dma_start3A_707 : memref<8x128xf32, #tpu.memory_space<vmem_shared>>) target_semaphore(%run_scoped3A : memref<!tpu.dma_semaphore, #tpu.memory_space<semaphore_mem>>)
        %dma_wait3A_708 = arith.constant 0 : i32
        %dma_wait3A_709 = tpu.memref_slice %arg7[%add3A_702, %dma_wait3A_708] : memref<10112x128xf32, #tpu.memory_space<vmem_shared>> -> memref<8x128xf32, #tpu.memory_space<vmem_shared>>
        %dma_wait3A_710 = arith.constant 0 : i32
        %dma_wait3A_711 = tpu.memref_slice %arg7[%add3A_702, %dma_wait3A_710] : memref<10112x128xf32, #tpu.memory_space<vmem_shared>> -> memref<8x128xf32, #tpu.memory_space<vmem_shared>>
        tpu.wait_dma2 semaphore(%run_scoped3A : memref<!tpu.dma_semaphore, #tpu.memory_space<semaphore_mem>>) src(%arg8 : memref<8x128xf32, #tpu.memory_space<vmem>>) dst(%dma_wait3A_711 : memref<8x128xf32, #tpu.memory_space<vmem_shared>>)
        tpu.yield
      }) : () -> ()
      %scan3A_703 = arith.constant 0 : i32
      scf.yield %scan3A_703 : i32
    }
    %scan3A_390 = arith.constant 79 : i32
    %barrier3A = arith.constant 0 : index
    tpu.barrier barrier_id(%barrier3A)
    %dma_start3A = arith.constant 0 : i32
    %dma_start3A_391 = arith.constant 0 : i32
    %dma_start3A_392 = arith.constant 0 : i32
    %dma_start3A_393 = arith.constant 0 : i32
    %dma_start3A_394 = tpu.memref_slice %arg5[%dma_start3A_391, %dma_start3A_392, %dma_start3A_393] : memref<6x2x56xi32, #tpu.memory_space<vmem>> -> memref<1x2x56xi32, #tpu.memory_space<vmem>>
    %dma_start3A_395 = tpu.memref_squeeze %dma_start3A_394 : memref<1x2x56xi32, #tpu.memory_space<vmem>> -> memref<2x56xi32, #tpu.memory_space<vmem>>
    %dma_start3A_396 = arith.constant 0 : i32
    %dma_start3A_397 = arith.constant 0 : i32
    %dma_start3A_398 = tpu.memref_slice %arg3[%add3A, %dma_start3A, %dma_start3A_396, %dma_start3A_397] : memref<32x179x2x56xi32, #tpu.memory_space<hbm>> -> memref<1x1x2x56xi32, #tpu.memory_space<hbm>>
    %dma_start3A_399 = tpu.memref_squeeze %dma_start3A_398 : memref<1x1x2x56xi32, #tpu.memory_space<hbm>> -> memref<2x56xi32, #tpu.memory_space<hbm>>
    %dma_start3A_400 = arith.constant 0 : i32
    %dma_start3A_401 = arith.constant 0 : i32
    %dma_start3A_402 = tpu.memref_slice %arg5[%dma_start3A_391, %dma_start3A_400, %dma_start3A_401] : memref<6x2x56xi32, #tpu.memory_space<vmem>> -> memref<1x2x56xi32, #tpu.memory_space<vmem>>
    %dma_start3A_403 = tpu.memref_squeeze %dma_start3A_402 : memref<1x2x56xi32, #tpu.memory_space<vmem>> -> memref<2x56xi32, #tpu.memory_space<vmem>>
    %dma_start3A_404 = arith.constant 0 : i32
    %dma_start3A_405 = arith.constant 0 : i32
    %dma_start3A_406 = tpu.memref_slice %arg3[%add3A, %dma_start3A, %dma_start3A_404, %dma_start3A_405] : memref<32x179x2x56xi32, #tpu.memory_space<hbm>> -> memref<1x1x2x56xi32, #tpu.memory_space<hbm>>
    %dma_start3A_407 = tpu.memref_squeeze %dma_start3A_406 : memref<1x1x2x56xi32, #tpu.memory_space<hbm>> -> memref<2x56xi32, #tpu.memory_space<hbm>>
    tpu.enqueue_dma source(%dma_start3A_407 : memref<2x56xi32, #tpu.memory_space<hbm>>) target(%dma_start3A_403 : memref<2x56xi32, #tpu.memory_space<vmem>>) target_semaphore(%arg10 : memref<!tpu.dma_semaphore, #tpu.memory_space<semaphore_mem>>)
    %dma_wait3A = arith.constant 0 : i32
    %dma_wait3A_408 = arith.constant 0 : i32
    %dma_wait3A_409 = arith.constant 0 : i32
    %dma_wait3A_410 = arith.constant 0 : i32
    %dma_wait3A_411 = tpu.memref_slice %arg5[%dma_wait3A_408, %dma_wait3A_409, %dma_wait3A_410] : memref<6x2x56xi32, #tpu.memory_space<vmem>> -> memref<1x2x56xi32, #tpu.memory_space<vmem>>
    %dma_wait3A_412 = tpu.memref_squeeze %dma_wait3A_411 : memref<1x2x56xi32, #tpu.memory_space<vmem>> -> memref<2x56xi32, #tpu.memory_space<vmem>>
    %dma_wait3A_413 = arith.constant 0 : i32
    %dma_wait3A_414 = arith.constant 0 : i32
    %dma_wait3A_415 = tpu.memref_slice %arg3[%add3A, %dma_wait3A, %dma_wait3A_413, %dma_wait3A_414] : memref<32x179x2x56xi32, #tpu.memory_space<hbm>> -> memref<1x1x2x56xi32, #tpu.memory_space<hbm>>
    %dma_wait3A_416 = tpu.memref_squeeze %dma_wait3A_415 : memref<1x1x2x56xi32, #tpu.memory_space<hbm>> -> memref<2x56xi32, #tpu.memory_space<hbm>>
    %dma_wait3A_417 = arith.constant 0 : i32
    %dma_wait3A_418 = arith.constant 0 : i32
    %dma_wait3A_419 = tpu.memref_slice %arg5[%dma_wait3A_408, %dma_wait3A_417, %dma_wait3A_418] : memref<6x2x56xi32, #tpu.memory_space<vmem>> -> memref<1x2x56xi32, #tpu.memory_space<vmem>>
    %dma_wait3A_420 = tpu.memref_squeeze %dma_wait3A_419 : memref<1x2x56xi32, #tpu.memory_space<vmem>> -> memref<2x56xi32, #tpu.memory_space<vmem>>
    %dma_wait3A_421 = arith.constant 0 : i32
    %dma_wait3A_422 = arith.constant 0 : i32
    %dma_wait3A_423 = tpu.memref_slice %arg3[%add3A, %dma_wait3A, %dma_wait3A_421, %dma_wait3A_422] : memref<32x179x2x56xi32, #tpu.memory_space<hbm>> -> memref<1x1x2x56xi32, #tpu.memory_space<hbm>>
    %dma_wait3A_424 = tpu.memref_squeeze %dma_wait3A_423 : memref<1x1x2x56xi32, #tpu.memory_space<hbm>> -> memref<2x56xi32, #tpu.memory_space<hbm>>
    tpu.wait_dma2 semaphore(%arg10 : memref<!tpu.dma_semaphore, #tpu.memory_space<semaphore_mem>>) src(%dma_wait3A_424 : memref<2x56xi32, #tpu.memory_space<hbm>>) dst(%dma_wait3A_420 : memref<2x56xi32, #tpu.memory_space<vmem>>)
    %dma_start3A_425 = arith.constant 0 : i32
    %dma_start3A_426 = arith.constant 0 : i32
    %dma_start3A_427 = arith.constant 0 : i32
    %dma_start3A_428 = arith.constant 0 : i32
    %dma_start3A_429 = arith.constant 0 : i32
    %dma_start3A_430 = tpu.memref_slice %arg6[%dma_start3A_427, %dma_start3A_428, %dma_start3A_429] : memref<6x56x128xf32, #tpu.memory_space<vmem>> -> memref<1x56x128xf32, #tpu.memory_space<vmem>>
    %dma_start3A_431 = tpu.memref_squeeze %dma_start3A_430 : memref<1x56x128xf32, #tpu.memory_space<vmem>> -> memref<56x128xf32, #tpu.memory_space<vmem>>
    %dma_start3A_432 = arith.constant 0 : i32
    %dma_start3A_433 = tpu.memref_slice %arg5[%dma_start3A_425, %dma_start3A_426, %dma_start3A_432] : memref<6x2x56xi32, #tpu.memory_space<vmem>> -> memref<1x1x56xi32, #tpu.memory_space<vmem>>
    %dma_start3A_434 = tpu.memref_squeeze %dma_start3A_433 : memref<1x1x56xi32, #tpu.memory_space<vmem>> -> memref<56xi32, #tpu.memory_space<vmem>>
    %dma_start3A_435 = arith.constant 0 : i32
    %dma_start3A_436 = arith.constant 0 : i32
    %dma_start3A_437 = tpu.memref_slice %arg2[%dma_start3A_435, %dma_start3A_436] : memref<10000x128xf32, #tpu.memory_space<hbm>> -> memref<10000x128xf32, #tpu.memory_space<hbm>>
    tpu.enqueue_indirect_dma source(%dma_start3A_437 : memref<10000x128xf32, #tpu.memory_space<hbm>>) target(%dma_start3A_431 : memref<56x128xf32, #tpu.memory_space<vmem>>) offsets(%dma_start3A_434 : memref<56xi32, #tpu.memory_space<vmem>>) semaphore(%arg9 : memref<!tpu.dma_semaphore, #tpu.memory_space<semaphore_mem>>)
    %dma_start3A_438 = arith.constant 1 : i32
    %dma_start3A_439 = arith.constant 1 : i32
    %dma_start3A_440 = arith.constant 0 : i32
    %dma_start3A_441 = arith.constant 0 : i32
    %dma_start3A_442 = tpu.memref_slice %arg5[%dma_start3A_439, %dma_start3A_440, %dma_start3A_441] : memref<6x2x56xi32, #tpu.memory_space<vmem>> -> memref<1x2x56xi32, #tpu.memory_space<vmem>>
    %dma_start3A_443 = tpu.memref_squeeze %dma_start3A_442 : memref<1x2x56xi32, #tpu.memory_space<vmem>> -> memref<2x56xi32, #tpu.memory_space<vmem>>
    %dma_start3A_444 = arith.constant 0 : i32
    %dma_start3A_445 = arith.constant 0 : i32
    %dma_start3A_446 = tpu.memref_slice %arg3[%add3A, %dma_start3A_438, %dma_start3A_444, %dma_start3A_445] : memref<32x179x2x56xi32, #tpu.memory_space<hbm>> -> memref<1x1x2x56xi32, #tpu.memory_space<hbm>>
    %dma_start3A_447 = tpu.memref_squeeze %dma_start3A_446 : memref<1x1x2x56xi32, #tpu.memory_space<hbm>> -> memref<2x56xi32, #tpu.memory_space<hbm>>
    %dma_start3A_448 = arith.constant 0 : i32
    %dma_start3A_449 = arith.constant 0 : i32
    %dma_start3A_450 = tpu.memref_slice %arg5[%dma_start3A_439, %dma_start3A_448, %dma_start3A_449] : memref<6x2x56xi32, #tpu.memory_space<vmem>> -> memref<1x2x56xi32, #tpu.memory_space<vmem>>
    %dma_start3A_451 = tpu.memref_squeeze %dma_start3A_450 : memref<1x2x56xi32, #tpu.memory_space<vmem>> -> memref<2x56xi32, #tpu.memory_space<vmem>>
    %dma_start3A_452 = arith.constant 0 : i32
    %dma_start3A_453 = arith.constant 0 : i32
    %dma_start3A_454 = tpu.memref_slice %arg3[%add3A, %dma_start3A_438, %dma_start3A_452, %dma_start3A_453] : memref<32x179x2x56xi32, #tpu.memory_space<hbm>> -> memref<1x1x2x56xi32, #tpu.memory_space<hbm>>
    %dma_start3A_455 = tpu.memref_squeeze %dma_start3A_454 : memref<1x1x2x56xi32, #tpu.memory_space<hbm>> -> memref<2x56xi32, #tpu.memory_space<hbm>>
    tpu.enqueue_dma source(%dma_start3A_455 : memref<2x56xi32, #tpu.memory_space<hbm>>) target(%dma_start3A_451 : memref<2x56xi32, #tpu.memory_space<vmem>>) target_semaphore(%arg10 : memref<!tpu.dma_semaphore, #tpu.memory_space<semaphore_mem>>)
    %dma_wait3A_456 = arith.constant 1 : i32
    %dma_wait3A_457 = arith.constant 1 : i32
    %dma_wait3A_458 = arith.constant 0 : i32
    %dma_wait3A_459 = arith.constant 0 : i32
    %dma_wait3A_460 = tpu.memref_slice %arg5[%dma_wait3A_457, %dma_wait3A_458, %dma_wait3A_459] : memref<6x2x56xi32, #tpu.memory_space<vmem>> -> memref<1x2x56xi32, #tpu.memory_space<vmem>>
    %dma_wait3A_461 = tpu.memref_squeeze %dma_wait3A_460 : memref<1x2x56xi32, #tpu.memory_space<vmem>> -> memref<2x56xi32, #tpu.memory_space<vmem>>
    %dma_wait3A_462 = arith.constant 0 : i32
    %dma_wait3A_463 = arith.constant 0 : i32
    %dma_wait3A_464 = tpu.memref_slice %arg3[%add3A, %dma_wait3A_456, %dma_wait3A_462, %dma_wait3A_463] : memref<32x179x2x56xi32, #tpu.memory_space<hbm>> -> memref<1x1x2x56xi32, #tpu.memory_space<hbm>>
    %dma_wait3A_465 = tpu.memref_squeeze %dma_wait3A_464 : memref<1x1x2x56xi32, #tpu.memory_space<hbm>> -> memref<2x56xi32, #tpu.memory_space<hbm>>
    %dma_wait3A_466 = arith.constant 0 : i32
    %dma_wait3A_467 = arith.constant 0 : i32
    %dma_wait3A_468 = tpu.memref_slice %arg5[%dma_wait3A_457, %dma_wait3A_466, %dma_wait3A_467] : memref<6x2x56xi32, #tpu.memory_space<vmem>> -> memref<1x2x56xi32, #tpu.memory_space<vmem>>
    %dma_wait3A_469 = tpu.memref_squeeze %dma_wait3A_468 : memref<1x2x56xi32, #tpu.memory_space<vmem>> -> memref<2x56xi32, #tpu.memory_space<vmem>>
    %dma_wait3A_470 = arith.constant 0 : i32
    %dma_wait3A_471 = arith.constant 0 : i32
    %dma_wait3A_472 = tpu.memref_slice %arg3[%add3A, %dma_wait3A_456, %dma_wait3A_470, %dma_wait3A_471] : memref<32x179x2x56xi32, #tpu.memory_space<hbm>> -> memref<1x1x2x56xi32, #tpu.memory_space<hbm>>
    %dma_wait3A_473 = tpu.memref_squeeze %dma_wait3A_472 : memref<1x1x2x56xi32, #tpu.memory_space<hbm>> -> memref<2x56xi32, #tpu.memory_space<hbm>>
    tpu.wait_dma2 semaphore(%arg10 : memref<!tpu.dma_semaphore, #tpu.memory_space<semaphore_mem>>) src(%dma_wait3A_473 : memref<2x56xi32, #tpu.memory_space<hbm>>) dst(%dma_wait3A_469 : memref<2x56xi32, #tpu.memory_space<vmem>>)
    %dma_start3A_474 = arith.constant 1 : i32
    %dma_start3A_475 = arith.constant 0 : i32
    %dma_start3A_476 = arith.constant 1 : i32
    %dma_start3A_477 = arith.constant 0 : i32
    %dma_start3A_478 = arith.constant 0 : i32
    %dma_start3A_479 = tpu.memref_slice %arg6[%dma_start3A_476, %dma_start3A_477, %dma_start3A_478] : memref<6x56x128xf32, #tpu.memory_space<vmem>> -> memref<1x56x128xf32, #tpu.memory_space<vmem>>
    %dma_start3A_480 = tpu.memref_squeeze %dma_start3A_479 : memref<1x56x128xf32, #tpu.memory_space<vmem>> -> memref<56x128xf32, #tpu.memory_space<vmem>>
    %dma_start3A_481 = arith.constant 0 : i32
    %dma_start3A_482 = tpu.memref_slice %arg5[%dma_start3A_474, %dma_start3A_475, %dma_start3A_481] : memref<6x2x56xi32, #tpu.memory_space<vmem>> -> memref<1x1x56xi32, #tpu.memory_space<vmem>>
    %dma_start3A_483 = tpu.memref_squeeze %dma_start3A_482 : memref<1x1x56xi32, #tpu.memory_space<vmem>> -> memref<56xi32, #tpu.memory_space<vmem>>
    %dma_start3A_484 = arith.constant 0 : i32
    %dma_start3A_485 = arith.constant 0 : i32
    %dma_start3A_486 = tpu.memref_slice %arg2[%dma_start3A_484, %dma_start3A_485] : memref<10000x128xf32, #tpu.memory_space<hbm>> -> memref<10000x128xf32, #tpu.memory_space<hbm>>
    tpu.enqueue_indirect_dma source(%dma_start3A_486 : memref<10000x128xf32, #tpu.memory_space<hbm>>) target(%dma_start3A_480 : memref<56x128xf32, #tpu.memory_space<vmem>>) offsets(%dma_start3A_483 : memref<56xi32, #tpu.memory_space<vmem>>) semaphore(%arg9 : memref<!tpu.dma_semaphore, #tpu.memory_space<semaphore_mem>>)
    %dma_start3A_487 = arith.constant 2 : i32
    %dma_start3A_488 = arith.constant 2 : i32
    %dma_start3A_489 = arith.constant 0 : i32
    %dma_start3A_490 = arith.constant 0 : i32
    %dma_start3A_491 = tpu.memref_slice %arg5[%dma_start3A_488, %dma_start3A_489, %dma_start3A_490] : memref<6x2x56xi32, #tpu.memory_space<vmem>> -> memref<1x2x56xi32, #tpu.memory_space<vmem>>
    %dma_start3A_492 = tpu.memref_squeeze %dma_start3A_491 : memref<1x2x56xi32, #tpu.memory_space<vmem>> -> memref<2x56xi32, #tpu.memory_space<vmem>>
    %dma_start3A_493 = arith.constant 0 : i32
    %dma_start3A_494 = arith.constant 0 : i32
    %dma_start3A_495 = tpu.memref_slice %arg3[%add3A, %dma_start3A_487, %dma_start3A_493, %dma_start3A_494] : memref<32x179x2x56xi32, #tpu.memory_space<hbm>> -> memref<1x1x2x56xi32, #tpu.memory_space<hbm>>
    %dma_start3A_496 = tpu.memref_squeeze %dma_start3A_495 : memref<1x1x2x56xi32, #tpu.memory_space<hbm>> -> memref<2x56xi32, #tpu.memory_space<hbm>>
    %dma_start3A_497 = arith.constant 0 : i32
    %dma_start3A_498 = arith.constant 0 : i32
    %dma_start3A_499 = tpu.memref_slice %arg5[%dma_start3A_488, %dma_start3A_497, %dma_start3A_498] : memref<6x2x56xi32, #tpu.memory_space<vmem>> -> memref<1x2x56xi32, #tpu.memory_space<vmem>>
    %dma_start3A_500 = tpu.memref_squeeze %dma_start3A_499 : memref<1x2x56xi32, #tpu.memory_space<vmem>> -> memref<2x56xi32, #tpu.memory_space<vmem>>
    %dma_start3A_501 = arith.constant 0 : i32
    %dma_start3A_502 = arith.constant 0 : i32
    %dma_start3A_503 = tpu.memref_slice %arg3[%add3A, %dma_start3A_487, %dma_start3A_501, %dma_start3A_502] : memref<32x179x2x56xi32, #tpu.memory_space<hbm>> -> memref<1x1x2x56xi32, #tpu.memory_space<hbm>>
    %dma_start3A_504 = tpu.memref_squeeze %dma_start3A_503 : memref<1x1x2x56xi32, #tpu.memory_space<hbm>> -> memref<2x56xi32, #tpu.memory_space<hbm>>
    tpu.enqueue_dma source(%dma_start3A_504 : memref<2x56xi32, #tpu.memory_space<hbm>>) target(%dma_start3A_500 : memref<2x56xi32, #tpu.memory_space<vmem>>) target_semaphore(%arg10 : memref<!tpu.dma_semaphore, #tpu.memory_space<semaphore_mem>>)
    %dma_wait3A_505 = arith.constant 2 : i32
    %dma_wait3A_506 = arith.constant 2 : i32
    %dma_wait3A_507 = arith.constant 0 : i32
    %dma_wait3A_508 = arith.constant 0 : i32
    %dma_wait3A_509 = tpu.memref_slice %arg5[%dma_wait3A_506, %dma_wait3A_507, %dma_wait3A_508] : memref<6x2x56xi32, #tpu.memory_space<vmem>> -> memref<1x2x56xi32, #tpu.memory_space<vmem>>
    %dma_wait3A_510 = tpu.memref_squeeze %dma_wait3A_509 : memref<1x2x56xi32, #tpu.memory_space<vmem>> -> memref<2x56xi32, #tpu.memory_space<vmem>>
    %dma_wait3A_511 = arith.constant 0 : i32
    %dma_wait3A_512 = arith.constant 0 : i32
    %dma_wait3A_513 = tpu.memref_slice %arg3[%add3A, %dma_wait3A_505, %dma_wait3A_511, %dma_wait3A_512] : memref<32x179x2x56xi32, #tpu.memory_space<hbm>> -> memref<1x1x2x56xi32, #tpu.memory_space<hbm>>
    %dma_wait3A_514 = tpu.memref_squeeze %dma_wait3A_513 : memref<1x1x2x56xi32, #tpu.memory_space<hbm>> -> memref<2x56xi32, #tpu.memory_space<hbm>>
    %dma_wait3A_515 = arith.constant 0 : i32
    %dma_wait3A_516 = arith.constant 0 : i32
    %dma_wait3A_517 = tpu.memref_slice %arg5[%dma_wait3A_506, %dma_wait3A_515, %dma_wait3A_516] : memref<6x2x56xi32, #tpu.memory_space<vmem>> -> memref<1x2x56xi32, #tpu.memory_space<vmem>>
    %dma_wait3A_518 = tpu.memref_squeeze %dma_wait3A_517 : memref<1x2x56xi32, #tpu.memory_space<vmem>> -> memref<2x56xi32, #tpu.memory_space<vmem>>
    %dma_wait3A_519 = arith.constant 0 : i32
    %dma_wait3A_520 = arith.constant 0 : i32
    %dma_wait3A_521 = tpu.memref_slice %arg3[%add3A, %dma_wait3A_505, %dma_wait3A_519, %dma_wait3A_520] : memref<32x179x2x56xi32, #tpu.memory_space<hbm>> -> memref<1x1x2x56xi32, #tpu.memory_space<hbm>>
    %dma_wait3A_522 = tpu.memref_squeeze %dma_wait3A_521 : memref<1x1x2x56xi32, #tpu.memory_space<hbm>> -> memref<2x56xi32, #tpu.memory_space<hbm>>
    tpu.wait_dma2 semaphore(%arg10 : memref<!tpu.dma_semaphore, #tpu.memory_space<semaphore_mem>>) src(%dma_wait3A_522 : memref<2x56xi32, #tpu.memory_space<hbm>>) dst(%dma_wait3A_518 : memref<2x56xi32, #tpu.memory_space<vmem>>)
    %dma_start3A_523 = arith.constant 2 : i32
    %dma_start3A_524 = arith.constant 0 : i32
    %dma_start3A_525 = arith.constant 2 : i32
    %dma_start3A_526 = arith.constant 0 : i32
    %dma_start3A_527 = arith.constant 0 : i32
    %dma_start3A_528 = tpu.memref_slice %arg6[%dma_start3A_525, %dma_start3A_526, %dma_start3A_527] : memref<6x56x128xf32, #tpu.memory_space<vmem>> -> memref<1x56x128xf32, #tpu.memory_space<vmem>>
    %dma_start3A_529 = tpu.memref_squeeze %dma_start3A_528 : memref<1x56x128xf32, #tpu.memory_space<vmem>> -> memref<56x128xf32, #tpu.memory_space<vmem>>
    %dma_start3A_530 = arith.constant 0 : i32
    %dma_start3A_531 = tpu.memref_slice %arg5[%dma_start3A_523, %dma_start3A_524, %dma_start3A_530] : memref<6x2x56xi32, #tpu.memory_space<vmem>> -> memref<1x1x56xi32, #tpu.memory_space<vmem>>
    %dma_start3A_532 = tpu.memref_squeeze %dma_start3A_531 : memref<1x1x56xi32, #tpu.memory_space<vmem>> -> memref<56xi32, #tpu.memory_space<vmem>>
    %dma_start3A_533 = arith.constant 0 : i32
    %dma_start3A_534 = arith.constant 0 : i32
    %dma_start3A_535 = tpu.memref_slice %arg2[%dma_start3A_533, %dma_start3A_534] : memref<10000x128xf32, #tpu.memory_space<hbm>> -> memref<10000x128xf32, #tpu.memory_space<hbm>>
    tpu.enqueue_indirect_dma source(%dma_start3A_535 : memref<10000x128xf32, #tpu.memory_space<hbm>>) target(%dma_start3A_529 : memref<56x128xf32, #tpu.memory_space<vmem>>) offsets(%dma_start3A_532 : memref<56xi32, #tpu.memory_space<vmem>>) semaphore(%arg9 : memref<!tpu.dma_semaphore, #tpu.memory_space<semaphore_mem>>)
    %dma_start3A_536 = arith.constant 3 : i32
    %dma_start3A_537 = arith.constant 3 : i32
    %dma_start3A_538 = arith.constant 0 : i32
    %dma_start3A_539 = arith.constant 0 : i32
    %dma_start3A_540 = tpu.memref_slice %arg5[%dma_start3A_537, %dma_start3A_538, %dma_start3A_539] : memref<6x2x56xi32, #tpu.memory_space<vmem>> -> memref<1x2x56xi32, #tpu.memory_space<vmem>>
    %dma_start3A_541 = tpu.memref_squeeze %dma_start3A_540 : memref<1x2x56xi32, #tpu.memory_space<vmem>> -> memref<2x56xi32, #tpu.memory_space<vmem>>
    %dma_start3A_542 = arith.constant 0 : i32
    %dma_start3A_543 = arith.constant 0 : i32
    %dma_start3A_544 = tpu.memref_slice %arg3[%add3A, %dma_start3A_536, %dma_start3A_542, %dma_start3A_543] : memref<32x179x2x56xi32, #tpu.memory_space<hbm>> -> memref<1x1x2x56xi32, #tpu.memory_space<hbm>>
    %dma_start3A_545 = tpu.memref_squeeze %dma_start3A_544 : memref<1x1x2x56xi32, #tpu.memory_space<hbm>> -> memref<2x56xi32, #tpu.memory_space<hbm>>
    %dma_start3A_546 = arith.constant 0 : i32
    %dma_start3A_547 = arith.constant 0 : i32
    %dma_start3A_548 = tpu.memref_slice %arg5[%dma_start3A_537, %dma_start3A_546, %dma_start3A_547] : memref<6x2x56xi32, #tpu.memory_space<vmem>> -> memref<1x2x56xi32, #tpu.memory_space<vmem>>
    %dma_start3A_549 = tpu.memref_squeeze %dma_start3A_548 : memref<1x2x56xi32, #tpu.memory_space<vmem>> -> memref<2x56xi32, #tpu.memory_space<vmem>>
    %dma_start3A_550 = arith.constant 0 : i32
    %dma_start3A_551 = arith.constant 0 : i32
    %dma_start3A_552 = tpu.memref_slice %arg3[%add3A, %dma_start3A_536, %dma_start3A_550, %dma_start3A_551] : memref<32x179x2x56xi32, #tpu.memory_space<hbm>> -> memref<1x1x2x56xi32, #tpu.memory_space<hbm>>
    %dma_start3A_553 = tpu.memref_squeeze %dma_start3A_552 : memref<1x1x2x56xi32, #tpu.memory_space<hbm>> -> memref<2x56xi32, #tpu.memory_space<hbm>>
    tpu.enqueue_dma source(%dma_start3A_553 : memref<2x56xi32, #tpu.memory_space<hbm>>) target(%dma_start3A_549 : memref<2x56xi32, #tpu.memory_space<vmem>>) target_semaphore(%arg10 : memref<!tpu.dma_semaphore, #tpu.memory_space<semaphore_mem>>)
    %dma_wait3A_554 = arith.constant 3 : i32
    %dma_wait3A_555 = arith.constant 3 : i32
    %dma_wait3A_556 = arith.constant 0 : i32
    %dma_wait3A_557 = arith.constant 0 : i32
    %dma_wait3A_558 = tpu.memref_slice %arg5[%dma_wait3A_555, %dma_wait3A_556, %dma_wait3A_557] : memref<6x2x56xi32, #tpu.memory_space<vmem>> -> memref<1x2x56xi32, #tpu.memory_space<vmem>>
    %dma_wait3A_559 = tpu.memref_squeeze %dma_wait3A_558 : memref<1x2x56xi32, #tpu.memory_space<vmem>> -> memref<2x56xi32, #tpu.memory_space<vmem>>
    %dma_wait3A_560 = arith.constant 0 : i32
    %dma_wait3A_561 = arith.constant 0 : i32
    %dma_wait3A_562 = tpu.memref_slice %arg3[%add3A, %dma_wait3A_554, %dma_wait3A_560, %dma_wait3A_561] : memref<32x179x2x56xi32, #tpu.memory_space<hbm>> -> memref<1x1x2x56xi32, #tpu.memory_space<hbm>>
    %dma_wait3A_563 = tpu.memref_squeeze %dma_wait3A_562 : memref<1x1x2x56xi32, #tpu.memory_space<hbm>> -> memref<2x56xi32, #tpu.memory_space<hbm>>
    %dma_wait3A_564 = arith.constant 0 : i32
    %dma_wait3A_565 = arith.constant 0 : i32
    %dma_wait3A_566 = tpu.memref_slice %arg5[%dma_wait3A_555, %dma_wait3A_564, %dma_wait3A_565] : memref<6x2x56xi32, #tpu.memory_space<vmem>> -> memref<1x2x56xi32, #tpu.memory_space<vmem>>
    %dma_wait3A_567 = tpu.memref_squeeze %dma_wait3A_566 : memref<1x2x56xi32, #tpu.memory_space<vmem>> -> memref<2x56xi32, #tpu.memory_space<vmem>>
    %dma_wait3A_568 = arith.constant 0 : i32
    %dma_wait3A_569 = arith.constant 0 : i32
    %dma_wait3A_570 = tpu.memref_slice %arg3[%add3A, %dma_wait3A_554, %dma_wait3A_568, %dma_wait3A_569] : memref<32x179x2x56xi32, #tpu.memory_space<hbm>> -> memref<1x1x2x56xi32, #tpu.memory_space<hbm>>
    %dma_wait3A_571 = tpu.memref_squeeze %dma_wait3A_570 : memref<1x1x2x56xi32, #tpu.memory_space<hbm>> -> memref<2x56xi32, #tpu.memory_space<hbm>>
    tpu.wait_dma2 semaphore(%arg10 : memref<!tpu.dma_semaphore, #tpu.memory_space<semaphore_mem>>) src(%dma_wait3A_571 : memref<2x56xi32, #tpu.memory_space<hbm>>) dst(%dma_wait3A_567 : memref<2x56xi32, #tpu.memory_space<vmem>>)
    %dma_start3A_572 = arith.constant 3 : i32
    %dma_start3A_573 = arith.constant 0 : i32
    %dma_start3A_574 = arith.constant 3 : i32
    %dma_start3A_575 = arith.constant 0 : i32
    %dma_start3A_576 = arith.constant 0 : i32
    %dma_start3A_577 = tpu.memref_slice %arg6[%dma_start3A_574, %dma_start3A_575, %dma_start3A_576] : memref<6x56x128xf32, #tpu.memory_space<vmem>> -> memref<1x56x128xf32, #tpu.memory_space<vmem>>
    %dma_start3A_578 = tpu.memref_squeeze %dma_start3A_577 : memref<1x56x128xf32, #tpu.memory_space<vmem>> -> memref<56x128xf32, #tpu.memory_space<vmem>>
    %dma_start3A_579 = arith.constant 0 : i32
    %dma_start3A_580 = tpu.memref_slice %arg5[%dma_start3A_572, %dma_start3A_573, %dma_start3A_579] : memref<6x2x56xi32, #tpu.memory_space<vmem>> -> memref<1x1x56xi32, #tpu.memory_space<vmem>>
    %dma_start3A_581 = tpu.memref_squeeze %dma_start3A_580 : memref<1x1x56xi32, #tpu.memory_space<vmem>> -> memref<56xi32, #tpu.memory_space<vmem>>
    %dma_start3A_582 = arith.constant 0 : i32
    %dma_start3A_583 = arith.constant 0 : i32
    %dma_start3A_584 = tpu.memref_slice %arg2[%dma_start3A_582, %dma_start3A_583] : memref<10000x128xf32, #tpu.memory_space<hbm>> -> memref<10000x128xf32, #tpu.memory_space<hbm>>
    tpu.enqueue_indirect_dma source(%dma_start3A_584 : memref<10000x128xf32, #tpu.memory_space<hbm>>) target(%dma_start3A_578 : memref<56x128xf32, #tpu.memory_space<vmem>>) offsets(%dma_start3A_581 : memref<56xi32, #tpu.memory_space<vmem>>) semaphore(%arg9 : memref<!tpu.dma_semaphore, #tpu.memory_space<semaphore_mem>>)
    %dma_start3A_585 = arith.constant 4 : i32
    %dma_start3A_586 = arith.constant 4 : i32
    %dma_start3A_587 = arith.constant 0 : i32
    %dma_start3A_588 = arith.constant 0 : i32
    %dma_start3A_589 = tpu.memref_slice %arg5[%dma_start3A_586, %dma_start3A_587, %dma_start3A_588] : memref<6x2x56xi32, #tpu.memory_space<vmem>> -> memref<1x2x56xi32, #tpu.memory_space<vmem>>
    %dma_start3A_590 = tpu.memref_squeeze %dma_start3A_589 : memref<1x2x56xi32, #tpu.memory_space<vmem>> -> memref<2x56xi32, #tpu.memory_space<vmem>>
    %dma_start3A_591 = arith.constant 0 : i32
    %dma_start3A_592 = arith.constant 0 : i32
    %dma_start3A_593 = tpu.memref_slice %arg3[%add3A, %dma_start3A_585, %dma_start3A_591, %dma_start3A_592] : memref<32x179x2x56xi32, #tpu.memory_space<hbm>> -> memref<1x1x2x56xi32, #tpu.memory_space<hbm>>
    %dma_start3A_594 = tpu.memref_squeeze %dma_start3A_593 : memref<1x1x2x56xi32, #tpu.memory_space<hbm>> -> memref<2x56xi32, #tpu.memory_space<hbm>>
    %dma_start3A_595 = arith.constant 0 : i32
    %dma_start3A_596 = arith.constant 0 : i32
    %dma_start3A_597 = tpu.memref_slice %arg5[%dma_start3A_586, %dma_start3A_595, %dma_start3A_596] : memref<6x2x56xi32, #tpu.memory_space<vmem>> -> memref<1x2x56xi32, #tpu.memory_space<vmem>>
    %dma_start3A_598 = tpu.memref_squeeze %dma_start3A_597 : memref<1x2x56xi32, #tpu.memory_space<vmem>> -> memref<2x56xi32, #tpu.memory_space<vmem>>
    %dma_start3A_599 = arith.constant 0 : i32
    %dma_start3A_600 = arith.constant 0 : i32
    %dma_start3A_601 = tpu.memref_slice %arg3[%add3A, %dma_start3A_585, %dma_start3A_599, %dma_start3A_600] : memref<32x179x2x56xi32, #tpu.memory_space<hbm>> -> memref<1x1x2x56xi32, #tpu.memory_space<hbm>>
    %dma_start3A_602 = tpu.memref_squeeze %dma_start3A_601 : memref<1x1x2x56xi32, #tpu.memory_space<hbm>> -> memref<2x56xi32, #tpu.memory_space<hbm>>
    tpu.enqueue_dma source(%dma_start3A_602 : memref<2x56xi32, #tpu.memory_space<hbm>>) target(%dma_start3A_598 : memref<2x56xi32, #tpu.memory_space<vmem>>) target_semaphore(%arg10 : memref<!tpu.dma_semaphore, #tpu.memory_space<semaphore_mem>>)
    %dma_wait3A_603 = arith.constant 4 : i32
    %dma_wait3A_604 = arith.constant 4 : i32
    %dma_wait3A_605 = arith.constant 0 : i32
    %dma_wait3A_606 = arith.constant 0 : i32
    %dma_wait3A_607 = tpu.memref_slice %arg5[%dma_wait3A_604, %dma_wait3A_605, %dma_wait3A_606] : memref<6x2x56xi32, #tpu.memory_space<vmem>> -> memref<1x2x56xi32, #tpu.memory_space<vmem>>
    %dma_wait3A_608 = tpu.memref_squeeze %dma_wait3A_607 : memref<1x2x56xi32, #tpu.memory_space<vmem>> -> memref<2x56xi32, #tpu.memory_space<vmem>>
    %dma_wait3A_609 = arith.constant 0 : i32
    %dma_wait3A_610 = arith.constant 0 : i32
    %dma_wait3A_611 = tpu.memref_slice %arg3[%add3A, %dma_wait3A_603, %dma_wait3A_609, %dma_wait3A_610] : memref<32x179x2x56xi32, #tpu.memory_space<hbm>> -> memref<1x1x2x56xi32, #tpu.memory_space<hbm>>
    %dma_wait3A_612 = tpu.memref_squeeze %dma_wait3A_611 : memref<1x1x2x56xi32, #tpu.memory_space<hbm>> -> memref<2x56xi32, #tpu.memory_space<hbm>>
    %dma_wait3A_613 = arith.constant 0 : i32
    %dma_wait3A_614 = arith.constant 0 : i32
    %dma_wait3A_615 = tpu.memref_slice %arg5[%dma_wait3A_604, %dma_wait3A_613, %dma_wait3A_614] : memref<6x2x56xi32, #tpu.memory_space<vmem>> -> memref<1x2x56xi32, #tpu.memory_space<vmem>>
    %dma_wait3A_616 = tpu.memref_squeeze %dma_wait3A_615 : memref<1x2x56xi32, #tpu.memory_space<vmem>> -> memref<2x56xi32, #tpu.memory_space<vmem>>
    %dma_wait3A_617 = arith.constant 0 : i32
    %dma_wait3A_618 = arith.constant 0 : i32
    %dma_wait3A_619 = tpu.memref_slice %arg3[%add3A, %dma_wait3A_603, %dma_wait3A_617, %dma_wait3A_618] : memref<32x179x2x56xi32, #tpu.memory_space<hbm>> -> memref<1x1x2x56xi32, #tpu.memory_space<hbm>>
    %dma_wait3A_620 = tpu.memref_squeeze %dma_wait3A_619 : memref<1x1x2x56xi32, #tpu.memory_space<hbm>> -> memref<2x56xi32, #tpu.memory_space<hbm>>
    tpu.wait_dma2 semaphore(%arg10 : memref<!tpu.dma_semaphore, #tpu.memory_space<semaphore_mem>>) src(%dma_wait3A_620 : memref<2x56xi32, #tpu.memory_space<hbm>>) dst(%dma_wait3A_616 : memref<2x56xi32, #tpu.memory_space<vmem>>)
    %dma_start3A_621 = arith.constant 4 : i32
    %dma_start3A_622 = arith.constant 0 : i32
    %dma_start3A_623 = arith.constant 4 : i32
    %dma_start3A_624 = arith.constant 0 : i32
    %dma_start3A_625 = arith.constant 0 : i32
    %dma_start3A_626 = tpu.memref_slice %arg6[%dma_start3A_623, %dma_start3A_624, %dma_start3A_625] : memref<6x56x128xf32, #tpu.memory_space<vmem>> -> memref<1x56x128xf32, #tpu.memory_space<vmem>>
    %dma_start3A_627 = tpu.memref_squeeze %dma_start3A_626 : memref<1x56x128xf32, #tpu.memory_space<vmem>> -> memref<56x128xf32, #tpu.memory_space<vmem>>
    %dma_start3A_628 = arith.constant 0 : i32
    %dma_start3A_629 = tpu.memref_slice %arg5[%dma_start3A_621, %dma_start3A_622, %dma_start3A_628] : memref<6x2x56xi32, #tpu.memory_space<vmem>> -> memref<1x1x56xi32, #tpu.memory_space<vmem>>
    %dma_start3A_630 = tpu.memref_squeeze %dma_start3A_629 : memref<1x1x56xi32, #tpu.memory_space<vmem>> -> memref<56xi32, #tpu.memory_space<vmem>>
    %dma_start3A_631 = arith.constant 0 : i32
    %dma_start3A_632 = arith.constant 0 : i32
    %dma_start3A_633 = tpu.memref_slice %arg2[%dma_start3A_631, %dma_start3A_632] : memref<10000x128xf32, #tpu.memory_space<hbm>> -> memref<10000x128xf32, #tpu.memory_space<hbm>>
    tpu.enqueue_indirect_dma source(%dma_start3A_633 : memref<10000x128xf32, #tpu.memory_space<hbm>>) target(%dma_start3A_627 : memref<56x128xf32, #tpu.memory_space<vmem>>) offsets(%dma_start3A_630 : memref<56xi32, #tpu.memory_space<vmem>>) semaphore(%arg9 : memref<!tpu.dma_semaphore, #tpu.memory_space<semaphore_mem>>)
    %dma_start3A_634 = arith.constant 5 : i32
    %dma_start3A_635 = arith.constant 5 : i32
    %dma_start3A_636 = arith.constant 0 : i32
    %dma_start3A_637 = arith.constant 0 : i32
    %dma_start3A_638 = tpu.memref_slice %arg5[%dma_start3A_635, %dma_start3A_636, %dma_start3A_637] : memref<6x2x56xi32, #tpu.memory_space<vmem>> -> memref<1x2x56xi32, #tpu.memory_space<vmem>>
    %dma_start3A_639 = tpu.memref_squeeze %dma_start3A_638 : memref<1x2x56xi32, #tpu.memory_space<vmem>> -> memref<2x56xi32, #tpu.memory_space<vmem>>
    %dma_start3A_640 = arith.constant 0 : i32
    %dma_start3A_641 = arith.constant 0 : i32
    %dma_start3A_642 = tpu.memref_slice %arg3[%add3A, %dma_start3A_634, %dma_start3A_640, %dma_start3A_641] : memref<32x179x2x56xi32, #tpu.memory_space<hbm>> -> memref<1x1x2x56xi32, #tpu.memory_space<hbm>>
    %dma_start3A_643 = tpu.memref_squeeze %dma_start3A_642 : memref<1x1x2x56xi32, #tpu.memory_space<hbm>> -> memref<2x56xi32, #tpu.memory_space<hbm>>
    %dma_start3A_644 = arith.constant 0 : i32
    %dma_start3A_645 = arith.constant 0 : i32
    %dma_start3A_646 = tpu.memref_slice %arg5[%dma_start3A_635, %dma_start3A_644, %dma_start3A_645] : memref<6x2x56xi32, #tpu.memory_space<vmem>> -> memref<1x2x56xi32, #tpu.memory_space<vmem>>
    %dma_start3A_647 = tpu.memref_squeeze %dma_start3A_646 : memref<1x2x56xi32, #tpu.memory_space<vmem>> -> memref<2x56xi32, #tpu.memory_space<vmem>>
    %dma_start3A_648 = arith.constant 0 : i32
    %dma_start3A_649 = arith.constant 0 : i32
    %dma_start3A_650 = tpu.memref_slice %arg3[%add3A, %dma_start3A_634, %dma_start3A_648, %dma_start3A_649] : memref<32x179x2x56xi32, #tpu.memory_space<hbm>> -> memref<1x1x2x56xi32, #tpu.memory_space<hbm>>
    %dma_start3A_651 = tpu.memref_squeeze %dma_start3A_650 : memref<1x1x2x56xi32, #tpu.memory_space<hbm>> -> memref<2x56xi32, #tpu.memory_space<hbm>>
    tpu.enqueue_dma source(%dma_start3A_651 : memref<2x56xi32, #tpu.memory_space<hbm>>) target(%dma_start3A_647 : memref<2x56xi32, #tpu.memory_space<vmem>>) target_semaphore(%arg10 : memref<!tpu.dma_semaphore, #tpu.memory_space<semaphore_mem>>)
    %dma_wait3A_652 = arith.constant 5 : i32
    %dma_wait3A_653 = arith.constant 5 : i32
    %dma_wait3A_654 = arith.constant 0 : i32
    %dma_wait3A_655 = arith.constant 0 : i32
    %dma_wait3A_656 = tpu.memref_slice %arg5[%dma_wait3A_653, %dma_wait3A_654, %dma_wait3A_655] : memref<6x2x56xi32, #tpu.memory_space<vmem>> -> memref<1x2x56xi32, #tpu.memory_space<vmem>>
    %dma_wait3A_657 = tpu.memref_squeeze %dma_wait3A_656 : memref<1x2x56xi32, #tpu.memory_space<vmem>> -> memref<2x56xi32, #tpu.memory_space<vmem>>
    %dma_wait3A_658 = arith.constant 0 : i32
    %dma_wait3A_659 = arith.constant 0 : i32
    %dma_wait3A_660 = tpu.memref_slice %arg3[%add3A, %dma_wait3A_652, %dma_wait3A_658, %dma_wait3A_659] : memref<32x179x2x56xi32, #tpu.memory_space<hbm>> -> memref<1x1x2x56xi32, #tpu.memory_space<hbm>>
    %dma_wait3A_661 = tpu.memref_squeeze %dma_wait3A_660 : memref<1x1x2x56xi32, #tpu.memory_space<hbm>> -> memref<2x56xi32, #tpu.memory_space<hbm>>
    %dma_wait3A_662 = arith.constant 0 : i32
    %dma_wait3A_663 = arith.constant 0 : i32
    %dma_wait3A_664 = tpu.memref_slice %arg5[%dma_wait3A_653, %dma_wait3A_662, %dma_wait3A_663] : memref<6x2x56xi32, #tpu.memory_space<vmem>> -> memref<1x2x56xi32, #tpu.memory_space<vmem>>
    %dma_wait3A_665 = tpu.memref_squeeze %dma_wait3A_664 : memref<1x2x56xi32, #tpu.memory_space<vmem>> -> memref<2x56xi32, #tpu.memory_space<vmem>>
    %dma_wait3A_666 = arith.constant 0 : i32
    %dma_wait3A_667 = arith.constant 0 : i32
    %dma_wait3A_668 = tpu.memref_slice %arg3[%add3A, %dma_wait3A_652, %dma_wait3A_666, %dma_wait3A_667] : memref<32x179x2x56xi32, #tpu.memory_space<hbm>> -> memref<1x1x2x56xi32, #tpu.memory_space<hbm>>
    %dma_wait3A_669 = tpu.memref_squeeze %dma_wait3A_668 : memref<1x1x2x56xi32, #tpu.memory_space<hbm>> -> memref<2x56xi32, #tpu.memory_space<hbm>>
    tpu.wait_dma2 semaphore(%arg10 : memref<!tpu.dma_semaphore, #tpu.memory_space<semaphore_mem>>) src(%dma_wait3A_669 : memref<2x56xi32, #tpu.memory_space<hbm>>) dst(%dma_wait3A_665 : memref<2x56xi32, #tpu.memory_space<vmem>>)
    %dma_start3A_670 = arith.constant 5 : i32
    %dma_start3A_671 = arith.constant 0 : i32
    %dma_start3A_672 = arith.constant 5 : i32
    %dma_start3A_673 = arith.constant 0 : i32
    %dma_start3A_674 = arith.constant 0 : i32
    %dma_start3A_675 = tpu.memref_slice %arg6[%dma_start3A_672, %dma_start3A_673, %dma_start3A_674] : memref<6x56x128xf32, #tpu.memory_space<vmem>> -> memref<1x56x128xf32, #tpu.memory_space<vmem>>
    %dma_start3A_676 = tpu.memref_squeeze %dma_start3A_675 : memref<1x56x128xf32, #tpu.memory_space<vmem>> -> memref<56x128xf32, #tpu.memory_space<vmem>>
    %dma_start3A_677 = arith.constant 0 : i32
    %dma_start3A_678 = tpu.memref_slice %arg5[%dma_start3A_670, %dma_start3A_671, %dma_start3A_677] : memref<6x2x56xi32, #tpu.memory_space<vmem>> -> memref<1x1x56xi32, #tpu.memory_space<vmem>>
    %dma_start3A_679 = tpu.memref_squeeze %dma_start3A_678 : memref<1x1x56xi32, #tpu.memory_space<vmem>> -> memref<56xi32, #tpu.memory_space<vmem>>
    %dma_start3A_680 = arith.constant 0 : i32
    %dma_start3A_681 = arith.constant 0 : i32
    %dma_start3A_682 = tpu.memref_slice %arg2[%dma_start3A_680, %dma_start3A_681] : memref<10000x128xf32, #tpu.memory_space<hbm>> -> memref<10000x128xf32, #tpu.memory_space<hbm>>
    tpu.enqueue_indirect_dma source(%dma_start3A_682 : memref<10000x128xf32, #tpu.memory_space<hbm>>) target(%dma_start3A_676 : memref<56x128xf32, #tpu.memory_space<vmem>>) offsets(%dma_start3A_679 : memref<56xi32, #tpu.memory_space<vmem>>) semaphore(%arg9 : memref<!tpu.dma_semaphore, #tpu.memory_space<semaphore_mem>>)
    %scan3A_683 = arith.constant 0 : i32
    %scan3A_684 = arith.constant 0 : i32
    %scan3A_685 = arith.constant 173 : i32
    %scan3A_686 = arith.addi %scan3A_684, %scan3A_685 : i32
    %scan3A_687 = arith.constant 1 : i32
    %scan3A_688 = scf.for %scan3A_698 = %scan3A_684 to %scan3A_686 step %scan3A_687 iter_args(%scan3A_699 = %scan3A_683) -> (i32)  : i32 {
      %rem3A = arith.constant 6 : i32
      %rem3A_700 = arith.remsi %scan3A_698, %rem3A : i32
      %dma_wait3A_701 = arith.constant 0 : i32
      %dma_wait3A_702 = arith.constant 0 : i32
      %dma_wait3A_703 = tpu.memref_slice %arg6[%rem3A_700, %dma_wait3A_701, %dma_wait3A_702] : memref<6x56x128xf32, #tpu.memory_space<vmem>> -> memref<1x56x128xf32, #tpu.memory_space<vmem>>
      %dma_wait3A_704 = tpu.memref_squeeze %dma_wait3A_703 : memref<1x56x128xf32, #tpu.memory_space<vmem>> -> memref<56x128xf32, #tpu.memory_space<vmem>>
      %dma_wait3A_705 = arith.constant 0 : i32
      %dma_wait3A_706 = arith.constant 0 : i32
      %dma_wait3A_707 = tpu.memref_slice %arg2[%dma_wait3A_705, %dma_wait3A_706] : memref<10000x128xf32, #tpu.memory_space<hbm>> -> memref<56x128xf32, #tpu.memory_space<hbm>>
      %dma_wait3A_708 = arith.constant 0 : i32
      %dma_wait3A_709 = arith.constant 0 : i32
      %dma_wait3A_710 = tpu.memref_slice %arg6[%rem3A_700, %dma_wait3A_708, %dma_wait3A_709] : memref<6x56x128xf32, #tpu.memory_space<vmem>> -> memref<1x56x128xf32, #tpu.memory_space<vmem>>
      %dma_wait3A_711 = tpu.memref_squeeze %dma_wait3A_710 : memref<1x56x128xf32, #tpu.memory_space<vmem>> -> memref<56x128xf32, #tpu.memory_space<vmem>>
      %dma_wait3A_712 = arith.constant 0 : i32
      %dma_wait3A_713 = arith.constant 0 : i32
      %dma_wait3A_714 = tpu.memref_slice %arg2[%dma_wait3A_712, %dma_wait3A_713] : memref<10000x128xf32, #tpu.memory_space<hbm>> -> memref<56x128xf32, #tpu.memory_space<hbm>>
      tpu.wait_dma2 semaphore(%arg9 : memref<!tpu.dma_semaphore, #tpu.memory_space<semaphore_mem>>) src(%dma_wait3A_714 : memref<56x128xf32, #tpu.memory_space<hbm>>) dst(%dma_wait3A_711 : memref<56x128xf32, #tpu.memory_space<vmem>>)
      %dma_start3A_715 = arith.constant 1 : i32
      %dma_start3A_716 = arith.constant 0 : i32
      %dma_start3A_717 = arith.constant 0 : i32
      %dma_start3A_718 = tpu.memref_slice %arg6[%rem3A_700, %dma_start3A_716, %dma_start3A_717] : memref<6x56x128xf32, #tpu.memory_space<vmem>> -> memref<1x56x128xf32, #tpu.memory_space<vmem>>
      %dma_start3A_719 = tpu.memref_squeeze %dma_start3A_718 : memref<1x56x128xf32, #tpu.memory_space<vmem>> -> memref<56x128xf32, #tpu.memory_space<vmem>>
      %dma_start3A_720 = arith.constant 0 : i32
      %dma_start3A_721 = tpu.memref_slice %arg5[%rem3A_700, %dma_start3A_715, %dma_start3A_720] : memref<6x2x56xi32, #tpu.memory_space<vmem>> -> memref<1x1x56xi32, #tpu.memory_space<vmem>>
      %dma_start3A_722 = tpu.memref_squeeze %dma_start3A_721 : memref<1x1x56xi32, #tpu.memory_space<vmem>> -> memref<56xi32, #tpu.memory_space<vmem>>
      %dma_start3A_723 = arith.constant 0 : i32
      %dma_start3A_724 = arith.constant 0 : i32
      %dma_start3A_725 = tpu.memref_slice %arg7[%dma_start3A_723, %dma_start3A_724] : memref<10112x128xf32, #tpu.memory_space<vmem_shared>> -> memref<10112x128xf32, #tpu.memory_space<vmem_shared>>
      tpu.enqueue_indirect_dma source(%dma_start3A_719 : memref<56x128xf32, #tpu.memory_space<vmem>>) target(%dma_start3A_725 : memref<10112x128xf32, #tpu.memory_space<vmem_shared>>) offsets(%dma_start3A_722 : memref<56xi32, #tpu.memory_space<vmem>>) semaphore(%arg10 : memref<!tpu.dma_semaphore, #tpu.memory_space<semaphore_mem>>) {add = true}
      %dma_wait3A_726 = arith.constant 1 : i32
      %dma_wait3A_727 = arith.constant 0 : i32
      %dma_wait3A_728 = arith.constant 0 : i32
      %dma_wait3A_729 = tpu.memref_slice %arg6[%rem3A_700, %dma_wait3A_727, %dma_wait3A_728] : memref<6x56x128xf32, #tpu.memory_space<vmem>> -> memref<1x56x128xf32, #tpu.memory_space<vmem>>
      %dma_wait3A_730 = tpu.memref_squeeze %dma_wait3A_729 : memref<1x56x128xf32, #tpu.memory_space<vmem>> -> memref<56x128xf32, #tpu.memory_space<vmem>>
      %dma_wait3A_731 = arith.constant 0 : i32
      %dma_wait3A_732 = tpu.memref_slice %arg5[%rem3A_700, %dma_wait3A_726, %dma_wait3A_731] : memref<6x2x56xi32, #tpu.memory_space<vmem>> -> memref<1x1x56xi32, #tpu.memory_space<vmem>>
      %dma_wait3A_733 = tpu.memref_squeeze %dma_wait3A_732 : memref<1x1x56xi32, #tpu.memory_space<vmem>> -> memref<56xi32, #tpu.memory_space<vmem>>
      %dma_wait3A_734 = arith.constant 0 : i32
      %dma_wait3A_735 = arith.constant 0 : i32
      %dma_wait3A_736 = tpu.memref_slice %arg7[%dma_wait3A_734, %dma_wait3A_735] : memref<10112x128xf32, #tpu.memory_space<vmem_shared>> -> memref<10112x128xf32, #tpu.memory_space<vmem_shared>>
      tpu.wait_indirect_dma semaphore(%arg10 : memref<!tpu.dma_semaphore, #tpu.memory_space<semaphore_mem>>) src(%dma_wait3A_730 : memref<56x128xf32, #tpu.memory_space<vmem>>) dst(%dma_wait3A_736 : memref<10112x128xf32, #tpu.memory_space<vmem_shared>>)
      %add3A_737 = arith.constant 6 : i32
      %add3A_738 = arith.addi %scan3A_698, %add3A_737 : i32
      %dma_start3A_739 = arith.constant 0 : i32
      %dma_start3A_740 = arith.constant 0 : i32
      %dma_start3A_741 = tpu.memref_slice %arg5[%rem3A_700, %dma_start3A_739, %dma_start3A_740] : memref<6x2x56xi32, #tpu.memory_space<vmem>> -> memref<1x2x56xi32, #tpu.memory_space<vmem>>
      %dma_start3A_742 = tpu.memref_squeeze %dma_start3A_741 : memref<1x2x56xi32, #tpu.memory_space<vmem>> -> memref<2x56xi32, #tpu.memory_space<vmem>>
      %dma_start3A_743 = arith.constant 0 : i32
      %dma_start3A_744 = arith.constant 0 : i32
      %dma_start3A_745 = tpu.memref_slice %arg3[%add3A, %add3A_738, %dma_start3A_743, %dma_start3A_744] : memref<32x179x2x56xi32, #tpu.memory_space<hbm>> -> memref<1x1x2x56xi32, #tpu.memory_space<hbm>>
      %dma_start3A_746 = tpu.memref_squeeze %dma_start3A_745 : memref<1x1x2x56xi32, #tpu.memory_space<hbm>> -> memref<2x56xi32, #tpu.memory_space<hbm>>
      %dma_start3A_747 = arith.constant 0 : i32
      %dma_start3A_748 = arith.constant 0 : i32
      %dma_start3A_749 = tpu.memref_slice %arg5[%rem3A_700, %dma_start3A_747, %dma_start3A_748] : memref<6x2x56xi32, #tpu.memory_space<vmem>> -> memref<1x2x56xi32, #tpu.memory_space<vmem>>
      %dma_start3A_750 = tpu.memref_squeeze %dma_start3A_749 : memref<1x2x56xi32, #tpu.memory_space<vmem>> -> memref<2x56xi32, #tpu.memory_space<vmem>>
      %dma_start3A_751 = arith.constant 0 : i32
      %dma_start3A_752 = arith.constant 0 : i32
      %dma_start3A_753 = tpu.memref_slice %arg3[%add3A, %add3A_738, %dma_start3A_751, %dma_start3A_752] : memref<32x179x2x56xi32, #tpu.memory_space<hbm>> -> memref<1x1x2x56xi32, #tpu.memory_space<hbm>>
      %dma_start3A_754 = tpu.memref_squeeze %dma_start3A_753 : memref<1x1x2x56xi32, #tpu.memory_space<hbm>> -> memref<2x56xi32, #tpu.memory_space<hbm>>
      tpu.enqueue_dma source(%dma_start3A_754 : memref<2x56xi32, #tpu.memory_space<hbm>>) target(%dma_start3A_750 : memref<2x56xi32, #tpu.memory_space<vmem>>) target_semaphore(%arg10 : memref<!tpu.dma_semaphore, #tpu.memory_space<semaphore_mem>>)
      %dma_wait3A_755 = arith.constant 0 : i32
      %dma_wait3A_756 = arith.constant 0 : i32
      %dma_wait3A_757 = tpu.memref_slice %arg5[%rem3A_700, %dma_wait3A_755, %dma_wait3A_756] : memref<6x2x56xi32, #tpu.memory_space<vmem>> -> memref<1x2x56xi32, #tpu.memory_space<vmem>>
      %dma_wait3A_758 = tpu.memref_squeeze %dma_wait3A_757 : memref<1x2x56xi32, #tpu.memory_space<vmem>> -> memref<2x56xi32, #tpu.memory_space<vmem>>
      %dma_wait3A_759 = arith.constant 0 : i32
      %dma_wait3A_760 = arith.constant 0 : i32
      %dma_wait3A_761 = tpu.memref_slice %arg3[%add3A, %add3A_738, %dma_wait3A_759, %dma_wait3A_760] : memref<32x179x2x56xi32, #tpu.memory_space<hbm>> -> memref<1x1x2x56xi32, #tpu.memory_space<hbm>>
      %dma_wait3A_762 = tpu.memref_squeeze %dma_wait3A_761 : memref<1x1x2x56xi32, #tpu.memory_space<hbm>> -> memref<2x56xi32, #tpu.memory_space<hbm>>
      %dma_wait3A_763 = arith.constant 0 : i32
      %dma_wait3A_764 = arith.constant 0 : i32
      %dma_wait3A_765 = tpu.memref_slice %arg5[%rem3A_700, %dma_wait3A_763, %dma_wait3A_764] : memref<6x2x56xi32, #tpu.memory_space<vmem>> -> memref<1x2x56xi32, #tpu.memory_space<vmem>>
      %dma_wait3A_766 = tpu.memref_squeeze %dma_wait3A_765 : memref<1x2x56xi32, #tpu.memory_space<vmem>> -> memref<2x56xi32, #tpu.memory_space<vmem>>
      %dma_wait3A_767 = arith.constant 0 : i32
      %dma_wait3A_768 = arith.constant 0 : i32
      %dma_wait3A_769 = tpu.memref_slice %arg3[%add3A, %add3A_738, %dma_wait3A_767, %dma_wait3A_768] : memref<32x179x2x56xi32, #tpu.memory_space<hbm>> -> memref<1x1x2x56xi32, #tpu.memory_space<hbm>>
      %dma_wait3A_770 = tpu.memref_squeeze %dma_wait3A_769 : memref<1x1x2x56xi32, #tpu.memory_space<hbm>> -> memref<2x56xi32, #tpu.memory_space<hbm>>
      tpu.wait_dma2 semaphore(%arg10 : memref<!tpu.dma_semaphore, #tpu.memory_space<semaphore_mem>>) src(%dma_wait3A_770 : memref<2x56xi32, #tpu.memory_space<hbm>>) dst(%dma_wait3A_766 : memref<2x56xi32, #tpu.memory_space<vmem>>)
      %dma_start3A_771 = arith.constant 0 : i32
      %dma_start3A_772 = arith.constant 0 : i32
      %dma_start3A_773 = arith.constant 0 : i32
      %dma_start3A_774 = tpu.memref_slice %arg6[%rem3A_700, %dma_start3A_772, %dma_start3A_773] : memref<6x56x128xf32, #tpu.memory_space<vmem>> -> memref<1x56x128xf32, #tpu.memory_space<vmem>>
      %dma_start3A_775 = tpu.memref_squeeze %dma_start3A_774 : memref<1x56x128xf32, #tpu.memory_space<vmem>> -> memref<56x128xf32, #tpu.memory_space<vmem>>
      %dma_start3A_776 = arith.constant 0 : i32
      %dma_start3A_777 = tpu.memref_slice %arg5[%rem3A_700, %dma_start3A_771, %dma_start3A_776] : memref<6x2x56xi32, #tpu.memory_space<vmem>> -> memref<1x1x56xi32, #tpu.memory_space<vmem>>
      %dma_start3A_778 = tpu.memref_squeeze %dma_start3A_777 : memref<1x1x56xi32, #tpu.memory_space<vmem>> -> memref<56xi32, #tpu.memory_space<vmem>>
      %dma_start3A_779 = arith.constant 0 : i32
      %dma_start3A_780 = arith.constant 0 : i32
      %dma_start3A_781 = tpu.memref_slice %arg2[%dma_start3A_779, %dma_start3A_780] : memref<10000x128xf32, #tpu.memory_space<hbm>> -> memref<10000x128xf32, #tpu.memory_space<hbm>>
      tpu.enqueue_indirect_dma source(%dma_start3A_781 : memref<10000x128xf32, #tpu.memory_space<hbm>>) target(%dma_start3A_775 : memref<56x128xf32, #tpu.memory_space<vmem>>) offsets(%dma_start3A_778 : memref<56xi32, #tpu.memory_space<vmem>>) semaphore(%arg9 : memref<!tpu.dma_semaphore, #tpu.memory_space<semaphore_mem>>)
      %scan3A_782 = arith.constant 0 : i32
      scf.yield %scan3A_782 : i32
    }
    %scan3A_689 = arith.constant 173 : i32
    %scan3A_690 = arith.constant 0 : i32
    %scan3A_691 = arith.constant 173 : i32
    %scan3A_692 = arith.constant 6 : i32
    %scan3A_693 = arith.addi %scan3A_691, %scan3A_692 : i32
    %scan3A_694 = arith.constant 1 : i32
    %scan3A_695 = scf.for %scan3A_698 = %scan3A_691 to %scan3A_693 step %scan3A_694 iter_args(%scan3A_699 = %scan3A_690) -> (i32)  : i32 {
      %rem3A = arith.constant 6 : i32
      %rem3A_700 = arith.remsi %scan3A_698, %rem3A : i32
      %dma_wait3A_701 = arith.constant 0 : i32
      %dma_wait3A_702 = arith.constant 0 : i32
      %dma_wait3A_703 = tpu.memref_slice %arg6[%rem3A_700, %dma_wait3A_701, %dma_wait3A_702] : memref<6x56x128xf32, #tpu.memory_space<vmem>> -> memref<1x56x128xf32, #tpu.memory_space<vmem>>
      %dma_wait3A_704 = tpu.memref_squeeze %dma_wait3A_703 : memref<1x56x128xf32, #tpu.memory_space<vmem>> -> memref<56x128xf32, #tpu.memory_space<vmem>>
      %dma_wait3A_705 = arith.constant 0 : i32
      %dma_wait3A_706 = arith.constant 0 : i32
      %dma_wait3A_707 = tpu.memref_slice %arg2[%dma_wait3A_705, %dma_wait3A_706] : memref<10000x128xf32, #tpu.memory_space<hbm>> -> memref<56x128xf32, #tpu.memory_space<hbm>>
      %dma_wait3A_708 = arith.constant 0 : i32
      %dma_wait3A_709 = arith.constant 0 : i32
      %dma_wait3A_710 = tpu.memref_slice %arg6[%rem3A_700, %dma_wait3A_708, %dma_wait3A_709] : memref<6x56x128xf32, #tpu.memory_space<vmem>> -> memref<1x56x128xf32, #tpu.memory_space<vmem>>
      %dma_wait3A_711 = tpu.memref_squeeze %dma_wait3A_710 : memref<1x56x128xf32, #tpu.memory_space<vmem>> -> memref<56x128xf32, #tpu.memory_space<vmem>>
      %dma_wait3A_712 = arith.constant 0 : i32
      %dma_wait3A_713 = arith.constant 0 : i32
      %dma_wait3A_714 = tpu.memref_slice %arg2[%dma_wait3A_712, %dma_wait3A_713] : memref<10000x128xf32, #tpu.memory_space<hbm>> -> memref<56x128xf32, #tpu.memory_space<hbm>>
      tpu.wait_dma2 semaphore(%arg9 : memref<!tpu.dma_semaphore, #tpu.memory_space<semaphore_mem>>) src(%dma_wait3A_714 : memref<56x128xf32, #tpu.memory_space<hbm>>) dst(%dma_wait3A_711 : memref<56x128xf32, #tpu.memory_space<vmem>>)
      %dma_start3A_715 = arith.constant 1 : i32
      %dma_start3A_716 = arith.constant 0 : i32
      %dma_start3A_717 = arith.constant 0 : i32
      %dma_start3A_718 = tpu.memref_slice %arg6[%rem3A_700, %dma_start3A_716, %dma_start3A_717] : memref<6x56x128xf32, #tpu.memory_space<vmem>> -> memref<1x56x128xf32, #tpu.memory_space<vmem>>
      %dma_start3A_719 = tpu.memref_squeeze %dma_start3A_718 : memref<1x56x128xf32, #tpu.memory_space<vmem>> -> memref<56x128xf32, #tpu.memory_space<vmem>>
      %dma_start3A_720 = arith.constant 0 : i32
      %dma_start3A_721 = tpu.memref_slice %arg5[%rem3A_700, %dma_start3A_715, %dma_start3A_720] : memref<6x2x56xi32, #tpu.memory_space<vmem>> -> memref<1x1x56xi32, #tpu.memory_space<vmem>>
      %dma_start3A_722 = tpu.memref_squeeze %dma_start3A_721 : memref<1x1x56xi32, #tpu.memory_space<vmem>> -> memref<56xi32, #tpu.memory_space<vmem>>
      %dma_start3A_723 = arith.constant 0 : i32
      %dma_start3A_724 = arith.constant 0 : i32
      %dma_start3A_725 = tpu.memref_slice %arg7[%dma_start3A_723, %dma_start3A_724] : memref<10112x128xf32, #tpu.memory_space<vmem_shared>> -> memref<10112x128xf32, #tpu.memory_space<vmem_shared>>
      tpu.enqueue_indirect_dma source(%dma_start3A_719 : memref<56x128xf32, #tpu.memory_space<vmem>>) target(%dma_start3A_725 : memref<10112x128xf32, #tpu.memory_space<vmem_shared>>) offsets(%dma_start3A_722 : memref<56xi32, #tpu.memory_space<vmem>>) semaphore(%arg10 : memref<!tpu.dma_semaphore, #tpu.memory_space<semaphore_mem>>) {add = true}
      %dma_wait3A_726 = arith.constant 1 : i32
      %dma_wait3A_727 = arith.constant 0 : i32
      %dma_wait3A_728 = arith.constant 0 : i32
      %dma_wait3A_729 = tpu.memref_slice %arg6[%rem3A_700, %dma_wait3A_727, %dma_wait3A_728] : memref<6x56x128xf32, #tpu.memory_space<vmem>> -> memref<1x56x128xf32, #tpu.memory_space<vmem>>
      %dma_wait3A_730 = tpu.memref_squeeze %dma_wait3A_729 : memref<1x56x128xf32, #tpu.memory_space<vmem>> -> memref<56x128xf32, #tpu.memory_space<vmem>>
      %dma_wait3A_731 = arith.constant 0 : i32
      %dma_wait3A_732 = tpu.memref_slice %arg5[%rem3A_700, %dma_wait3A_726, %dma_wait3A_731] : memref<6x2x56xi32, #tpu.memory_space<vmem>> -> memref<1x1x56xi32, #tpu.memory_space<vmem>>
      %dma_wait3A_733 = tpu.memref_squeeze %dma_wait3A_732 : memref<1x1x56xi32, #tpu.memory_space<vmem>> -> memref<56xi32, #tpu.memory_space<vmem>>
      %dma_wait3A_734 = arith.constant 0 : i32
      %dma_wait3A_735 = arith.constant 0 : i32
      %dma_wait3A_736 = tpu.memref_slice %arg7[%dma_wait3A_734, %dma_wait3A_735] : memref<10112x128xf32, #tpu.memory_space<vmem_shared>> -> memref<10112x128xf32, #tpu.memory_space<vmem_shared>>
      tpu.wait_indirect_dma semaphore(%arg10 : memref<!tpu.dma_semaphore, #tpu.memory_space<semaphore_mem>>) src(%dma_wait3A_730 : memref<56x128xf32, #tpu.memory_space<vmem>>) dst(%dma_wait3A_736 : memref<10112x128xf32, #tpu.memory_space<vmem_shared>>)
      %scan3A_737 = arith.constant 0 : i32
      scf.yield %scan3A_737 : i32
    }
    %scan3A_696 = arith.constant 6 : i32
    %barrier3A_697 = arith.constant 0 : index
    tpu.barrier barrier_id(%barrier3A_697)
    "tpu.region"() ({
      %run_scoped3A = tpu.sem_alloc : memref<!tpu.dma_semaphore, #tpu.memory_space<semaphore_mem>>
      %dma_start3A_698 = arith.constant 0 : i32
      %dma_start3A_699 = tpu.memref_slice %arg4[%arg0, %mul3A_384, %dma_start3A_698] : memref<2x10112x128xf32, #tpu.memory_space<hbm>> -> memref<1x632x128xf32, #tpu.memory_space<hbm>>
      %dma_start3A_700 = tpu.memref_squeeze %dma_start3A_699 : memref<1x632x128xf32, #tpu.memory_space<hbm>> -> memref<632x128xf32, #tpu.memory_space<hbm>>
      %dma_start3A_701 = arith.constant 0 : i32
      %dma_start3A_702 = tpu.memref_slice %arg7[%mul3A_384, %dma_start3A_701] : memref<10112x128xf32, #tpu.memory_space<vmem_shared>> -> memref<632x128xf32, #tpu.memory_space<vmem_shared>>
      tpu.enqueue_dma source(%dma_start3A_702 : memref<632x128xf32, #tpu.memory_space<vmem_shared>>) target(%dma_start3A_700 : memref<632x128xf32, #tpu.memory_space<hbm>>) target_semaphore(%run_scoped3A : memref<!tpu.dma_semaphore, #tpu.memory_space<semaphore_mem>>)
      %dma_wait3A_703 = arith.constant 0 : i32
      %dma_wait3A_704 = tpu.memref_slice %arg4[%arg0, %mul3A_384, %dma_wait3A_703] : memref<2x10112x128xf32, #tpu.memory_space<hbm>> -> memref<1x632x128xf32, #tpu.memory_space<hbm>>
      %dma_wait3A_705 = tpu.memref_squeeze %dma_wait3A_704 : memref<1x632x128xf32, #tpu.memory_space<hbm>> -> memref<632x128xf32, #tpu.memory_space<hbm>>
      %dma_wait3A_706 = arith.constant 0 : i32
      %dma_wait3A_707 = tpu.memref_slice %arg7[%mul3A_384, %dma_wait3A_706] : memref<10112x128xf32, #tpu.memory_space<vmem_shared>> -> memref<632x128xf32, #tpu.memory_space<vmem_shared>>
      tpu.wait_dma2 semaphore(%run_scoped3A : memref<!tpu.dma_semaphore, #tpu.memory_space<semaphore_mem>>) src(%dma_wait3A_707 : memref<632x128xf32, #tpu.memory_space<vmem_shared>>) dst(%dma_wait3A_705 : memref<632x128xf32, #tpu.memory_space<hbm>>)
      tpu.yield
    }) : () -> ()
    return
  }
}

#map = affine_map<(d0, d1) -> (0)>
module attributes {stable_mosaic.version = 14 : i64} {
  func.func @_sc_degree(%arg0: i32, %arg1: i32, %arg2: memref<320000xi32, #tpu.memory_space<hbm>>, %arg3: memref<20480xf32, #tpu.memory_space<hbm>>, %arg4: memref<10000xi32, #tpu.memory_space<vmem>>, %arg5: memref<10240xf32, #tpu.memory_space<vmem>>, %arg6: memref<81920xf32, #tpu.memory_space<vmem_shared>>, %arg7: memref<5120xf32, #tpu.memory_space<vmem>>) attributes {dimension_semantics = [#tpu.dimension_semantics<core_parallel>, #tpu.dimension_semantics<subcore_parallel>], iteration_bounds = array<i64: 2, 16>, scalar_prefetch = 0 : i64, scratch_operands = 4 : i64, tpu.core_type = #tpu.core_type<sc_vector_subcore>, window_params = [{transform_indices = #map}, {transform_indices = #map}]} {
    %mul3A = arith.constant 16 : i32
    %mul3A_0 = arith.muli %arg0, %mul3A : i32
    %add3A = arith.addi %mul3A_0, %arg1 : i32
    %scan3A = arith.constant 0 : i32
    %scan3A_1 = arith.constant 0 : i32
    %scan3A_2 = arith.constant 640 : i32
    %scan3A_3 = arith.addi %scan3A_1, %scan3A_2 : i32
    %scan3A_4 = arith.constant 1 : i32
    %scan3A_5 = scf.for %scan3A_116 = %scan3A_1 to %scan3A_3 step %scan3A_4 iter_args(%scan3A_117 = %scan3A) -> (i32)  : i32 {
      %broadcast_in_dim3A_118 = arith.constant 0.000000e+00 : f32
      %broadcast_in_dim3A_119 = vector.broadcast %broadcast_in_dim3A_118 : f32 to vector<16xf32>
      %mul3A_120 = arith.constant 16 : i32
      %mul3A_121 = arith.muli %scan3A_116, %mul3A_120 : i32
      %swap3A = arith.index_cast %mul3A_121 : i32 to index
      %swap3A_122 = tpu.vector_load %arg5[%swap3A] {strides = array<i32>} : memref<10240xf32, #tpu.memory_space<vmem>>, vector<16xf32>,
      tpu.vector_store %arg5[%swap3A], %broadcast_in_dim3A_119 {strides = array<i32>} : memref<10240xf32, #tpu.memory_space<vmem>>, vector<16xf32>,
      %scan3A_123 = arith.constant 0 : i32
      scf.yield %scan3A_123 : i32
    }
    %scan3A_6 = arith.constant 640 : i32
    %mul3A_7 = arith.constant 10000 : i32
    %mul3A_8 = arith.muli %add3A, %mul3A_7 : i32
    "tpu.region"() ({
      %run_scoped3A = tpu.sem_alloc : memref<!tpu.dma_semaphore, #tpu.memory_space<semaphore_mem>>
      %dma_start3A = tpu.memref_slice %arg2[%mul3A_8] : memref<320000xi32, #tpu.memory_space<hbm>> -> memref<10000xi32, #tpu.memory_space<hbm>>
      %dma_start3A_116 = tpu.memref_slice %arg2[%mul3A_8] : memref<320000xi32, #tpu.memory_space<hbm>> -> memref<10000xi32, #tpu.memory_space<hbm>>
      tpu.enqueue_dma source(%dma_start3A_116 : memref<10000xi32, #tpu.memory_space<hbm>>) target(%arg4 : memref<10000xi32, #tpu.memory_space<vmem>>) target_semaphore(%run_scoped3A : memref<!tpu.dma_semaphore, #tpu.memory_space<semaphore_mem>>)
      %dma_wait3A = tpu.memref_slice %arg2[%mul3A_8] : memref<320000xi32, #tpu.memory_space<hbm>> -> memref<10000xi32, #tpu.memory_space<hbm>>
      %dma_wait3A_117 = tpu.memref_slice %arg2[%mul3A_8] : memref<320000xi32, #tpu.memory_space<hbm>> -> memref<10000xi32, #tpu.memory_space<hbm>>
      tpu.wait_dma2 semaphore(%run_scoped3A : memref<!tpu.dma_semaphore, #tpu.memory_space<semaphore_mem>>) src(%dma_wait3A_117 : memref<10000xi32, #tpu.memory_space<hbm>>) dst(%arg4 : memref<10000xi32, #tpu.memory_space<vmem>>)
      tpu.yield
    }) : () -> ()
    %broadcast_in_dim3A = arith.constant 1.000000e+00 : f32
    %broadcast_in_dim3A_9 = vector.broadcast %broadcast_in_dim3A : f32 to vector<16xf32>
    %scan3A_10 = arith.constant 0 : i32
    %scan3A_11 = arith.constant 0 : i32
    %scan3A_12 = arith.constant 625 : i32
    %scan3A_13 = arith.addi %scan3A_11, %scan3A_12 : i32
    %scan3A_14 = arith.constant 1 : i32
    %scan3A_15 = scf.for %scan3A_116 = %scan3A_11 to %scan3A_13 step %scan3A_14 iter_args(%scan3A_117 = %scan3A_10) -> (i32)  : i32 {
      %mul3A_118 = arith.constant 16 : i32
      %mul3A_119 = arith.muli %scan3A_116, %mul3A_118 : i32
      %get3A = arith.index_cast %mul3A_119 : i32 to index
      %get3A_120 = tpu.vector_load %arg4[%get3A] {strides = array<i32>} : memref<10000xi32, #tpu.memory_space<vmem>>, vector<16xi32>,
      tpu.vector_store_idx %arg5[%get3A_120], %broadcast_in_dim3A_9 {add = true} : memref<10240xf32, #tpu.memory_space<vmem>>[vector<16xi32>], vector<16xf32>,
      %scan3A_121 = arith.constant 0 : i32
      scf.yield %scan3A_121 : i32
    }
    %scan3A_16 = arith.constant 625 : i32
    %mul3A_17 = arith.constant 5120 : i32
    %mul3A_18 = arith.muli %arg1, %mul3A_17 : i32
    "tpu.region"() ({
      %run_scoped3A = tpu.sem_alloc : memref<!tpu.dma_semaphore, #tpu.memory_space<semaphore_mem>>
      %dma_start3A = arith.constant 0 : i32
      %dma_start3A_116 = tpu.memref_slice %arg5[%dma_start3A] : memref<10240xf32, #tpu.memory_space<vmem>> -> memref<5120xf32, #tpu.memory_space<vmem>>
      %dma_start3A_117 = tpu.memref_slice %arg6[%mul3A_18] : memref<81920xf32, #tpu.memory_space<vmem_shared>> -> memref<5120xf32, #tpu.memory_space<vmem_shared>>
      %dma_start3A_118 = tpu.memref_slice %arg6[%mul3A_18] : memref<81920xf32, #tpu.memory_space<vmem_shared>> -> memref<5120xf32, #tpu.memory_space<vmem_shared>>
      %dma_start3A_119 = arith.constant 0 : i32
      %dma_start3A_120 = tpu.memref_slice %arg5[%dma_start3A_119] : memref<10240xf32, #tpu.memory_space<vmem>> -> memref<5120xf32, #tpu.memory_space<vmem>>
      tpu.enqueue_dma source(%dma_start3A_120 : memref<5120xf32, #tpu.memory_space<vmem>>) target(%dma_start3A_118 : memref<5120xf32, #tpu.memory_space<vmem_shared>>) target_semaphore(%run_scoped3A : memref<!tpu.dma_semaphore, #tpu.memory_space<semaphore_mem>>)
      %dma_wait3A = arith.constant 0 : i32
      %dma_wait3A_121 = tpu.memref_slice %arg5[%dma_wait3A] : memref<10240xf32, #tpu.memory_space<vmem>> -> memref<5120xf32, #tpu.memory_space<vmem>>
      %dma_wait3A_122 = tpu.memref_slice %arg6[%mul3A_18] : memref<81920xf32, #tpu.memory_space<vmem_shared>> -> memref<5120xf32, #tpu.memory_space<vmem_shared>>
      %dma_wait3A_123 = tpu.memref_slice %arg6[%mul3A_18] : memref<81920xf32, #tpu.memory_space<vmem_shared>> -> memref<5120xf32, #tpu.memory_space<vmem_shared>>
      %dma_wait3A_124 = arith.constant 0 : i32
      %dma_wait3A_125 = tpu.memref_slice %arg5[%dma_wait3A_124] : memref<10240xf32, #tpu.memory_space<vmem>> -> memref<5120xf32, #tpu.memory_space<vmem>>
      tpu.wait_dma2 semaphore(%run_scoped3A : memref<!tpu.dma_semaphore, #tpu.memory_space<semaphore_mem>>) src(%dma_wait3A_125 : memref<5120xf32, #tpu.memory_space<vmem>>) dst(%dma_wait3A_123 : memref<5120xf32, #tpu.memory_space<vmem_shared>>)
      tpu.yield
    }) : () -> ()
    %barrier3A = arith.constant 0 : index
    tpu.barrier barrier_id(%barrier3A)
    %mul3A_19 = arith.constant 320 : i32
    %mul3A_20 = arith.muli %arg1, %mul3A_19 : i32
    %add3A_21 = arith.constant 0 : i32
    %add3A_22 = arith.addi %add3A_21, %mul3A_20 : i32
    "tpu.region"() ({
      %run_scoped3A = tpu.sem_alloc : memref<!tpu.dma_semaphore, #tpu.memory_space<semaphore_mem>>
      %dma_start3A = arith.constant 0 : i32
      %dma_start3A_116 = tpu.memref_slice %arg7[%dma_start3A] : memref<5120xf32, #tpu.memory_space<vmem>> -> memref<320xf32, #tpu.memory_space<vmem>>
      %dma_start3A_117 = tpu.memref_slice %arg6[%add3A_22] : memref<81920xf32, #tpu.memory_space<vmem_shared>> -> memref<320xf32, #tpu.memory_space<vmem_shared>>
      %dma_start3A_118 = arith.constant 0 : i32
      %dma_start3A_119 = tpu.memref_slice %arg7[%dma_start3A_118] : memref<5120xf32, #tpu.memory_space<vmem>> -> memref<320xf32, #tpu.memory_space<vmem>>
      %dma_start3A_120 = tpu.memref_slice %arg6[%add3A_22] : memref<81920xf32, #tpu.memory_space<vmem_shared>> -> memref<320xf32, #tpu.memory_space<vmem_shared>>
      tpu.enqueue_dma source(%dma_start3A_120 : memref<320xf32, #tpu.memory_space<vmem_shared>>) target(%dma_start3A_119 : memref<320xf32, #tpu.memory_space<vmem>>) target_semaphore(%run_scoped3A : memref<!tpu.dma_semaphore, #tpu.memory_space<semaphore_mem>>)
      %dma_wait3A = arith.constant 0 : i32
      %dma_wait3A_121 = tpu.memref_slice %arg7[%dma_wait3A] : memref<5120xf32, #tpu.memory_space<vmem>> -> memref<320xf32, #tpu.memory_space<vmem>>
      %dma_wait3A_122 = tpu.memref_slice %arg6[%add3A_22] : memref<81920xf32, #tpu.memory_space<vmem_shared>> -> memref<320xf32, #tpu.memory_space<vmem_shared>>
      %dma_wait3A_123 = arith.constant 0 : i32
      %dma_wait3A_124 = tpu.memref_slice %arg7[%dma_wait3A_123] : memref<5120xf32, #tpu.memory_space<vmem>> -> memref<320xf32, #tpu.memory_space<vmem>>
      %dma_wait3A_125 = tpu.memref_slice %arg6[%add3A_22] : memref<81920xf32, #tpu.memory_space<vmem_shared>> -> memref<320xf32, #tpu.memory_space<vmem_shared>>
      tpu.wait_dma2 semaphore(%run_scoped3A : memref<!tpu.dma_semaphore, #tpu.memory_space<semaphore_mem>>) src(%dma_wait3A_125 : memref<320xf32, #tpu.memory_space<vmem_shared>>) dst(%dma_wait3A_124 : memref<320xf32, #tpu.memory_space<vmem>>)
      tpu.yield
    }) : () -> ()
    %add3A_23 = arith.constant 5120 : i32
    %add3A_24 = arith.addi %add3A_23, %mul3A_20 : i32
    "tpu.region"() ({
      %run_scoped3A = tpu.sem_alloc : memref<!tpu.dma_semaphore, #tpu.memory_space<semaphore_mem>>
      %dma_start3A = arith.constant 320 : i32
      %dma_start3A_116 = tpu.memref_slice %arg7[%dma_start3A] : memref<5120xf32, #tpu.memory_space<vmem>> -> memref<320xf32, #tpu.memory_space<vmem>>
      %dma_start3A_117 = tpu.memref_slice %arg6[%add3A_24] : memref<81920xf32, #tpu.memory_space<vmem_shared>> -> memref<320xf32, #tpu.memory_space<vmem_shared>>
      %dma_start3A_118 = arith.constant 320 : i32
      %dma_start3A_119 = tpu.memref_slice %arg7[%dma_start3A_118] : memref<5120xf32, #tpu.memory_space<vmem>> -> memref<320xf32, #tpu.memory_space<vmem>>
      %dma_start3A_120 = tpu.memref_slice %arg6[%add3A_24] : memref<81920xf32, #tpu.memory_space<vmem_shared>> -> memref<320xf32, #tpu.memory_space<vmem_shared>>
      tpu.enqueue_dma source(%dma_start3A_120 : memref<320xf32, #tpu.memory_space<vmem_shared>>) target(%dma_start3A_119 : memref<320xf32, #tpu.memory_space<vmem>>) target_semaphore(%run_scoped3A : memref<!tpu.dma_semaphore, #tpu.memory_space<semaphore_mem>>)
      %dma_wait3A = arith.constant 320 : i32
      %dma_wait3A_121 = tpu.memref_slice %arg7[%dma_wait3A] : memref<5120xf32, #tpu.memory_space<vmem>> -> memref<320xf32, #tpu.memory_space<vmem>>
      %dma_wait3A_122 = tpu.memref_slice %arg6[%add3A_24] : memref<81920xf32, #tpu.memory_space<vmem_shared>> -> memref<320xf32, #tpu.memory_space<vmem_shared>>
      %dma_wait3A_123 = arith.constant 320 : i32
      %dma_wait3A_124 = tpu.memref_slice %arg7[%dma_wait3A_123] : memref<5120xf32, #tpu.memory_space<vmem>> -> memref<320xf32, #tpu.memory_space<vmem>>
      %dma_wait3A_125 = tpu.memref_slice %arg6[%add3A_24] : memref<81920xf32, #tpu.memory_space<vmem_shared>> -> memref<320xf32, #tpu.memory_space<vmem_shared>>
      tpu.wait_dma2 semaphore(%run_scoped3A : memref<!tpu.dma_semaphore, #tpu.memory_space<semaphore_mem>>) src(%dma_wait3A_125 : memref<320xf32, #tpu.memory_space<vmem_shared>>) dst(%dma_wait3A_124 : memref<320xf32, #tpu.memory_space<vmem>>)
      tpu.yield
    }) : () -> ()
    %add3A_25 = arith.constant 10240 : i32
    %add3A_26 = arith.addi %add3A_25, %mul3A_20 : i32
    "tpu.region"() ({
      %run_scoped3A = tpu.sem_alloc : memref<!tpu.dma_semaphore, #tpu.memory_space<semaphore_mem>>
      %dma_start3A = arith.constant 640 : i32
      %dma_start3A_116 = tpu.memref_slice %arg7[%dma_start3A] : memref<5120xf32, #tpu.memory_space<vmem>> -> memref<320xf32, #tpu.memory_space<vmem>>
      %dma_start3A_117 = tpu.memref_slice %arg6[%add3A_26] : memref<81920xf32, #tpu.memory_space<vmem_shared>> -> memref<320xf32, #tpu.memory_space<vmem_shared>>
      %dma_start3A_118 = arith.constant 640 : i32
      %dma_start3A_119 = tpu.memref_slice %arg7[%dma_start3A_118] : memref<5120xf32, #tpu.memory_space<vmem>> -> memref<320xf32, #tpu.memory_space<vmem>>
      %dma_start3A_120 = tpu.memref_slice %arg6[%add3A_26] : memref<81920xf32, #tpu.memory_space<vmem_shared>> -> memref<320xf32, #tpu.memory_space<vmem_shared>>
      tpu.enqueue_dma source(%dma_start3A_120 : memref<320xf32, #tpu.memory_space<vmem_shared>>) target(%dma_start3A_119 : memref<320xf32, #tpu.memory_space<vmem>>) target_semaphore(%run_scoped3A : memref<!tpu.dma_semaphore, #tpu.memory_space<semaphore_mem>>)
      %dma_wait3A = arith.constant 640 : i32
      %dma_wait3A_121 = tpu.memref_slice %arg7[%dma_wait3A] : memref<5120xf32, #tpu.memory_space<vmem>> -> memref<320xf32, #tpu.memory_space<vmem>>
      %dma_wait3A_122 = tpu.memref_slice %arg6[%add3A_26] : memref<81920xf32, #tpu.memory_space<vmem_shared>> -> memref<320xf32, #tpu.memory_space<vmem_shared>>
      %dma_wait3A_123 = arith.constant 640 : i32
      %dma_wait3A_124 = tpu.memref_slice %arg7[%dma_wait3A_123] : memref<5120xf32, #tpu.memory_space<vmem>> -> memref<320xf32, #tpu.memory_space<vmem>>
      %dma_wait3A_125 = tpu.memref_slice %arg6[%add3A_26] : memref<81920xf32, #tpu.memory_space<vmem_shared>> -> memref<320xf32, #tpu.memory_space<vmem_shared>>
      tpu.wait_dma2 semaphore(%run_scoped3A : memref<!tpu.dma_semaphore, #tpu.memory_space<semaphore_mem>>) src(%dma_wait3A_125 : memref<320xf32, #tpu.memory_space<vmem_shared>>) dst(%dma_wait3A_124 : memref<320xf32, #tpu.memory_space<vmem>>)
      tpu.yield
    }) : () -> ()
    %add3A_27 = arith.constant 15360 : i32
    %add3A_28 = arith.addi %add3A_27, %mul3A_20 : i32
    "tpu.region"() ({
      %run_scoped3A = tpu.sem_alloc : memref<!tpu.dma_semaphore, #tpu.memory_space<semaphore_mem>>
      %dma_start3A = arith.constant 960 : i32
      %dma_start3A_116 = tpu.memref_slice %arg7[%dma_start3A] : memref<5120xf32, #tpu.memory_space<vmem>> -> memref<320xf32, #tpu.memory_space<vmem>>
      %dma_start3A_117 = tpu.memref_slice %arg6[%add3A_28] : memref<81920xf32, #tpu.memory_space<vmem_shared>> -> memref<320xf32, #tpu.memory_space<vmem_shared>>
      %dma_start3A_118 = arith.constant 960 : i32
      %dma_start3A_119 = tpu.memref_slice %arg7[%dma_start3A_118] : memref<5120xf32, #tpu.memory_space<vmem>> -> memref<320xf32, #tpu.memory_space<vmem>>
      %dma_start3A_120 = tpu.memref_slice %arg6[%add3A_28] : memref<81920xf32, #tpu.memory_space<vmem_shared>> -> memref<320xf32, #tpu.memory_space<vmem_shared>>
      tpu.enqueue_dma source(%dma_start3A_120 : memref<320xf32, #tpu.memory_space<vmem_shared>>) target(%dma_start3A_119 : memref<320xf32, #tpu.memory_space<vmem>>) target_semaphore(%run_scoped3A : memref<!tpu.dma_semaphore, #tpu.memory_space<semaphore_mem>>)
      %dma_wait3A = arith.constant 960 : i32
      %dma_wait3A_121 = tpu.memref_slice %arg7[%dma_wait3A] : memref<5120xf32, #tpu.memory_space<vmem>> -> memref<320xf32, #tpu.memory_space<vmem>>
      %dma_wait3A_122 = tpu.memref_slice %arg6[%add3A_28] : memref<81920xf32, #tpu.memory_space<vmem_shared>> -> memref<320xf32, #tpu.memory_space<vmem_shared>>
      %dma_wait3A_123 = arith.constant 960 : i32
      %dma_wait3A_124 = tpu.memref_slice %arg7[%dma_wait3A_123] : memref<5120xf32, #tpu.memory_space<vmem>> -> memref<320xf32, #tpu.memory_space<vmem>>
      %dma_wait3A_125 = tpu.memref_slice %arg6[%add3A_28] : memref<81920xf32, #tpu.memory_space<vmem_shared>> -> memref<320xf32, #tpu.memory_space<vmem_shared>>
      tpu.wait_dma2 semaphore(%run_scoped3A : memref<!tpu.dma_semaphore, #tpu.memory_space<semaphore_mem>>) src(%dma_wait3A_125 : memref<320xf32, #tpu.memory_space<vmem_shared>>) dst(%dma_wait3A_124 : memref<320xf32, #tpu.memory_space<vmem>>)
      tpu.yield
    }) : () -> ()
    %add3A_29 = arith.constant 20480 : i32
    %add3A_30 = arith.addi %add3A_29, %mul3A_20 : i32
    "tpu.region"() ({
      %run_scoped3A = tpu.sem_alloc : memref<!tpu.dma_semaphore, #tpu.memory_space<semaphore_mem>>
      %dma_start3A = arith.constant 1280 : i32
      %dma_start3A_116 = tpu.memref_slice %arg7[%dma_start3A] : memref<5120xf32, #tpu.memory_space<vmem>> -> memref<320xf32, #tpu.memory_space<vmem>>
      %dma_start3A_117 = tpu.memref_slice %arg6[%add3A_30] : memref<81920xf32, #tpu.memory_space<vmem_shared>> -> memref<320xf32, #tpu.memory_space<vmem_shared>>
      %dma_start3A_118 = arith.constant 1280 : i32
      %dma_start3A_119 = tpu.memref_slice %arg7[%dma_start3A_118] : memref<5120xf32, #tpu.memory_space<vmem>> -> memref<320xf32, #tpu.memory_space<vmem>>
      %dma_start3A_120 = tpu.memref_slice %arg6[%add3A_30] : memref<81920xf32, #tpu.memory_space<vmem_shared>> -> memref<320xf32, #tpu.memory_space<vmem_shared>>
      tpu.enqueue_dma source(%dma_start3A_120 : memref<320xf32, #tpu.memory_space<vmem_shared>>) target(%dma_start3A_119 : memref<320xf32, #tpu.memory_space<vmem>>) target_semaphore(%run_scoped3A : memref<!tpu.dma_semaphore, #tpu.memory_space<semaphore_mem>>)
      %dma_wait3A = arith.constant 1280 : i32
      %dma_wait3A_121 = tpu.memref_slice %arg7[%dma_wait3A] : memref<5120xf32, #tpu.memory_space<vmem>> -> memref<320xf32, #tpu.memory_space<vmem>>
      %dma_wait3A_122 = tpu.memref_slice %arg6[%add3A_30] : memref<81920xf32, #tpu.memory_space<vmem_shared>> -> memref<320xf32, #tpu.memory_space<vmem_shared>>
      %dma_wait3A_123 = arith.constant 1280 : i32
      %dma_wait3A_124 = tpu.memref_slice %arg7[%dma_wait3A_123] : memref<5120xf32, #tpu.memory_space<vmem>> -> memref<320xf32, #tpu.memory_space<vmem>>
      %dma_wait3A_125 = tpu.memref_slice %arg6[%add3A_30] : memref<81920xf32, #tpu.memory_space<vmem_shared>> -> memref<320xf32, #tpu.memory_space<vmem_shared>>
      tpu.wait_dma2 semaphore(%run_scoped3A : memref<!tpu.dma_semaphore, #tpu.memory_space<semaphore_mem>>) src(%dma_wait3A_125 : memref<320xf32, #tpu.memory_space<vmem_shared>>) dst(%dma_wait3A_124 : memref<320xf32, #tpu.memory_space<vmem>>)
      tpu.yield
    }) : () -> ()
    %add3A_31 = arith.constant 25600 : i32
    %add3A_32 = arith.addi %add3A_31, %mul3A_20 : i32
    "tpu.region"() ({
      %run_scoped3A = tpu.sem_alloc : memref<!tpu.dma_semaphore, #tpu.memory_space<semaphore_mem>>
      %dma_start3A = arith.constant 1600 : i32
      %dma_start3A_116 = tpu.memref_slice %arg7[%dma_start3A] : memref<5120xf32, #tpu.memory_space<vmem>> -> memref<320xf32, #tpu.memory_space<vmem>>
      %dma_start3A_117 = tpu.memref_slice %arg6[%add3A_32] : memref<81920xf32, #tpu.memory_space<vmem_shared>> -> memref<320xf32, #tpu.memory_space<vmem_shared>>
      %dma_start3A_118 = arith.constant 1600 : i32
      %dma_start3A_119 = tpu.memref_slice %arg7[%dma_start3A_118] : memref<5120xf32, #tpu.memory_space<vmem>> -> memref<320xf32, #tpu.memory_space<vmem>>
      %dma_start3A_120 = tpu.memref_slice %arg6[%add3A_32] : memref<81920xf32, #tpu.memory_space<vmem_shared>> -> memref<320xf32, #tpu.memory_space<vmem_shared>>
      tpu.enqueue_dma source(%dma_start3A_120 : memref<320xf32, #tpu.memory_space<vmem_shared>>) target(%dma_start3A_119 : memref<320xf32, #tpu.memory_space<vmem>>) target_semaphore(%run_scoped3A : memref<!tpu.dma_semaphore, #tpu.memory_space<semaphore_mem>>)
      %dma_wait3A = arith.constant 1600 : i32
      %dma_wait3A_121 = tpu.memref_slice %arg7[%dma_wait3A] : memref<5120xf32, #tpu.memory_space<vmem>> -> memref<320xf32, #tpu.memory_space<vmem>>
      %dma_wait3A_122 = tpu.memref_slice %arg6[%add3A_32] : memref<81920xf32, #tpu.memory_space<vmem_shared>> -> memref<320xf32, #tpu.memory_space<vmem_shared>>
      %dma_wait3A_123 = arith.constant 1600 : i32
      %dma_wait3A_124 = tpu.memref_slice %arg7[%dma_wait3A_123] : memref<5120xf32, #tpu.memory_space<vmem>> -> memref<320xf32, #tpu.memory_space<vmem>>
      %dma_wait3A_125 = tpu.memref_slice %arg6[%add3A_32] : memref<81920xf32, #tpu.memory_space<vmem_shared>> -> memref<320xf32, #tpu.memory_space<vmem_shared>>
      tpu.wait_dma2 semaphore(%run_scoped3A : memref<!tpu.dma_semaphore, #tpu.memory_space<semaphore_mem>>) src(%dma_wait3A_125 : memref<320xf32, #tpu.memory_space<vmem_shared>>) dst(%dma_wait3A_124 : memref<320xf32, #tpu.memory_space<vmem>>)
      tpu.yield
    }) : () -> ()
    %add3A_33 = arith.constant 30720 : i32
    %add3A_34 = arith.addi %add3A_33, %mul3A_20 : i32
    "tpu.region"() ({
      %run_scoped3A = tpu.sem_alloc : memref<!tpu.dma_semaphore, #tpu.memory_space<semaphore_mem>>
      %dma_start3A = arith.constant 1920 : i32
      %dma_start3A_116 = tpu.memref_slice %arg7[%dma_start3A] : memref<5120xf32, #tpu.memory_space<vmem>> -> memref<320xf32, #tpu.memory_space<vmem>>
      %dma_start3A_117 = tpu.memref_slice %arg6[%add3A_34] : memref<81920xf32, #tpu.memory_space<vmem_shared>> -> memref<320xf32, #tpu.memory_space<vmem_shared>>
      %dma_start3A_118 = arith.constant 1920 : i32
      %dma_start3A_119 = tpu.memref_slice %arg7[%dma_start3A_118] : memref<5120xf32, #tpu.memory_space<vmem>> -> memref<320xf32, #tpu.memory_space<vmem>>
      %dma_start3A_120 = tpu.memref_slice %arg6[%add3A_34] : memref<81920xf32, #tpu.memory_space<vmem_shared>> -> memref<320xf32, #tpu.memory_space<vmem_shared>>
      tpu.enqueue_dma source(%dma_start3A_120 : memref<320xf32, #tpu.memory_space<vmem_shared>>) target(%dma_start3A_119 : memref<320xf32, #tpu.memory_space<vmem>>) target_semaphore(%run_scoped3A : memref<!tpu.dma_semaphore, #tpu.memory_space<semaphore_mem>>)
      %dma_wait3A = arith.constant 1920 : i32
      %dma_wait3A_121 = tpu.memref_slice %arg7[%dma_wait3A] : memref<5120xf32, #tpu.memory_space<vmem>> -> memref<320xf32, #tpu.memory_space<vmem>>
      %dma_wait3A_122 = tpu.memref_slice %arg6[%add3A_34] : memref<81920xf32, #tpu.memory_space<vmem_shared>> -> memref<320xf32, #tpu.memory_space<vmem_shared>>
      %dma_wait3A_123 = arith.constant 1920 : i32
      %dma_wait3A_124 = tpu.memref_slice %arg7[%dma_wait3A_123] : memref<5120xf32, #tpu.memory_space<vmem>> -> memref<320xf32, #tpu.memory_space<vmem>>
      %dma_wait3A_125 = tpu.memref_slice %arg6[%add3A_34] : memref<81920xf32, #tpu.memory_space<vmem_shared>> -> memref<320xf32, #tpu.memory_space<vmem_shared>>
      tpu.wait_dma2 semaphore(%run_scoped3A : memref<!tpu.dma_semaphore, #tpu.memory_space<semaphore_mem>>) src(%dma_wait3A_125 : memref<320xf32, #tpu.memory_space<vmem_shared>>) dst(%dma_wait3A_124 : memref<320xf32, #tpu.memory_space<vmem>>)
      tpu.yield
    }) : () -> ()
    %add3A_35 = arith.constant 35840 : i32
    %add3A_36 = arith.addi %add3A_35, %mul3A_20 : i32
    "tpu.region"() ({
      %run_scoped3A = tpu.sem_alloc : memref<!tpu.dma_semaphore, #tpu.memory_space<semaphore_mem>>
      %dma_start3A = arith.constant 2240 : i32
      %dma_start3A_116 = tpu.memref_slice %arg7[%dma_start3A] : memref<5120xf32, #tpu.memory_space<vmem>> -> memref<320xf32, #tpu.memory_space<vmem>>
      %dma_start3A_117 = tpu.memref_slice %arg6[%add3A_36] : memref<81920xf32, #tpu.memory_space<vmem_shared>> -> memref<320xf32, #tpu.memory_space<vmem_shared>>
      %dma_start3A_118 = arith.constant 2240 : i32
      %dma_start3A_119 = tpu.memref_slice %arg7[%dma_start3A_118] : memref<5120xf32, #tpu.memory_space<vmem>> -> memref<320xf32, #tpu.memory_space<vmem>>
      %dma_start3A_120 = tpu.memref_slice %arg6[%add3A_36] : memref<81920xf32, #tpu.memory_space<vmem_shared>> -> memref<320xf32, #tpu.memory_space<vmem_shared>>
      tpu.enqueue_dma source(%dma_start3A_120 : memref<320xf32, #tpu.memory_space<vmem_shared>>) target(%dma_start3A_119 : memref<320xf32, #tpu.memory_space<vmem>>) target_semaphore(%run_scoped3A : memref<!tpu.dma_semaphore, #tpu.memory_space<semaphore_mem>>)
      %dma_wait3A = arith.constant 2240 : i32
      %dma_wait3A_121 = tpu.memref_slice %arg7[%dma_wait3A] : memref<5120xf32, #tpu.memory_space<vmem>> -> memref<320xf32, #tpu.memory_space<vmem>>
      %dma_wait3A_122 = tpu.memref_slice %arg6[%add3A_36] : memref<81920xf32, #tpu.memory_space<vmem_shared>> -> memref<320xf32, #tpu.memory_space<vmem_shared>>
      %dma_wait3A_123 = arith.constant 2240 : i32
      %dma_wait3A_124 = tpu.memref_slice %arg7[%dma_wait3A_123] : memref<5120xf32, #tpu.memory_space<vmem>> -> memref<320xf32, #tpu.memory_space<vmem>>
      %dma_wait3A_125 = tpu.memref_slice %arg6[%add3A_36] : memref<81920xf32, #tpu.memory_space<vmem_shared>> -> memref<320xf32, #tpu.memory_space<vmem_shared>>
      tpu.wait_dma2 semaphore(%run_scoped3A : memref<!tpu.dma_semaphore, #tpu.memory_space<semaphore_mem>>) src(%dma_wait3A_125 : memref<320xf32, #tpu.memory_space<vmem_shared>>) dst(%dma_wait3A_124 : memref<320xf32, #tpu.memory_space<vmem>>)
      tpu.yield
    }) : () -> ()
    %add3A_37 = arith.constant 40960 : i32
    %add3A_38 = arith.addi %add3A_37, %mul3A_20 : i32
    "tpu.region"() ({
      %run_scoped3A = tpu.sem_alloc : memref<!tpu.dma_semaphore, #tpu.memory_space<semaphore_mem>>
      %dma_start3A = arith.constant 2560 : i32
      %dma_start3A_116 = tpu.memref_slice %arg7[%dma_start3A] : memref<5120xf32, #tpu.memory_space<vmem>> -> memref<320xf32, #tpu.memory_space<vmem>>
      %dma_start3A_117 = tpu.memref_slice %arg6[%add3A_38] : memref<81920xf32, #tpu.memory_space<vmem_shared>> -> memref<320xf32, #tpu.memory_space<vmem_shared>>
      %dma_start3A_118 = arith.constant 2560 : i32
      %dma_start3A_119 = tpu.memref_slice %arg7[%dma_start3A_118] : memref<5120xf32, #tpu.memory_space<vmem>> -> memref<320xf32, #tpu.memory_space<vmem>>
      %dma_start3A_120 = tpu.memref_slice %arg6[%add3A_38] : memref<81920xf32, #tpu.memory_space<vmem_shared>> -> memref<320xf32, #tpu.memory_space<vmem_shared>>
      tpu.enqueue_dma source(%dma_start3A_120 : memref<320xf32, #tpu.memory_space<vmem_shared>>) target(%dma_start3A_119 : memref<320xf32, #tpu.memory_space<vmem>>) target_semaphore(%run_scoped3A : memref<!tpu.dma_semaphore, #tpu.memory_space<semaphore_mem>>)
      %dma_wait3A = arith.constant 2560 : i32
      %dma_wait3A_121 = tpu.memref_slice %arg7[%dma_wait3A] : memref<5120xf32, #tpu.memory_space<vmem>> -> memref<320xf32, #tpu.memory_space<vmem>>
      %dma_wait3A_122 = tpu.memref_slice %arg6[%add3A_38] : memref<81920xf32, #tpu.memory_space<vmem_shared>> -> memref<320xf32, #tpu.memory_space<vmem_shared>>
      %dma_wait3A_123 = arith.constant 2560 : i32
      %dma_wait3A_124 = tpu.memref_slice %arg7[%dma_wait3A_123] : memref<5120xf32, #tpu.memory_space<vmem>> -> memref<320xf32, #tpu.memory_space<vmem>>
      %dma_wait3A_125 = tpu.memref_slice %arg6[%add3A_38] : memref<81920xf32, #tpu.memory_space<vmem_shared>> -> memref<320xf32, #tpu.memory_space<vmem_shared>>
      tpu.wait_dma2 semaphore(%run_scoped3A : memref<!tpu.dma_semaphore, #tpu.memory_space<semaphore_mem>>) src(%dma_wait3A_125 : memref<320xf32, #tpu.memory_space<vmem_shared>>) dst(%dma_wait3A_124 : memref<320xf32, #tpu.memory_space<vmem>>)
      tpu.yield
    }) : () -> ()
    %add3A_39 = arith.constant 46080 : i32
    %add3A_40 = arith.addi %add3A_39, %mul3A_20 : i32
    "tpu.region"() ({
      %run_scoped3A = tpu.sem_alloc : memref<!tpu.dma_semaphore, #tpu.memory_space<semaphore_mem>>
      %dma_start3A = arith.constant 2880 : i32
      %dma_start3A_116 = tpu.memref_slice %arg7[%dma_start3A] : memref<5120xf32, #tpu.memory_space<vmem>> -> memref<320xf32, #tpu.memory_space<vmem>>
      %dma_start3A_117 = tpu.memref_slice %arg6[%add3A_40] : memref<81920xf32, #tpu.memory_space<vmem_shared>> -> memref<320xf32, #tpu.memory_space<vmem_shared>>
      %dma_start3A_118 = arith.constant 2880 : i32
      %dma_start3A_119 = tpu.memref_slice %arg7[%dma_start3A_118] : memref<5120xf32, #tpu.memory_space<vmem>> -> memref<320xf32, #tpu.memory_space<vmem>>
      %dma_start3A_120 = tpu.memref_slice %arg6[%add3A_40] : memref<81920xf32, #tpu.memory_space<vmem_shared>> -> memref<320xf32, #tpu.memory_space<vmem_shared>>
      tpu.enqueue_dma source(%dma_start3A_120 : memref<320xf32, #tpu.memory_space<vmem_shared>>) target(%dma_start3A_119 : memref<320xf32, #tpu.memory_space<vmem>>) target_semaphore(%run_scoped3A : memref<!tpu.dma_semaphore, #tpu.memory_space<semaphore_mem>>)
      %dma_wait3A = arith.constant 2880 : i32
      %dma_wait3A_121 = tpu.memref_slice %arg7[%dma_wait3A] : memref<5120xf32, #tpu.memory_space<vmem>> -> memref<320xf32, #tpu.memory_space<vmem>>
      %dma_wait3A_122 = tpu.memref_slice %arg6[%add3A_40] : memref<81920xf32, #tpu.memory_space<vmem_shared>> -> memref<320xf32, #tpu.memory_space<vmem_shared>>
      %dma_wait3A_123 = arith.constant 2880 : i32
      %dma_wait3A_124 = tpu.memref_slice %arg7[%dma_wait3A_123] : memref<5120xf32, #tpu.memory_space<vmem>> -> memref<320xf32, #tpu.memory_space<vmem>>
      %dma_wait3A_125 = tpu.memref_slice %arg6[%add3A_40] : memref<81920xf32, #tpu.memory_space<vmem_shared>> -> memref<320xf32, #tpu.memory_space<vmem_shared>>
      tpu.wait_dma2 semaphore(%run_scoped3A : memref<!tpu.dma_semaphore, #tpu.memory_space<semaphore_mem>>) src(%dma_wait3A_125 : memref<320xf32, #tpu.memory_space<vmem_shared>>) dst(%dma_wait3A_124 : memref<320xf32, #tpu.memory_space<vmem>>)
      tpu.yield
    }) : () -> ()
    %add3A_41 = arith.constant 51200 : i32
    %add3A_42 = arith.addi %add3A_41, %mul3A_20 : i32
    "tpu.region"() ({
      %run_scoped3A = tpu.sem_alloc : memref<!tpu.dma_semaphore, #tpu.memory_space<semaphore_mem>>
      %dma_start3A = arith.constant 3200 : i32
      %dma_start3A_116 = tpu.memref_slice %arg7[%dma_start3A] : memref<5120xf32, #tpu.memory_space<vmem>> -> memref<320xf32, #tpu.memory_space<vmem>>
      %dma_start3A_117 = tpu.memref_slice %arg6[%add3A_42] : memref<81920xf32, #tpu.memory_space<vmem_shared>> -> memref<320xf32, #tpu.memory_space<vmem_shared>>
      %dma_start3A_118 = arith.constant 3200 : i32
      %dma_start3A_119 = tpu.memref_slice %arg7[%dma_start3A_118] : memref<5120xf32, #tpu.memory_space<vmem>> -> memref<320xf32, #tpu.memory_space<vmem>>
      %dma_start3A_120 = tpu.memref_slice %arg6[%add3A_42] : memref<81920xf32, #tpu.memory_space<vmem_shared>> -> memref<320xf32, #tpu.memory_space<vmem_shared>>
      tpu.enqueue_dma source(%dma_start3A_120 : memref<320xf32, #tpu.memory_space<vmem_shared>>) target(%dma_start3A_119 : memref<320xf32, #tpu.memory_space<vmem>>) target_semaphore(%run_scoped3A : memref<!tpu.dma_semaphore, #tpu.memory_space<semaphore_mem>>)
      %dma_wait3A = arith.constant 3200 : i32
      %dma_wait3A_121 = tpu.memref_slice %arg7[%dma_wait3A] : memref<5120xf32, #tpu.memory_space<vmem>> -> memref<320xf32, #tpu.memory_space<vmem>>
      %dma_wait3A_122 = tpu.memref_slice %arg6[%add3A_42] : memref<81920xf32, #tpu.memory_space<vmem_shared>> -> memref<320xf32, #tpu.memory_space<vmem_shared>>
      %dma_wait3A_123 = arith.constant 3200 : i32
      %dma_wait3A_124 = tpu.memref_slice %arg7[%dma_wait3A_123] : memref<5120xf32, #tpu.memory_space<vmem>> -> memref<320xf32, #tpu.memory_space<vmem>>
      %dma_wait3A_125 = tpu.memref_slice %arg6[%add3A_42] : memref<81920xf32, #tpu.memory_space<vmem_shared>> -> memref<320xf32, #tpu.memory_space<vmem_shared>>
      tpu.wait_dma2 semaphore(%run_scoped3A : memref<!tpu.dma_semaphore, #tpu.memory_space<semaphore_mem>>) src(%dma_wait3A_125 : memref<320xf32, #tpu.memory_space<vmem_shared>>) dst(%dma_wait3A_124 : memref<320xf32, #tpu.memory_space<vmem>>)
      tpu.yield
    }) : () -> ()
    %add3A_43 = arith.constant 56320 : i32
    %add3A_44 = arith.addi %add3A_43, %mul3A_20 : i32
    "tpu.region"() ({
      %run_scoped3A = tpu.sem_alloc : memref<!tpu.dma_semaphore, #tpu.memory_space<semaphore_mem>>
      %dma_start3A = arith.constant 3520 : i32
      %dma_start3A_116 = tpu.memref_slice %arg7[%dma_start3A] : memref<5120xf32, #tpu.memory_space<vmem>> -> memref<320xf32, #tpu.memory_space<vmem>>
      %dma_start3A_117 = tpu.memref_slice %arg6[%add3A_44] : memref<81920xf32, #tpu.memory_space<vmem_shared>> -> memref<320xf32, #tpu.memory_space<vmem_shared>>
      %dma_start3A_118 = arith.constant 3520 : i32
      %dma_start3A_119 = tpu.memref_slice %arg7[%dma_start3A_118] : memref<5120xf32, #tpu.memory_space<vmem>> -> memref<320xf32, #tpu.memory_space<vmem>>
      %dma_start3A_120 = tpu.memref_slice %arg6[%add3A_44] : memref<81920xf32, #tpu.memory_space<vmem_shared>> -> memref<320xf32, #tpu.memory_space<vmem_shared>>
      tpu.enqueue_dma source(%dma_start3A_120 : memref<320xf32, #tpu.memory_space<vmem_shared>>) target(%dma_start3A_119 : memref<320xf32, #tpu.memory_space<vmem>>) target_semaphore(%run_scoped3A : memref<!tpu.dma_semaphore, #tpu.memory_space<semaphore_mem>>)
      %dma_wait3A = arith.constant 3520 : i32
      %dma_wait3A_121 = tpu.memref_slice %arg7[%dma_wait3A] : memref<5120xf32, #tpu.memory_space<vmem>> -> memref<320xf32, #tpu.memory_space<vmem>>
      %dma_wait3A_122 = tpu.memref_slice %arg6[%add3A_44] : memref<81920xf32, #tpu.memory_space<vmem_shared>> -> memref<320xf32, #tpu.memory_space<vmem_shared>>
      %dma_wait3A_123 = arith.constant 3520 : i32
      %dma_wait3A_124 = tpu.memref_slice %arg7[%dma_wait3A_123] : memref<5120xf32, #tpu.memory_space<vmem>> -> memref<320xf32, #tpu.memory_space<vmem>>
      %dma_wait3A_125 = tpu.memref_slice %arg6[%add3A_44] : memref<81920xf32, #tpu.memory_space<vmem_shared>> -> memref<320xf32, #tpu.memory_space<vmem_shared>>
      tpu.wait_dma2 semaphore(%run_scoped3A : memref<!tpu.dma_semaphore, #tpu.memory_space<semaphore_mem>>) src(%dma_wait3A_125 : memref<320xf32, #tpu.memory_space<vmem_shared>>) dst(%dma_wait3A_124 : memref<320xf32, #tpu.memory_space<vmem>>)
      tpu.yield
    }) : () -> ()
    %add3A_45 = arith.constant 61440 : i32
    %add3A_46 = arith.addi %add3A_45, %mul3A_20 : i32
    "tpu.region"() ({
      %run_scoped3A = tpu.sem_alloc : memref<!tpu.dma_semaphore, #tpu.memory_space<semaphore_mem>>
      %dma_start3A = arith.constant 3840 : i32
      %dma_start3A_116 = tpu.memref_slice %arg7[%dma_start3A] : memref<5120xf32, #tpu.memory_space<vmem>> -> memref<320xf32, #tpu.memory_space<vmem>>
      %dma_start3A_117 = tpu.memref_slice %arg6[%add3A_46] : memref<81920xf32, #tpu.memory_space<vmem_shared>> -> memref<320xf32, #tpu.memory_space<vmem_shared>>
      %dma_start3A_118 = arith.constant 3840 : i32
      %dma_start3A_119 = tpu.memref_slice %arg7[%dma_start3A_118] : memref<5120xf32, #tpu.memory_space<vmem>> -> memref<320xf32, #tpu.memory_space<vmem>>
      %dma_start3A_120 = tpu.memref_slice %arg6[%add3A_46] : memref<81920xf32, #tpu.memory_space<vmem_shared>> -> memref<320xf32, #tpu.memory_space<vmem_shared>>
      tpu.enqueue_dma source(%dma_start3A_120 : memref<320xf32, #tpu.memory_space<vmem_shared>>) target(%dma_start3A_119 : memref<320xf32, #tpu.memory_space<vmem>>) target_semaphore(%run_scoped3A : memref<!tpu.dma_semaphore, #tpu.memory_space<semaphore_mem>>)
      %dma_wait3A = arith.constant 3840 : i32
      %dma_wait3A_121 = tpu.memref_slice %arg7[%dma_wait3A] : memref<5120xf32, #tpu.memory_space<vmem>> -> memref<320xf32, #tpu.memory_space<vmem>>
      %dma_wait3A_122 = tpu.memref_slice %arg6[%add3A_46] : memref<81920xf32, #tpu.memory_space<vmem_shared>> -> memref<320xf32, #tpu.memory_space<vmem_shared>>
      %dma_wait3A_123 = arith.constant 3840 : i32
      %dma_wait3A_124 = tpu.memref_slice %arg7[%dma_wait3A_123] : memref<5120xf32, #tpu.memory_space<vmem>> -> memref<320xf32, #tpu.memory_space<vmem>>
      %dma_wait3A_125 = tpu.memref_slice %arg6[%add3A_46] : memref<81920xf32, #tpu.memory_space<vmem_shared>> -> memref<320xf32, #tpu.memory_space<vmem_shared>>
      tpu.wait_dma2 semaphore(%run_scoped3A : memref<!tpu.dma_semaphore, #tpu.memory_space<semaphore_mem>>) src(%dma_wait3A_125 : memref<320xf32, #tpu.memory_space<vmem_shared>>) dst(%dma_wait3A_124 : memref<320xf32, #tpu.memory_space<vmem>>)
      tpu.yield
    }) : () -> ()
    %add3A_47 = arith.constant 66560 : i32
    %add3A_48 = arith.addi %add3A_47, %mul3A_20 : i32
    "tpu.region"() ({
      %run_scoped3A = tpu.sem_alloc : memref<!tpu.dma_semaphore, #tpu.memory_space<semaphore_mem>>
      %dma_start3A = arith.constant 4160 : i32
      %dma_start3A_116 = tpu.memref_slice %arg7[%dma_start3A] : memref<5120xf32, #tpu.memory_space<vmem>> -> memref<320xf32, #tpu.memory_space<vmem>>
      %dma_start3A_117 = tpu.memref_slice %arg6[%add3A_48] : memref<81920xf32, #tpu.memory_space<vmem_shared>> -> memref<320xf32, #tpu.memory_space<vmem_shared>>
      %dma_start3A_118 = arith.constant 4160 : i32
      %dma_start3A_119 = tpu.memref_slice %arg7[%dma_start3A_118] : memref<5120xf32, #tpu.memory_space<vmem>> -> memref<320xf32, #tpu.memory_space<vmem>>
      %dma_start3A_120 = tpu.memref_slice %arg6[%add3A_48] : memref<81920xf32, #tpu.memory_space<vmem_shared>> -> memref<320xf32, #tpu.memory_space<vmem_shared>>
      tpu.enqueue_dma source(%dma_start3A_120 : memref<320xf32, #tpu.memory_space<vmem_shared>>) target(%dma_start3A_119 : memref<320xf32, #tpu.memory_space<vmem>>) target_semaphore(%run_scoped3A : memref<!tpu.dma_semaphore, #tpu.memory_space<semaphore_mem>>)
      %dma_wait3A = arith.constant 4160 : i32
      %dma_wait3A_121 = tpu.memref_slice %arg7[%dma_wait3A] : memref<5120xf32, #tpu.memory_space<vmem>> -> memref<320xf32, #tpu.memory_space<vmem>>
      %dma_wait3A_122 = tpu.memref_slice %arg6[%add3A_48] : memref<81920xf32, #tpu.memory_space<vmem_shared>> -> memref<320xf32, #tpu.memory_space<vmem_shared>>
      %dma_wait3A_123 = arith.constant 4160 : i32
      %dma_wait3A_124 = tpu.memref_slice %arg7[%dma_wait3A_123] : memref<5120xf32, #tpu.memory_space<vmem>> -> memref<320xf32, #tpu.memory_space<vmem>>
      %dma_wait3A_125 = tpu.memref_slice %arg6[%add3A_48] : memref<81920xf32, #tpu.memory_space<vmem_shared>> -> memref<320xf32, #tpu.memory_space<vmem_shared>>
      tpu.wait_dma2 semaphore(%run_scoped3A : memref<!tpu.dma_semaphore, #tpu.memory_space<semaphore_mem>>) src(%dma_wait3A_125 : memref<320xf32, #tpu.memory_space<vmem_shared>>) dst(%dma_wait3A_124 : memref<320xf32, #tpu.memory_space<vmem>>)
      tpu.yield
    }) : () -> ()
    %add3A_49 = arith.constant 71680 : i32
    %add3A_50 = arith.addi %add3A_49, %mul3A_20 : i32
    "tpu.region"() ({
      %run_scoped3A = tpu.sem_alloc : memref<!tpu.dma_semaphore, #tpu.memory_space<semaphore_mem>>
      %dma_start3A = arith.constant 4480 : i32
      %dma_start3A_116 = tpu.memref_slice %arg7[%dma_start3A] : memref<5120xf32, #tpu.memory_space<vmem>> -> memref<320xf32, #tpu.memory_space<vmem>>
      %dma_start3A_117 = tpu.memref_slice %arg6[%add3A_50] : memref<81920xf32, #tpu.memory_space<vmem_shared>> -> memref<320xf32, #tpu.memory_space<vmem_shared>>
      %dma_start3A_118 = arith.constant 4480 : i32
      %dma_start3A_119 = tpu.memref_slice %arg7[%dma_start3A_118] : memref<5120xf32, #tpu.memory_space<vmem>> -> memref<320xf32, #tpu.memory_space<vmem>>
      %dma_start3A_120 = tpu.memref_slice %arg6[%add3A_50] : memref<81920xf32, #tpu.memory_space<vmem_shared>> -> memref<320xf32, #tpu.memory_space<vmem_shared>>
      tpu.enqueue_dma source(%dma_start3A_120 : memref<320xf32, #tpu.memory_space<vmem_shared>>) target(%dma_start3A_119 : memref<320xf32, #tpu.memory_space<vmem>>) target_semaphore(%run_scoped3A : memref<!tpu.dma_semaphore, #tpu.memory_space<semaphore_mem>>)
      %dma_wait3A = arith.constant 4480 : i32
      %dma_wait3A_121 = tpu.memref_slice %arg7[%dma_wait3A] : memref<5120xf32, #tpu.memory_space<vmem>> -> memref<320xf32, #tpu.memory_space<vmem>>
      %dma_wait3A_122 = tpu.memref_slice %arg6[%add3A_50] : memref<81920xf32, #tpu.memory_space<vmem_shared>> -> memref<320xf32, #tpu.memory_space<vmem_shared>>
      %dma_wait3A_123 = arith.constant 4480 : i32
      %dma_wait3A_124 = tpu.memref_slice %arg7[%dma_wait3A_123] : memref<5120xf32, #tpu.memory_space<vmem>> -> memref<320xf32, #tpu.memory_space<vmem>>
      %dma_wait3A_125 = tpu.memref_slice %arg6[%add3A_50] : memref<81920xf32, #tpu.memory_space<vmem_shared>> -> memref<320xf32, #tpu.memory_space<vmem_shared>>
      tpu.wait_dma2 semaphore(%run_scoped3A : memref<!tpu.dma_semaphore, #tpu.memory_space<semaphore_mem>>) src(%dma_wait3A_125 : memref<320xf32, #tpu.memory_space<vmem_shared>>) dst(%dma_wait3A_124 : memref<320xf32, #tpu.memory_space<vmem>>)
      tpu.yield
    }) : () -> ()
    %add3A_51 = arith.constant 76800 : i32
    %add3A_52 = arith.addi %add3A_51, %mul3A_20 : i32
    "tpu.region"() ({
      %run_scoped3A = tpu.sem_alloc : memref<!tpu.dma_semaphore, #tpu.memory_space<semaphore_mem>>
      %dma_start3A = arith.constant 4800 : i32
      %dma_start3A_116 = tpu.memref_slice %arg7[%dma_start3A] : memref<5120xf32, #tpu.memory_space<vmem>> -> memref<320xf32, #tpu.memory_space<vmem>>
      %dma_start3A_117 = tpu.memref_slice %arg6[%add3A_52] : memref<81920xf32, #tpu.memory_space<vmem_shared>> -> memref<320xf32, #tpu.memory_space<vmem_shared>>
      %dma_start3A_118 = arith.constant 4800 : i32
      %dma_start3A_119 = tpu.memref_slice %arg7[%dma_start3A_118] : memref<5120xf32, #tpu.memory_space<vmem>> -> memref<320xf32, #tpu.memory_space<vmem>>
      %dma_start3A_120 = tpu.memref_slice %arg6[%add3A_52] : memref<81920xf32, #tpu.memory_space<vmem_shared>> -> memref<320xf32, #tpu.memory_space<vmem_shared>>
      tpu.enqueue_dma source(%dma_start3A_120 : memref<320xf32, #tpu.memory_space<vmem_shared>>) target(%dma_start3A_119 : memref<320xf32, #tpu.memory_space<vmem>>) target_semaphore(%run_scoped3A : memref<!tpu.dma_semaphore, #tpu.memory_space<semaphore_mem>>)
      %dma_wait3A = arith.constant 4800 : i32
      %dma_wait3A_121 = tpu.memref_slice %arg7[%dma_wait3A] : memref<5120xf32, #tpu.memory_space<vmem>> -> memref<320xf32, #tpu.memory_space<vmem>>
      %dma_wait3A_122 = tpu.memref_slice %arg6[%add3A_52] : memref<81920xf32, #tpu.memory_space<vmem_shared>> -> memref<320xf32, #tpu.memory_space<vmem_shared>>
      %dma_wait3A_123 = arith.constant 4800 : i32
      %dma_wait3A_124 = tpu.memref_slice %arg7[%dma_wait3A_123] : memref<5120xf32, #tpu.memory_space<vmem>> -> memref<320xf32, #tpu.memory_space<vmem>>
      %dma_wait3A_125 = tpu.memref_slice %arg6[%add3A_52] : memref<81920xf32, #tpu.memory_space<vmem_shared>> -> memref<320xf32, #tpu.memory_space<vmem_shared>>
      tpu.wait_dma2 semaphore(%run_scoped3A : memref<!tpu.dma_semaphore, #tpu.memory_space<semaphore_mem>>) src(%dma_wait3A_125 : memref<320xf32, #tpu.memory_space<vmem_shared>>) dst(%dma_wait3A_124 : memref<320xf32, #tpu.memory_space<vmem>>)
      tpu.yield
    }) : () -> ()
    %scan3A_53 = arith.constant 0 : i32
    %scan3A_54 = arith.constant 0 : i32
    %scan3A_55 = arith.constant 20 : i32
    %scan3A_56 = arith.addi %scan3A_54, %scan3A_55 : i32
    %scan3A_57 = arith.constant 1 : i32
    %scan3A_58 = scf.for %scan3A_116 = %scan3A_54 to %scan3A_56 step %scan3A_57 iter_args(%scan3A_117 = %scan3A_53) -> (i32)  : i32 {
      %broadcast_in_dim3A_118 = arith.constant 0.000000e+00 : f32
      %broadcast_in_dim3A_119 = vector.broadcast %broadcast_in_dim3A_118 : f32 to vector<16xf32>
      %mul3A_120 = arith.constant 16 : i32
      %mul3A_121 = arith.muli %scan3A_116, %mul3A_120 : i32
      %add3A_122 = arith.constant 0 : i32
      %add3A_123 = arith.addi %add3A_122, %mul3A_121 : i32
      %get3A = arith.index_cast %add3A_123 : i32 to index
      %get3A_124 = tpu.vector_load %arg7[%get3A] {strides = array<i32>} : memref<5120xf32, #tpu.memory_space<vmem>>, vector<16xf32>,
      %add3A_125 = arith.addf %broadcast_in_dim3A_119, %get3A_124 : vector<16xf32>
      %mul3A_126 = arith.constant 16 : i32
      %mul3A_127 = arith.muli %scan3A_116, %mul3A_126 : i32
      %add3A_128 = arith.constant 320 : i32
      %add3A_129 = arith.addi %add3A_128, %mul3A_127 : i32
      %get3A_130 = arith.index_cast %add3A_129 : i32 to index
      %get3A_131 = tpu.vector_load %arg7[%get3A_130] {strides = array<i32>} : memref<5120xf32, #tpu.memory_space<vmem>>, vector<16xf32>,
      %add3A_132 = arith.addf %add3A_125, %get3A_131 : vector<16xf32>
      %mul3A_133 = arith.constant 16 : i32
      %mul3A_134 = arith.muli %scan3A_116, %mul3A_133 : i32
      %add3A_135 = arith.constant 640 : i32
      %add3A_136 = arith.addi %add3A_135, %mul3A_134 : i32
      %get3A_137 = arith.index_cast %add3A_136 : i32 to index
      %get3A_138 = tpu.vector_load %arg7[%get3A_137] {strides = array<i32>} : memref<5120xf32, #tpu.memory_space<vmem>>, vector<16xf32>,
      %add3A_139 = arith.addf %add3A_132, %get3A_138 : vector<16xf32>
      %mul3A_140 = arith.constant 16 : i32
      %mul3A_141 = arith.muli %scan3A_116, %mul3A_140 : i32
      %add3A_142 = arith.constant 960 : i32
      %add3A_143 = arith.addi %add3A_142, %mul3A_141 : i32
      %get3A_144 = arith.index_cast %add3A_143 : i32 to index
      %get3A_145 = tpu.vector_load %arg7[%get3A_144] {strides = array<i32>} : memref<5120xf32, #tpu.memory_space<vmem>>, vector<16xf32>,
      %add3A_146 = arith.addf %add3A_139, %get3A_145 : vector<16xf32>
      %mul3A_147 = arith.constant 16 : i32
      %mul3A_148 = arith.muli %scan3A_116, %mul3A_147 : i32
      %add3A_149 = arith.constant 1280 : i32
      %add3A_150 = arith.addi %add3A_149, %mul3A_148 : i32
      %get3A_151 = arith.index_cast %add3A_150 : i32 to index
      %get3A_152 = tpu.vector_load %arg7[%get3A_151] {strides = array<i32>} : memref<5120xf32, #tpu.memory_space<vmem>>, vector<16xf32>,
      %add3A_153 = arith.addf %add3A_146, %get3A_152 : vector<16xf32>
      %mul3A_154 = arith.constant 16 : i32
      %mul3A_155 = arith.muli %scan3A_116, %mul3A_154 : i32
      %add3A_156 = arith.constant 1600 : i32
      %add3A_157 = arith.addi %add3A_156, %mul3A_155 : i32
      %get3A_158 = arith.index_cast %add3A_157 : i32 to index
      %get3A_159 = tpu.vector_load %arg7[%get3A_158] {strides = array<i32>} : memref<5120xf32, #tpu.memory_space<vmem>>, vector<16xf32>,
      %add3A_160 = arith.addf %add3A_153, %get3A_159 : vector<16xf32>
      %mul3A_161 = arith.constant 16 : i32
      %mul3A_162 = arith.muli %scan3A_116, %mul3A_161 : i32
      %add3A_163 = arith.constant 1920 : i32
      %add3A_164 = arith.addi %add3A_163, %mul3A_162 : i32
      %get3A_165 = arith.index_cast %add3A_164 : i32 to index
      %get3A_166 = tpu.vector_load %arg7[%get3A_165] {strides = array<i32>} : memref<5120xf32, #tpu.memory_space<vmem>>, vector<16xf32>,
      %add3A_167 = arith.addf %add3A_160, %get3A_166 : vector<16xf32>
      %mul3A_168 = arith.constant 16 : i32
      %mul3A_169 = arith.muli %scan3A_116, %mul3A_168 : i32
      %add3A_170 = arith.constant 2240 : i32
      %add3A_171 = arith.addi %add3A_170, %mul3A_169 : i32
      %get3A_172 = arith.index_cast %add3A_171 : i32 to index
      %get3A_173 = tpu.vector_load %arg7[%get3A_172] {strides = array<i32>} : memref<5120xf32, #tpu.memory_space<vmem>>, vector<16xf32>,
      %add3A_174 = arith.addf %add3A_167, %get3A_173 : vector<16xf32>
      %mul3A_175 = arith.constant 16 : i32
      %mul3A_176 = arith.muli %scan3A_116, %mul3A_175 : i32
      %add3A_177 = arith.constant 2560 : i32
      %add3A_178 = arith.addi %add3A_177, %mul3A_176 : i32
      %get3A_179 = arith.index_cast %add3A_178 : i32 to index
      %get3A_180 = tpu.vector_load %arg7[%get3A_179] {strides = array<i32>} : memref<5120xf32, #tpu.memory_space<vmem>>, vector<16xf32>,
      %add3A_181 = arith.addf %add3A_174, %get3A_180 : vector<16xf32>
      %mul3A_182 = arith.constant 16 : i32
      %mul3A_183 = arith.muli %scan3A_116, %mul3A_182 : i32
      %add3A_184 = arith.constant 2880 : i32
      %add3A_185 = arith.addi %add3A_184, %mul3A_183 : i32
      %get3A_186 = arith.index_cast %add3A_185 : i32 to index
      %get3A_187 = tpu.vector_load %arg7[%get3A_186] {strides = array<i32>} : memref<5120xf32, #tpu.memory_space<vmem>>, vector<16xf32>,
      %add3A_188 = arith.addf %add3A_181, %get3A_187 : vector<16xf32>
      %mul3A_189 = arith.constant 16 : i32
      %mul3A_190 = arith.muli %scan3A_116, %mul3A_189 : i32
      %add3A_191 = arith.constant 3200 : i32
      %add3A_192 = arith.addi %add3A_191, %mul3A_190 : i32
      %get3A_193 = arith.index_cast %add3A_192 : i32 to index
      %get3A_194 = tpu.vector_load %arg7[%get3A_193] {strides = array<i32>} : memref<5120xf32, #tpu.memory_space<vmem>>, vector<16xf32>,
      %add3A_195 = arith.addf %add3A_188, %get3A_194 : vector<16xf32>
      %mul3A_196 = arith.constant 16 : i32
      %mul3A_197 = arith.muli %scan3A_116, %mul3A_196 : i32
      %add3A_198 = arith.constant 3520 : i32
      %add3A_199 = arith.addi %add3A_198, %mul3A_197 : i32
      %get3A_200 = arith.index_cast %add3A_199 : i32 to index
      %get3A_201 = tpu.vector_load %arg7[%get3A_200] {strides = array<i32>} : memref<5120xf32, #tpu.memory_space<vmem>>, vector<16xf32>,
      %add3A_202 = arith.addf %add3A_195, %get3A_201 : vector<16xf32>
      %mul3A_203 = arith.constant 16 : i32
      %mul3A_204 = arith.muli %scan3A_116, %mul3A_203 : i32
      %add3A_205 = arith.constant 3840 : i32
      %add3A_206 = arith.addi %add3A_205, %mul3A_204 : i32
      %get3A_207 = arith.index_cast %add3A_206 : i32 to index
      %get3A_208 = tpu.vector_load %arg7[%get3A_207] {strides = array<i32>} : memref<5120xf32, #tpu.memory_space<vmem>>, vector<16xf32>,
      %add3A_209 = arith.addf %add3A_202, %get3A_208 : vector<16xf32>
      %mul3A_210 = arith.constant 16 : i32
      %mul3A_211 = arith.muli %scan3A_116, %mul3A_210 : i32
      %add3A_212 = arith.constant 4160 : i32
      %add3A_213 = arith.addi %add3A_212, %mul3A_211 : i32
      %get3A_214 = arith.index_cast %add3A_213 : i32 to index
      %get3A_215 = tpu.vector_load %arg7[%get3A_214] {strides = array<i32>} : memref<5120xf32, #tpu.memory_space<vmem>>, vector<16xf32>,
      %add3A_216 = arith.addf %add3A_209, %get3A_215 : vector<16xf32>
      %mul3A_217 = arith.constant 16 : i32
      %mul3A_218 = arith.muli %scan3A_116, %mul3A_217 : i32
      %add3A_219 = arith.constant 4480 : i32
      %add3A_220 = arith.addi %add3A_219, %mul3A_218 : i32
      %get3A_221 = arith.index_cast %add3A_220 : i32 to index
      %get3A_222 = tpu.vector_load %arg7[%get3A_221] {strides = array<i32>} : memref<5120xf32, #tpu.memory_space<vmem>>, vector<16xf32>,
      %add3A_223 = arith.addf %add3A_216, %get3A_222 : vector<16xf32>
      %mul3A_224 = arith.constant 16 : i32
      %mul3A_225 = arith.muli %scan3A_116, %mul3A_224 : i32
      %add3A_226 = arith.constant 4800 : i32
      %add3A_227 = arith.addi %add3A_226, %mul3A_225 : i32
      %get3A_228 = arith.index_cast %add3A_227 : i32 to index
      %get3A_229 = tpu.vector_load %arg7[%get3A_228] {strides = array<i32>} : memref<5120xf32, #tpu.memory_space<vmem>>, vector<16xf32>,
      %add3A_230 = arith.addf %add3A_223, %get3A_229 : vector<16xf32>
      %mul3A_231 = arith.constant 16 : i32
      %mul3A_232 = arith.muli %scan3A_116, %mul3A_231 : i32
      %swap3A = arith.index_cast %mul3A_232 : i32 to index
      %swap3A_233 = tpu.vector_load %arg5[%swap3A] {strides = array<i32>} : memref<10240xf32, #tpu.memory_space<vmem>>, vector<16xf32>,
      tpu.vector_store %arg5[%swap3A], %add3A_230 {strides = array<i32>} : memref<10240xf32, #tpu.memory_space<vmem>>, vector<16xf32>,
      %scan3A_234 = arith.constant 0 : i32
      scf.yield %scan3A_234 : i32
    }
    %scan3A_59 = arith.constant 20 : i32
    %mul3A_60 = arith.constant 10240 : i32
    %mul3A_61 = arith.muli %arg0, %mul3A_60 : i32
    %add3A_62 = arith.constant 0 : i32
    %add3A_63 = arith.addi %mul3A_61, %add3A_62 : i32
    %add3A_64 = arith.addi %add3A_63, %mul3A_20 : i32
    "tpu.region"() ({
      %run_scoped3A = tpu.sem_alloc : memref<!tpu.dma_semaphore, #tpu.memory_space<semaphore_mem>>
      %dma_start3A = arith.constant 0 : i32
      %dma_start3A_116 = tpu.memref_slice %arg5[%dma_start3A] : memref<10240xf32, #tpu.memory_space<vmem>> -> memref<320xf32, #tpu.memory_space<vmem>>
      %dma_start3A_117 = tpu.memref_slice %arg3[%add3A_64] : memref<20480xf32, #tpu.memory_space<hbm>> -> memref<320xf32, #tpu.memory_space<hbm>>
      %dma_start3A_118 = tpu.memref_slice %arg3[%add3A_64] : memref<20480xf32, #tpu.memory_space<hbm>> -> memref<320xf32, #tpu.memory_space<hbm>>
      %dma_start3A_119 = arith.constant 0 : i32
      %dma_start3A_120 = tpu.memref_slice %arg5[%dma_start3A_119] : memref<10240xf32, #tpu.memory_space<vmem>> -> memref<320xf32, #tpu.memory_space<vmem>>
      tpu.enqueue_dma source(%dma_start3A_120 : memref<320xf32, #tpu.memory_space<vmem>>) target(%dma_start3A_118 : memref<320xf32, #tpu.memory_space<hbm>>) target_semaphore(%run_scoped3A : memref<!tpu.dma_semaphore, #tpu.memory_space<semaphore_mem>>)
      %dma_wait3A = arith.constant 0 : i32
      %dma_wait3A_121 = tpu.memref_slice %arg5[%dma_wait3A] : memref<10240xf32, #tpu.memory_space<vmem>> -> memref<320xf32, #tpu.memory_space<vmem>>
      %dma_wait3A_122 = tpu.memref_slice %arg3[%add3A_64] : memref<20480xf32, #tpu.memory_space<hbm>> -> memref<320xf32, #tpu.memory_space<hbm>>
      %dma_wait3A_123 = tpu.memref_slice %arg3[%add3A_64] : memref<20480xf32, #tpu.memory_space<hbm>> -> memref<320xf32, #tpu.memory_space<hbm>>
      %dma_wait3A_124 = arith.constant 0 : i32
      %dma_wait3A_125 = tpu.memref_slice %arg5[%dma_wait3A_124] : memref<10240xf32, #tpu.memory_space<vmem>> -> memref<320xf32, #tpu.memory_space<vmem>>
      tpu.wait_dma2 semaphore(%run_scoped3A : memref<!tpu.dma_semaphore, #tpu.memory_space<semaphore_mem>>) src(%dma_wait3A_125 : memref<320xf32, #tpu.memory_space<vmem>>) dst(%dma_wait3A_123 : memref<320xf32, #tpu.memory_space<hbm>>)
      tpu.yield
    }) : () -> ()
    %barrier3A_65 = arith.constant 0 : index
    tpu.barrier barrier_id(%barrier3A_65)
    %mul3A_66 = arith.constant 5120 : i32
    %mul3A_67 = arith.muli %arg1, %mul3A_66 : i32
    "tpu.region"() ({
      %run_scoped3A = tpu.sem_alloc : memref<!tpu.dma_semaphore, #tpu.memory_space<semaphore_mem>>
      %dma_start3A = arith.constant 5120 : i32
      %dma_start3A_116 = tpu.memref_slice %arg5[%dma_start3A] : memref<10240xf32, #tpu.memory_space<vmem>> -> memref<5120xf32, #tpu.memory_space<vmem>>
      %dma_start3A_117 = tpu.memref_slice %arg6[%mul3A_67] : memref<81920xf32, #tpu.memory_space<vmem_shared>> -> memref<5120xf32, #tpu.memory_space<vmem_shared>>
      %dma_start3A_118 = tpu.memref_slice %arg6[%mul3A_67] : memref<81920xf32, #tpu.memory_space<vmem_shared>> -> memref<5120xf32, #tpu.memory_space<vmem_shared>>
      %dma_start3A_119 = arith.constant 5120 : i32
      %dma_start3A_120 = tpu.memref_slice %arg5[%dma_start3A_119] : memref<10240xf32, #tpu.memory_space<vmem>> -> memref<5120xf32, #tpu.memory_space<vmem>>
      tpu.enqueue_dma source(%dma_start3A_120 : memref<5120xf32, #tpu.memory_space<vmem>>) target(%dma_start3A_118 : memref<5120xf32, #tpu.memory_space<vmem_shared>>) target_semaphore(%run_scoped3A : memref<!tpu.dma_semaphore, #tpu.memory_space<semaphore_mem>>)
      %dma_wait3A = arith.constant 5120 : i32
      %dma_wait3A_121 = tpu.memref_slice %arg5[%dma_wait3A] : memref<10240xf32, #tpu.memory_space<vmem>> -> memref<5120xf32, #tpu.memory_space<vmem>>
      %dma_wait3A_122 = tpu.memref_slice %arg6[%mul3A_67] : memref<81920xf32, #tpu.memory_space<vmem_shared>> -> memref<5120xf32, #tpu.memory_space<vmem_shared>>
      %dma_wait3A_123 = tpu.memref_slice %arg6[%mul3A_67] : memref<81920xf32, #tpu.memory_space<vmem_shared>> -> memref<5120xf32, #tpu.memory_space<vmem_shared>>
      %dma_wait3A_124 = arith.constant 5120 : i32
      %dma_wait3A_125 = tpu.memref_slice %arg5[%dma_wait3A_124] : memref<10240xf32, #tpu.memory_space<vmem>> -> memref<5120xf32, #tpu.memory_space<vmem>>
      tpu.wait_dma2 semaphore(%run_scoped3A : memref<!tpu.dma_semaphore, #tpu.memory_space<semaphore_mem>>) src(%dma_wait3A_125 : memref<5120xf32, #tpu.memory_space<vmem>>) dst(%dma_wait3A_123 : memref<5120xf32, #tpu.memory_space<vmem_shared>>)
      tpu.yield
    }) : () -> ()
    %barrier3A_68 = arith.constant 0 : index
    tpu.barrier barrier_id(%barrier3A_68)
    %mul3A_69 = arith.constant 320 : i32
    %mul3A_70 = arith.muli %arg1, %mul3A_69 : i32
    %add3A_71 = arith.constant 0 : i32
    %add3A_72 = arith.addi %add3A_71, %mul3A_70 : i32
    "tpu.region"() ({
      %run_scoped3A = tpu.sem_alloc : memref<!tpu.dma_semaphore, #tpu.memory_space<semaphore_mem>>
      %dma_start3A = arith.constant 0 : i32
      %dma_start3A_116 = tpu.memref_slice %arg7[%dma_start3A] : memref<5120xf32, #tpu.memory_space<vmem>> -> memref<320xf32, #tpu.memory_space<vmem>>
      %dma_start3A_117 = tpu.memref_slice %arg6[%add3A_72] : memref<81920xf32, #tpu.memory_space<vmem_shared>> -> memref<320xf32, #tpu.memory_space<vmem_shared>>
      %dma_start3A_118 = arith.constant 0 : i32
      %dma_start3A_119 = tpu.memref_slice %arg7[%dma_start3A_118] : memref<5120xf32, #tpu.memory_space<vmem>> -> memref<320xf32, #tpu.memory_space<vmem>>
      %dma_start3A_120 = tpu.memref_slice %arg6[%add3A_72] : memref<81920xf32, #tpu.memory_space<vmem_shared>> -> memref<320xf32, #tpu.memory_space<vmem_shared>>
      tpu.enqueue_dma source(%dma_start3A_120 : memref<320xf32, #tpu.memory_space<vmem_shared>>) target(%dma_start3A_119 : memref<320xf32, #tpu.memory_space<vmem>>) target_semaphore(%run_scoped3A : memref<!tpu.dma_semaphore, #tpu.memory_space<semaphore_mem>>)
      %dma_wait3A = arith.constant 0 : i32
      %dma_wait3A_121 = tpu.memref_slice %arg7[%dma_wait3A] : memref<5120xf32, #tpu.memory_space<vmem>> -> memref<320xf32, #tpu.memory_space<vmem>>
      %dma_wait3A_122 = tpu.memref_slice %arg6[%add3A_72] : memref<81920xf32, #tpu.memory_space<vmem_shared>> -> memref<320xf32, #tpu.memory_space<vmem_shared>>
      %dma_wait3A_123 = arith.constant 0 : i32
      %dma_wait3A_124 = tpu.memref_slice %arg7[%dma_wait3A_123] : memref<5120xf32, #tpu.memory_space<vmem>> -> memref<320xf32, #tpu.memory_space<vmem>>
      %dma_wait3A_125 = tpu.memref_slice %arg6[%add3A_72] : memref<81920xf32, #tpu.memory_space<vmem_shared>> -> memref<320xf32, #tpu.memory_space<vmem_shared>>
      tpu.wait_dma2 semaphore(%run_scoped3A : memref<!tpu.dma_semaphore, #tpu.memory_space<semaphore_mem>>) src(%dma_wait3A_125 : memref<320xf32, #tpu.memory_space<vmem_shared>>) dst(%dma_wait3A_124 : memref<320xf32, #tpu.memory_space<vmem>>)
      tpu.yield
    }) : () -> ()
    %add3A_73 = arith.constant 5120 : i32
    %add3A_74 = arith.addi %add3A_73, %mul3A_70 : i32
    "tpu.region"() ({
      %run_scoped3A = tpu.sem_alloc : memref<!tpu.dma_semaphore, #tpu.memory_space<semaphore_mem>>
      %dma_start3A = arith.constant 320 : i32
      %dma_start3A_116 = tpu.memref_slice %arg7[%dma_start3A] : memref<5120xf32, #tpu.memory_space<vmem>> -> memref<320xf32, #tpu.memory_space<vmem>>
      %dma_start3A_117 = tpu.memref_slice %arg6[%add3A_74] : memref<81920xf32, #tpu.memory_space<vmem_shared>> -> memref<320xf32, #tpu.memory_space<vmem_shared>>
      %dma_start3A_118 = arith.constant 320 : i32
      %dma_start3A_119 = tpu.memref_slice %arg7[%dma_start3A_118] : memref<5120xf32, #tpu.memory_space<vmem>> -> memref<320xf32, #tpu.memory_space<vmem>>
      %dma_start3A_120 = tpu.memref_slice %arg6[%add3A_74] : memref<81920xf32, #tpu.memory_space<vmem_shared>> -> memref<320xf32, #tpu.memory_space<vmem_shared>>
      tpu.enqueue_dma source(%dma_start3A_120 : memref<320xf32, #tpu.memory_space<vmem_shared>>) target(%dma_start3A_119 : memref<320xf32, #tpu.memory_space<vmem>>) target_semaphore(%run_scoped3A : memref<!tpu.dma_semaphore, #tpu.memory_space<semaphore_mem>>)
      %dma_wait3A = arith.constant 320 : i32
      %dma_wait3A_121 = tpu.memref_slice %arg7[%dma_wait3A] : memref<5120xf32, #tpu.memory_space<vmem>> -> memref<320xf32, #tpu.memory_space<vmem>>
      %dma_wait3A_122 = tpu.memref_slice %arg6[%add3A_74] : memref<81920xf32, #tpu.memory_space<vmem_shared>> -> memref<320xf32, #tpu.memory_space<vmem_shared>>
      %dma_wait3A_123 = arith.constant 320 : i32
      %dma_wait3A_124 = tpu.memref_slice %arg7[%dma_wait3A_123] : memref<5120xf32, #tpu.memory_space<vmem>> -> memref<320xf32, #tpu.memory_space<vmem>>
      %dma_wait3A_125 = tpu.memref_slice %arg6[%add3A_74] : memref<81920xf32, #tpu.memory_space<vmem_shared>> -> memref<320xf32, #tpu.memory_space<vmem_shared>>
      tpu.wait_dma2 semaphore(%run_scoped3A : memref<!tpu.dma_semaphore, #tpu.memory_space<semaphore_mem>>) src(%dma_wait3A_125 : memref<320xf32, #tpu.memory_space<vmem_shared>>) dst(%dma_wait3A_124 : memref<320xf32, #tpu.memory_space<vmem>>)
      tpu.yield
    }) : () -> ()
    %add3A_75 = arith.constant 10240 : i32
    %add3A_76 = arith.addi %add3A_75, %mul3A_70 : i32
    "tpu.region"() ({
      %run_scoped3A = tpu.sem_alloc : memref<!tpu.dma_semaphore, #tpu.memory_space<semaphore_mem>>
      %dma_start3A = arith.constant 640 : i32
      %dma_start3A_116 = tpu.memref_slice %arg7[%dma_start3A] : memref<5120xf32, #tpu.memory_space<vmem>> -> memref<320xf32, #tpu.memory_space<vmem>>
      %dma_start3A_117 = tpu.memref_slice %arg6[%add3A_76] : memref<81920xf32, #tpu.memory_space<vmem_shared>> -> memref<320xf32, #tpu.memory_space<vmem_shared>>
      %dma_start3A_118 = arith.constant 640 : i32
      %dma_start3A_119 = tpu.memref_slice %arg7[%dma_start3A_118] : memref<5120xf32, #tpu.memory_space<vmem>> -> memref<320xf32, #tpu.memory_space<vmem>>
      %dma_start3A_120 = tpu.memref_slice %arg6[%add3A_76] : memref<81920xf32, #tpu.memory_space<vmem_shared>> -> memref<320xf32, #tpu.memory_space<vmem_shared>>
      tpu.enqueue_dma source(%dma_start3A_120 : memref<320xf32, #tpu.memory_space<vmem_shared>>) target(%dma_start3A_119 : memref<320xf32, #tpu.memory_space<vmem>>) target_semaphore(%run_scoped3A : memref<!tpu.dma_semaphore, #tpu.memory_space<semaphore_mem>>)
      %dma_wait3A = arith.constant 640 : i32
      %dma_wait3A_121 = tpu.memref_slice %arg7[%dma_wait3A] : memref<5120xf32, #tpu.memory_space<vmem>> -> memref<320xf32, #tpu.memory_space<vmem>>
      %dma_wait3A_122 = tpu.memref_slice %arg6[%add3A_76] : memref<81920xf32, #tpu.memory_space<vmem_shared>> -> memref<320xf32, #tpu.memory_space<vmem_shared>>
      %dma_wait3A_123 = arith.constant 640 : i32
      %dma_wait3A_124 = tpu.memref_slice %arg7[%dma_wait3A_123] : memref<5120xf32, #tpu.memory_space<vmem>> -> memref<320xf32, #tpu.memory_space<vmem>>
      %dma_wait3A_125 = tpu.memref_slice %arg6[%add3A_76] : memref<81920xf32, #tpu.memory_space<vmem_shared>> -> memref<320xf32, #tpu.memory_space<vmem_shared>>
      tpu.wait_dma2 semaphore(%run_scoped3A : memref<!tpu.dma_semaphore, #tpu.memory_space<semaphore_mem>>) src(%dma_wait3A_125 : memref<320xf32, #tpu.memory_space<vmem_shared>>) dst(%dma_wait3A_124 : memref<320xf32, #tpu.memory_space<vmem>>)
      tpu.yield
    }) : () -> ()
    %add3A_77 = arith.constant 15360 : i32
    %add3A_78 = arith.addi %add3A_77, %mul3A_70 : i32
    "tpu.region"() ({
      %run_scoped3A = tpu.sem_alloc : memref<!tpu.dma_semaphore, #tpu.memory_space<semaphore_mem>>
      %dma_start3A = arith.constant 960 : i32
      %dma_start3A_116 = tpu.memref_slice %arg7[%dma_start3A] : memref<5120xf32, #tpu.memory_space<vmem>> -> memref<320xf32, #tpu.memory_space<vmem>>
      %dma_start3A_117 = tpu.memref_slice %arg6[%add3A_78] : memref<81920xf32, #tpu.memory_space<vmem_shared>> -> memref<320xf32, #tpu.memory_space<vmem_shared>>
      %dma_start3A_118 = arith.constant 960 : i32
      %dma_start3A_119 = tpu.memref_slice %arg7[%dma_start3A_118] : memref<5120xf32, #tpu.memory_space<vmem>> -> memref<320xf32, #tpu.memory_space<vmem>>
      %dma_start3A_120 = tpu.memref_slice %arg6[%add3A_78] : memref<81920xf32, #tpu.memory_space<vmem_shared>> -> memref<320xf32, #tpu.memory_space<vmem_shared>>
      tpu.enqueue_dma source(%dma_start3A_120 : memref<320xf32, #tpu.memory_space<vmem_shared>>) target(%dma_start3A_119 : memref<320xf32, #tpu.memory_space<vmem>>) target_semaphore(%run_scoped3A : memref<!tpu.dma_semaphore, #tpu.memory_space<semaphore_mem>>)
      %dma_wait3A = arith.constant 960 : i32
      %dma_wait3A_121 = tpu.memref_slice %arg7[%dma_wait3A] : memref<5120xf32, #tpu.memory_space<vmem>> -> memref<320xf32, #tpu.memory_space<vmem>>
      %dma_wait3A_122 = tpu.memref_slice %arg6[%add3A_78] : memref<81920xf32, #tpu.memory_space<vmem_shared>> -> memref<320xf32, #tpu.memory_space<vmem_shared>>
      %dma_wait3A_123 = arith.constant 960 : i32
      %dma_wait3A_124 = tpu.memref_slice %arg7[%dma_wait3A_123] : memref<5120xf32, #tpu.memory_space<vmem>> -> memref<320xf32, #tpu.memory_space<vmem>>
      %dma_wait3A_125 = tpu.memref_slice %arg6[%add3A_78] : memref<81920xf32, #tpu.memory_space<vmem_shared>> -> memref<320xf32, #tpu.memory_space<vmem_shared>>
      tpu.wait_dma2 semaphore(%run_scoped3A : memref<!tpu.dma_semaphore, #tpu.memory_space<semaphore_mem>>) src(%dma_wait3A_125 : memref<320xf32, #tpu.memory_space<vmem_shared>>) dst(%dma_wait3A_124 : memref<320xf32, #tpu.memory_space<vmem>>)
      tpu.yield
    }) : () -> ()
    %add3A_79 = arith.constant 20480 : i32
    %add3A_80 = arith.addi %add3A_79, %mul3A_70 : i32
    "tpu.region"() ({
      %run_scoped3A = tpu.sem_alloc : memref<!tpu.dma_semaphore, #tpu.memory_space<semaphore_mem>>
      %dma_start3A = arith.constant 1280 : i32
      %dma_start3A_116 = tpu.memref_slice %arg7[%dma_start3A] : memref<5120xf32, #tpu.memory_space<vmem>> -> memref<320xf32, #tpu.memory_space<vmem>>
      %dma_start3A_117 = tpu.memref_slice %arg6[%add3A_80] : memref<81920xf32, #tpu.memory_space<vmem_shared>> -> memref<320xf32, #tpu.memory_space<vmem_shared>>
      %dma_start3A_118 = arith.constant 1280 : i32
      %dma_start3A_119 = tpu.memref_slice %arg7[%dma_start3A_118] : memref<5120xf32, #tpu.memory_space<vmem>> -> memref<320xf32, #tpu.memory_space<vmem>>
      %dma_start3A_120 = tpu.memref_slice %arg6[%add3A_80] : memref<81920xf32, #tpu.memory_space<vmem_shared>> -> memref<320xf32, #tpu.memory_space<vmem_shared>>
      tpu.enqueue_dma source(%dma_start3A_120 : memref<320xf32, #tpu.memory_space<vmem_shared>>) target(%dma_start3A_119 : memref<320xf32, #tpu.memory_space<vmem>>) target_semaphore(%run_scoped3A : memref<!tpu.dma_semaphore, #tpu.memory_space<semaphore_mem>>)
      %dma_wait3A = arith.constant 1280 : i32
      %dma_wait3A_121 = tpu.memref_slice %arg7[%dma_wait3A] : memref<5120xf32, #tpu.memory_space<vmem>> -> memref<320xf32, #tpu.memory_space<vmem>>
      %dma_wait3A_122 = tpu.memref_slice %arg6[%add3A_80] : memref<81920xf32, #tpu.memory_space<vmem_shared>> -> memref<320xf32, #tpu.memory_space<vmem_shared>>
      %dma_wait3A_123 = arith.constant 1280 : i32
      %dma_wait3A_124 = tpu.memref_slice %arg7[%dma_wait3A_123] : memref<5120xf32, #tpu.memory_space<vmem>> -> memref<320xf32, #tpu.memory_space<vmem>>
      %dma_wait3A_125 = tpu.memref_slice %arg6[%add3A_80] : memref<81920xf32, #tpu.memory_space<vmem_shared>> -> memref<320xf32, #tpu.memory_space<vmem_shared>>
      tpu.wait_dma2 semaphore(%run_scoped3A : memref<!tpu.dma_semaphore, #tpu.memory_space<semaphore_mem>>) src(%dma_wait3A_125 : memref<320xf32, #tpu.memory_space<vmem_shared>>) dst(%dma_wait3A_124 : memref<320xf32, #tpu.memory_space<vmem>>)
      tpu.yield
    }) : () -> ()
    %add3A_81 = arith.constant 25600 : i32
    %add3A_82 = arith.addi %add3A_81, %mul3A_70 : i32
    "tpu.region"() ({
      %run_scoped3A = tpu.sem_alloc : memref<!tpu.dma_semaphore, #tpu.memory_space<semaphore_mem>>
      %dma_start3A = arith.constant 1600 : i32
      %dma_start3A_116 = tpu.memref_slice %arg7[%dma_start3A] : memref<5120xf32, #tpu.memory_space<vmem>> -> memref<320xf32, #tpu.memory_space<vmem>>
      %dma_start3A_117 = tpu.memref_slice %arg6[%add3A_82] : memref<81920xf32, #tpu.memory_space<vmem_shared>> -> memref<320xf32, #tpu.memory_space<vmem_shared>>
      %dma_start3A_118 = arith.constant 1600 : i32
      %dma_start3A_119 = tpu.memref_slice %arg7[%dma_start3A_118] : memref<5120xf32, #tpu.memory_space<vmem>> -> memref<320xf32, #tpu.memory_space<vmem>>
      %dma_start3A_120 = tpu.memref_slice %arg6[%add3A_82] : memref<81920xf32, #tpu.memory_space<vmem_shared>> -> memref<320xf32, #tpu.memory_space<vmem_shared>>
      tpu.enqueue_dma source(%dma_start3A_120 : memref<320xf32, #tpu.memory_space<vmem_shared>>) target(%dma_start3A_119 : memref<320xf32, #tpu.memory_space<vmem>>) target_semaphore(%run_scoped3A : memref<!tpu.dma_semaphore, #tpu.memory_space<semaphore_mem>>)
      %dma_wait3A = arith.constant 1600 : i32
      %dma_wait3A_121 = tpu.memref_slice %arg7[%dma_wait3A] : memref<5120xf32, #tpu.memory_space<vmem>> -> memref<320xf32, #tpu.memory_space<vmem>>
      %dma_wait3A_122 = tpu.memref_slice %arg6[%add3A_82] : memref<81920xf32, #tpu.memory_space<vmem_shared>> -> memref<320xf32, #tpu.memory_space<vmem_shared>>
      %dma_wait3A_123 = arith.constant 1600 : i32
      %dma_wait3A_124 = tpu.memref_slice %arg7[%dma_wait3A_123] : memref<5120xf32, #tpu.memory_space<vmem>> -> memref<320xf32, #tpu.memory_space<vmem>>
      %dma_wait3A_125 = tpu.memref_slice %arg6[%add3A_82] : memref<81920xf32, #tpu.memory_space<vmem_shared>> -> memref<320xf32, #tpu.memory_space<vmem_shared>>
      tpu.wait_dma2 semaphore(%run_scoped3A : memref<!tpu.dma_semaphore, #tpu.memory_space<semaphore_mem>>) src(%dma_wait3A_125 : memref<320xf32, #tpu.memory_space<vmem_shared>>) dst(%dma_wait3A_124 : memref<320xf32, #tpu.memory_space<vmem>>)
      tpu.yield
    }) : () -> ()
    %add3A_83 = arith.constant 30720 : i32
    %add3A_84 = arith.addi %add3A_83, %mul3A_70 : i32
    "tpu.region"() ({
      %run_scoped3A = tpu.sem_alloc : memref<!tpu.dma_semaphore, #tpu.memory_space<semaphore_mem>>
      %dma_start3A = arith.constant 1920 : i32
      %dma_start3A_116 = tpu.memref_slice %arg7[%dma_start3A] : memref<5120xf32, #tpu.memory_space<vmem>> -> memref<320xf32, #tpu.memory_space<vmem>>
      %dma_start3A_117 = tpu.memref_slice %arg6[%add3A_84] : memref<81920xf32, #tpu.memory_space<vmem_shared>> -> memref<320xf32, #tpu.memory_space<vmem_shared>>
      %dma_start3A_118 = arith.constant 1920 : i32
      %dma_start3A_119 = tpu.memref_slice %arg7[%dma_start3A_118] : memref<5120xf32, #tpu.memory_space<vmem>> -> memref<320xf32, #tpu.memory_space<vmem>>
      %dma_start3A_120 = tpu.memref_slice %arg6[%add3A_84] : memref<81920xf32, #tpu.memory_space<vmem_shared>> -> memref<320xf32, #tpu.memory_space<vmem_shared>>
      tpu.enqueue_dma source(%dma_start3A_120 : memref<320xf32, #tpu.memory_space<vmem_shared>>) target(%dma_start3A_119 : memref<320xf32, #tpu.memory_space<vmem>>) target_semaphore(%run_scoped3A : memref<!tpu.dma_semaphore, #tpu.memory_space<semaphore_mem>>)
      %dma_wait3A = arith.constant 1920 : i32
      %dma_wait3A_121 = tpu.memref_slice %arg7[%dma_wait3A] : memref<5120xf32, #tpu.memory_space<vmem>> -> memref<320xf32, #tpu.memory_space<vmem>>
      %dma_wait3A_122 = tpu.memref_slice %arg6[%add3A_84] : memref<81920xf32, #tpu.memory_space<vmem_shared>> -> memref<320xf32, #tpu.memory_space<vmem_shared>>
      %dma_wait3A_123 = arith.constant 1920 : i32
      %dma_wait3A_124 = tpu.memref_slice %arg7[%dma_wait3A_123] : memref<5120xf32, #tpu.memory_space<vmem>> -> memref<320xf32, #tpu.memory_space<vmem>>
      %dma_wait3A_125 = tpu.memref_slice %arg6[%add3A_84] : memref<81920xf32, #tpu.memory_space<vmem_shared>> -> memref<320xf32, #tpu.memory_space<vmem_shared>>
      tpu.wait_dma2 semaphore(%run_scoped3A : memref<!tpu.dma_semaphore, #tpu.memory_space<semaphore_mem>>) src(%dma_wait3A_125 : memref<320xf32, #tpu.memory_space<vmem_shared>>) dst(%dma_wait3A_124 : memref<320xf32, #tpu.memory_space<vmem>>)
      tpu.yield
    }) : () -> ()
    %add3A_85 = arith.constant 35840 : i32
    %add3A_86 = arith.addi %add3A_85, %mul3A_70 : i32
    "tpu.region"() ({
      %run_scoped3A = tpu.sem_alloc : memref<!tpu.dma_semaphore, #tpu.memory_space<semaphore_mem>>
      %dma_start3A = arith.constant 2240 : i32
      %dma_start3A_116 = tpu.memref_slice %arg7[%dma_start3A] : memref<5120xf32, #tpu.memory_space<vmem>> -> memref<320xf32, #tpu.memory_space<vmem>>
      %dma_start3A_117 = tpu.memref_slice %arg6[%add3A_86] : memref<81920xf32, #tpu.memory_space<vmem_shared>> -> memref<320xf32, #tpu.memory_space<vmem_shared>>
      %dma_start3A_118 = arith.constant 2240 : i32
      %dma_start3A_119 = tpu.memref_slice %arg7[%dma_start3A_118] : memref<5120xf32, #tpu.memory_space<vmem>> -> memref<320xf32, #tpu.memory_space<vmem>>
      %dma_start3A_120 = tpu.memref_slice %arg6[%add3A_86] : memref<81920xf32, #tpu.memory_space<vmem_shared>> -> memref<320xf32, #tpu.memory_space<vmem_shared>>
      tpu.enqueue_dma source(%dma_start3A_120 : memref<320xf32, #tpu.memory_space<vmem_shared>>) target(%dma_start3A_119 : memref<320xf32, #tpu.memory_space<vmem>>) target_semaphore(%run_scoped3A : memref<!tpu.dma_semaphore, #tpu.memory_space<semaphore_mem>>)
      %dma_wait3A = arith.constant 2240 : i32
      %dma_wait3A_121 = tpu.memref_slice %arg7[%dma_wait3A] : memref<5120xf32, #tpu.memory_space<vmem>> -> memref<320xf32, #tpu.memory_space<vmem>>
      %dma_wait3A_122 = tpu.memref_slice %arg6[%add3A_86] : memref<81920xf32, #tpu.memory_space<vmem_shared>> -> memref<320xf32, #tpu.memory_space<vmem_shared>>
      %dma_wait3A_123 = arith.constant 2240 : i32
      %dma_wait3A_124 = tpu.memref_slice %arg7[%dma_wait3A_123] : memref<5120xf32, #tpu.memory_space<vmem>> -> memref<320xf32, #tpu.memory_space<vmem>>
      %dma_wait3A_125 = tpu.memref_slice %arg6[%add3A_86] : memref<81920xf32, #tpu.memory_space<vmem_shared>> -> memref<320xf32, #tpu.memory_space<vmem_shared>>
      tpu.wait_dma2 semaphore(%run_scoped3A : memref<!tpu.dma_semaphore, #tpu.memory_space<semaphore_mem>>) src(%dma_wait3A_125 : memref<320xf32, #tpu.memory_space<vmem_shared>>) dst(%dma_wait3A_124 : memref<320xf32, #tpu.memory_space<vmem>>)
      tpu.yield
    }) : () -> ()
    %add3A_87 = arith.constant 40960 : i32
    %add3A_88 = arith.addi %add3A_87, %mul3A_70 : i32
    "tpu.region"() ({
      %run_scoped3A = tpu.sem_alloc : memref<!tpu.dma_semaphore, #tpu.memory_space<semaphore_mem>>
      %dma_start3A = arith.constant 2560 : i32
      %dma_start3A_116 = tpu.memref_slice %arg7[%dma_start3A] : memref<5120xf32, #tpu.memory_space<vmem>> -> memref<320xf32, #tpu.memory_space<vmem>>
      %dma_start3A_117 = tpu.memref_slice %arg6[%add3A_88] : memref<81920xf32, #tpu.memory_space<vmem_shared>> -> memref<320xf32, #tpu.memory_space<vmem_shared>>
      %dma_start3A_118 = arith.constant 2560 : i32
      %dma_start3A_119 = tpu.memref_slice %arg7[%dma_start3A_118] : memref<5120xf32, #tpu.memory_space<vmem>> -> memref<320xf32, #tpu.memory_space<vmem>>
      %dma_start3A_120 = tpu.memref_slice %arg6[%add3A_88] : memref<81920xf32, #tpu.memory_space<vmem_shared>> -> memref<320xf32, #tpu.memory_space<vmem_shared>>
      tpu.enqueue_dma source(%dma_start3A_120 : memref<320xf32, #tpu.memory_space<vmem_shared>>) target(%dma_start3A_119 : memref<320xf32, #tpu.memory_space<vmem>>) target_semaphore(%run_scoped3A : memref<!tpu.dma_semaphore, #tpu.memory_space<semaphore_mem>>)
      %dma_wait3A = arith.constant 2560 : i32
      %dma_wait3A_121 = tpu.memref_slice %arg7[%dma_wait3A] : memref<5120xf32, #tpu.memory_space<vmem>> -> memref<320xf32, #tpu.memory_space<vmem>>
      %dma_wait3A_122 = tpu.memref_slice %arg6[%add3A_88] : memref<81920xf32, #tpu.memory_space<vmem_shared>> -> memref<320xf32, #tpu.memory_space<vmem_shared>>
      %dma_wait3A_123 = arith.constant 2560 : i32
      %dma_wait3A_124 = tpu.memref_slice %arg7[%dma_wait3A_123] : memref<5120xf32, #tpu.memory_space<vmem>> -> memref<320xf32, #tpu.memory_space<vmem>>
      %dma_wait3A_125 = tpu.memref_slice %arg6[%add3A_88] : memref<81920xf32, #tpu.memory_space<vmem_shared>> -> memref<320xf32, #tpu.memory_space<vmem_shared>>
      tpu.wait_dma2 semaphore(%run_scoped3A : memref<!tpu.dma_semaphore, #tpu.memory_space<semaphore_mem>>) src(%dma_wait3A_125 : memref<320xf32, #tpu.memory_space<vmem_shared>>) dst(%dma_wait3A_124 : memref<320xf32, #tpu.memory_space<vmem>>)
      tpu.yield
    }) : () -> ()
    %add3A_89 = arith.constant 46080 : i32
    %add3A_90 = arith.addi %add3A_89, %mul3A_70 : i32
    "tpu.region"() ({
      %run_scoped3A = tpu.sem_alloc : memref<!tpu.dma_semaphore, #tpu.memory_space<semaphore_mem>>
      %dma_start3A = arith.constant 2880 : i32
      %dma_start3A_116 = tpu.memref_slice %arg7[%dma_start3A] : memref<5120xf32, #tpu.memory_space<vmem>> -> memref<320xf32, #tpu.memory_space<vmem>>
      %dma_start3A_117 = tpu.memref_slice %arg6[%add3A_90] : memref<81920xf32, #tpu.memory_space<vmem_shared>> -> memref<320xf32, #tpu.memory_space<vmem_shared>>
      %dma_start3A_118 = arith.constant 2880 : i32
      %dma_start3A_119 = tpu.memref_slice %arg7[%dma_start3A_118] : memref<5120xf32, #tpu.memory_space<vmem>> -> memref<320xf32, #tpu.memory_space<vmem>>
      %dma_start3A_120 = tpu.memref_slice %arg6[%add3A_90] : memref<81920xf32, #tpu.memory_space<vmem_shared>> -> memref<320xf32, #tpu.memory_space<vmem_shared>>
      tpu.enqueue_dma source(%dma_start3A_120 : memref<320xf32, #tpu.memory_space<vmem_shared>>) target(%dma_start3A_119 : memref<320xf32, #tpu.memory_space<vmem>>) target_semaphore(%run_scoped3A : memref<!tpu.dma_semaphore, #tpu.memory_space<semaphore_mem>>)
      %dma_wait3A = arith.constant 2880 : i32
      %dma_wait3A_121 = tpu.memref_slice %arg7[%dma_wait3A] : memref<5120xf32, #tpu.memory_space<vmem>> -> memref<320xf32, #tpu.memory_space<vmem>>
      %dma_wait3A_122 = tpu.memref_slice %arg6[%add3A_90] : memref<81920xf32, #tpu.memory_space<vmem_shared>> -> memref<320xf32, #tpu.memory_space<vmem_shared>>
      %dma_wait3A_123 = arith.constant 2880 : i32
      %dma_wait3A_124 = tpu.memref_slice %arg7[%dma_wait3A_123] : memref<5120xf32, #tpu.memory_space<vmem>> -> memref<320xf32, #tpu.memory_space<vmem>>
      %dma_wait3A_125 = tpu.memref_slice %arg6[%add3A_90] : memref<81920xf32, #tpu.memory_space<vmem_shared>> -> memref<320xf32, #tpu.memory_space<vmem_shared>>
      tpu.wait_dma2 semaphore(%run_scoped3A : memref<!tpu.dma_semaphore, #tpu.memory_space<semaphore_mem>>) src(%dma_wait3A_125 : memref<320xf32, #tpu.memory_space<vmem_shared>>) dst(%dma_wait3A_124 : memref<320xf32, #tpu.memory_space<vmem>>)
      tpu.yield
    }) : () -> ()
    %add3A_91 = arith.constant 51200 : i32
    %add3A_92 = arith.addi %add3A_91, %mul3A_70 : i32
    "tpu.region"() ({
      %run_scoped3A = tpu.sem_alloc : memref<!tpu.dma_semaphore, #tpu.memory_space<semaphore_mem>>
      %dma_start3A = arith.constant 3200 : i32
      %dma_start3A_116 = tpu.memref_slice %arg7[%dma_start3A] : memref<5120xf32, #tpu.memory_space<vmem>> -> memref<320xf32, #tpu.memory_space<vmem>>
      %dma_start3A_117 = tpu.memref_slice %arg6[%add3A_92] : memref<81920xf32, #tpu.memory_space<vmem_shared>> -> memref<320xf32, #tpu.memory_space<vmem_shared>>
      %dma_start3A_118 = arith.constant 3200 : i32
      %dma_start3A_119 = tpu.memref_slice %arg7[%dma_start3A_118] : memref<5120xf32, #tpu.memory_space<vmem>> -> memref<320xf32, #tpu.memory_space<vmem>>
      %dma_start3A_120 = tpu.memref_slice %arg6[%add3A_92] : memref<81920xf32, #tpu.memory_space<vmem_shared>> -> memref<320xf32, #tpu.memory_space<vmem_shared>>
      tpu.enqueue_dma source(%dma_start3A_120 : memref<320xf32, #tpu.memory_space<vmem_shared>>) target(%dma_start3A_119 : memref<320xf32, #tpu.memory_space<vmem>>) target_semaphore(%run_scoped3A : memref<!tpu.dma_semaphore, #tpu.memory_space<semaphore_mem>>)
      %dma_wait3A = arith.constant 3200 : i32
      %dma_wait3A_121 = tpu.memref_slice %arg7[%dma_wait3A] : memref<5120xf32, #tpu.memory_space<vmem>> -> memref<320xf32, #tpu.memory_space<vmem>>
      %dma_wait3A_122 = tpu.memref_slice %arg6[%add3A_92] : memref<81920xf32, #tpu.memory_space<vmem_shared>> -> memref<320xf32, #tpu.memory_space<vmem_shared>>
      %dma_wait3A_123 = arith.constant 3200 : i32
      %dma_wait3A_124 = tpu.memref_slice %arg7[%dma_wait3A_123] : memref<5120xf32, #tpu.memory_space<vmem>> -> memref<320xf32, #tpu.memory_space<vmem>>
      %dma_wait3A_125 = tpu.memref_slice %arg6[%add3A_92] : memref<81920xf32, #tpu.memory_space<vmem_shared>> -> memref<320xf32, #tpu.memory_space<vmem_shared>>
      tpu.wait_dma2 semaphore(%run_scoped3A : memref<!tpu.dma_semaphore, #tpu.memory_space<semaphore_mem>>) src(%dma_wait3A_125 : memref<320xf32, #tpu.memory_space<vmem_shared>>) dst(%dma_wait3A_124 : memref<320xf32, #tpu.memory_space<vmem>>)
      tpu.yield
    }) : () -> ()
    %add3A_93 = arith.constant 56320 : i32
    %add3A_94 = arith.addi %add3A_93, %mul3A_70 : i32
    "tpu.region"() ({
      %run_scoped3A = tpu.sem_alloc : memref<!tpu.dma_semaphore, #tpu.memory_space<semaphore_mem>>
      %dma_start3A = arith.constant 3520 : i32
      %dma_start3A_116 = tpu.memref_slice %arg7[%dma_start3A] : memref<5120xf32, #tpu.memory_space<vmem>> -> memref<320xf32, #tpu.memory_space<vmem>>
      %dma_start3A_117 = tpu.memref_slice %arg6[%add3A_94] : memref<81920xf32, #tpu.memory_space<vmem_shared>> -> memref<320xf32, #tpu.memory_space<vmem_shared>>
      %dma_start3A_118 = arith.constant 3520 : i32
      %dma_start3A_119 = tpu.memref_slice %arg7[%dma_start3A_118] : memref<5120xf32, #tpu.memory_space<vmem>> -> memref<320xf32, #tpu.memory_space<vmem>>
      %dma_start3A_120 = tpu.memref_slice %arg6[%add3A_94] : memref<81920xf32, #tpu.memory_space<vmem_shared>> -> memref<320xf32, #tpu.memory_space<vmem_shared>>
      tpu.enqueue_dma source(%dma_start3A_120 : memref<320xf32, #tpu.memory_space<vmem_shared>>) target(%dma_start3A_119 : memref<320xf32, #tpu.memory_space<vmem>>) target_semaphore(%run_scoped3A : memref<!tpu.dma_semaphore, #tpu.memory_space<semaphore_mem>>)
      %dma_wait3A = arith.constant 3520 : i32
      %dma_wait3A_121 = tpu.memref_slice %arg7[%dma_wait3A] : memref<5120xf32, #tpu.memory_space<vmem>> -> memref<320xf32, #tpu.memory_space<vmem>>
      %dma_wait3A_122 = tpu.memref_slice %arg6[%add3A_94] : memref<81920xf32, #tpu.memory_space<vmem_shared>> -> memref<320xf32, #tpu.memory_space<vmem_shared>>
      %dma_wait3A_123 = arith.constant 3520 : i32
      %dma_wait3A_124 = tpu.memref_slice %arg7[%dma_wait3A_123] : memref<5120xf32, #tpu.memory_space<vmem>> -> memref<320xf32, #tpu.memory_space<vmem>>
      %dma_wait3A_125 = tpu.memref_slice %arg6[%add3A_94] : memref<81920xf32, #tpu.memory_space<vmem_shared>> -> memref<320xf32, #tpu.memory_space<vmem_shared>>
      tpu.wait_dma2 semaphore(%run_scoped3A : memref<!tpu.dma_semaphore, #tpu.memory_space<semaphore_mem>>) src(%dma_wait3A_125 : memref<320xf32, #tpu.memory_space<vmem_shared>>) dst(%dma_wait3A_124 : memref<320xf32, #tpu.memory_space<vmem>>)
      tpu.yield
    }) : () -> ()
    %add3A_95 = arith.constant 61440 : i32
    %add3A_96 = arith.addi %add3A_95, %mul3A_70 : i32
    "tpu.region"() ({
      %run_scoped3A = tpu.sem_alloc : memref<!tpu.dma_semaphore, #tpu.memory_space<semaphore_mem>>
      %dma_start3A = arith.constant 3840 : i32
      %dma_start3A_116 = tpu.memref_slice %arg7[%dma_start3A] : memref<5120xf32, #tpu.memory_space<vmem>> -> memref<320xf32, #tpu.memory_space<vmem>>
      %dma_start3A_117 = tpu.memref_slice %arg6[%add3A_96] : memref<81920xf32, #tpu.memory_space<vmem_shared>> -> memref<320xf32, #tpu.memory_space<vmem_shared>>
      %dma_start3A_118 = arith.constant 3840 : i32
      %dma_start3A_119 = tpu.memref_slice %arg7[%dma_start3A_118] : memref<5120xf32, #tpu.memory_space<vmem>> -> memref<320xf32, #tpu.memory_space<vmem>>
      %dma_start3A_120 = tpu.memref_slice %arg6[%add3A_96] : memref<81920xf32, #tpu.memory_space<vmem_shared>> -> memref<320xf32, #tpu.memory_space<vmem_shared>>
      tpu.enqueue_dma source(%dma_start3A_120 : memref<320xf32, #tpu.memory_space<vmem_shared>>) target(%dma_start3A_119 : memref<320xf32, #tpu.memory_space<vmem>>) target_semaphore(%run_scoped3A : memref<!tpu.dma_semaphore, #tpu.memory_space<semaphore_mem>>)
      %dma_wait3A = arith.constant 3840 : i32
      %dma_wait3A_121 = tpu.memref_slice %arg7[%dma_wait3A] : memref<5120xf32, #tpu.memory_space<vmem>> -> memref<320xf32, #tpu.memory_space<vmem>>
      %dma_wait3A_122 = tpu.memref_slice %arg6[%add3A_96] : memref<81920xf32, #tpu.memory_space<vmem_shared>> -> memref<320xf32, #tpu.memory_space<vmem_shared>>
      %dma_wait3A_123 = arith.constant 3840 : i32
      %dma_wait3A_124 = tpu.memref_slice %arg7[%dma_wait3A_123] : memref<5120xf32, #tpu.memory_space<vmem>> -> memref<320xf32, #tpu.memory_space<vmem>>
      %dma_wait3A_125 = tpu.memref_slice %arg6[%add3A_96] : memref<81920xf32, #tpu.memory_space<vmem_shared>> -> memref<320xf32, #tpu.memory_space<vmem_shared>>
      tpu.wait_dma2 semaphore(%run_scoped3A : memref<!tpu.dma_semaphore, #tpu.memory_space<semaphore_mem>>) src(%dma_wait3A_125 : memref<320xf32, #tpu.memory_space<vmem_shared>>) dst(%dma_wait3A_124 : memref<320xf32, #tpu.memory_space<vmem>>)
      tpu.yield
    }) : () -> ()
    %add3A_97 = arith.constant 66560 : i32
    %add3A_98 = arith.addi %add3A_97, %mul3A_70 : i32
    "tpu.region"() ({
      %run_scoped3A = tpu.sem_alloc : memref<!tpu.dma_semaphore, #tpu.memory_space<semaphore_mem>>
      %dma_start3A = arith.constant 4160 : i32
      %dma_start3A_116 = tpu.memref_slice %arg7[%dma_start3A] : memref<5120xf32, #tpu.memory_space<vmem>> -> memref<320xf32, #tpu.memory_space<vmem>>
      %dma_start3A_117 = tpu.memref_slice %arg6[%add3A_98] : memref<81920xf32, #tpu.memory_space<vmem_shared>> -> memref<320xf32, #tpu.memory_space<vmem_shared>>
      %dma_start3A_118 = arith.constant 4160 : i32
      %dma_start3A_119 = tpu.memref_slice %arg7[%dma_start3A_118] : memref<5120xf32, #tpu.memory_space<vmem>> -> memref<320xf32, #tpu.memory_space<vmem>>
      %dma_start3A_120 = tpu.memref_slice %arg6[%add3A_98] : memref<81920xf32, #tpu.memory_space<vmem_shared>> -> memref<320xf32, #tpu.memory_space<vmem_shared>>
      tpu.enqueue_dma source(%dma_start3A_120 : memref<320xf32, #tpu.memory_space<vmem_shared>>) target(%dma_start3A_119 : memref<320xf32, #tpu.memory_space<vmem>>) target_semaphore(%run_scoped3A : memref<!tpu.dma_semaphore, #tpu.memory_space<semaphore_mem>>)
      %dma_wait3A = arith.constant 4160 : i32
      %dma_wait3A_121 = tpu.memref_slice %arg7[%dma_wait3A] : memref<5120xf32, #tpu.memory_space<vmem>> -> memref<320xf32, #tpu.memory_space<vmem>>
      %dma_wait3A_122 = tpu.memref_slice %arg6[%add3A_98] : memref<81920xf32, #tpu.memory_space<vmem_shared>> -> memref<320xf32, #tpu.memory_space<vmem_shared>>
      %dma_wait3A_123 = arith.constant 4160 : i32
      %dma_wait3A_124 = tpu.memref_slice %arg7[%dma_wait3A_123] : memref<5120xf32, #tpu.memory_space<vmem>> -> memref<320xf32, #tpu.memory_space<vmem>>
      %dma_wait3A_125 = tpu.memref_slice %arg6[%add3A_98] : memref<81920xf32, #tpu.memory_space<vmem_shared>> -> memref<320xf32, #tpu.memory_space<vmem_shared>>
      tpu.wait_dma2 semaphore(%run_scoped3A : memref<!tpu.dma_semaphore, #tpu.memory_space<semaphore_mem>>) src(%dma_wait3A_125 : memref<320xf32, #tpu.memory_space<vmem_shared>>) dst(%dma_wait3A_124 : memref<320xf32, #tpu.memory_space<vmem>>)
      tpu.yield
    }) : () -> ()
    %add3A_99 = arith.constant 71680 : i32
    %add3A_100 = arith.addi %add3A_99, %mul3A_70 : i32
    "tpu.region"() ({
      %run_scoped3A = tpu.sem_alloc : memref<!tpu.dma_semaphore, #tpu.memory_space<semaphore_mem>>
      %dma_start3A = arith.constant 4480 : i32
      %dma_start3A_116 = tpu.memref_slice %arg7[%dma_start3A] : memref<5120xf32, #tpu.memory_space<vmem>> -> memref<320xf32, #tpu.memory_space<vmem>>
      %dma_start3A_117 = tpu.memref_slice %arg6[%add3A_100] : memref<81920xf32, #tpu.memory_space<vmem_shared>> -> memref<320xf32, #tpu.memory_space<vmem_shared>>
      %dma_start3A_118 = arith.constant 4480 : i32
      %dma_start3A_119 = tpu.memref_slice %arg7[%dma_start3A_118] : memref<5120xf32, #tpu.memory_space<vmem>> -> memref<320xf32, #tpu.memory_space<vmem>>
      %dma_start3A_120 = tpu.memref_slice %arg6[%add3A_100] : memref<81920xf32, #tpu.memory_space<vmem_shared>> -> memref<320xf32, #tpu.memory_space<vmem_shared>>
      tpu.enqueue_dma source(%dma_start3A_120 : memref<320xf32, #tpu.memory_space<vmem_shared>>) target(%dma_start3A_119 : memref<320xf32, #tpu.memory_space<vmem>>) target_semaphore(%run_scoped3A : memref<!tpu.dma_semaphore, #tpu.memory_space<semaphore_mem>>)
      %dma_wait3A = arith.constant 4480 : i32
      %dma_wait3A_121 = tpu.memref_slice %arg7[%dma_wait3A] : memref<5120xf32, #tpu.memory_space<vmem>> -> memref<320xf32, #tpu.memory_space<vmem>>
      %dma_wait3A_122 = tpu.memref_slice %arg6[%add3A_100] : memref<81920xf32, #tpu.memory_space<vmem_shared>> -> memref<320xf32, #tpu.memory_space<vmem_shared>>
      %dma_wait3A_123 = arith.constant 4480 : i32
      %dma_wait3A_124 = tpu.memref_slice %arg7[%dma_wait3A_123] : memref<5120xf32, #tpu.memory_space<vmem>> -> memref<320xf32, #tpu.memory_space<vmem>>
      %dma_wait3A_125 = tpu.memref_slice %arg6[%add3A_100] : memref<81920xf32, #tpu.memory_space<vmem_shared>> -> memref<320xf32, #tpu.memory_space<vmem_shared>>
      tpu.wait_dma2 semaphore(%run_scoped3A : memref<!tpu.dma_semaphore, #tpu.memory_space<semaphore_mem>>) src(%dma_wait3A_125 : memref<320xf32, #tpu.memory_space<vmem_shared>>) dst(%dma_wait3A_124 : memref<320xf32, #tpu.memory_space<vmem>>)
      tpu.yield
    }) : () -> ()
    %add3A_101 = arith.constant 76800 : i32
    %add3A_102 = arith.addi %add3A_101, %mul3A_70 : i32
    "tpu.region"() ({
      %run_scoped3A = tpu.sem_alloc : memref<!tpu.dma_semaphore, #tpu.memory_space<semaphore_mem>>
      %dma_start3A = arith.constant 4800 : i32
      %dma_start3A_116 = tpu.memref_slice %arg7[%dma_start3A] : memref<5120xf32, #tpu.memory_space<vmem>> -> memref<320xf32, #tpu.memory_space<vmem>>
      %dma_start3A_117 = tpu.memref_slice %arg6[%add3A_102] : memref<81920xf32, #tpu.memory_space<vmem_shared>> -> memref<320xf32, #tpu.memory_space<vmem_shared>>
      %dma_start3A_118 = arith.constant 4800 : i32
      %dma_start3A_119 = tpu.memref_slice %arg7[%dma_start3A_118] : memref<5120xf32, #tpu.memory_space<vmem>> -> memref<320xf32, #tpu.memory_space<vmem>>
      %dma_start3A_120 = tpu.memref_slice %arg6[%add3A_102] : memref<81920xf32, #tpu.memory_space<vmem_shared>> -> memref<320xf32, #tpu.memory_space<vmem_shared>>
      tpu.enqueue_dma source(%dma_start3A_120 : memref<320xf32, #tpu.memory_space<vmem_shared>>) target(%dma_start3A_119 : memref<320xf32, #tpu.memory_space<vmem>>) target_semaphore(%run_scoped3A : memref<!tpu.dma_semaphore, #tpu.memory_space<semaphore_mem>>)
      %dma_wait3A = arith.constant 4800 : i32
      %dma_wait3A_121 = tpu.memref_slice %arg7[%dma_wait3A] : memref<5120xf32, #tpu.memory_space<vmem>> -> memref<320xf32, #tpu.memory_space<vmem>>
      %dma_wait3A_122 = tpu.memref_slice %arg6[%add3A_102] : memref<81920xf32, #tpu.memory_space<vmem_shared>> -> memref<320xf32, #tpu.memory_space<vmem_shared>>
      %dma_wait3A_123 = arith.constant 4800 : i32
      %dma_wait3A_124 = tpu.memref_slice %arg7[%dma_wait3A_123] : memref<5120xf32, #tpu.memory_space<vmem>> -> memref<320xf32, #tpu.memory_space<vmem>>
      %dma_wait3A_125 = tpu.memref_slice %arg6[%add3A_102] : memref<81920xf32, #tpu.memory_space<vmem_shared>> -> memref<320xf32, #tpu.memory_space<vmem_shared>>
      tpu.wait_dma2 semaphore(%run_scoped3A : memref<!tpu.dma_semaphore, #tpu.memory_space<semaphore_mem>>) src(%dma_wait3A_125 : memref<320xf32, #tpu.memory_space<vmem_shared>>) dst(%dma_wait3A_124 : memref<320xf32, #tpu.memory_space<vmem>>)
      tpu.yield
    }) : () -> ()
    %scan3A_103 = arith.constant 0 : i32
    %scan3A_104 = arith.constant 0 : i32
    %scan3A_105 = arith.constant 20 : i32
    %scan3A_106 = arith.addi %scan3A_104, %scan3A_105 : i32
    %scan3A_107 = arith.constant 1 : i32
    %scan3A_108 = scf.for %scan3A_116 = %scan3A_104 to %scan3A_106 step %scan3A_107 iter_args(%scan3A_117 = %scan3A_103) -> (i32)  : i32 {
      %broadcast_in_dim3A_118 = arith.constant 0.000000e+00 : f32
      %broadcast_in_dim3A_119 = vector.broadcast %broadcast_in_dim3A_118 : f32 to vector<16xf32>
      %mul3A_120 = arith.constant 16 : i32
      %mul3A_121 = arith.muli %scan3A_116, %mul3A_120 : i32
      %add3A_122 = arith.constant 0 : i32
      %add3A_123 = arith.addi %add3A_122, %mul3A_121 : i32
      %get3A = arith.index_cast %add3A_123 : i32 to index
      %get3A_124 = tpu.vector_load %arg7[%get3A] {strides = array<i32>} : memref<5120xf32, #tpu.memory_space<vmem>>, vector<16xf32>,
      %add3A_125 = arith.addf %broadcast_in_dim3A_119, %get3A_124 : vector<16xf32>
      %mul3A_126 = arith.constant 16 : i32
      %mul3A_127 = arith.muli %scan3A_116, %mul3A_126 : i32
      %add3A_128 = arith.constant 320 : i32
      %add3A_129 = arith.addi %add3A_128, %mul3A_127 : i32
      %get3A_130 = arith.index_cast %add3A_129 : i32 to index
      %get3A_131 = tpu.vector_load %arg7[%get3A_130] {strides = array<i32>} : memref<5120xf32, #tpu.memory_space<vmem>>, vector<16xf32>,
      %add3A_132 = arith.addf %add3A_125, %get3A_131 : vector<16xf32>
      %mul3A_133 = arith.constant 16 : i32
      %mul3A_134 = arith.muli %scan3A_116, %mul3A_133 : i32
      %add3A_135 = arith.constant 640 : i32
      %add3A_136 = arith.addi %add3A_135, %mul3A_134 : i32
      %get3A_137 = arith.index_cast %add3A_136 : i32 to index
      %get3A_138 = tpu.vector_load %arg7[%get3A_137] {strides = array<i32>} : memref<5120xf32, #tpu.memory_space<vmem>>, vector<16xf32>,
      %add3A_139 = arith.addf %add3A_132, %get3A_138 : vector<16xf32>
      %mul3A_140 = arith.constant 16 : i32
      %mul3A_141 = arith.muli %scan3A_116, %mul3A_140 : i32
      %add3A_142 = arith.constant 960 : i32
      %add3A_143 = arith.addi %add3A_142, %mul3A_141 : i32
      %get3A_144 = arith.index_cast %add3A_143 : i32 to index
      %get3A_145 = tpu.vector_load %arg7[%get3A_144] {strides = array<i32>} : memref<5120xf32, #tpu.memory_space<vmem>>, vector<16xf32>,
      %add3A_146 = arith.addf %add3A_139, %get3A_145 : vector<16xf32>
      %mul3A_147 = arith.constant 16 : i32
      %mul3A_148 = arith.muli %scan3A_116, %mul3A_147 : i32
      %add3A_149 = arith.constant 1280 : i32
      %add3A_150 = arith.addi %add3A_149, %mul3A_148 : i32
      %get3A_151 = arith.index_cast %add3A_150 : i32 to index
      %get3A_152 = tpu.vector_load %arg7[%get3A_151] {strides = array<i32>} : memref<5120xf32, #tpu.memory_space<vmem>>, vector<16xf32>,
      %add3A_153 = arith.addf %add3A_146, %get3A_152 : vector<16xf32>
      %mul3A_154 = arith.constant 16 : i32
      %mul3A_155 = arith.muli %scan3A_116, %mul3A_154 : i32
      %add3A_156 = arith.constant 1600 : i32
      %add3A_157 = arith.addi %add3A_156, %mul3A_155 : i32
      %get3A_158 = arith.index_cast %add3A_157 : i32 to index
      %get3A_159 = tpu.vector_load %arg7[%get3A_158] {strides = array<i32>} : memref<5120xf32, #tpu.memory_space<vmem>>, vector<16xf32>,
      %add3A_160 = arith.addf %add3A_153, %get3A_159 : vector<16xf32>
      %mul3A_161 = arith.constant 16 : i32
      %mul3A_162 = arith.muli %scan3A_116, %mul3A_161 : i32
      %add3A_163 = arith.constant 1920 : i32
      %add3A_164 = arith.addi %add3A_163, %mul3A_162 : i32
      %get3A_165 = arith.index_cast %add3A_164 : i32 to index
      %get3A_166 = tpu.vector_load %arg7[%get3A_165] {strides = array<i32>} : memref<5120xf32, #tpu.memory_space<vmem>>, vector<16xf32>,
      %add3A_167 = arith.addf %add3A_160, %get3A_166 : vector<16xf32>
      %mul3A_168 = arith.constant 16 : i32
      %mul3A_169 = arith.muli %scan3A_116, %mul3A_168 : i32
      %add3A_170 = arith.constant 2240 : i32
      %add3A_171 = arith.addi %add3A_170, %mul3A_169 : i32
      %get3A_172 = arith.index_cast %add3A_171 : i32 to index
      %get3A_173 = tpu.vector_load %arg7[%get3A_172] {strides = array<i32>} : memref<5120xf32, #tpu.memory_space<vmem>>, vector<16xf32>,
      %add3A_174 = arith.addf %add3A_167, %get3A_173 : vector<16xf32>
      %mul3A_175 = arith.constant 16 : i32
      %mul3A_176 = arith.muli %scan3A_116, %mul3A_175 : i32
      %add3A_177 = arith.constant 2560 : i32
      %add3A_178 = arith.addi %add3A_177, %mul3A_176 : i32
      %get3A_179 = arith.index_cast %add3A_178 : i32 to index
      %get3A_180 = tpu.vector_load %arg7[%get3A_179] {strides = array<i32>} : memref<5120xf32, #tpu.memory_space<vmem>>, vector<16xf32>,
      %add3A_181 = arith.addf %add3A_174, %get3A_180 : vector<16xf32>
      %mul3A_182 = arith.constant 16 : i32
      %mul3A_183 = arith.muli %scan3A_116, %mul3A_182 : i32
      %add3A_184 = arith.constant 2880 : i32
      %add3A_185 = arith.addi %add3A_184, %mul3A_183 : i32
      %get3A_186 = arith.index_cast %add3A_185 : i32 to index
      %get3A_187 = tpu.vector_load %arg7[%get3A_186] {strides = array<i32>} : memref<5120xf32, #tpu.memory_space<vmem>>, vector<16xf32>,
      %add3A_188 = arith.addf %add3A_181, %get3A_187 : vector<16xf32>
      %mul3A_189 = arith.constant 16 : i32
      %mul3A_190 = arith.muli %scan3A_116, %mul3A_189 : i32
      %add3A_191 = arith.constant 3200 : i32
      %add3A_192 = arith.addi %add3A_191, %mul3A_190 : i32
      %get3A_193 = arith.index_cast %add3A_192 : i32 to index
      %get3A_194 = tpu.vector_load %arg7[%get3A_193] {strides = array<i32>} : memref<5120xf32, #tpu.memory_space<vmem>>, vector<16xf32>,
      %add3A_195 = arith.addf %add3A_188, %get3A_194 : vector<16xf32>
      %mul3A_196 = arith.constant 16 : i32
      %mul3A_197 = arith.muli %scan3A_116, %mul3A_196 : i32
      %add3A_198 = arith.constant 3520 : i32
      %add3A_199 = arith.addi %add3A_198, %mul3A_197 : i32
      %get3A_200 = arith.index_cast %add3A_199 : i32 to index
      %get3A_201 = tpu.vector_load %arg7[%get3A_200] {strides = array<i32>} : memref<5120xf32, #tpu.memory_space<vmem>>, vector<16xf32>,
      %add3A_202 = arith.addf %add3A_195, %get3A_201 : vector<16xf32>
      %mul3A_203 = arith.constant 16 : i32
      %mul3A_204 = arith.muli %scan3A_116, %mul3A_203 : i32
      %add3A_205 = arith.constant 3840 : i32
      %add3A_206 = arith.addi %add3A_205, %mul3A_204 : i32
      %get3A_207 = arith.index_cast %add3A_206 : i32 to index
      %get3A_208 = tpu.vector_load %arg7[%get3A_207] {strides = array<i32>} : memref<5120xf32, #tpu.memory_space<vmem>>, vector<16xf32>,
      %add3A_209 = arith.addf %add3A_202, %get3A_208 : vector<16xf32>
      %mul3A_210 = arith.constant 16 : i32
      %mul3A_211 = arith.muli %scan3A_116, %mul3A_210 : i32
      %add3A_212 = arith.constant 4160 : i32
      %add3A_213 = arith.addi %add3A_212, %mul3A_211 : i32
      %get3A_214 = arith.index_cast %add3A_213 : i32 to index
      %get3A_215 = tpu.vector_load %arg7[%get3A_214] {strides = array<i32>} : memref<5120xf32, #tpu.memory_space<vmem>>, vector<16xf32>,
      %add3A_216 = arith.addf %add3A_209, %get3A_215 : vector<16xf32>
      %mul3A_217 = arith.constant 16 : i32
      %mul3A_218 = arith.muli %scan3A_116, %mul3A_217 : i32
      %add3A_219 = arith.constant 4480 : i32
      %add3A_220 = arith.addi %add3A_219, %mul3A_218 : i32
      %get3A_221 = arith.index_cast %add3A_220 : i32 to index
      %get3A_222 = tpu.vector_load %arg7[%get3A_221] {strides = array<i32>} : memref<5120xf32, #tpu.memory_space<vmem>>, vector<16xf32>,
      %add3A_223 = arith.addf %add3A_216, %get3A_222 : vector<16xf32>
      %mul3A_224 = arith.constant 16 : i32
      %mul3A_225 = arith.muli %scan3A_116, %mul3A_224 : i32
      %add3A_226 = arith.constant 4800 : i32
      %add3A_227 = arith.addi %add3A_226, %mul3A_225 : i32
      %get3A_228 = arith.index_cast %add3A_227 : i32 to index
      %get3A_229 = tpu.vector_load %arg7[%get3A_228] {strides = array<i32>} : memref<5120xf32, #tpu.memory_space<vmem>>, vector<16xf32>,
      %add3A_230 = arith.addf %add3A_223, %get3A_229 : vector<16xf32>
      %mul3A_231 = arith.constant 16 : i32
      %mul3A_232 = arith.muli %scan3A_116, %mul3A_231 : i32
      %swap3A = arith.index_cast %mul3A_232 : i32 to index
      %swap3A_233 = tpu.vector_load %arg5[%swap3A] {strides = array<i32>} : memref<10240xf32, #tpu.memory_space<vmem>>, vector<16xf32>,
      tpu.vector_store %arg5[%swap3A], %add3A_230 {strides = array<i32>} : memref<10240xf32, #tpu.memory_space<vmem>>, vector<16xf32>,
      %scan3A_234 = arith.constant 0 : i32
      scf.yield %scan3A_234 : i32
    }
    %scan3A_109 = arith.constant 20 : i32
    %mul3A_110 = arith.constant 10240 : i32
    %mul3A_111 = arith.muli %arg0, %mul3A_110 : i32
    %add3A_112 = arith.constant 5120 : i32
    %add3A_113 = arith.addi %mul3A_111, %add3A_112 : i32
    %add3A_114 = arith.addi %add3A_113, %mul3A_70 : i32
    "tpu.region"() ({
      %run_scoped3A = tpu.sem_alloc : memref<!tpu.dma_semaphore, #tpu.memory_space<semaphore_mem>>
      %dma_start3A = arith.constant 0 : i32
      %dma_start3A_116 = tpu.memref_slice %arg5[%dma_start3A] : memref<10240xf32, #tpu.memory_space<vmem>> -> memref<320xf32, #tpu.memory_space<vmem>>
      %dma_start3A_117 = tpu.memref_slice %arg3[%add3A_114] : memref<20480xf32, #tpu.memory_space<hbm>> -> memref<320xf32, #tpu.memory_space<hbm>>
      %dma_start3A_118 = tpu.memref_slice %arg3[%add3A_114] : memref<20480xf32, #tpu.memory_space<hbm>> -> memref<320xf32, #tpu.memory_space<hbm>>
      %dma_start3A_119 = arith.constant 0 : i32
      %dma_start3A_120 = tpu.memref_slice %arg5[%dma_start3A_119] : memref<10240xf32, #tpu.memory_space<vmem>> -> memref<320xf32, #tpu.memory_space<vmem>>
      tpu.enqueue_dma source(%dma_start3A_120 : memref<320xf32, #tpu.memory_space<vmem>>) target(%dma_start3A_118 : memref<320xf32, #tpu.memory_space<hbm>>) target_semaphore(%run_scoped3A : memref<!tpu.dma_semaphore, #tpu.memory_space<semaphore_mem>>)
      %dma_wait3A = arith.constant 0 : i32
      %dma_wait3A_121 = tpu.memref_slice %arg5[%dma_wait3A] : memref<10240xf32, #tpu.memory_space<vmem>> -> memref<320xf32, #tpu.memory_space<vmem>>
      %dma_wait3A_122 = tpu.memref_slice %arg3[%add3A_114] : memref<20480xf32, #tpu.memory_space<hbm>> -> memref<320xf32, #tpu.memory_space<hbm>>
      %dma_wait3A_123 = tpu.memref_slice %arg3[%add3A_114] : memref<20480xf32, #tpu.memory_space<hbm>> -> memref<320xf32, #tpu.memory_space<hbm>>
      %dma_wait3A_124 = arith.constant 0 : i32
      %dma_wait3A_125 = tpu.memref_slice %arg5[%dma_wait3A_124] : memref<10240xf32, #tpu.memory_space<vmem>> -> memref<320xf32, #tpu.memory_space<vmem>>
      tpu.wait_dma2 semaphore(%run_scoped3A : memref<!tpu.dma_semaphore, #tpu.memory_space<semaphore_mem>>) src(%dma_wait3A_125 : memref<320xf32, #tpu.memory_space<vmem>>) dst(%dma_wait3A_123 : memref<320xf32, #tpu.memory_space<hbm>>)
      tpu.yield
    }) : () -> ()
    %barrier3A_115 = arith.constant 0 : index
    tpu.barrier barrier_id(%barrier3A_115)
    return
  }
}

#map = affine_map<(d0, d1) -> (0, 0)>
#map1 = affine_map<(d0, d1) -> (0, 0, 0, 0)>
#map2 = affine_map<(d0, d1) -> (0, 0, 0)>
module attributes {stable_mosaic.version = 14 : i64} {
  func.func @_sc_propagate(%arg0: i32, %arg1: i32, %arg2: memref<10000x128xf32, #tpu.memory_space<hbm>>, %arg3: memref<32x179x2x56xi32, #tpu.memory_space<hbm>>, %arg4: memref<2x10112x128xf32, #tpu.memory_space<hbm>>, %arg5: memref<6x2x56xi32, #tpu.memory_space<vmem>>, %arg6: memref<6x56x128xf32, #tpu.memory_space<vmem>>, %arg7: memref<10112x128xf32, #tpu.memory_space<vmem_shared>>, %arg8: memref<8x128xf32, #tpu.memory_space<vmem>>, %arg9: memref<!tpu.dma_semaphore, #tpu.memory_space<semaphore_mem>>, %arg10: memref<!tpu.dma_semaphore, #tpu.memory_space<semaphore_mem>>) attributes {dimension_semantics = [#tpu.dimension_semantics<core_parallel>, #tpu.dimension_semantics<subcore_parallel>], iteration_bounds = array<i64: 2, 16>, scalar_prefetch = 0 : i64, scratch_operands = 6 : i64, tpu.core_type = #tpu.core_type<sc_vector_subcore>, window_params = [{transform_indices = #map}, {transform_indices = #map1}, {transform_indices = #map2}]} {
    %mul3A = arith.constant 16 : i32
    %mul3A_0 = arith.muli %arg0, %mul3A : i32
    %add3A = arith.addi %mul3A_0, %arg1 : i32
    %broadcast_in_dim3A = arith.constant 0.000000e+00 : f32
    %broadcast_in_dim3A_1 = vector.broadcast %broadcast_in_dim3A : f32 to vector<16xf32>
    %swap3A = arith.constant 0 : i32
    %swap3A_2 = arith.index_cast %swap3A : i32 to index
    %swap3A_3 = arith.constant 0 : index
    %swap3A_4 = tpu.vector_load %arg8[%swap3A_2, %swap3A_3] {strides = array<i32>} : memref<8x128xf32, #tpu.memory_space<vmem>>, vector<16xf32>,
    tpu.vector_store %arg8[%swap3A_2, %swap3A_3], %broadcast_in_dim3A_1 {strides = array<i32>} : memref<8x128xf32, #tpu.memory_space<vmem>>, vector<16xf32>,
    %broadcast_in_dim3A_5 = arith.constant 0.000000e+00 : f32
    %broadcast_in_dim3A_6 = vector.broadcast %broadcast_in_dim3A_5 : f32 to vector<16xf32>
    %swap3A_7 = arith.constant 0 : i32
    %swap3A_8 = arith.index_cast %swap3A_7 : i32 to index
    %swap3A_9 = arith.constant 16 : index
    %swap3A_10 = tpu.vector_load %arg8[%swap3A_8, %swap3A_9] {strides = array<i32>} : memref<8x128xf32, #tpu.memory_space<vmem>>, vector<16xf32>,
    tpu.vector_store %arg8[%swap3A_8, %swap3A_9], %broadcast_in_dim3A_6 {strides = array<i32>} : memref<8x128xf32, #tpu.memory_space<vmem>>, vector<16xf32>,
    %broadcast_in_dim3A_11 = arith.constant 0.000000e+00 : f32
    %broadcast_in_dim3A_12 = vector.broadcast %broadcast_in_dim3A_11 : f32 to vector<16xf32>
    %swap3A_13 = arith.constant 0 : i32
    %swap3A_14 = arith.index_cast %swap3A_13 : i32 to index
    %swap3A_15 = arith.constant 32 : index
    %swap3A_16 = tpu.vector_load %arg8[%swap3A_14, %swap3A_15] {strides = array<i32>} : memref<8x128xf32, #tpu.memory_space<vmem>>, vector<16xf32>,
    tpu.vector_store %arg8[%swap3A_14, %swap3A_15], %broadcast_in_dim3A_12 {strides = array<i32>} : memref<8x128xf32, #tpu.memory_space<vmem>>, vector<16xf32>,
    %broadcast_in_dim3A_17 = arith.constant 0.000000e+00 : f32
    %broadcast_in_dim3A_18 = vector.broadcast %broadcast_in_dim3A_17 : f32 to vector<16xf32>
    %swap3A_19 = arith.constant 0 : i32
    %swap3A_20 = arith.index_cast %swap3A_19 : i32 to index
    %swap3A_21 = arith.constant 48 : index
    %swap3A_22 = tpu.vector_load %arg8[%swap3A_20, %swap3A_21] {strides = array<i32>} : memref<8x128xf32, #tpu.memory_space<vmem>>, vector<16xf32>,
    tpu.vector_store %arg8[%swap3A_20, %swap3A_21], %broadcast_in_dim3A_18 {strides = array<i32>} : memref<8x128xf32, #tpu.memory_space<vmem>>, vector<16xf32>,
    %broadcast_in_dim3A_23 = arith.constant 0.000000e+00 : f32
    %broadcast_in_dim3A_24 = vector.broadcast %broadcast_in_dim3A_23 : f32 to vector<16xf32>
    %swap3A_25 = arith.constant 0 : i32
    %swap3A_26 = arith.index_cast %swap3A_25 : i32 to index
    %swap3A_27 = arith.constant 64 : index
    %swap3A_28 = tpu.vector_load %arg8[%swap3A_26, %swap3A_27] {strides = array<i32>} : memref<8x128xf32, #tpu.memory_space<vmem>>, vector<16xf32>,
    tpu.vector_store %arg8[%swap3A_26, %swap3A_27], %broadcast_in_dim3A_24 {strides = array<i32>} : memref<8x128xf32, #tpu.memory_space<vmem>>, vector<16xf32>,
    %broadcast_in_dim3A_29 = arith.constant 0.000000e+00 : f32
    %broadcast_in_dim3A_30 = vector.broadcast %broadcast_in_dim3A_29 : f32 to vector<16xf32>
    %swap3A_31 = arith.constant 0 : i32
    %swap3A_32 = arith.index_cast %swap3A_31 : i32 to index
    %swap3A_33 = arith.constant 80 : index
    %swap3A_34 = tpu.vector_load %arg8[%swap3A_32, %swap3A_33] {strides = array<i32>} : memref<8x128xf32, #tpu.memory_space<vmem>>, vector<16xf32>,
    tpu.vector_store %arg8[%swap3A_32, %swap3A_33], %broadcast_in_dim3A_30 {strides = array<i32>} : memref<8x128xf32, #tpu.memory_space<vmem>>, vector<16xf32>,
    %broadcast_in_dim3A_35 = arith.constant 0.000000e+00 : f32
    %broadcast_in_dim3A_36 = vector.broadcast %broadcast_in_dim3A_35 : f32 to vector<16xf32>
    %swap3A_37 = arith.constant 0 : i32
    %swap3A_38 = arith.index_cast %swap3A_37 : i32 to index
    %swap3A_39 = arith.constant 96 : index
    %swap3A_40 = tpu.vector_load %arg8[%swap3A_38, %swap3A_39] {strides = array<i32>} : memref<8x128xf32, #tpu.memory_space<vmem>>, vector<16xf32>,
    tpu.vector_store %arg8[%swap3A_38, %swap3A_39], %broadcast_in_dim3A_36 {strides = array<i32>} : memref<8x128xf32, #tpu.memory_space<vmem>>, vector<16xf32>,
    %broadcast_in_dim3A_41 = arith.constant 0.000000e+00 : f32
    %broadcast_in_dim3A_42 = vector.broadcast %broadcast_in_dim3A_41 : f32 to vector<16xf32>
    %swap3A_43 = arith.constant 0 : i32
    %swap3A_44 = arith.index_cast %swap3A_43 : i32 to index
    %swap3A_45 = arith.constant 112 : index
    %swap3A_46 = tpu.vector_load %arg8[%swap3A_44, %swap3A_45] {strides = array<i32>} : memref<8x128xf32, #tpu.memory_space<vmem>>, vector<16xf32>,
    tpu.vector_store %arg8[%swap3A_44, %swap3A_45], %broadcast_in_dim3A_42 {strides = array<i32>} : memref<8x128xf32, #tpu.memory_space<vmem>>, vector<16xf32>,
    %broadcast_in_dim3A_47 = arith.constant 0.000000e+00 : f32
    %broadcast_in_dim3A_48 = vector.broadcast %broadcast_in_dim3A_47 : f32 to vector<16xf32>
    %swap3A_49 = arith.constant 1 : i32
    %swap3A_50 = arith.index_cast %swap3A_49 : i32 to index
    %swap3A_51 = arith.constant 0 : index
    %swap3A_52 = tpu.vector_load %arg8[%swap3A_50, %swap3A_51] {strides = array<i32>} : memref<8x128xf32, #tpu.memory_space<vmem>>, vector<16xf32>,
    tpu.vector_store %arg8[%swap3A_50, %swap3A_51], %broadcast_in_dim3A_48 {strides = array<i32>} : memref<8x128xf32, #tpu.memory_space<vmem>>, vector<16xf32>,
    %broadcast_in_dim3A_53 = arith.constant 0.000000e+00 : f32
    %broadcast_in_dim3A_54 = vector.broadcast %broadcast_in_dim3A_53 : f32 to vector<16xf32>
    %swap3A_55 = arith.constant 1 : i32
    %swap3A_56 = arith.index_cast %swap3A_55 : i32 to index
    %swap3A_57 = arith.constant 16 : index
    %swap3A_58 = tpu.vector_load %arg8[%swap3A_56, %swap3A_57] {strides = array<i32>} : memref<8x128xf32, #tpu.memory_space<vmem>>, vector<16xf32>,
    tpu.vector_store %arg8[%swap3A_56, %swap3A_57], %broadcast_in_dim3A_54 {strides = array<i32>} : memref<8x128xf32, #tpu.memory_space<vmem>>, vector<16xf32>,
    %broadcast_in_dim3A_59 = arith.constant 0.000000e+00 : f32
    %broadcast_in_dim3A_60 = vector.broadcast %broadcast_in_dim3A_59 : f32 to vector<16xf32>
    %swap3A_61 = arith.constant 1 : i32
    %swap3A_62 = arith.index_cast %swap3A_61 : i32 to index
    %swap3A_63 = arith.constant 32 : index
    %swap3A_64 = tpu.vector_load %arg8[%swap3A_62, %swap3A_63] {strides = array<i32>} : memref<8x128xf32, #tpu.memory_space<vmem>>, vector<16xf32>,
    tpu.vector_store %arg8[%swap3A_62, %swap3A_63], %broadcast_in_dim3A_60 {strides = array<i32>} : memref<8x128xf32, #tpu.memory_space<vmem>>, vector<16xf32>,
    %broadcast_in_dim3A_65 = arith.constant 0.000000e+00 : f32
    %broadcast_in_dim3A_66 = vector.broadcast %broadcast_in_dim3A_65 : f32 to vector<16xf32>
    %swap3A_67 = arith.constant 1 : i32
    %swap3A_68 = arith.index_cast %swap3A_67 : i32 to index
    %swap3A_69 = arith.constant 48 : index
    %swap3A_70 = tpu.vector_load %arg8[%swap3A_68, %swap3A_69] {strides = array<i32>} : memref<8x128xf32, #tpu.memory_space<vmem>>, vector<16xf32>,
    tpu.vector_store %arg8[%swap3A_68, %swap3A_69], %broadcast_in_dim3A_66 {strides = array<i32>} : memref<8x128xf32, #tpu.memory_space<vmem>>, vector<16xf32>,
    %broadcast_in_dim3A_71 = arith.constant 0.000000e+00 : f32
    %broadcast_in_dim3A_72 = vector.broadcast %broadcast_in_dim3A_71 : f32 to vector<16xf32>
    %swap3A_73 = arith.constant 1 : i32
    %swap3A_74 = arith.index_cast %swap3A_73 : i32 to index
    %swap3A_75 = arith.constant 64 : index
    %swap3A_76 = tpu.vector_load %arg8[%swap3A_74, %swap3A_75] {strides = array<i32>} : memref<8x128xf32, #tpu.memory_space<vmem>>, vector<16xf32>,
    tpu.vector_store %arg8[%swap3A_74, %swap3A_75], %broadcast_in_dim3A_72 {strides = array<i32>} : memref<8x128xf32, #tpu.memory_space<vmem>>, vector<16xf32>,
    %broadcast_in_dim3A_77 = arith.constant 0.000000e+00 : f32
    %broadcast_in_dim3A_78 = vector.broadcast %broadcast_in_dim3A_77 : f32 to vector<16xf32>
    %swap3A_79 = arith.constant 1 : i32
    %swap3A_80 = arith.index_cast %swap3A_79 : i32 to index
    %swap3A_81 = arith.constant 80 : index
    %swap3A_82 = tpu.vector_load %arg8[%swap3A_80, %swap3A_81] {strides = array<i32>} : memref<8x128xf32, #tpu.memory_space<vmem>>, vector<16xf32>,
    tpu.vector_store %arg8[%swap3A_80, %swap3A_81], %broadcast_in_dim3A_78 {strides = array<i32>} : memref<8x128xf32, #tpu.memory_space<vmem>>, vector<16xf32>,
    %broadcast_in_dim3A_83 = arith.constant 0.000000e+00 : f32
    %broadcast_in_dim3A_84 = vector.broadcast %broadcast_in_dim3A_83 : f32 to vector<16xf32>
    %swap3A_85 = arith.constant 1 : i32
    %swap3A_86 = arith.index_cast %swap3A_85 : i32 to index
    %swap3A_87 = arith.constant 96 : index
    %swap3A_88 = tpu.vector_load %arg8[%swap3A_86, %swap3A_87] {strides = array<i32>} : memref<8x128xf32, #tpu.memory_space<vmem>>, vector<16xf32>,
    tpu.vector_store %arg8[%swap3A_86, %swap3A_87], %broadcast_in_dim3A_84 {strides = array<i32>} : memref<8x128xf32, #tpu.memory_space<vmem>>, vector<16xf32>,
    %broadcast_in_dim3A_89 = arith.constant 0.000000e+00 : f32
    %broadcast_in_dim3A_90 = vector.broadcast %broadcast_in_dim3A_89 : f32 to vector<16xf32>
    %swap3A_91 = arith.constant 1 : i32
    %swap3A_92 = arith.index_cast %swap3A_91 : i32 to index
    %swap3A_93 = arith.constant 112 : index
    %swap3A_94 = tpu.vector_load %arg8[%swap3A_92, %swap3A_93] {strides = array<i32>} : memref<8x128xf32, #tpu.memory_space<vmem>>, vector<16xf32>,
    tpu.vector_store %arg8[%swap3A_92, %swap3A_93], %broadcast_in_dim3A_90 {strides = array<i32>} : memref<8x128xf32, #tpu.memory_space<vmem>>, vector<16xf32>,
    %broadcast_in_dim3A_95 = arith.constant 0.000000e+00 : f32
    %broadcast_in_dim3A_96 = vector.broadcast %broadcast_in_dim3A_95 : f32 to vector<16xf32>
    %swap3A_97 = arith.constant 2 : i32
    %swap3A_98 = arith.index_cast %swap3A_97 : i32 to index
    %swap3A_99 = arith.constant 0 : index
    %swap3A_100 = tpu.vector_load %arg8[%swap3A_98, %swap3A_99] {strides = array<i32>} : memref<8x128xf32, #tpu.memory_space<vmem>>, vector<16xf32>,
    tpu.vector_store %arg8[%swap3A_98, %swap3A_99], %broadcast_in_dim3A_96 {strides = array<i32>} : memref<8x128xf32, #tpu.memory_space<vmem>>, vector<16xf32>,
    %broadcast_in_dim3A_101 = arith.constant 0.000000e+00 : f32
    %broadcast_in_dim3A_102 = vector.broadcast %broadcast_in_dim3A_101 : f32 to vector<16xf32>
    %swap3A_103 = arith.constant 2 : i32
    %swap3A_104 = arith.index_cast %swap3A_103 : i32 to index
    %swap3A_105 = arith.constant 16 : index
    %swap3A_106 = tpu.vector_load %arg8[%swap3A_104, %swap3A_105] {strides = array<i32>} : memref<8x128xf32, #tpu.memory_space<vmem>>, vector<16xf32>,
    tpu.vector_store %arg8[%swap3A_104, %swap3A_105], %broadcast_in_dim3A_102 {strides = array<i32>} : memref<8x128xf32, #tpu.memory_space<vmem>>, vector<16xf32>,
    %broadcast_in_dim3A_107 = arith.constant 0.000000e+00 : f32
    %broadcast_in_dim3A_108 = vector.broadcast %broadcast_in_dim3A_107 : f32 to vector<16xf32>
    %swap3A_109 = arith.constant 2 : i32
    %swap3A_110 = arith.index_cast %swap3A_109 : i32 to index
    %swap3A_111 = arith.constant 32 : index
    %swap3A_112 = tpu.vector_load %arg8[%swap3A_110, %swap3A_111] {strides = array<i32>} : memref<8x128xf32, #tpu.memory_space<vmem>>, vector<16xf32>,
    tpu.vector_store %arg8[%swap3A_110, %swap3A_111], %broadcast_in_dim3A_108 {strides = array<i32>} : memref<8x128xf32, #tpu.memory_space<vmem>>, vector<16xf32>,
    %broadcast_in_dim3A_113 = arith.constant 0.000000e+00 : f32
    %broadcast_in_dim3A_114 = vector.broadcast %broadcast_in_dim3A_113 : f32 to vector<16xf32>
    %swap3A_115 = arith.constant 2 : i32
    %swap3A_116 = arith.index_cast %swap3A_115 : i32 to index
    %swap3A_117 = arith.constant 48 : index
    %swap3A_118 = tpu.vector_load %arg8[%swap3A_116, %swap3A_117] {strides = array<i32>} : memref<8x128xf32, #tpu.memory_space<vmem>>, vector<16xf32>,
    tpu.vector_store %arg8[%swap3A_116, %swap3A_117], %broadcast_in_dim3A_114 {strides = array<i32>} : memref<8x128xf32, #tpu.memory_space<vmem>>, vector<16xf32>,
    %broadcast_in_dim3A_119 = arith.constant 0.000000e+00 : f32
    %broadcast_in_dim3A_120 = vector.broadcast %broadcast_in_dim3A_119 : f32 to vector<16xf32>
    %swap3A_121 = arith.constant 2 : i32
    %swap3A_122 = arith.index_cast %swap3A_121 : i32 to index
    %swap3A_123 = arith.constant 64 : index
    %swap3A_124 = tpu.vector_load %arg8[%swap3A_122, %swap3A_123] {strides = array<i32>} : memref<8x128xf32, #tpu.memory_space<vmem>>, vector<16xf32>,
    tpu.vector_store %arg8[%swap3A_122, %swap3A_123], %broadcast_in_dim3A_120 {strides = array<i32>} : memref<8x128xf32, #tpu.memory_space<vmem>>, vector<16xf32>,
    %broadcast_in_dim3A_125 = arith.constant 0.000000e+00 : f32
    %broadcast_in_dim3A_126 = vector.broadcast %broadcast_in_dim3A_125 : f32 to vector<16xf32>
    %swap3A_127 = arith.constant 2 : i32
    %swap3A_128 = arith.index_cast %swap3A_127 : i32 to index
    %swap3A_129 = arith.constant 80 : index
    %swap3A_130 = tpu.vector_load %arg8[%swap3A_128, %swap3A_129] {strides = array<i32>} : memref<8x128xf32, #tpu.memory_space<vmem>>, vector<16xf32>,
    tpu.vector_store %arg8[%swap3A_128, %swap3A_129], %broadcast_in_dim3A_126 {strides = array<i32>} : memref<8x128xf32, #tpu.memory_space<vmem>>, vector<16xf32>,
    %broadcast_in_dim3A_131 = arith.constant 0.000000e+00 : f32
    %broadcast_in_dim3A_132 = vector.broadcast %broadcast_in_dim3A_131 : f32 to vector<16xf32>
    %swap3A_133 = arith.constant 2 : i32
    %swap3A_134 = arith.index_cast %swap3A_133 : i32 to index
    %swap3A_135 = arith.constant 96 : index
    %swap3A_136 = tpu.vector_load %arg8[%swap3A_134, %swap3A_135] {strides = array<i32>} : memref<8x128xf32, #tpu.memory_space<vmem>>, vector<16xf32>,
    tpu.vector_store %arg8[%swap3A_134, %swap3A_135], %broadcast_in_dim3A_132 {strides = array<i32>} : memref<8x128xf32, #tpu.memory_space<vmem>>, vector<16xf32>,
    %broadcast_in_dim3A_137 = arith.constant 0.000000e+00 : f32
    %broadcast_in_dim3A_138 = vector.broadcast %broadcast_in_dim3A_137 : f32 to vector<16xf32>
    %swap3A_139 = arith.constant 2 : i32
    %swap3A_140 = arith.index_cast %swap3A_139 : i32 to index
    %swap3A_141 = arith.constant 112 : index
    %swap3A_142 = tpu.vector_load %arg8[%swap3A_140, %swap3A_141] {strides = array<i32>} : memref<8x128xf32, #tpu.memory_space<vmem>>, vector<16xf32>,
    tpu.vector_store %arg8[%swap3A_140, %swap3A_141], %broadcast_in_dim3A_138 {strides = array<i32>} : memref<8x128xf32, #tpu.memory_space<vmem>>, vector<16xf32>,
    %broadcast_in_dim3A_143 = arith.constant 0.000000e+00 : f32
    %broadcast_in_dim3A_144 = vector.broadcast %broadcast_in_dim3A_143 : f32 to vector<16xf32>
    %swap3A_145 = arith.constant 3 : i32
    %swap3A_146 = arith.index_cast %swap3A_145 : i32 to index
    %swap3A_147 = arith.constant 0 : index
    %swap3A_148 = tpu.vector_load %arg8[%swap3A_146, %swap3A_147] {strides = array<i32>} : memref<8x128xf32, #tpu.memory_space<vmem>>, vector<16xf32>,
    tpu.vector_store %arg8[%swap3A_146, %swap3A_147], %broadcast_in_dim3A_144 {strides = array<i32>} : memref<8x128xf32, #tpu.memory_space<vmem>>, vector<16xf32>,
    %broadcast_in_dim3A_149 = arith.constant 0.000000e+00 : f32
    %broadcast_in_dim3A_150 = vector.broadcast %broadcast_in_dim3A_149 : f32 to vector<16xf32>
    %swap3A_151 = arith.constant 3 : i32
    %swap3A_152 = arith.index_cast %swap3A_151 : i32 to index
    %swap3A_153 = arith.constant 16 : index
    %swap3A_154 = tpu.vector_load %arg8[%swap3A_152, %swap3A_153] {strides = array<i32>} : memref<8x128xf32, #tpu.memory_space<vmem>>, vector<16xf32>,
    tpu.vector_store %arg8[%swap3A_152, %swap3A_153], %broadcast_in_dim3A_150 {strides = array<i32>} : memref<8x128xf32, #tpu.memory_space<vmem>>, vector<16xf32>,
    %broadcast_in_dim3A_155 = arith.constant 0.000000e+00 : f32
    %broadcast_in_dim3A_156 = vector.broadcast %broadcast_in_dim3A_155 : f32 to vector<16xf32>
    %swap3A_157 = arith.constant 3 : i32
    %swap3A_158 = arith.index_cast %swap3A_157 : i32 to index
    %swap3A_159 = arith.constant 32 : index
    %swap3A_160 = tpu.vector_load %arg8[%swap3A_158, %swap3A_159] {strides = array<i32>} : memref<8x128xf32, #tpu.memory_space<vmem>>, vector<16xf32>,
    tpu.vector_store %arg8[%swap3A_158, %swap3A_159], %broadcast_in_dim3A_156 {strides = array<i32>} : memref<8x128xf32, #tpu.memory_space<vmem>>, vector<16xf32>,
    %broadcast_in_dim3A_161 = arith.constant 0.000000e+00 : f32
    %broadcast_in_dim3A_162 = vector.broadcast %broadcast_in_dim3A_161 : f32 to vector<16xf32>
    %swap3A_163 = arith.constant 3 : i32
    %swap3A_164 = arith.index_cast %swap3A_163 : i32 to index
    %swap3A_165 = arith.constant 48 : index
    %swap3A_166 = tpu.vector_load %arg8[%swap3A_164, %swap3A_165] {strides = array<i32>} : memref<8x128xf32, #tpu.memory_space<vmem>>, vector<16xf32>,
    tpu.vector_store %arg8[%swap3A_164, %swap3A_165], %broadcast_in_dim3A_162 {strides = array<i32>} : memref<8x128xf32, #tpu.memory_space<vmem>>, vector<16xf32>,
    %broadcast_in_dim3A_167 = arith.constant 0.000000e+00 : f32
    %broadcast_in_dim3A_168 = vector.broadcast %broadcast_in_dim3A_167 : f32 to vector<16xf32>
    %swap3A_169 = arith.constant 3 : i32
    %swap3A_170 = arith.index_cast %swap3A_169 : i32 to index
    %swap3A_171 = arith.constant 64 : index
    %swap3A_172 = tpu.vector_load %arg8[%swap3A_170, %swap3A_171] {strides = array<i32>} : memref<8x128xf32, #tpu.memory_space<vmem>>, vector<16xf32>,
    tpu.vector_store %arg8[%swap3A_170, %swap3A_171], %broadcast_in_dim3A_168 {strides = array<i32>} : memref<8x128xf32, #tpu.memory_space<vmem>>, vector<16xf32>,
    %broadcast_in_dim3A_173 = arith.constant 0.000000e+00 : f32
    %broadcast_in_dim3A_174 = vector.broadcast %broadcast_in_dim3A_173 : f32 to vector<16xf32>
    %swap3A_175 = arith.constant 3 : i32
    %swap3A_176 = arith.index_cast %swap3A_175 : i32 to index
    %swap3A_177 = arith.constant 80 : index
    %swap3A_178 = tpu.vector_load %arg8[%swap3A_176, %swap3A_177] {strides = array<i32>} : memref<8x128xf32, #tpu.memory_space<vmem>>, vector<16xf32>,
    tpu.vector_store %arg8[%swap3A_176, %swap3A_177], %broadcast_in_dim3A_174 {strides = array<i32>} : memref<8x128xf32, #tpu.memory_space<vmem>>, vector<16xf32>,
    %broadcast_in_dim3A_179 = arith.constant 0.000000e+00 : f32
    %broadcast_in_dim3A_180 = vector.broadcast %broadcast_in_dim3A_179 : f32 to vector<16xf32>
    %swap3A_181 = arith.constant 3 : i32
    %swap3A_182 = arith.index_cast %swap3A_181 : i32 to index
    %swap3A_183 = arith.constant 96 : index
    %swap3A_184 = tpu.vector_load %arg8[%swap3A_182, %swap3A_183] {strides = array<i32>} : memref<8x128xf32, #tpu.memory_space<vmem>>, vector<16xf32>,
    tpu.vector_store %arg8[%swap3A_182, %swap3A_183], %broadcast_in_dim3A_180 {strides = array<i32>} : memref<8x128xf32, #tpu.memory_space<vmem>>, vector<16xf32>,
    %broadcast_in_dim3A_185 = arith.constant 0.000000e+00 : f32
    %broadcast_in_dim3A_186 = vector.broadcast %broadcast_in_dim3A_185 : f32 to vector<16xf32>
    %swap3A_187 = arith.constant 3 : i32
    %swap3A_188 = arith.index_cast %swap3A_187 : i32 to index
    %swap3A_189 = arith.constant 112 : index
    %swap3A_190 = tpu.vector_load %arg8[%swap3A_188, %swap3A_189] {strides = array<i32>} : memref<8x128xf32, #tpu.memory_space<vmem>>, vector<16xf32>,
    tpu.vector_store %arg8[%swap3A_188, %swap3A_189], %broadcast_in_dim3A_186 {strides = array<i32>} : memref<8x128xf32, #tpu.memory_space<vmem>>, vector<16xf32>,
    %broadcast_in_dim3A_191 = arith.constant 0.000000e+00 : f32
    %broadcast_in_dim3A_192 = vector.broadcast %broadcast_in_dim3A_191 : f32 to vector<16xf32>
    %swap3A_193 = arith.constant 4 : i32
    %swap3A_194 = arith.index_cast %swap3A_193 : i32 to index
    %swap3A_195 = arith.constant 0 : index
    %swap3A_196 = tpu.vector_load %arg8[%swap3A_194, %swap3A_195] {strides = array<i32>} : memref<8x128xf32, #tpu.memory_space<vmem>>, vector<16xf32>,
    tpu.vector_store %arg8[%swap3A_194, %swap3A_195], %broadcast_in_dim3A_192 {strides = array<i32>} : memref<8x128xf32, #tpu.memory_space<vmem>>, vector<16xf32>,
    %broadcast_in_dim3A_197 = arith.constant 0.000000e+00 : f32
    %broadcast_in_dim3A_198 = vector.broadcast %broadcast_in_dim3A_197 : f32 to vector<16xf32>
    %swap3A_199 = arith.constant 4 : i32
    %swap3A_200 = arith.index_cast %swap3A_199 : i32 to index
    %swap3A_201 = arith.constant 16 : index
    %swap3A_202 = tpu.vector_load %arg8[%swap3A_200, %swap3A_201] {strides = array<i32>} : memref<8x128xf32, #tpu.memory_space<vmem>>, vector<16xf32>,
    tpu.vector_store %arg8[%swap3A_200, %swap3A_201], %broadcast_in_dim3A_198 {strides = array<i32>} : memref<8x128xf32, #tpu.memory_space<vmem>>, vector<16xf32>,
    %broadcast_in_dim3A_203 = arith.constant 0.000000e+00 : f32
    %broadcast_in_dim3A_204 = vector.broadcast %broadcast_in_dim3A_203 : f32 to vector<16xf32>
    %swap3A_205 = arith.constant 4 : i32
    %swap3A_206 = arith.index_cast %swap3A_205 : i32 to index
    %swap3A_207 = arith.constant 32 : index
    %swap3A_208 = tpu.vector_load %arg8[%swap3A_206, %swap3A_207] {strides = array<i32>} : memref<8x128xf32, #tpu.memory_space<vmem>>, vector<16xf32>,
    tpu.vector_store %arg8[%swap3A_206, %swap3A_207], %broadcast_in_dim3A_204 {strides = array<i32>} : memref<8x128xf32, #tpu.memory_space<vmem>>, vector<16xf32>,
    %broadcast_in_dim3A_209 = arith.constant 0.000000e+00 : f32
    %broadcast_in_dim3A_210 = vector.broadcast %broadcast_in_dim3A_209 : f32 to vector<16xf32>
    %swap3A_211 = arith.constant 4 : i32
    %swap3A_212 = arith.index_cast %swap3A_211 : i32 to index
    %swap3A_213 = arith.constant 48 : index
    %swap3A_214 = tpu.vector_load %arg8[%swap3A_212, %swap3A_213] {strides = array<i32>} : memref<8x128xf32, #tpu.memory_space<vmem>>, vector<16xf32>,
    tpu.vector_store %arg8[%swap3A_212, %swap3A_213], %broadcast_in_dim3A_210 {strides = array<i32>} : memref<8x128xf32, #tpu.memory_space<vmem>>, vector<16xf32>,
    %broadcast_in_dim3A_215 = arith.constant 0.000000e+00 : f32
    %broadcast_in_dim3A_216 = vector.broadcast %broadcast_in_dim3A_215 : f32 to vector<16xf32>
    %swap3A_217 = arith.constant 4 : i32
    %swap3A_218 = arith.index_cast %swap3A_217 : i32 to index
    %swap3A_219 = arith.constant 64 : index
    %swap3A_220 = tpu.vector_load %arg8[%swap3A_218, %swap3A_219] {strides = array<i32>} : memref<8x128xf32, #tpu.memory_space<vmem>>, vector<16xf32>,
    tpu.vector_store %arg8[%swap3A_218, %swap3A_219], %broadcast_in_dim3A_216 {strides = array<i32>} : memref<8x128xf32, #tpu.memory_space<vmem>>, vector<16xf32>,
    %broadcast_in_dim3A_221 = arith.constant 0.000000e+00 : f32
    %broadcast_in_dim3A_222 = vector.broadcast %broadcast_in_dim3A_221 : f32 to vector<16xf32>
    %swap3A_223 = arith.constant 4 : i32
    %swap3A_224 = arith.index_cast %swap3A_223 : i32 to index
    %swap3A_225 = arith.constant 80 : index
    %swap3A_226 = tpu.vector_load %arg8[%swap3A_224, %swap3A_225] {strides = array<i32>} : memref<8x128xf32, #tpu.memory_space<vmem>>, vector<16xf32>,
    tpu.vector_store %arg8[%swap3A_224, %swap3A_225], %broadcast_in_dim3A_222 {strides = array<i32>} : memref<8x128xf32, #tpu.memory_space<vmem>>, vector<16xf32>,
    %broadcast_in_dim3A_227 = arith.constant 0.000000e+00 : f32
    %broadcast_in_dim3A_228 = vector.broadcast %broadcast_in_dim3A_227 : f32 to vector<16xf32>
    %swap3A_229 = arith.constant 4 : i32
    %swap3A_230 = arith.index_cast %swap3A_229 : i32 to index
    %swap3A_231 = arith.constant 96 : index
    %swap3A_232 = tpu.vector_load %arg8[%swap3A_230, %swap3A_231] {strides = array<i32>} : memref<8x128xf32, #tpu.memory_space<vmem>>, vector<16xf32>,
    tpu.vector_store %arg8[%swap3A_230, %swap3A_231], %broadcast_in_dim3A_228 {strides = array<i32>} : memref<8x128xf32, #tpu.memory_space<vmem>>, vector<16xf32>,
    %broadcast_in_dim3A_233 = arith.constant 0.000000e+00 : f32
    %broadcast_in_dim3A_234 = vector.broadcast %broadcast_in_dim3A_233 : f32 to vector<16xf32>
    %swap3A_235 = arith.constant 4 : i32
    %swap3A_236 = arith.index_cast %swap3A_235 : i32 to index
    %swap3A_237 = arith.constant 112 : index
    %swap3A_238 = tpu.vector_load %arg8[%swap3A_236, %swap3A_237] {strides = array<i32>} : memref<8x128xf32, #tpu.memory_space<vmem>>, vector<16xf32>,
    tpu.vector_store %arg8[%swap3A_236, %swap3A_237], %broadcast_in_dim3A_234 {strides = array<i32>} : memref<8x128xf32, #tpu.memory_space<vmem>>, vector<16xf32>,
    %broadcast_in_dim3A_239 = arith.constant 0.000000e+00 : f32
    %broadcast_in_dim3A_240 = vector.broadcast %broadcast_in_dim3A_239 : f32 to vector<16xf32>
    %swap3A_241 = arith.constant 5 : i32
    %swap3A_242 = arith.index_cast %swap3A_241 : i32 to index
    %swap3A_243 = arith.constant 0 : index
    %swap3A_244 = tpu.vector_load %arg8[%swap3A_242, %swap3A_243] {strides = array<i32>} : memref<8x128xf32, #tpu.memory_space<vmem>>, vector<16xf32>,
    tpu.vector_store %arg8[%swap3A_242, %swap3A_243], %broadcast_in_dim3A_240 {strides = array<i32>} : memref<8x128xf32, #tpu.memory_space<vmem>>, vector<16xf32>,
    %broadcast_in_dim3A_245 = arith.constant 0.000000e+00 : f32
    %broadcast_in_dim3A_246 = vector.broadcast %broadcast_in_dim3A_245 : f32 to vector<16xf32>
    %swap3A_247 = arith.constant 5 : i32
    %swap3A_248 = arith.index_cast %swap3A_247 : i32 to index
    %swap3A_249 = arith.constant 16 : index
    %swap3A_250 = tpu.vector_load %arg8[%swap3A_248, %swap3A_249] {strides = array<i32>} : memref<8x128xf32, #tpu.memory_space<vmem>>, vector<16xf32>,
    tpu.vector_store %arg8[%swap3A_248, %swap3A_249], %broadcast_in_dim3A_246 {strides = array<i32>} : memref<8x128xf32, #tpu.memory_space<vmem>>, vector<16xf32>,
    %broadcast_in_dim3A_251 = arith.constant 0.000000e+00 : f32
    %broadcast_in_dim3A_252 = vector.broadcast %broadcast_in_dim3A_251 : f32 to vector<16xf32>
    %swap3A_253 = arith.constant 5 : i32
    %swap3A_254 = arith.index_cast %swap3A_253 : i32 to index
    %swap3A_255 = arith.constant 32 : index
    %swap3A_256 = tpu.vector_load %arg8[%swap3A_254, %swap3A_255] {strides = array<i32>} : memref<8x128xf32, #tpu.memory_space<vmem>>, vector<16xf32>,
    tpu.vector_store %arg8[%swap3A_254, %swap3A_255], %broadcast_in_dim3A_252 {strides = array<i32>} : memref<8x128xf32, #tpu.memory_space<vmem>>, vector<16xf32>,
    %broadcast_in_dim3A_257 = arith.constant 0.000000e+00 : f32
    %broadcast_in_dim3A_258 = vector.broadcast %broadcast_in_dim3A_257 : f32 to vector<16xf32>
    %swap3A_259 = arith.constant 5 : i32
    %swap3A_260 = arith.index_cast %swap3A_259 : i32 to index
    %swap3A_261 = arith.constant 48 : index
    %swap3A_262 = tpu.vector_load %arg8[%swap3A_260, %swap3A_261] {strides = array<i32>} : memref<8x128xf32, #tpu.memory_space<vmem>>, vector<16xf32>,
    tpu.vector_store %arg8[%swap3A_260, %swap3A_261], %broadcast_in_dim3A_258 {strides = array<i32>} : memref<8x128xf32, #tpu.memory_space<vmem>>, vector<16xf32>,
    %broadcast_in_dim3A_263 = arith.constant 0.000000e+00 : f32
    %broadcast_in_dim3A_264 = vector.broadcast %broadcast_in_dim3A_263 : f32 to vector<16xf32>
    %swap3A_265 = arith.constant 5 : i32
    %swap3A_266 = arith.index_cast %swap3A_265 : i32 to index
    %swap3A_267 = arith.constant 64 : index
    %swap3A_268 = tpu.vector_load %arg8[%swap3A_266, %swap3A_267] {strides = array<i32>} : memref<8x128xf32, #tpu.memory_space<vmem>>, vector<16xf32>,
    tpu.vector_store %arg8[%swap3A_266, %swap3A_267], %broadcast_in_dim3A_264 {strides = array<i32>} : memref<8x128xf32, #tpu.memory_space<vmem>>, vector<16xf32>,
    %broadcast_in_dim3A_269 = arith.constant 0.000000e+00 : f32
    %broadcast_in_dim3A_270 = vector.broadcast %broadcast_in_dim3A_269 : f32 to vector<16xf32>
    %swap3A_271 = arith.constant 5 : i32
    %swap3A_272 = arith.index_cast %swap3A_271 : i32 to index
    %swap3A_273 = arith.constant 80 : index
    %swap3A_274 = tpu.vector_load %arg8[%swap3A_272, %swap3A_273] {strides = array<i32>} : memref<8x128xf32, #tpu.memory_space<vmem>>, vector<16xf32>,
    tpu.vector_store %arg8[%swap3A_272, %swap3A_273], %broadcast_in_dim3A_270 {strides = array<i32>} : memref<8x128xf32, #tpu.memory_space<vmem>>, vector<16xf32>,
    %broadcast_in_dim3A_275 = arith.constant 0.000000e+00 : f32
    %broadcast_in_dim3A_276 = vector.broadcast %broadcast_in_dim3A_275 : f32 to vector<16xf32>
    %swap3A_277 = arith.constant 5 : i32
    %swap3A_278 = arith.index_cast %swap3A_277 : i32 to index
    %swap3A_279 = arith.constant 96 : index
    %swap3A_280 = tpu.vector_load %arg8[%swap3A_278, %swap3A_279] {strides = array<i32>} : memref<8x128xf32, #tpu.memory_space<vmem>>, vector<16xf32>,
    tpu.vector_store %arg8[%swap3A_278, %swap3A_279], %broadcast_in_dim3A_276 {strides = array<i32>} : memref<8x128xf32, #tpu.memory_space<vmem>>, vector<16xf32>,
    %broadcast_in_dim3A_281 = arith.constant 0.000000e+00 : f32
    %broadcast_in_dim3A_282 = vector.broadcast %broadcast_in_dim3A_281 : f32 to vector<16xf32>
    %swap3A_283 = arith.constant 5 : i32
    %swap3A_284 = arith.index_cast %swap3A_283 : i32 to index
    %swap3A_285 = arith.constant 112 : index
    %swap3A_286 = tpu.vector_load %arg8[%swap3A_284, %swap3A_285] {strides = array<i32>} : memref<8x128xf32, #tpu.memory_space<vmem>>, vector<16xf32>,
    tpu.vector_store %arg8[%swap3A_284, %swap3A_285], %broadcast_in_dim3A_282 {strides = array<i32>} : memref<8x128xf32, #tpu.memory_space<vmem>>, vector<16xf32>,
    %broadcast_in_dim3A_287 = arith.constant 0.000000e+00 : f32
    %broadcast_in_dim3A_288 = vector.broadcast %broadcast_in_dim3A_287 : f32 to vector<16xf32>
    %swap3A_289 = arith.constant 6 : i32
    %swap3A_290 = arith.index_cast %swap3A_289 : i32 to index
    %swap3A_291 = arith.constant 0 : index
    %swap3A_292 = tpu.vector_load %arg8[%swap3A_290, %swap3A_291] {strides = array<i32>} : memref<8x128xf32, #tpu.memory_space<vmem>>, vector<16xf32>,
    tpu.vector_store %arg8[%swap3A_290, %swap3A_291], %broadcast_in_dim3A_288 {strides = array<i32>} : memref<8x128xf32, #tpu.memory_space<vmem>>, vector<16xf32>,
    %broadcast_in_dim3A_293 = arith.constant 0.000000e+00 : f32
    %broadcast_in_dim3A_294 = vector.broadcast %broadcast_in_dim3A_293 : f32 to vector<16xf32>
    %swap3A_295 = arith.constant 6 : i32
    %swap3A_296 = arith.index_cast %swap3A_295 : i32 to index
    %swap3A_297 = arith.constant 16 : index
    %swap3A_298 = tpu.vector_load %arg8[%swap3A_296, %swap3A_297] {strides = array<i32>} : memref<8x128xf32, #tpu.memory_space<vmem>>, vector<16xf32>,
    tpu.vector_store %arg8[%swap3A_296, %swap3A_297], %broadcast_in_dim3A_294 {strides = array<i32>} : memref<8x128xf32, #tpu.memory_space<vmem>>, vector<16xf32>,
    %broadcast_in_dim3A_299 = arith.constant 0.000000e+00 : f32
    %broadcast_in_dim3A_300 = vector.broadcast %broadcast_in_dim3A_299 : f32 to vector<16xf32>
    %swap3A_301 = arith.constant 6 : i32
    %swap3A_302 = arith.index_cast %swap3A_301 : i32 to index
    %swap3A_303 = arith.constant 32 : index
    %swap3A_304 = tpu.vector_load %arg8[%swap3A_302, %swap3A_303] {strides = array<i32>} : memref<8x128xf32, #tpu.memory_space<vmem>>, vector<16xf32>,
    tpu.vector_store %arg8[%swap3A_302, %swap3A_303], %broadcast_in_dim3A_300 {strides = array<i32>} : memref<8x128xf32, #tpu.memory_space<vmem>>, vector<16xf32>,
    %broadcast_in_dim3A_305 = arith.constant 0.000000e+00 : f32
    %broadcast_in_dim3A_306 = vector.broadcast %broadcast_in_dim3A_305 : f32 to vector<16xf32>
    %swap3A_307 = arith.constant 6 : i32
    %swap3A_308 = arith.index_cast %swap3A_307 : i32 to index
    %swap3A_309 = arith.constant 48 : index
    %swap3A_310 = tpu.vector_load %arg8[%swap3A_308, %swap3A_309] {strides = array<i32>} : memref<8x128xf32, #tpu.memory_space<vmem>>, vector<16xf32>,
    tpu.vector_store %arg8[%swap3A_308, %swap3A_309], %broadcast_in_dim3A_306 {strides = array<i32>} : memref<8x128xf32, #tpu.memory_space<vmem>>, vector<16xf32>,
    %broadcast_in_dim3A_311 = arith.constant 0.000000e+00 : f32
    %broadcast_in_dim3A_312 = vector.broadcast %broadcast_in_dim3A_311 : f32 to vector<16xf32>
    %swap3A_313 = arith.constant 6 : i32
    %swap3A_314 = arith.index_cast %swap3A_313 : i32 to index
    %swap3A_315 = arith.constant 64 : index
    %swap3A_316 = tpu.vector_load %arg8[%swap3A_314, %swap3A_315] {strides = array<i32>} : memref<8x128xf32, #tpu.memory_space<vmem>>, vector<16xf32>,
    tpu.vector_store %arg8[%swap3A_314, %swap3A_315], %broadcast_in_dim3A_312 {strides = array<i32>} : memref<8x128xf32, #tpu.memory_space<vmem>>, vector<16xf32>,
    %broadcast_in_dim3A_317 = arith.constant 0.000000e+00 : f32
    %broadcast_in_dim3A_318 = vector.broadcast %broadcast_in_dim3A_317 : f32 to vector<16xf32>
    %swap3A_319 = arith.constant 6 : i32
    %swap3A_320 = arith.index_cast %swap3A_319 : i32 to index
    %swap3A_321 = arith.constant 80 : index
    %swap3A_322 = tpu.vector_load %arg8[%swap3A_320, %swap3A_321] {strides = array<i32>} : memref<8x128xf32, #tpu.memory_space<vmem>>, vector<16xf32>,
    tpu.vector_store %arg8[%swap3A_320, %swap3A_321], %broadcast_in_dim3A_318 {strides = array<i32>} : memref<8x128xf32, #tpu.memory_space<vmem>>, vector<16xf32>,
    %broadcast_in_dim3A_323 = arith.constant 0.000000e+00 : f32
    %broadcast_in_dim3A_324 = vector.broadcast %broadcast_in_dim3A_323 : f32 to vector<16xf32>
    %swap3A_325 = arith.constant 6 : i32
    %swap3A_326 = arith.index_cast %swap3A_325 : i32 to index
    %swap3A_327 = arith.constant 96 : index
    %swap3A_328 = tpu.vector_load %arg8[%swap3A_326, %swap3A_327] {strides = array<i32>} : memref<8x128xf32, #tpu.memory_space<vmem>>, vector<16xf32>,
    tpu.vector_store %arg8[%swap3A_326, %swap3A_327], %broadcast_in_dim3A_324 {strides = array<i32>} : memref<8x128xf32, #tpu.memory_space<vmem>>, vector<16xf32>,
    %broadcast_in_dim3A_329 = arith.constant 0.000000e+00 : f32
    %broadcast_in_dim3A_330 = vector.broadcast %broadcast_in_dim3A_329 : f32 to vector<16xf32>
    %swap3A_331 = arith.constant 6 : i32
    %swap3A_332 = arith.index_cast %swap3A_331 : i32 to index
    %swap3A_333 = arith.constant 112 : index
    %swap3A_334 = tpu.vector_load %arg8[%swap3A_332, %swap3A_333] {strides = array<i32>} : memref<8x128xf32, #tpu.memory_space<vmem>>, vector<16xf32>,
    tpu.vector_store %arg8[%swap3A_332, %swap3A_333], %broadcast_in_dim3A_330 {strides = array<i32>} : memref<8x128xf32, #tpu.memory_space<vmem>>, vector<16xf32>,
    %broadcast_in_dim3A_335 = arith.constant 0.000000e+00 : f32
    %broadcast_in_dim3A_336 = vector.broadcast %broadcast_in_dim3A_335 : f32 to vector<16xf32>
    %swap3A_337 = arith.constant 7 : i32
    %swap3A_338 = arith.index_cast %swap3A_337 : i32 to index
    %swap3A_339 = arith.constant 0 : index
    %swap3A_340 = tpu.vector_load %arg8[%swap3A_338, %swap3A_339] {strides = array<i32>} : memref<8x128xf32, #tpu.memory_space<vmem>>, vector<16xf32>,
    tpu.vector_store %arg8[%swap3A_338, %swap3A_339], %broadcast_in_dim3A_336 {strides = array<i32>} : memref<8x128xf32, #tpu.memory_space<vmem>>, vector<16xf32>,
    %broadcast_in_dim3A_341 = arith.constant 0.000000e+00 : f32
    %broadcast_in_dim3A_342 = vector.broadcast %broadcast_in_dim3A_341 : f32 to vector<16xf32>
    %swap3A_343 = arith.constant 7 : i32
    %swap3A_344 = arith.index_cast %swap3A_343 : i32 to index
    %swap3A_345 = arith.constant 16 : index
    %swap3A_346 = tpu.vector_load %arg8[%swap3A_344, %swap3A_345] {strides = array<i32>} : memref<8x128xf32, #tpu.memory_space<vmem>>, vector<16xf32>,
    tpu.vector_store %arg8[%swap3A_344, %swap3A_345], %broadcast_in_dim3A_342 {strides = array<i32>} : memref<8x128xf32, #tpu.memory_space<vmem>>, vector<16xf32>,
    %broadcast_in_dim3A_347 = arith.constant 0.000000e+00 : f32
    %broadcast_in_dim3A_348 = vector.broadcast %broadcast_in_dim3A_347 : f32 to vector<16xf32>
    %swap3A_349 = arith.constant 7 : i32
    %swap3A_350 = arith.index_cast %swap3A_349 : i32 to index
    %swap3A_351 = arith.constant 32 : index
    %swap3A_352 = tpu.vector_load %arg8[%swap3A_350, %swap3A_351] {strides = array<i32>} : memref<8x128xf32, #tpu.memory_space<vmem>>, vector<16xf32>,
    tpu.vector_store %arg8[%swap3A_350, %swap3A_351], %broadcast_in_dim3A_348 {strides = array<i32>} : memref<8x128xf32, #tpu.memory_space<vmem>>, vector<16xf32>,
    %broadcast_in_dim3A_353 = arith.constant 0.000000e+00 : f32
    %broadcast_in_dim3A_354 = vector.broadcast %broadcast_in_dim3A_353 : f32 to vector<16xf32>
    %swap3A_355 = arith.constant 7 : i32
    %swap3A_356 = arith.index_cast %swap3A_355 : i32 to index
    %swap3A_357 = arith.constant 48 : index
    %swap3A_358 = tpu.vector_load %arg8[%swap3A_356, %swap3A_357] {strides = array<i32>} : memref<8x128xf32, #tpu.memory_space<vmem>>, vector<16xf32>,
    tpu.vector_store %arg8[%swap3A_356, %swap3A_357], %broadcast_in_dim3A_354 {strides = array<i32>} : memref<8x128xf32, #tpu.memory_space<vmem>>, vector<16xf32>,
    %broadcast_in_dim3A_359 = arith.constant 0.000000e+00 : f32
    %broadcast_in_dim3A_360 = vector.broadcast %broadcast_in_dim3A_359 : f32 to vector<16xf32>
    %swap3A_361 = arith.constant 7 : i32
    %swap3A_362 = arith.index_cast %swap3A_361 : i32 to index
    %swap3A_363 = arith.constant 64 : index
    %swap3A_364 = tpu.vector_load %arg8[%swap3A_362, %swap3A_363] {strides = array<i32>} : memref<8x128xf32, #tpu.memory_space<vmem>>, vector<16xf32>,
    tpu.vector_store %arg8[%swap3A_362, %swap3A_363], %broadcast_in_dim3A_360 {strides = array<i32>} : memref<8x128xf32, #tpu.memory_space<vmem>>, vector<16xf32>,
    %broadcast_in_dim3A_365 = arith.constant 0.000000e+00 : f32
    %broadcast_in_dim3A_366 = vector.broadcast %broadcast_in_dim3A_365 : f32 to vector<16xf32>
    %swap3A_367 = arith.constant 7 : i32
    %swap3A_368 = arith.index_cast %swap3A_367 : i32 to index
    %swap3A_369 = arith.constant 80 : index
    %swap3A_370 = tpu.vector_load %arg8[%swap3A_368, %swap3A_369] {strides = array<i32>} : memref<8x128xf32, #tpu.memory_space<vmem>>, vector<16xf32>,
    tpu.vector_store %arg8[%swap3A_368, %swap3A_369], %broadcast_in_dim3A_366 {strides = array<i32>} : memref<8x128xf32, #tpu.memory_space<vmem>>, vector<16xf32>,
    %broadcast_in_dim3A_371 = arith.constant 0.000000e+00 : f32
    %broadcast_in_dim3A_372 = vector.broadcast %broadcast_in_dim3A_371 : f32 to vector<16xf32>
    %swap3A_373 = arith.constant 7 : i32
    %swap3A_374 = arith.index_cast %swap3A_373 : i32 to index
    %swap3A_375 = arith.constant 96 : index
    %swap3A_376 = tpu.vector_load %arg8[%swap3A_374, %swap3A_375] {strides = array<i32>} : memref<8x128xf32, #tpu.memory_space<vmem>>, vector<16xf32>,
    tpu.vector_store %arg8[%swap3A_374, %swap3A_375], %broadcast_in_dim3A_372 {strides = array<i32>} : memref<8x128xf32, #tpu.memory_space<vmem>>, vector<16xf32>,
    %broadcast_in_dim3A_377 = arith.constant 0.000000e+00 : f32
    %broadcast_in_dim3A_378 = vector.broadcast %broadcast_in_dim3A_377 : f32 to vector<16xf32>
    %swap3A_379 = arith.constant 7 : i32
    %swap3A_380 = arith.index_cast %swap3A_379 : i32 to index
    %swap3A_381 = arith.constant 112 : index
    %swap3A_382 = tpu.vector_load %arg8[%swap3A_380, %swap3A_381] {strides = array<i32>} : memref<8x128xf32, #tpu.memory_space<vmem>>, vector<16xf32>,
    tpu.vector_store %arg8[%swap3A_380, %swap3A_381], %broadcast_in_dim3A_378 {strides = array<i32>} : memref<8x128xf32, #tpu.memory_space<vmem>>, vector<16xf32>,
    %mul3A_383 = arith.constant 632 : i32
    %mul3A_384 = arith.muli %arg1, %mul3A_383 : i32
    %scan3A = arith.constant 0 : i32
    %scan3A_385 = arith.constant 0 : i32
    %scan3A_386 = arith.constant 79 : i32
    %scan3A_387 = arith.addi %scan3A_385, %scan3A_386 : i32
    %scan3A_388 = arith.constant 1 : i32
    %scan3A_389 = scf.for %scan3A_698 = %scan3A_385 to %scan3A_387 step %scan3A_388 iter_args(%scan3A_699 = %scan3A) -> (i32)  : i32 {
      %mul3A_700 = arith.constant 8 : i32
      %mul3A_701 = arith.muli %scan3A_698, %mul3A_700 : i32
      %add3A_702 = arith.addi %mul3A_384, %mul3A_701 : i32
      "tpu.region"() ({
        %run_scoped3A = tpu.sem_alloc : memref<!tpu.dma_semaphore, #tpu.memory_space<semaphore_mem>>
        %dma_start3A_704 = arith.constant 0 : i32
        %dma_start3A_705 = tpu.memref_slice %arg7[%add3A_702, %dma_start3A_704] : memref<10112x128xf32, #tpu.memory_space<vmem_shared>> -> memref<8x128xf32, #tpu.memory_space<vmem_shared>>
        %dma_start3A_706 = arith.constant 0 : i32
        %dma_start3A_707 = tpu.memref_slice %arg7[%add3A_702, %dma_start3A_706] : memref<10112x128xf32, #tpu.memory_space<vmem_shared>> -> memref<8x128xf32, #tpu.memory_space<vmem_shared>>
        tpu.enqueue_dma source(%arg8 : memref<8x128xf32, #tpu.memory_space<vmem>>) target(%dma_start3A_707 : memref<8x128xf32, #tpu.memory_space<vmem_shared>>) target_semaphore(%run_scoped3A : memref<!tpu.dma_semaphore, #tpu.memory_space<semaphore_mem>>)
        %dma_wait3A_708 = arith.constant 0 : i32
        %dma_wait3A_709 = tpu.memref_slice %arg7[%add3A_702, %dma_wait3A_708] : memref<10112x128xf32, #tpu.memory_space<vmem_shared>> -> memref<8x128xf32, #tpu.memory_space<vmem_shared>>
        %dma_wait3A_710 = arith.constant 0 : i32
        %dma_wait3A_711 = tpu.memref_slice %arg7[%add3A_702, %dma_wait3A_710] : memref<10112x128xf32, #tpu.memory_space<vmem_shared>> -> memref<8x128xf32, #tpu.memory_space<vmem_shared>>
        tpu.wait_dma2 semaphore(%run_scoped3A : memref<!tpu.dma_semaphore, #tpu.memory_space<semaphore_mem>>) src(%arg8 : memref<8x128xf32, #tpu.memory_space<vmem>>) dst(%dma_wait3A_711 : memref<8x128xf32, #tpu.memory_space<vmem_shared>>)
        tpu.yield
      }) : () -> ()
      %scan3A_703 = arith.constant 0 : i32
      scf.yield %scan3A_703 : i32
    }
    %scan3A_390 = arith.constant 79 : i32
    %barrier3A = arith.constant 0 : index
    tpu.barrier barrier_id(%barrier3A)
    %dma_start3A = arith.constant 0 : i32
    %dma_start3A_391 = arith.constant 0 : i32
    %dma_start3A_392 = arith.constant 0 : i32
    %dma_start3A_393 = arith.constant 0 : i32
    %dma_start3A_394 = tpu.memref_slice %arg5[%dma_start3A_391, %dma_start3A_392, %dma_start3A_393] : memref<6x2x56xi32, #tpu.memory_space<vmem>> -> memref<1x2x56xi32, #tpu.memory_space<vmem>>
    %dma_start3A_395 = tpu.memref_squeeze %dma_start3A_394 : memref<1x2x56xi32, #tpu.memory_space<vmem>> -> memref<2x56xi32, #tpu.memory_space<vmem>>
    %dma_start3A_396 = arith.constant 0 : i32
    %dma_start3A_397 = arith.constant 0 : i32
    %dma_start3A_398 = tpu.memref_slice %arg3[%add3A, %dma_start3A, %dma_start3A_396, %dma_start3A_397] : memref<32x179x2x56xi32, #tpu.memory_space<hbm>> -> memref<1x1x2x56xi32, #tpu.memory_space<hbm>>
    %dma_start3A_399 = tpu.memref_squeeze %dma_start3A_398 : memref<1x1x2x56xi32, #tpu.memory_space<hbm>> -> memref<2x56xi32, #tpu.memory_space<hbm>>
    %dma_start3A_400 = arith.constant 0 : i32
    %dma_start3A_401 = arith.constant 0 : i32
    %dma_start3A_402 = tpu.memref_slice %arg5[%dma_start3A_391, %dma_start3A_400, %dma_start3A_401] : memref<6x2x56xi32, #tpu.memory_space<vmem>> -> memref<1x2x56xi32, #tpu.memory_space<vmem>>
    %dma_start3A_403 = tpu.memref_squeeze %dma_start3A_402 : memref<1x2x56xi32, #tpu.memory_space<vmem>> -> memref<2x56xi32, #tpu.memory_space<vmem>>
    %dma_start3A_404 = arith.constant 0 : i32
    %dma_start3A_405 = arith.constant 0 : i32
    %dma_start3A_406 = tpu.memref_slice %arg3[%add3A, %dma_start3A, %dma_start3A_404, %dma_start3A_405] : memref<32x179x2x56xi32, #tpu.memory_space<hbm>> -> memref<1x1x2x56xi32, #tpu.memory_space<hbm>>
    %dma_start3A_407 = tpu.memref_squeeze %dma_start3A_406 : memref<1x1x2x56xi32, #tpu.memory_space<hbm>> -> memref<2x56xi32, #tpu.memory_space<hbm>>
    tpu.enqueue_dma source(%dma_start3A_407 : memref<2x56xi32, #tpu.memory_space<hbm>>) target(%dma_start3A_403 : memref<2x56xi32, #tpu.memory_space<vmem>>) target_semaphore(%arg10 : memref<!tpu.dma_semaphore, #tpu.memory_space<semaphore_mem>>)
    %dma_wait3A = arith.constant 0 : i32
    %dma_wait3A_408 = arith.constant 0 : i32
    %dma_wait3A_409 = arith.constant 0 : i32
    %dma_wait3A_410 = arith.constant 0 : i32
    %dma_wait3A_411 = tpu.memref_slice %arg5[%dma_wait3A_408, %dma_wait3A_409, %dma_wait3A_410] : memref<6x2x56xi32, #tpu.memory_space<vmem>> -> memref<1x2x56xi32, #tpu.memory_space<vmem>>
    %dma_wait3A_412 = tpu.memref_squeeze %dma_wait3A_411 : memref<1x2x56xi32, #tpu.memory_space<vmem>> -> memref<2x56xi32, #tpu.memory_space<vmem>>
    %dma_wait3A_413 = arith.constant 0 : i32
    %dma_wait3A_414 = arith.constant 0 : i32
    %dma_wait3A_415 = tpu.memref_slice %arg3[%add3A, %dma_wait3A, %dma_wait3A_413, %dma_wait3A_414] : memref<32x179x2x56xi32, #tpu.memory_space<hbm>> -> memref<1x1x2x56xi32, #tpu.memory_space<hbm>>
    %dma_wait3A_416 = tpu.memref_squeeze %dma_wait3A_415 : memref<1x1x2x56xi32, #tpu.memory_space<hbm>> -> memref<2x56xi32, #tpu.memory_space<hbm>>
    %dma_wait3A_417 = arith.constant 0 : i32
    %dma_wait3A_418 = arith.constant 0 : i32
    %dma_wait3A_419 = tpu.memref_slice %arg5[%dma_wait3A_408, %dma_wait3A_417, %dma_wait3A_418] : memref<6x2x56xi32, #tpu.memory_space<vmem>> -> memref<1x2x56xi32, #tpu.memory_space<vmem>>
    %dma_wait3A_420 = tpu.memref_squeeze %dma_wait3A_419 : memref<1x2x56xi32, #tpu.memory_space<vmem>> -> memref<2x56xi32, #tpu.memory_space<vmem>>
    %dma_wait3A_421 = arith.constant 0 : i32
    %dma_wait3A_422 = arith.constant 0 : i32
    %dma_wait3A_423 = tpu.memref_slice %arg3[%add3A, %dma_wait3A, %dma_wait3A_421, %dma_wait3A_422] : memref<32x179x2x56xi32, #tpu.memory_space<hbm>> -> memref<1x1x2x56xi32, #tpu.memory_space<hbm>>
    %dma_wait3A_424 = tpu.memref_squeeze %dma_wait3A_423 : memref<1x1x2x56xi32, #tpu.memory_space<hbm>> -> memref<2x56xi32, #tpu.memory_space<hbm>>
    tpu.wait_dma2 semaphore(%arg10 : memref<!tpu.dma_semaphore, #tpu.memory_space<semaphore_mem>>) src(%dma_wait3A_424 : memref<2x56xi32, #tpu.memory_space<hbm>>) dst(%dma_wait3A_420 : memref<2x56xi32, #tpu.memory_space<vmem>>)
    %dma_start3A_425 = arith.constant 0 : i32
    %dma_start3A_426 = arith.constant 0 : i32
    %dma_start3A_427 = arith.constant 0 : i32
    %dma_start3A_428 = arith.constant 0 : i32
    %dma_start3A_429 = arith.constant 0 : i32
    %dma_start3A_430 = tpu.memref_slice %arg6[%dma_start3A_427, %dma_start3A_428, %dma_start3A_429] : memref<6x56x128xf32, #tpu.memory_space<vmem>> -> memref<1x56x128xf32, #tpu.memory_space<vmem>>
    %dma_start3A_431 = tpu.memref_squeeze %dma_start3A_430 : memref<1x56x128xf32, #tpu.memory_space<vmem>> -> memref<56x128xf32, #tpu.memory_space<vmem>>
    %dma_start3A_432 = arith.constant 0 : i32
    %dma_start3A_433 = tpu.memref_slice %arg5[%dma_start3A_425, %dma_start3A_426, %dma_start3A_432] : memref<6x2x56xi32, #tpu.memory_space<vmem>> -> memref<1x1x56xi32, #tpu.memory_space<vmem>>
    %dma_start3A_434 = tpu.memref_squeeze %dma_start3A_433 : memref<1x1x56xi32, #tpu.memory_space<vmem>> -> memref<56xi32, #tpu.memory_space<vmem>>
    %dma_start3A_435 = arith.constant 0 : i32
    %dma_start3A_436 = arith.constant 0 : i32
    %dma_start3A_437 = tpu.memref_slice %arg2[%dma_start3A_435, %dma_start3A_436] : memref<10000x128xf32, #tpu.memory_space<hbm>> -> memref<10000x128xf32, #tpu.memory_space<hbm>>
    tpu.enqueue_indirect_dma source(%dma_start3A_437 : memref<10000x128xf32, #tpu.memory_space<hbm>>) target(%dma_start3A_431 : memref<56x128xf32, #tpu.memory_space<vmem>>) offsets(%dma_start3A_434 : memref<56xi32, #tpu.memory_space<vmem>>) semaphore(%arg9 : memref<!tpu.dma_semaphore, #tpu.memory_space<semaphore_mem>>)
    %dma_start3A_438 = arith.constant 1 : i32
    %dma_start3A_439 = arith.constant 1 : i32
    %dma_start3A_440 = arith.constant 0 : i32
    %dma_start3A_441 = arith.constant 0 : i32
    %dma_start3A_442 = tpu.memref_slice %arg5[%dma_start3A_439, %dma_start3A_440, %dma_start3A_441] : memref<6x2x56xi32, #tpu.memory_space<vmem>> -> memref<1x2x56xi32, #tpu.memory_space<vmem>>
    %dma_start3A_443 = tpu.memref_squeeze %dma_start3A_442 : memref<1x2x56xi32, #tpu.memory_space<vmem>> -> memref<2x56xi32, #tpu.memory_space<vmem>>
    %dma_start3A_444 = arith.constant 0 : i32
    %dma_start3A_445 = arith.constant 0 : i32
    %dma_start3A_446 = tpu.memref_slice %arg3[%add3A, %dma_start3A_438, %dma_start3A_444, %dma_start3A_445] : memref<32x179x2x56xi32, #tpu.memory_space<hbm>> -> memref<1x1x2x56xi32, #tpu.memory_space<hbm>>
    %dma_start3A_447 = tpu.memref_squeeze %dma_start3A_446 : memref<1x1x2x56xi32, #tpu.memory_space<hbm>> -> memref<2x56xi32, #tpu.memory_space<hbm>>
    %dma_start3A_448 = arith.constant 0 : i32
    %dma_start3A_449 = arith.constant 0 : i32
    %dma_start3A_450 = tpu.memref_slice %arg5[%dma_start3A_439, %dma_start3A_448, %dma_start3A_449] : memref<6x2x56xi32, #tpu.memory_space<vmem>> -> memref<1x2x56xi32, #tpu.memory_space<vmem>>
    %dma_start3A_451 = tpu.memref_squeeze %dma_start3A_450 : memref<1x2x56xi32, #tpu.memory_space<vmem>> -> memref<2x56xi32, #tpu.memory_space<vmem>>
    %dma_start3A_452 = arith.constant 0 : i32
    %dma_start3A_453 = arith.constant 0 : i32
    %dma_start3A_454 = tpu.memref_slice %arg3[%add3A, %dma_start3A_438, %dma_start3A_452, %dma_start3A_453] : memref<32x179x2x56xi32, #tpu.memory_space<hbm>> -> memref<1x1x2x56xi32, #tpu.memory_space<hbm>>
    %dma_start3A_455 = tpu.memref_squeeze %dma_start3A_454 : memref<1x1x2x56xi32, #tpu.memory_space<hbm>> -> memref<2x56xi32, #tpu.memory_space<hbm>>
    tpu.enqueue_dma source(%dma_start3A_455 : memref<2x56xi32, #tpu.memory_space<hbm>>) target(%dma_start3A_451 : memref<2x56xi32, #tpu.memory_space<vmem>>) target_semaphore(%arg10 : memref<!tpu.dma_semaphore, #tpu.memory_space<semaphore_mem>>)
    %dma_wait3A_456 = arith.constant 1 : i32
    %dma_wait3A_457 = arith.constant 1 : i32
    %dma_wait3A_458 = arith.constant 0 : i32
    %dma_wait3A_459 = arith.constant 0 : i32
    %dma_wait3A_460 = tpu.memref_slice %arg5[%dma_wait3A_457, %dma_wait3A_458, %dma_wait3A_459] : memref<6x2x56xi32, #tpu.memory_space<vmem>> -> memref<1x2x56xi32, #tpu.memory_space<vmem>>
    %dma_wait3A_461 = tpu.memref_squeeze %dma_wait3A_460 : memref<1x2x56xi32, #tpu.memory_space<vmem>> -> memref<2x56xi32, #tpu.memory_space<vmem>>
    %dma_wait3A_462 = arith.constant 0 : i32
    %dma_wait3A_463 = arith.constant 0 : i32
    %dma_wait3A_464 = tpu.memref_slice %arg3[%add3A, %dma_wait3A_456, %dma_wait3A_462, %dma_wait3A_463] : memref<32x179x2x56xi32, #tpu.memory_space<hbm>> -> memref<1x1x2x56xi32, #tpu.memory_space<hbm>>
    %dma_wait3A_465 = tpu.memref_squeeze %dma_wait3A_464 : memref<1x1x2x56xi32, #tpu.memory_space<hbm>> -> memref<2x56xi32, #tpu.memory_space<hbm>>
    %dma_wait3A_466 = arith.constant 0 : i32
    %dma_wait3A_467 = arith.constant 0 : i32
    %dma_wait3A_468 = tpu.memref_slice %arg5[%dma_wait3A_457, %dma_wait3A_466, %dma_wait3A_467] : memref<6x2x56xi32, #tpu.memory_space<vmem>> -> memref<1x2x56xi32, #tpu.memory_space<vmem>>
    %dma_wait3A_469 = tpu.memref_squeeze %dma_wait3A_468 : memref<1x2x56xi32, #tpu.memory_space<vmem>> -> memref<2x56xi32, #tpu.memory_space<vmem>>
    %dma_wait3A_470 = arith.constant 0 : i32
    %dma_wait3A_471 = arith.constant 0 : i32
    %dma_wait3A_472 = tpu.memref_slice %arg3[%add3A, %dma_wait3A_456, %dma_wait3A_470, %dma_wait3A_471] : memref<32x179x2x56xi32, #tpu.memory_space<hbm>> -> memref<1x1x2x56xi32, #tpu.memory_space<hbm>>
    %dma_wait3A_473 = tpu.memref_squeeze %dma_wait3A_472 : memref<1x1x2x56xi32, #tpu.memory_space<hbm>> -> memref<2x56xi32, #tpu.memory_space<hbm>>
    tpu.wait_dma2 semaphore(%arg10 : memref<!tpu.dma_semaphore, #tpu.memory_space<semaphore_mem>>) src(%dma_wait3A_473 : memref<2x56xi32, #tpu.memory_space<hbm>>) dst(%dma_wait3A_469 : memref<2x56xi32, #tpu.memory_space<vmem>>)
    %dma_start3A_474 = arith.constant 1 : i32
    %dma_start3A_475 = arith.constant 0 : i32
    %dma_start3A_476 = arith.constant 1 : i32
    %dma_start3A_477 = arith.constant 0 : i32
    %dma_start3A_478 = arith.constant 0 : i32
    %dma_start3A_479 = tpu.memref_slice %arg6[%dma_start3A_476, %dma_start3A_477, %dma_start3A_478] : memref<6x56x128xf32, #tpu.memory_space<vmem>> -> memref<1x56x128xf32, #tpu.memory_space<vmem>>
    %dma_start3A_480 = tpu.memref_squeeze %dma_start3A_479 : memref<1x56x128xf32, #tpu.memory_space<vmem>> -> memref<56x128xf32, #tpu.memory_space<vmem>>
    %dma_start3A_481 = arith.constant 0 : i32
    %dma_start3A_482 = tpu.memref_slice %arg5[%dma_start3A_474, %dma_start3A_475, %dma_start3A_481] : memref<6x2x56xi32, #tpu.memory_space<vmem>> -> memref<1x1x56xi32, #tpu.memory_space<vmem>>
    %dma_start3A_483 = tpu.memref_squeeze %dma_start3A_482 : memref<1x1x56xi32, #tpu.memory_space<vmem>> -> memref<56xi32, #tpu.memory_space<vmem>>
    %dma_start3A_484 = arith.constant 0 : i32
    %dma_start3A_485 = arith.constant 0 : i32
    %dma_start3A_486 = tpu.memref_slice %arg2[%dma_start3A_484, %dma_start3A_485] : memref<10000x128xf32, #tpu.memory_space<hbm>> -> memref<10000x128xf32, #tpu.memory_space<hbm>>
    tpu.enqueue_indirect_dma source(%dma_start3A_486 : memref<10000x128xf32, #tpu.memory_space<hbm>>) target(%dma_start3A_480 : memref<56x128xf32, #tpu.memory_space<vmem>>) offsets(%dma_start3A_483 : memref<56xi32, #tpu.memory_space<vmem>>) semaphore(%arg9 : memref<!tpu.dma_semaphore, #tpu.memory_space<semaphore_mem>>)
    %dma_start3A_487 = arith.constant 2 : i32
    %dma_start3A_488 = arith.constant 2 : i32
    %dma_start3A_489 = arith.constant 0 : i32
    %dma_start3A_490 = arith.constant 0 : i32
    %dma_start3A_491 = tpu.memref_slice %arg5[%dma_start3A_488, %dma_start3A_489, %dma_start3A_490] : memref<6x2x56xi32, #tpu.memory_space<vmem>> -> memref<1x2x56xi32, #tpu.memory_space<vmem>>
    %dma_start3A_492 = tpu.memref_squeeze %dma_start3A_491 : memref<1x2x56xi32, #tpu.memory_space<vmem>> -> memref<2x56xi32, #tpu.memory_space<vmem>>
    %dma_start3A_493 = arith.constant 0 : i32
    %dma_start3A_494 = arith.constant 0 : i32
    %dma_start3A_495 = tpu.memref_slice %arg3[%add3A, %dma_start3A_487, %dma_start3A_493, %dma_start3A_494] : memref<32x179x2x56xi32, #tpu.memory_space<hbm>> -> memref<1x1x2x56xi32, #tpu.memory_space<hbm>>
    %dma_start3A_496 = tpu.memref_squeeze %dma_start3A_495 : memref<1x1x2x56xi32, #tpu.memory_space<hbm>> -> memref<2x56xi32, #tpu.memory_space<hbm>>
    %dma_start3A_497 = arith.constant 0 : i32
    %dma_start3A_498 = arith.constant 0 : i32
    %dma_start3A_499 = tpu.memref_slice %arg5[%dma_start3A_488, %dma_start3A_497, %dma_start3A_498] : memref<6x2x56xi32, #tpu.memory_space<vmem>> -> memref<1x2x56xi32, #tpu.memory_space<vmem>>
    %dma_start3A_500 = tpu.memref_squeeze %dma_start3A_499 : memref<1x2x56xi32, #tpu.memory_space<vmem>> -> memref<2x56xi32, #tpu.memory_space<vmem>>
    %dma_start3A_501 = arith.constant 0 : i32
    %dma_start3A_502 = arith.constant 0 : i32
    %dma_start3A_503 = tpu.memref_slice %arg3[%add3A, %dma_start3A_487, %dma_start3A_501, %dma_start3A_502] : memref<32x179x2x56xi32, #tpu.memory_space<hbm>> -> memref<1x1x2x56xi32, #tpu.memory_space<hbm>>
    %dma_start3A_504 = tpu.memref_squeeze %dma_start3A_503 : memref<1x1x2x56xi32, #tpu.memory_space<hbm>> -> memref<2x56xi32, #tpu.memory_space<hbm>>
    tpu.enqueue_dma source(%dma_start3A_504 : memref<2x56xi32, #tpu.memory_space<hbm>>) target(%dma_start3A_500 : memref<2x56xi32, #tpu.memory_space<vmem>>) target_semaphore(%arg10 : memref<!tpu.dma_semaphore, #tpu.memory_space<semaphore_mem>>)
    %dma_wait3A_505 = arith.constant 2 : i32
    %dma_wait3A_506 = arith.constant 2 : i32
    %dma_wait3A_507 = arith.constant 0 : i32
    %dma_wait3A_508 = arith.constant 0 : i32
    %dma_wait3A_509 = tpu.memref_slice %arg5[%dma_wait3A_506, %dma_wait3A_507, %dma_wait3A_508] : memref<6x2x56xi32, #tpu.memory_space<vmem>> -> memref<1x2x56xi32, #tpu.memory_space<vmem>>
    %dma_wait3A_510 = tpu.memref_squeeze %dma_wait3A_509 : memref<1x2x56xi32, #tpu.memory_space<vmem>> -> memref<2x56xi32, #tpu.memory_space<vmem>>
    %dma_wait3A_511 = arith.constant 0 : i32
    %dma_wait3A_512 = arith.constant 0 : i32
    %dma_wait3A_513 = tpu.memref_slice %arg3[%add3A, %dma_wait3A_505, %dma_wait3A_511, %dma_wait3A_512] : memref<32x179x2x56xi32, #tpu.memory_space<hbm>> -> memref<1x1x2x56xi32, #tpu.memory_space<hbm>>
    %dma_wait3A_514 = tpu.memref_squeeze %dma_wait3A_513 : memref<1x1x2x56xi32, #tpu.memory_space<hbm>> -> memref<2x56xi32, #tpu.memory_space<hbm>>
    %dma_wait3A_515 = arith.constant 0 : i32
    %dma_wait3A_516 = arith.constant 0 : i32
    %dma_wait3A_517 = tpu.memref_slice %arg5[%dma_wait3A_506, %dma_wait3A_515, %dma_wait3A_516] : memref<6x2x56xi32, #tpu.memory_space<vmem>> -> memref<1x2x56xi32, #tpu.memory_space<vmem>>
    %dma_wait3A_518 = tpu.memref_squeeze %dma_wait3A_517 : memref<1x2x56xi32, #tpu.memory_space<vmem>> -> memref<2x56xi32, #tpu.memory_space<vmem>>
    %dma_wait3A_519 = arith.constant 0 : i32
    %dma_wait3A_520 = arith.constant 0 : i32
    %dma_wait3A_521 = tpu.memref_slice %arg3[%add3A, %dma_wait3A_505, %dma_wait3A_519, %dma_wait3A_520] : memref<32x179x2x56xi32, #tpu.memory_space<hbm>> -> memref<1x1x2x56xi32, #tpu.memory_space<hbm>>
    %dma_wait3A_522 = tpu.memref_squeeze %dma_wait3A_521 : memref<1x1x2x56xi32, #tpu.memory_space<hbm>> -> memref<2x56xi32, #tpu.memory_space<hbm>>
    tpu.wait_dma2 semaphore(%arg10 : memref<!tpu.dma_semaphore, #tpu.memory_space<semaphore_mem>>) src(%dma_wait3A_522 : memref<2x56xi32, #tpu.memory_space<hbm>>) dst(%dma_wait3A_518 : memref<2x56xi32, #tpu.memory_space<vmem>>)
    %dma_start3A_523 = arith.constant 2 : i32
    %dma_start3A_524 = arith.constant 0 : i32
    %dma_start3A_525 = arith.constant 2 : i32
    %dma_start3A_526 = arith.constant 0 : i32
    %dma_start3A_527 = arith.constant 0 : i32
    %dma_start3A_528 = tpu.memref_slice %arg6[%dma_start3A_525, %dma_start3A_526, %dma_start3A_527] : memref<6x56x128xf32, #tpu.memory_space<vmem>> -> memref<1x56x128xf32, #tpu.memory_space<vmem>>
    %dma_start3A_529 = tpu.memref_squeeze %dma_start3A_528 : memref<1x56x128xf32, #tpu.memory_space<vmem>> -> memref<56x128xf32, #tpu.memory_space<vmem>>
    %dma_start3A_530 = arith.constant 0 : i32
    %dma_start3A_531 = tpu.memref_slice %arg5[%dma_start3A_523, %dma_start3A_524, %dma_start3A_530] : memref<6x2x56xi32, #tpu.memory_space<vmem>> -> memref<1x1x56xi32, #tpu.memory_space<vmem>>
    %dma_start3A_532 = tpu.memref_squeeze %dma_start3A_531 : memref<1x1x56xi32, #tpu.memory_space<vmem>> -> memref<56xi32, #tpu.memory_space<vmem>>
    %dma_start3A_533 = arith.constant 0 : i32
    %dma_start3A_534 = arith.constant 0 : i32
    %dma_start3A_535 = tpu.memref_slice %arg2[%dma_start3A_533, %dma_start3A_534] : memref<10000x128xf32, #tpu.memory_space<hbm>> -> memref<10000x128xf32, #tpu.memory_space<hbm>>
    tpu.enqueue_indirect_dma source(%dma_start3A_535 : memref<10000x128xf32, #tpu.memory_space<hbm>>) target(%dma_start3A_529 : memref<56x128xf32, #tpu.memory_space<vmem>>) offsets(%dma_start3A_532 : memref<56xi32, #tpu.memory_space<vmem>>) semaphore(%arg9 : memref<!tpu.dma_semaphore, #tpu.memory_space<semaphore_mem>>)
    %dma_start3A_536 = arith.constant 3 : i32
    %dma_start3A_537 = arith.constant 3 : i32
    %dma_start3A_538 = arith.constant 0 : i32
    %dma_start3A_539 = arith.constant 0 : i32
    %dma_start3A_540 = tpu.memref_slice %arg5[%dma_start3A_537, %dma_start3A_538, %dma_start3A_539] : memref<6x2x56xi32, #tpu.memory_space<vmem>> -> memref<1x2x56xi32, #tpu.memory_space<vmem>>
    %dma_start3A_541 = tpu.memref_squeeze %dma_start3A_540 : memref<1x2x56xi32, #tpu.memory_space<vmem>> -> memref<2x56xi32, #tpu.memory_space<vmem>>
    %dma_start3A_542 = arith.constant 0 : i32
    %dma_start3A_543 = arith.constant 0 : i32
    %dma_start3A_544 = tpu.memref_slice %arg3[%add3A, %dma_start3A_536, %dma_start3A_542, %dma_start3A_543] : memref<32x179x2x56xi32, #tpu.memory_space<hbm>> -> memref<1x1x2x56xi32, #tpu.memory_space<hbm>>
    %dma_start3A_545 = tpu.memref_squeeze %dma_start3A_544 : memref<1x1x2x56xi32, #tpu.memory_space<hbm>> -> memref<2x56xi32, #tpu.memory_space<hbm>>
    %dma_start3A_546 = arith.constant 0 : i32
    %dma_start3A_547 = arith.constant 0 : i32
    %dma_start3A_548 = tpu.memref_slice %arg5[%dma_start3A_537, %dma_start3A_546, %dma_start3A_547] : memref<6x2x56xi32, #tpu.memory_space<vmem>> -> memref<1x2x56xi32, #tpu.memory_space<vmem>>
    %dma_start3A_549 = tpu.memref_squeeze %dma_start3A_548 : memref<1x2x56xi32, #tpu.memory_space<vmem>> -> memref<2x56xi32, #tpu.memory_space<vmem>>
    %dma_start3A_550 = arith.constant 0 : i32
    %dma_start3A_551 = arith.constant 0 : i32
    %dma_start3A_552 = tpu.memref_slice %arg3[%add3A, %dma_start3A_536, %dma_start3A_550, %dma_start3A_551] : memref<32x179x2x56xi32, #tpu.memory_space<hbm>> -> memref<1x1x2x56xi32, #tpu.memory_space<hbm>>
    %dma_start3A_553 = tpu.memref_squeeze %dma_start3A_552 : memref<1x1x2x56xi32, #tpu.memory_space<hbm>> -> memref<2x56xi32, #tpu.memory_space<hbm>>
    tpu.enqueue_dma source(%dma_start3A_553 : memref<2x56xi32, #tpu.memory_space<hbm>>) target(%dma_start3A_549 : memref<2x56xi32, #tpu.memory_space<vmem>>) target_semaphore(%arg10 : memref<!tpu.dma_semaphore, #tpu.memory_space<semaphore_mem>>)
    %dma_wait3A_554 = arith.constant 3 : i32
    %dma_wait3A_555 = arith.constant 3 : i32
    %dma_wait3A_556 = arith.constant 0 : i32
    %dma_wait3A_557 = arith.constant 0 : i32
    %dma_wait3A_558 = tpu.memref_slice %arg5[%dma_wait3A_555, %dma_wait3A_556, %dma_wait3A_557] : memref<6x2x56xi32, #tpu.memory_space<vmem>> -> memref<1x2x56xi32, #tpu.memory_space<vmem>>
    %dma_wait3A_559 = tpu.memref_squeeze %dma_wait3A_558 : memref<1x2x56xi32, #tpu.memory_space<vmem>> -> memref<2x56xi32, #tpu.memory_space<vmem>>
    %dma_wait3A_560 = arith.constant 0 : i32
    %dma_wait3A_561 = arith.constant 0 : i32
    %dma_wait3A_562 = tpu.memref_slice %arg3[%add3A, %dma_wait3A_554, %dma_wait3A_560, %dma_wait3A_561] : memref<32x179x2x56xi32, #tpu.memory_space<hbm>> -> memref<1x1x2x56xi32, #tpu.memory_space<hbm>>
    %dma_wait3A_563 = tpu.memref_squeeze %dma_wait3A_562 : memref<1x1x2x56xi32, #tpu.memory_space<hbm>> -> memref<2x56xi32, #tpu.memory_space<hbm>>
    %dma_wait3A_564 = arith.constant 0 : i32
    %dma_wait3A_565 = arith.constant 0 : i32
    %dma_wait3A_566 = tpu.memref_slice %arg5[%dma_wait3A_555, %dma_wait3A_564, %dma_wait3A_565] : memref<6x2x56xi32, #tpu.memory_space<vmem>> -> memref<1x2x56xi32, #tpu.memory_space<vmem>>
    %dma_wait3A_567 = tpu.memref_squeeze %dma_wait3A_566 : memref<1x2x56xi32, #tpu.memory_space<vmem>> -> memref<2x56xi32, #tpu.memory_space<vmem>>
    %dma_wait3A_568 = arith.constant 0 : i32
    %dma_wait3A_569 = arith.constant 0 : i32
    %dma_wait3A_570 = tpu.memref_slice %arg3[%add3A, %dma_wait3A_554, %dma_wait3A_568, %dma_wait3A_569] : memref<32x179x2x56xi32, #tpu.memory_space<hbm>> -> memref<1x1x2x56xi32, #tpu.memory_space<hbm>>
    %dma_wait3A_571 = tpu.memref_squeeze %dma_wait3A_570 : memref<1x1x2x56xi32, #tpu.memory_space<hbm>> -> memref<2x56xi32, #tpu.memory_space<hbm>>
    tpu.wait_dma2 semaphore(%arg10 : memref<!tpu.dma_semaphore, #tpu.memory_space<semaphore_mem>>) src(%dma_wait3A_571 : memref<2x56xi32, #tpu.memory_space<hbm>>) dst(%dma_wait3A_567 : memref<2x56xi32, #tpu.memory_space<vmem>>)
    %dma_start3A_572 = arith.constant 3 : i32
    %dma_start3A_573 = arith.constant 0 : i32
    %dma_start3A_574 = arith.constant 3 : i32
    %dma_start3A_575 = arith.constant 0 : i32
    %dma_start3A_576 = arith.constant 0 : i32
    %dma_start3A_577 = tpu.memref_slice %arg6[%dma_start3A_574, %dma_start3A_575, %dma_start3A_576] : memref<6x56x128xf32, #tpu.memory_space<vmem>> -> memref<1x56x128xf32, #tpu.memory_space<vmem>>
    %dma_start3A_578 = tpu.memref_squeeze %dma_start3A_577 : memref<1x56x128xf32, #tpu.memory_space<vmem>> -> memref<56x128xf32, #tpu.memory_space<vmem>>
    %dma_start3A_579 = arith.constant 0 : i32
    %dma_start3A_580 = tpu.memref_slice %arg5[%dma_start3A_572, %dma_start3A_573, %dma_start3A_579] : memref<6x2x56xi32, #tpu.memory_space<vmem>> -> memref<1x1x56xi32, #tpu.memory_space<vmem>>
    %dma_start3A_581 = tpu.memref_squeeze %dma_start3A_580 : memref<1x1x56xi32, #tpu.memory_space<vmem>> -> memref<56xi32, #tpu.memory_space<vmem>>
    %dma_start3A_582 = arith.constant 0 : i32
    %dma_start3A_583 = arith.constant 0 : i32
    %dma_start3A_584 = tpu.memref_slice %arg2[%dma_start3A_582, %dma_start3A_583] : memref<10000x128xf32, #tpu.memory_space<hbm>> -> memref<10000x128xf32, #tpu.memory_space<hbm>>
    tpu.enqueue_indirect_dma source(%dma_start3A_584 : memref<10000x128xf32, #tpu.memory_space<hbm>>) target(%dma_start3A_578 : memref<56x128xf32, #tpu.memory_space<vmem>>) offsets(%dma_start3A_581 : memref<56xi32, #tpu.memory_space<vmem>>) semaphore(%arg9 : memref<!tpu.dma_semaphore, #tpu.memory_space<semaphore_mem>>)
    %dma_start3A_585 = arith.constant 4 : i32
    %dma_start3A_586 = arith.constant 4 : i32
    %dma_start3A_587 = arith.constant 0 : i32
    %dma_start3A_588 = arith.constant 0 : i32
    %dma_start3A_589 = tpu.memref_slice %arg5[%dma_start3A_586, %dma_start3A_587, %dma_start3A_588] : memref<6x2x56xi32, #tpu.memory_space<vmem>> -> memref<1x2x56xi32, #tpu.memory_space<vmem>>
    %dma_start3A_590 = tpu.memref_squeeze %dma_start3A_589 : memref<1x2x56xi32, #tpu.memory_space<vmem>> -> memref<2x56xi32, #tpu.memory_space<vmem>>
    %dma_start3A_591 = arith.constant 0 : i32
    %dma_start3A_592 = arith.constant 0 : i32
    %dma_start3A_593 = tpu.memref_slice %arg3[%add3A, %dma_start3A_585, %dma_start3A_591, %dma_start3A_592] : memref<32x179x2x56xi32, #tpu.memory_space<hbm>> -> memref<1x1x2x56xi32, #tpu.memory_space<hbm>>
    %dma_start3A_594 = tpu.memref_squeeze %dma_start3A_593 : memref<1x1x2x56xi32, #tpu.memory_space<hbm>> -> memref<2x56xi32, #tpu.memory_space<hbm>>
    %dma_start3A_595 = arith.constant 0 : i32
    %dma_start3A_596 = arith.constant 0 : i32
    %dma_start3A_597 = tpu.memref_slice %arg5[%dma_start3A_586, %dma_start3A_595, %dma_start3A_596] : memref<6x2x56xi32, #tpu.memory_space<vmem>> -> memref<1x2x56xi32, #tpu.memory_space<vmem>>
    %dma_start3A_598 = tpu.memref_squeeze %dma_start3A_597 : memref<1x2x56xi32, #tpu.memory_space<vmem>> -> memref<2x56xi32, #tpu.memory_space<vmem>>
    %dma_start3A_599 = arith.constant 0 : i32
    %dma_start3A_600 = arith.constant 0 : i32
    %dma_start3A_601 = tpu.memref_slice %arg3[%add3A, %dma_start3A_585, %dma_start3A_599, %dma_start3A_600] : memref<32x179x2x56xi32, #tpu.memory_space<hbm>> -> memref<1x1x2x56xi32, #tpu.memory_space<hbm>>
    %dma_start3A_602 = tpu.memref_squeeze %dma_start3A_601 : memref<1x1x2x56xi32, #tpu.memory_space<hbm>> -> memref<2x56xi32, #tpu.memory_space<hbm>>
    tpu.enqueue_dma source(%dma_start3A_602 : memref<2x56xi32, #tpu.memory_space<hbm>>) target(%dma_start3A_598 : memref<2x56xi32, #tpu.memory_space<vmem>>) target_semaphore(%arg10 : memref<!tpu.dma_semaphore, #tpu.memory_space<semaphore_mem>>)
    %dma_wait3A_603 = arith.constant 4 : i32
    %dma_wait3A_604 = arith.constant 4 : i32
    %dma_wait3A_605 = arith.constant 0 : i32
    %dma_wait3A_606 = arith.constant 0 : i32
    %dma_wait3A_607 = tpu.memref_slice %arg5[%dma_wait3A_604, %dma_wait3A_605, %dma_wait3A_606] : memref<6x2x56xi32, #tpu.memory_space<vmem>> -> memref<1x2x56xi32, #tpu.memory_space<vmem>>
    %dma_wait3A_608 = tpu.memref_squeeze %dma_wait3A_607 : memref<1x2x56xi32, #tpu.memory_space<vmem>> -> memref<2x56xi32, #tpu.memory_space<vmem>>
    %dma_wait3A_609 = arith.constant 0 : i32
    %dma_wait3A_610 = arith.constant 0 : i32
    %dma_wait3A_611 = tpu.memref_slice %arg3[%add3A, %dma_wait3A_603, %dma_wait3A_609, %dma_wait3A_610] : memref<32x179x2x56xi32, #tpu.memory_space<hbm>> -> memref<1x1x2x56xi32, #tpu.memory_space<hbm>>
    %dma_wait3A_612 = tpu.memref_squeeze %dma_wait3A_611 : memref<1x1x2x56xi32, #tpu.memory_space<hbm>> -> memref<2x56xi32, #tpu.memory_space<hbm>>
    %dma_wait3A_613 = arith.constant 0 : i32
    %dma_wait3A_614 = arith.constant 0 : i32
    %dma_wait3A_615 = tpu.memref_slice %arg5[%dma_wait3A_604, %dma_wait3A_613, %dma_wait3A_614] : memref<6x2x56xi32, #tpu.memory_space<vmem>> -> memref<1x2x56xi32, #tpu.memory_space<vmem>>
    %dma_wait3A_616 = tpu.memref_squeeze %dma_wait3A_615 : memref<1x2x56xi32, #tpu.memory_space<vmem>> -> memref<2x56xi32, #tpu.memory_space<vmem>>
    %dma_wait3A_617 = arith.constant 0 : i32
    %dma_wait3A_618 = arith.constant 0 : i32
    %dma_wait3A_619 = tpu.memref_slice %arg3[%add3A, %dma_wait3A_603, %dma_wait3A_617, %dma_wait3A_618] : memref<32x179x2x56xi32, #tpu.memory_space<hbm>> -> memref<1x1x2x56xi32, #tpu.memory_space<hbm>>
    %dma_wait3A_620 = tpu.memref_squeeze %dma_wait3A_619 : memref<1x1x2x56xi32, #tpu.memory_space<hbm>> -> memref<2x56xi32, #tpu.memory_space<hbm>>
    tpu.wait_dma2 semaphore(%arg10 : memref<!tpu.dma_semaphore, #tpu.memory_space<semaphore_mem>>) src(%dma_wait3A_620 : memref<2x56xi32, #tpu.memory_space<hbm>>) dst(%dma_wait3A_616 : memref<2x56xi32, #tpu.memory_space<vmem>>)
    %dma_start3A_621 = arith.constant 4 : i32
    %dma_start3A_622 = arith.constant 0 : i32
    %dma_start3A_623 = arith.constant 4 : i32
    %dma_start3A_624 = arith.constant 0 : i32
    %dma_start3A_625 = arith.constant 0 : i32
    %dma_start3A_626 = tpu.memref_slice %arg6[%dma_start3A_623, %dma_start3A_624, %dma_start3A_625] : memref<6x56x128xf32, #tpu.memory_space<vmem>> -> memref<1x56x128xf32, #tpu.memory_space<vmem>>
    %dma_start3A_627 = tpu.memref_squeeze %dma_start3A_626 : memref<1x56x128xf32, #tpu.memory_space<vmem>> -> memref<56x128xf32, #tpu.memory_space<vmem>>
    %dma_start3A_628 = arith.constant 0 : i32
    %dma_start3A_629 = tpu.memref_slice %arg5[%dma_start3A_621, %dma_start3A_622, %dma_start3A_628] : memref<6x2x56xi32, #tpu.memory_space<vmem>> -> memref<1x1x56xi32, #tpu.memory_space<vmem>>
    %dma_start3A_630 = tpu.memref_squeeze %dma_start3A_629 : memref<1x1x56xi32, #tpu.memory_space<vmem>> -> memref<56xi32, #tpu.memory_space<vmem>>
    %dma_start3A_631 = arith.constant 0 : i32
    %dma_start3A_632 = arith.constant 0 : i32
    %dma_start3A_633 = tpu.memref_slice %arg2[%dma_start3A_631, %dma_start3A_632] : memref<10000x128xf32, #tpu.memory_space<hbm>> -> memref<10000x128xf32, #tpu.memory_space<hbm>>
    tpu.enqueue_indirect_dma source(%dma_start3A_633 : memref<10000x128xf32, #tpu.memory_space<hbm>>) target(%dma_start3A_627 : memref<56x128xf32, #tpu.memory_space<vmem>>) offsets(%dma_start3A_630 : memref<56xi32, #tpu.memory_space<vmem>>) semaphore(%arg9 : memref<!tpu.dma_semaphore, #tpu.memory_space<semaphore_mem>>)
    %dma_start3A_634 = arith.constant 5 : i32
    %dma_start3A_635 = arith.constant 5 : i32
    %dma_start3A_636 = arith.constant 0 : i32
    %dma_start3A_637 = arith.constant 0 : i32
    %dma_start3A_638 = tpu.memref_slice %arg5[%dma_start3A_635, %dma_start3A_636, %dma_start3A_637] : memref<6x2x56xi32, #tpu.memory_space<vmem>> -> memref<1x2x56xi32, #tpu.memory_space<vmem>>
    %dma_start3A_639 = tpu.memref_squeeze %dma_start3A_638 : memref<1x2x56xi32, #tpu.memory_space<vmem>> -> memref<2x56xi32, #tpu.memory_space<vmem>>
    %dma_start3A_640 = arith.constant 0 : i32
    %dma_start3A_641 = arith.constant 0 : i32
    %dma_start3A_642 = tpu.memref_slice %arg3[%add3A, %dma_start3A_634, %dma_start3A_640, %dma_start3A_641] : memref<32x179x2x56xi32, #tpu.memory_space<hbm>> -> memref<1x1x2x56xi32, #tpu.memory_space<hbm>>
    %dma_start3A_643 = tpu.memref_squeeze %dma_start3A_642 : memref<1x1x2x56xi32, #tpu.memory_space<hbm>> -> memref<2x56xi32, #tpu.memory_space<hbm>>
    %dma_start3A_644 = arith.constant 0 : i32
    %dma_start3A_645 = arith.constant 0 : i32
    %dma_start3A_646 = tpu.memref_slice %arg5[%dma_start3A_635, %dma_start3A_644, %dma_start3A_645] : memref<6x2x56xi32, #tpu.memory_space<vmem>> -> memref<1x2x56xi32, #tpu.memory_space<vmem>>
    %dma_start3A_647 = tpu.memref_squeeze %dma_start3A_646 : memref<1x2x56xi32, #tpu.memory_space<vmem>> -> memref<2x56xi32, #tpu.memory_space<vmem>>
    %dma_start3A_648 = arith.constant 0 : i32
    %dma_start3A_649 = arith.constant 0 : i32
    %dma_start3A_650 = tpu.memref_slice %arg3[%add3A, %dma_start3A_634, %dma_start3A_648, %dma_start3A_649] : memref<32x179x2x56xi32, #tpu.memory_space<hbm>> -> memref<1x1x2x56xi32, #tpu.memory_space<hbm>>
    %dma_start3A_651 = tpu.memref_squeeze %dma_start3A_650 : memref<1x1x2x56xi32, #tpu.memory_space<hbm>> -> memref<2x56xi32, #tpu.memory_space<hbm>>
    tpu.enqueue_dma source(%dma_start3A_651 : memref<2x56xi32, #tpu.memory_space<hbm>>) target(%dma_start3A_647 : memref<2x56xi32, #tpu.memory_space<vmem>>) target_semaphore(%arg10 : memref<!tpu.dma_semaphore, #tpu.memory_space<semaphore_mem>>)
    %dma_wait3A_652 = arith.constant 5 : i32
    %dma_wait3A_653 = arith.constant 5 : i32
    %dma_wait3A_654 = arith.constant 0 : i32
    %dma_wait3A_655 = arith.constant 0 : i32
    %dma_wait3A_656 = tpu.memref_slice %arg5[%dma_wait3A_653, %dma_wait3A_654, %dma_wait3A_655] : memref<6x2x56xi32, #tpu.memory_space<vmem>> -> memref<1x2x56xi32, #tpu.memory_space<vmem>>
    %dma_wait3A_657 = tpu.memref_squeeze %dma_wait3A_656 : memref<1x2x56xi32, #tpu.memory_space<vmem>> -> memref<2x56xi32, #tpu.memory_space<vmem>>
    %dma_wait3A_658 = arith.constant 0 : i32
    %dma_wait3A_659 = arith.constant 0 : i32
    %dma_wait3A_660 = tpu.memref_slice %arg3[%add3A, %dma_wait3A_652, %dma_wait3A_658, %dma_wait3A_659] : memref<32x179x2x56xi32, #tpu.memory_space<hbm>> -> memref<1x1x2x56xi32, #tpu.memory_space<hbm>>
    %dma_wait3A_661 = tpu.memref_squeeze %dma_wait3A_660 : memref<1x1x2x56xi32, #tpu.memory_space<hbm>> -> memref<2x56xi32, #tpu.memory_space<hbm>>
    %dma_wait3A_662 = arith.constant 0 : i32
    %dma_wait3A_663 = arith.constant 0 : i32
    %dma_wait3A_664 = tpu.memref_slice %arg5[%dma_wait3A_653, %dma_wait3A_662, %dma_wait3A_663] : memref<6x2x56xi32, #tpu.memory_space<vmem>> -> memref<1x2x56xi32, #tpu.memory_space<vmem>>
    %dma_wait3A_665 = tpu.memref_squeeze %dma_wait3A_664 : memref<1x2x56xi32, #tpu.memory_space<vmem>> -> memref<2x56xi32, #tpu.memory_space<vmem>>
    %dma_wait3A_666 = arith.constant 0 : i32
    %dma_wait3A_667 = arith.constant 0 : i32
    %dma_wait3A_668 = tpu.memref_slice %arg3[%add3A, %dma_wait3A_652, %dma_wait3A_666, %dma_wait3A_667] : memref<32x179x2x56xi32, #tpu.memory_space<hbm>> -> memref<1x1x2x56xi32, #tpu.memory_space<hbm>>
    %dma_wait3A_669 = tpu.memref_squeeze %dma_wait3A_668 : memref<1x1x2x56xi32, #tpu.memory_space<hbm>> -> memref<2x56xi32, #tpu.memory_space<hbm>>
    tpu.wait_dma2 semaphore(%arg10 : memref<!tpu.dma_semaphore, #tpu.memory_space<semaphore_mem>>) src(%dma_wait3A_669 : memref<2x56xi32, #tpu.memory_space<hbm>>) dst(%dma_wait3A_665 : memref<2x56xi32, #tpu.memory_space<vmem>>)
    %dma_start3A_670 = arith.constant 5 : i32
    %dma_start3A_671 = arith.constant 0 : i32
    %dma_start3A_672 = arith.constant 5 : i32
    %dma_start3A_673 = arith.constant 0 : i32
    %dma_start3A_674 = arith.constant 0 : i32
    %dma_start3A_675 = tpu.memref_slice %arg6[%dma_start3A_672, %dma_start3A_673, %dma_start3A_674] : memref<6x56x128xf32, #tpu.memory_space<vmem>> -> memref<1x56x128xf32, #tpu.memory_space<vmem>>
    %dma_start3A_676 = tpu.memref_squeeze %dma_start3A_675 : memref<1x56x128xf32, #tpu.memory_space<vmem>> -> memref<56x128xf32, #tpu.memory_space<vmem>>
    %dma_start3A_677 = arith.constant 0 : i32
    %dma_start3A_678 = tpu.memref_slice %arg5[%dma_start3A_670, %dma_start3A_671, %dma_start3A_677] : memref<6x2x56xi32, #tpu.memory_space<vmem>> -> memref<1x1x56xi32, #tpu.memory_space<vmem>>
    %dma_start3A_679 = tpu.memref_squeeze %dma_start3A_678 : memref<1x1x56xi32, #tpu.memory_space<vmem>> -> memref<56xi32, #tpu.memory_space<vmem>>
    %dma_start3A_680 = arith.constant 0 : i32
    %dma_start3A_681 = arith.constant 0 : i32
    %dma_start3A_682 = tpu.memref_slice %arg2[%dma_start3A_680, %dma_start3A_681] : memref<10000x128xf32, #tpu.memory_space<hbm>> -> memref<10000x128xf32, #tpu.memory_space<hbm>>
    tpu.enqueue_indirect_dma source(%dma_start3A_682 : memref<10000x128xf32, #tpu.memory_space<hbm>>) target(%dma_start3A_676 : memref<56x128xf32, #tpu.memory_space<vmem>>) offsets(%dma_start3A_679 : memref<56xi32, #tpu.memory_space<vmem>>) semaphore(%arg9 : memref<!tpu.dma_semaphore, #tpu.memory_space<semaphore_mem>>)
    %scan3A_683 = arith.constant 0 : i32
    %scan3A_684 = arith.constant 0 : i32
    %scan3A_685 = arith.constant 173 : i32
    %scan3A_686 = arith.addi %scan3A_684, %scan3A_685 : i32
    %scan3A_687 = arith.constant 1 : i32
    %scan3A_688 = scf.for %scan3A_698 = %scan3A_684 to %scan3A_686 step %scan3A_687 iter_args(%scan3A_699 = %scan3A_683) -> (i32)  : i32 {
      %rem3A = arith.constant 6 : i32
      %rem3A_700 = arith.remsi %scan3A_698, %rem3A : i32
      %dma_wait3A_701 = arith.constant 0 : i32
      %dma_wait3A_702 = arith.constant 0 : i32
      %dma_wait3A_703 = tpu.memref_slice %arg6[%rem3A_700, %dma_wait3A_701, %dma_wait3A_702] : memref<6x56x128xf32, #tpu.memory_space<vmem>> -> memref<1x56x128xf32, #tpu.memory_space<vmem>>
      %dma_wait3A_704 = tpu.memref_squeeze %dma_wait3A_703 : memref<1x56x128xf32, #tpu.memory_space<vmem>> -> memref<56x128xf32, #tpu.memory_space<vmem>>
      %dma_wait3A_705 = arith.constant 0 : i32
      %dma_wait3A_706 = arith.constant 0 : i32
      %dma_wait3A_707 = tpu.memref_slice %arg2[%dma_wait3A_705, %dma_wait3A_706] : memref<10000x128xf32, #tpu.memory_space<hbm>> -> memref<56x128xf32, #tpu.memory_space<hbm>>
      %dma_wait3A_708 = arith.constant 0 : i32
      %dma_wait3A_709 = arith.constant 0 : i32
      %dma_wait3A_710 = tpu.memref_slice %arg6[%rem3A_700, %dma_wait3A_708, %dma_wait3A_709] : memref<6x56x128xf32, #tpu.memory_space<vmem>> -> memref<1x56x128xf32, #tpu.memory_space<vmem>>
      %dma_wait3A_711 = tpu.memref_squeeze %dma_wait3A_710 : memref<1x56x128xf32, #tpu.memory_space<vmem>> -> memref<56x128xf32, #tpu.memory_space<vmem>>
      %dma_wait3A_712 = arith.constant 0 : i32
      %dma_wait3A_713 = arith.constant 0 : i32
      %dma_wait3A_714 = tpu.memref_slice %arg2[%dma_wait3A_712, %dma_wait3A_713] : memref<10000x128xf32, #tpu.memory_space<hbm>> -> memref<56x128xf32, #tpu.memory_space<hbm>>
      tpu.wait_dma2 semaphore(%arg9 : memref<!tpu.dma_semaphore, #tpu.memory_space<semaphore_mem>>) src(%dma_wait3A_714 : memref<56x128xf32, #tpu.memory_space<hbm>>) dst(%dma_wait3A_711 : memref<56x128xf32, #tpu.memory_space<vmem>>)
      %dma_start3A_715 = arith.constant 1 : i32
      %dma_start3A_716 = arith.constant 0 : i32
      %dma_start3A_717 = arith.constant 0 : i32
      %dma_start3A_718 = tpu.memref_slice %arg6[%rem3A_700, %dma_start3A_716, %dma_start3A_717] : memref<6x56x128xf32, #tpu.memory_space<vmem>> -> memref<1x56x128xf32, #tpu.memory_space<vmem>>
      %dma_start3A_719 = tpu.memref_squeeze %dma_start3A_718 : memref<1x56x128xf32, #tpu.memory_space<vmem>> -> memref<56x128xf32, #tpu.memory_space<vmem>>
      %dma_start3A_720 = arith.constant 0 : i32
      %dma_start3A_721 = tpu.memref_slice %arg5[%rem3A_700, %dma_start3A_715, %dma_start3A_720] : memref<6x2x56xi32, #tpu.memory_space<vmem>> -> memref<1x1x56xi32, #tpu.memory_space<vmem>>
      %dma_start3A_722 = tpu.memref_squeeze %dma_start3A_721 : memref<1x1x56xi32, #tpu.memory_space<vmem>> -> memref<56xi32, #tpu.memory_space<vmem>>
      %dma_start3A_723 = arith.constant 0 : i32
      %dma_start3A_724 = arith.constant 0 : i32
      %dma_start3A_725 = tpu.memref_slice %arg7[%dma_start3A_723, %dma_start3A_724] : memref<10112x128xf32, #tpu.memory_space<vmem_shared>> -> memref<10112x128xf32, #tpu.memory_space<vmem_shared>>
      tpu.enqueue_indirect_dma source(%dma_start3A_719 : memref<56x128xf32, #tpu.memory_space<vmem>>) target(%dma_start3A_725 : memref<10112x128xf32, #tpu.memory_space<vmem_shared>>) offsets(%dma_start3A_722 : memref<56xi32, #tpu.memory_space<vmem>>) semaphore(%arg10 : memref<!tpu.dma_semaphore, #tpu.memory_space<semaphore_mem>>) {add = true}
      %dma_wait3A_726 = arith.constant 1 : i32
      %dma_wait3A_727 = arith.constant 0 : i32
      %dma_wait3A_728 = arith.constant 0 : i32
      %dma_wait3A_729 = tpu.memref_slice %arg6[%rem3A_700, %dma_wait3A_727, %dma_wait3A_728] : memref<6x56x128xf32, #tpu.memory_space<vmem>> -> memref<1x56x128xf32, #tpu.memory_space<vmem>>
      %dma_wait3A_730 = tpu.memref_squeeze %dma_wait3A_729 : memref<1x56x128xf32, #tpu.memory_space<vmem>> -> memref<56x128xf32, #tpu.memory_space<vmem>>
      %dma_wait3A_731 = arith.constant 0 : i32
      %dma_wait3A_732 = tpu.memref_slice %arg5[%rem3A_700, %dma_wait3A_726, %dma_wait3A_731] : memref<6x2x56xi32, #tpu.memory_space<vmem>> -> memref<1x1x56xi32, #tpu.memory_space<vmem>>
      %dma_wait3A_733 = tpu.memref_squeeze %dma_wait3A_732 : memref<1x1x56xi32, #tpu.memory_space<vmem>> -> memref<56xi32, #tpu.memory_space<vmem>>
      %dma_wait3A_734 = arith.constant 0 : i32
      %dma_wait3A_735 = arith.constant 0 : i32
      %dma_wait3A_736 = tpu.memref_slice %arg7[%dma_wait3A_734, %dma_wait3A_735] : memref<10112x128xf32, #tpu.memory_space<vmem_shared>> -> memref<10112x128xf32, #tpu.memory_space<vmem_shared>>
      tpu.wait_indirect_dma semaphore(%arg10 : memref<!tpu.dma_semaphore, #tpu.memory_space<semaphore_mem>>) src(%dma_wait3A_730 : memref<56x128xf32, #tpu.memory_space<vmem>>) dst(%dma_wait3A_736 : memref<10112x128xf32, #tpu.memory_space<vmem_shared>>)
      %add3A_737 = arith.constant 6 : i32
      %add3A_738 = arith.addi %scan3A_698, %add3A_737 : i32
      %dma_start3A_739 = arith.constant 0 : i32
      %dma_start3A_740 = arith.constant 0 : i32
      %dma_start3A_741 = tpu.memref_slice %arg5[%rem3A_700, %dma_start3A_739, %dma_start3A_740] : memref<6x2x56xi32, #tpu.memory_space<vmem>> -> memref<1x2x56xi32, #tpu.memory_space<vmem>>
      %dma_start3A_742 = tpu.memref_squeeze %dma_start3A_741 : memref<1x2x56xi32, #tpu.memory_space<vmem>> -> memref<2x56xi32, #tpu.memory_space<vmem>>
      %dma_start3A_743 = arith.constant 0 : i32
      %dma_start3A_744 = arith.constant 0 : i32
      %dma_start3A_745 = tpu.memref_slice %arg3[%add3A, %add3A_738, %dma_start3A_743, %dma_start3A_744] : memref<32x179x2x56xi32, #tpu.memory_space<hbm>> -> memref<1x1x2x56xi32, #tpu.memory_space<hbm>>
      %dma_start3A_746 = tpu.memref_squeeze %dma_start3A_745 : memref<1x1x2x56xi32, #tpu.memory_space<hbm>> -> memref<2x56xi32, #tpu.memory_space<hbm>>
      %dma_start3A_747 = arith.constant 0 : i32
      %dma_start3A_748 = arith.constant 0 : i32
      %dma_start3A_749 = tpu.memref_slice %arg5[%rem3A_700, %dma_start3A_747, %dma_start3A_748] : memref<6x2x56xi32, #tpu.memory_space<vmem>> -> memref<1x2x56xi32, #tpu.memory_space<vmem>>
      %dma_start3A_750 = tpu.memref_squeeze %dma_start3A_749 : memref<1x2x56xi32, #tpu.memory_space<vmem>> -> memref<2x56xi32, #tpu.memory_space<vmem>>
      %dma_start3A_751 = arith.constant 0 : i32
      %dma_start3A_752 = arith.constant 0 : i32
      %dma_start3A_753 = tpu.memref_slice %arg3[%add3A, %add3A_738, %dma_start3A_751, %dma_start3A_752] : memref<32x179x2x56xi32, #tpu.memory_space<hbm>> -> memref<1x1x2x56xi32, #tpu.memory_space<hbm>>
      %dma_start3A_754 = tpu.memref_squeeze %dma_start3A_753 : memref<1x1x2x56xi32, #tpu.memory_space<hbm>> -> memref<2x56xi32, #tpu.memory_space<hbm>>
      tpu.enqueue_dma source(%dma_start3A_754 : memref<2x56xi32, #tpu.memory_space<hbm>>) target(%dma_start3A_750 : memref<2x56xi32, #tpu.memory_space<vmem>>) target_semaphore(%arg10 : memref<!tpu.dma_semaphore, #tpu.memory_space<semaphore_mem>>)
      %dma_wait3A_755 = arith.constant 0 : i32
      %dma_wait3A_756 = arith.constant 0 : i32
      %dma_wait3A_757 = tpu.memref_slice %arg5[%rem3A_700, %dma_wait3A_755, %dma_wait3A_756] : memref<6x2x56xi32, #tpu.memory_space<vmem>> -> memref<1x2x56xi32, #tpu.memory_space<vmem>>
      %dma_wait3A_758 = tpu.memref_squeeze %dma_wait3A_757 : memref<1x2x56xi32, #tpu.memory_space<vmem>> -> memref<2x56xi32, #tpu.memory_space<vmem>>
      %dma_wait3A_759 = arith.constant 0 : i32
      %dma_wait3A_760 = arith.constant 0 : i32
      %dma_wait3A_761 = tpu.memref_slice %arg3[%add3A, %add3A_738, %dma_wait3A_759, %dma_wait3A_760] : memref<32x179x2x56xi32, #tpu.memory_space<hbm>> -> memref<1x1x2x56xi32, #tpu.memory_space<hbm>>
      %dma_wait3A_762 = tpu.memref_squeeze %dma_wait3A_761 : memref<1x1x2x56xi32, #tpu.memory_space<hbm>> -> memref<2x56xi32, #tpu.memory_space<hbm>>
      %dma_wait3A_763 = arith.constant 0 : i32
      %dma_wait3A_764 = arith.constant 0 : i32
      %dma_wait3A_765 = tpu.memref_slice %arg5[%rem3A_700, %dma_wait3A_763, %dma_wait3A_764] : memref<6x2x56xi32, #tpu.memory_space<vmem>> -> memref<1x2x56xi32, #tpu.memory_space<vmem>>
      %dma_wait3A_766 = tpu.memref_squeeze %dma_wait3A_765 : memref<1x2x56xi32, #tpu.memory_space<vmem>> -> memref<2x56xi32, #tpu.memory_space<vmem>>
      %dma_wait3A_767 = arith.constant 0 : i32
      %dma_wait3A_768 = arith.constant 0 : i32
      %dma_wait3A_769 = tpu.memref_slice %arg3[%add3A, %add3A_738, %dma_wait3A_767, %dma_wait3A_768] : memref<32x179x2x56xi32, #tpu.memory_space<hbm>> -> memref<1x1x2x56xi32, #tpu.memory_space<hbm>>
      %dma_wait3A_770 = tpu.memref_squeeze %dma_wait3A_769 : memref<1x1x2x56xi32, #tpu.memory_space<hbm>> -> memref<2x56xi32, #tpu.memory_space<hbm>>
      tpu.wait_dma2 semaphore(%arg10 : memref<!tpu.dma_semaphore, #tpu.memory_space<semaphore_mem>>) src(%dma_wait3A_770 : memref<2x56xi32, #tpu.memory_space<hbm>>) dst(%dma_wait3A_766 : memref<2x56xi32, #tpu.memory_space<vmem>>)
      %dma_start3A_771 = arith.constant 0 : i32
      %dma_start3A_772 = arith.constant 0 : i32
      %dma_start3A_773 = arith.constant 0 : i32
      %dma_start3A_774 = tpu.memref_slice %arg6[%rem3A_700, %dma_start3A_772, %dma_start3A_773] : memref<6x56x128xf32, #tpu.memory_space<vmem>> -> memref<1x56x128xf32, #tpu.memory_space<vmem>>
      %dma_start3A_775 = tpu.memref_squeeze %dma_start3A_774 : memref<1x56x128xf32, #tpu.memory_space<vmem>> -> memref<56x128xf32, #tpu.memory_space<vmem>>
      %dma_start3A_776 = arith.constant 0 : i32
      %dma_start3A_777 = tpu.memref_slice %arg5[%rem3A_700, %dma_start3A_771, %dma_start3A_776] : memref<6x2x56xi32, #tpu.memory_space<vmem>> -> memref<1x1x56xi32, #tpu.memory_space<vmem>>
      %dma_start3A_778 = tpu.memref_squeeze %dma_start3A_777 : memref<1x1x56xi32, #tpu.memory_space<vmem>> -> memref<56xi32, #tpu.memory_space<vmem>>
      %dma_start3A_779 = arith.constant 0 : i32
      %dma_start3A_780 = arith.constant 0 : i32
      %dma_start3A_781 = tpu.memref_slice %arg2[%dma_start3A_779, %dma_start3A_780] : memref<10000x128xf32, #tpu.memory_space<hbm>> -> memref<10000x128xf32, #tpu.memory_space<hbm>>
      tpu.enqueue_indirect_dma source(%dma_start3A_781 : memref<10000x128xf32, #tpu.memory_space<hbm>>) target(%dma_start3A_775 : memref<56x128xf32, #tpu.memory_space<vmem>>) offsets(%dma_start3A_778 : memref<56xi32, #tpu.memory_space<vmem>>) semaphore(%arg9 : memref<!tpu.dma_semaphore, #tpu.memory_space<semaphore_mem>>)
      %scan3A_782 = arith.constant 0 : i32
      scf.yield %scan3A_782 : i32
    }
    %scan3A_689 = arith.constant 173 : i32
    %scan3A_690 = arith.constant 0 : i32
    %scan3A_691 = arith.constant 173 : i32
    %scan3A_692 = arith.constant 6 : i32
    %scan3A_693 = arith.addi %scan3A_691, %scan3A_692 : i32
    %scan3A_694 = arith.constant 1 : i32
    %scan3A_695 = scf.for %scan3A_698 = %scan3A_691 to %scan3A_693 step %scan3A_694 iter_args(%scan3A_699 = %scan3A_690) -> (i32)  : i32 {
      %rem3A = arith.constant 6 : i32
      %rem3A_700 = arith.remsi %scan3A_698, %rem3A : i32
      %dma_wait3A_701 = arith.constant 0 : i32
      %dma_wait3A_702 = arith.constant 0 : i32
      %dma_wait3A_703 = tpu.memref_slice %arg6[%rem3A_700, %dma_wait3A_701, %dma_wait3A_702] : memref<6x56x128xf32, #tpu.memory_space<vmem>> -> memref<1x56x128xf32, #tpu.memory_space<vmem>>
      %dma_wait3A_704 = tpu.memref_squeeze %dma_wait3A_703 : memref<1x56x128xf32, #tpu.memory_space<vmem>> -> memref<56x128xf32, #tpu.memory_space<vmem>>
      %dma_wait3A_705 = arith.constant 0 : i32
      %dma_wait3A_706 = arith.constant 0 : i32
      %dma_wait3A_707 = tpu.memref_slice %arg2[%dma_wait3A_705, %dma_wait3A_706] : memref<10000x128xf32, #tpu.memory_space<hbm>> -> memref<56x128xf32, #tpu.memory_space<hbm>>
      %dma_wait3A_708 = arith.constant 0 : i32
      %dma_wait3A_709 = arith.constant 0 : i32
      %dma_wait3A_710 = tpu.memref_slice %arg6[%rem3A_700, %dma_wait3A_708, %dma_wait3A_709] : memref<6x56x128xf32, #tpu.memory_space<vmem>> -> memref<1x56x128xf32, #tpu.memory_space<vmem>>
      %dma_wait3A_711 = tpu.memref_squeeze %dma_wait3A_710 : memref<1x56x128xf32, #tpu.memory_space<vmem>> -> memref<56x128xf32, #tpu.memory_space<vmem>>
      %dma_wait3A_712 = arith.constant 0 : i32
      %dma_wait3A_713 = arith.constant 0 : i32
      %dma_wait3A_714 = tpu.memref_slice %arg2[%dma_wait3A_712, %dma_wait3A_713] : memref<10000x128xf32, #tpu.memory_space<hbm>> -> memref<56x128xf32, #tpu.memory_space<hbm>>
      tpu.wait_dma2 semaphore(%arg9 : memref<!tpu.dma_semaphore, #tpu.memory_space<semaphore_mem>>) src(%dma_wait3A_714 : memref<56x128xf32, #tpu.memory_space<hbm>>) dst(%dma_wait3A_711 : memref<56x128xf32, #tpu.memory_space<vmem>>)
      %dma_start3A_715 = arith.constant 1 : i32
      %dma_start3A_716 = arith.constant 0 : i32
      %dma_start3A_717 = arith.constant 0 : i32
      %dma_start3A_718 = tpu.memref_slice %arg6[%rem3A_700, %dma_start3A_716, %dma_start3A_717] : memref<6x56x128xf32, #tpu.memory_space<vmem>> -> memref<1x56x128xf32, #tpu.memory_space<vmem>>
      %dma_start3A_719 = tpu.memref_squeeze %dma_start3A_718 : memref<1x56x128xf32, #tpu.memory_space<vmem>> -> memref<56x128xf32, #tpu.memory_space<vmem>>
      %dma_start3A_720 = arith.constant 0 : i32
      %dma_start3A_721 = tpu.memref_slice %arg5[%rem3A_700, %dma_start3A_715, %dma_start3A_720] : memref<6x2x56xi32, #tpu.memory_space<vmem>> -> memref<1x1x56xi32, #tpu.memory_space<vmem>>
      %dma_start3A_722 = tpu.memref_squeeze %dma_start3A_721 : memref<1x1x56xi32, #tpu.memory_space<vmem>> -> memref<56xi32, #tpu.memory_space<vmem>>
      %dma_start3A_723 = arith.constant 0 : i32
      %dma_start3A_724 = arith.constant 0 : i32
      %dma_start3A_725 = tpu.memref_slice %arg7[%dma_start3A_723, %dma_start3A_724] : memref<10112x128xf32, #tpu.memory_space<vmem_shared>> -> memref<10112x128xf32, #tpu.memory_space<vmem_shared>>
      tpu.enqueue_indirect_dma source(%dma_start3A_719 : memref<56x128xf32, #tpu.memory_space<vmem>>) target(%dma_start3A_725 : memref<10112x128xf32, #tpu.memory_space<vmem_shared>>) offsets(%dma_start3A_722 : memref<56xi32, #tpu.memory_space<vmem>>) semaphore(%arg10 : memref<!tpu.dma_semaphore, #tpu.memory_space<semaphore_mem>>) {add = true}
      %dma_wait3A_726 = arith.constant 1 : i32
      %dma_wait3A_727 = arith.constant 0 : i32
      %dma_wait3A_728 = arith.constant 0 : i32
      %dma_wait3A_729 = tpu.memref_slice %arg6[%rem3A_700, %dma_wait3A_727, %dma_wait3A_728] : memref<6x56x128xf32, #tpu.memory_space<vmem>> -> memref<1x56x128xf32, #tpu.memory_space<vmem>>
      %dma_wait3A_730 = tpu.memref_squeeze %dma_wait3A_729 : memref<1x56x128xf32, #tpu.memory_space<vmem>> -> memref<56x128xf32, #tpu.memory_space<vmem>>
      %dma_wait3A_731 = arith.constant 0 : i32
      %dma_wait3A_732 = tpu.memref_slice %arg5[%rem3A_700, %dma_wait3A_726, %dma_wait3A_731] : memref<6x2x56xi32, #tpu.memory_space<vmem>> -> memref<1x1x56xi32, #tpu.memory_space<vmem>>
      %dma_wait3A_733 = tpu.memref_squeeze %dma_wait3A_732 : memref<1x1x56xi32, #tpu.memory_space<vmem>> -> memref<56xi32, #tpu.memory_space<vmem>>
      %dma_wait3A_734 = arith.constant 0 : i32
      %dma_wait3A_735 = arith.constant 0 : i32
      %dma_wait3A_736 = tpu.memref_slice %arg7[%dma_wait3A_734, %dma_wait3A_735] : memref<10112x128xf32, #tpu.memory_space<vmem_shared>> -> memref<10112x128xf32, #tpu.memory_space<vmem_shared>>
      tpu.wait_indirect_dma semaphore(%arg10 : memref<!tpu.dma_semaphore, #tpu.memory_space<semaphore_mem>>) src(%dma_wait3A_730 : memref<56x128xf32, #tpu.memory_space<vmem>>) dst(%dma_wait3A_736 : memref<10112x128xf32, #tpu.memory_space<vmem_shared>>)
      %scan3A_737 = arith.constant 0 : i32
      scf.yield %scan3A_737 : i32
    }
    %scan3A_696 = arith.constant 6 : i32
    %barrier3A_697 = arith.constant 0 : index
    tpu.barrier barrier_id(%barrier3A_697)
    "tpu.region"() ({
      %run_scoped3A = tpu.sem_alloc : memref<!tpu.dma_semaphore, #tpu.memory_space<semaphore_mem>>
      %dma_start3A_698 = arith.constant 0 : i32
      %dma_start3A_699 = tpu.memref_slice %arg4[%arg0, %mul3A_384, %dma_start3A_698] : memref<2x10112x128xf32, #tpu.memory_space<hbm>> -> memref<1x632x128xf32, #tpu.memory_space<hbm>>
      %dma_start3A_700 = tpu.memref_squeeze %dma_start3A_699 : memref<1x632x128xf32, #tpu.memory_space<hbm>> -> memref<632x128xf32, #tpu.memory_space<hbm>>
      %dma_start3A_701 = arith.constant 0 : i32
      %dma_start3A_702 = tpu.memref_slice %arg7[%mul3A_384, %dma_start3A_701] : memref<10112x128xf32, #tpu.memory_space<vmem_shared>> -> memref<632x128xf32, #tpu.memory_space<vmem_shared>>
      tpu.enqueue_dma source(%dma_start3A_702 : memref<632x128xf32, #tpu.memory_space<vmem_shared>>) target(%dma_start3A_700 : memref<632x128xf32, #tpu.memory_space<hbm>>) target_semaphore(%run_scoped3A : memref<!tpu.dma_semaphore, #tpu.memory_space<semaphore_mem>>)
      %dma_wait3A_703 = arith.constant 0 : i32
      %dma_wait3A_704 = tpu.memref_slice %arg4[%arg0, %mul3A_384, %dma_wait3A_703] : memref<2x10112x128xf32, #tpu.memory_space<hbm>> -> memref<1x632x128xf32, #tpu.memory_space<hbm>>
      %dma_wait3A_705 = tpu.memref_squeeze %dma_wait3A_704 : memref<1x632x128xf32, #tpu.memory_space<hbm>> -> memref<632x128xf32, #tpu.memory_space<hbm>>
      %dma_wait3A_706 = arith.constant 0 : i32
      %dma_wait3A_707 = tpu.memref_slice %arg7[%mul3A_384, %dma_wait3A_706] : memref<10112x128xf32, #tpu.memory_space<vmem_shared>> -> memref<632x128xf32, #tpu.memory_space<vmem_shared>>
      tpu.wait_dma2 semaphore(%run_scoped3A : memref<!tpu.dma_semaphore, #tpu.memory_space<semaphore_mem>>) src(%dma_wait3A_707 : memref<632x128xf32, #tpu.memory_space<vmem_shared>>) dst(%dma_wait3A_705 : memref<632x128xf32, #tpu.memory_space<hbm>>)
      tpu.yield
    }) : () -> ()
    return
  }
}

module attributes {stable_mosaic.version = 14 : i64} {
  func.func @_scale_body(%arg0: i32, %arg1: memref<2000x128xf32, #tpu.memory_space<vmem>>, %arg2: memref<2000x1xf32, #tpu.memory_space<vmem>>, %arg3: memref<2000x128xf32, #tpu.memory_space<vmem>>) attributes {dimension_semantics = [#tpu.dimension_semantics<arbitrary>], iteration_bounds = array<i64: 5>, scalar_prefetch = 0 : i64, scratch_operands = 0 : i64, tpu.core_type = #tpu.core_type<tc>, window_params = [{transform_indices = @transform_0, window_bounds = array<i64: 2000, 128>}, {transform_indices = @transform_1, window_bounds = array<i64: 2000, 1>}, {transform_indices = @transform_2, window_bounds = array<i64: 2000, 128>}]} {
    %get3A = arith.constant 0 : index
    %get3A_0 = arith.constant 0 : index
    %get3A_1 = vector.load %arg1[%get3A, %get3A_0] : memref<2000x128xf32, #tpu.memory_space<vmem>>, vector<2000x128xf32>
    %get3A_2 = arith.constant 0 : index
    %get3A_3 = arith.constant 0 : index
    %get3A_4 = vector.load %arg2[%get3A_2, %get3A_3] : memref<2000x1xf32, #tpu.memory_space<vmem>>, vector<2000x1xf32>
    %mul3A = vector.broadcast %get3A_4 : vector<2000x1xf32> to vector<2000x128xf32>
    %mul3A_5 = arith.mulf %get3A_1, %mul3A : vector<2000x128xf32>
    %swap3A = arith.constant 0 : index
    %swap3A_6 = arith.constant 0 : index
    %swap3A_7 = vector.load %arg3[%swap3A, %swap3A_6] : memref<2000x128xf32, #tpu.memory_space<vmem>>, vector<2000x128xf32>
    tpu.vector_store %arg3[%swap3A, %swap3A_6], %mul3A_5 {strides = array<i32>} : memref<2000x128xf32, #tpu.memory_space<vmem>>, vector<2000x128xf32>,
    return
  }
  func.func @transform_0(%arg0: i32) -> (i32, i32) {
    %c0_i32 = arith.constant 0 : i32
    %c0_i32_0 = arith.constant 0 : i32
    return %arg0, %c0_i32 : i32, i32
  }
  func.func @transform_1(%arg0: i32) -> (i32, i32) {
    %c0_i32 = arith.constant 0 : i32
    %c0_i32_0 = arith.constant 0 : i32
    return %arg0, %c0_i32 : i32, i32
  }
  func.func @transform_2(%arg0: i32) -> (i32, i32) {
    %c0_i32 = arith.constant 0 : i32
    %c0_i32_0 = arith.constant 0 : i32
    return %arg0, %c0_i32 : i32, i32
  }
}

module attributes {stable_mosaic.version = 14 : i64} {
  func.func @_layer1_body(%arg0: i32, %arg1: memref<2x2000x128xf32, #tpu.memory_space<vmem>>, %arg2: memref<2000x128xf32, #tpu.memory_space<vmem>>, %arg3: memref<2000x1xf32, #tpu.memory_space<vmem>>, %arg4: memref<128x128xf32, #tpu.memory_space<vmem>>, %arg5: memref<1x128xf32, #tpu.memory_space<vmem>>, %arg6: memref<2000x128xf32, #tpu.memory_space<vmem>>) attributes {dimension_semantics = [#tpu.dimension_semantics<arbitrary>], iteration_bounds = array<i64: 5>, scalar_prefetch = 0 : i64, scratch_operands = 0 : i64, tpu.core_type = #tpu.core_type<tc>, window_params = [{transform_indices = @transform_0, window_bounds = array<i64: 2, 2000, 128>}, {transform_indices = @transform_1, window_bounds = array<i64: 2000, 128>}, {transform_indices = @transform_2, window_bounds = array<i64: 2000, 1>}, {pipeline_mode = #tpu.pipeline_mode<synchronous>, transform_indices = @transform_3, window_bounds = array<i64: 128, 128>}, {pipeline_mode = #tpu.pipeline_mode<synchronous>, transform_indices = @transform_4, window_bounds = array<i64: 1, 128>}, {transform_indices = @transform_5, window_bounds = array<i64: 2000, 128>}]} {
    %get3A = arith.constant 0 : index
    %get3A_0 = arith.constant 0 : index
    %get3A_1 = arith.constant 0 : index
    %get3A_2 = vector.load %arg1[%get3A, %get3A_0, %get3A_1] : memref<2x2000x128xf32, #tpu.memory_space<vmem>>, vector<1x2000x128xf32>
    %get3A_3 = vector.shape_cast %get3A_2 : vector<1x2000x128xf32> to vector<2000x128xf32>
    %get3A_4 = arith.constant 1 : index
    %get3A_5 = arith.constant 0 : index
    %get3A_6 = arith.constant 0 : index
    %get3A_7 = vector.load %arg1[%get3A_4, %get3A_5, %get3A_6] : memref<2x2000x128xf32, #tpu.memory_space<vmem>>, vector<1x2000x128xf32>
    %get3A_8 = vector.shape_cast %get3A_7 : vector<1x2000x128xf32> to vector<2000x128xf32>
    %add3A = arith.addf %get3A_3, %get3A_8 : vector<2000x128xf32>
    %get3A_9 = arith.constant 0 : index
    %get3A_10 = arith.constant 0 : index
    %get3A_11 = vector.load %arg2[%get3A_9, %get3A_10] : memref<2000x128xf32, #tpu.memory_space<vmem>>, vector<2000x128xf32>
    %add3A_12 = arith.addf %add3A, %get3A_11 : vector<2000x128xf32>
    %get3A_13 = arith.constant 0 : index
    %get3A_14 = arith.constant 0 : index
    %get3A_15 = vector.load %arg3[%get3A_13, %get3A_14] : memref<2000x1xf32, #tpu.memory_space<vmem>>, vector<2000x1xf32>
    %mul3A = vector.broadcast %get3A_15 : vector<2000x1xf32> to vector<2000x128xf32>
    %mul3A_16 = arith.mulf %add3A_12, %mul3A : vector<2000x128xf32>
    %get3A_17 = arith.constant 0 : index
    %get3A_18 = arith.constant 0 : index
    %get3A_19 = vector.load %arg4[%get3A_17, %get3A_18] : memref<128x128xf32, #tpu.memory_space<vmem>>, vector<128x128xf32>
    %dot_general3A = arith.constant dense<0.000000e+00> : vector<2000x128xf32>
    %dot_general3A_20 = tpu.matmul %mul3A_16, %get3A_19, %dot_general3A {dimension_numbers = #tpu.dot_dimension_numbers<[1], [0], [0], [1], [0, 0, 1, 1], [], []>, transpose_lhs_hint = false} : vector<2000x128xf32>, vector<128x128xf32>, vector<2000x128xf32> -> vector<2000x128xf32>
    %get3A_21 = arith.constant 0 : index
    %get3A_22 = arith.constant 0 : index
    %get3A_23 = vector.load %arg5[%get3A_21, %get3A_22] : memref<1x128xf32, #tpu.memory_space<vmem>>, vector<1x128xf32>
    %add3A_24 = vector.broadcast %get3A_23 : vector<1x128xf32> to vector<2000x128xf32>
    %add3A_25 = arith.addf %dot_general3A_20, %add3A_24 : vector<2000x128xf32>
    %max3A = arith.constant 0.000000e+00 : f32
    %max3A_26 = vector.broadcast %max3A : f32 to vector<2000x128xf32>
    %max3A_27 = arith.maximumf %add3A_25, %max3A_26 : vector<2000x128xf32>
    %get3A_28 = arith.constant 0 : index
    %get3A_29 = arith.constant 0 : index
    %get3A_30 = vector.load %arg3[%get3A_28, %get3A_29] : memref<2000x1xf32, #tpu.memory_space<vmem>>, vector<2000x1xf32>
    %mul3A_31 = vector.broadcast %get3A_30 : vector<2000x1xf32> to vector<2000x128xf32>
    %mul3A_32 = arith.mulf %max3A_27, %mul3A_31 : vector<2000x128xf32>
    %swap3A = arith.constant 0 : index
    %swap3A_33 = arith.constant 0 : index
    %swap3A_34 = vector.load %arg6[%swap3A, %swap3A_33] : memref<2000x128xf32, #tpu.memory_space<vmem>>, vector<2000x128xf32>
    tpu.vector_store %arg6[%swap3A, %swap3A_33], %mul3A_32 {strides = array<i32>} : memref<2000x128xf32, #tpu.memory_space<vmem>>, vector<2000x128xf32>,
    return
  }
  func.func @transform_0(%arg0: i32) -> (i32, i32, i32) {
    %c0_i32 = arith.constant 0 : i32
    %c0_i32_0 = arith.constant 0 : i32
    %c0_i32_1 = arith.constant 0 : i32
    return %c0_i32, %arg0, %c0_i32_0 : i32, i32, i32
  }
  func.func @transform_1(%arg0: i32) -> (i32, i32) {
    %c0_i32 = arith.constant 0 : i32
    %c0_i32_0 = arith.constant 0 : i32
    return %arg0, %c0_i32 : i32, i32
  }
  func.func @transform_2(%arg0: i32) -> (i32, i32) {
    %c0_i32 = arith.constant 0 : i32
    %c0_i32_0 = arith.constant 0 : i32
    return %arg0, %c0_i32 : i32, i32
  }
  func.func @transform_3(%arg0: i32) -> (i32, i32) {
    %c0_i32 = arith.constant 0 : i32
    %c0_i32_0 = arith.constant 0 : i32
    %c0_i32_1 = arith.constant 0 : i32
    return %c0_i32, %c0_i32_0 : i32, i32
  }
  func.func @transform_4(%arg0: i32) -> (i32, i32) {
    %c0_i32 = arith.constant 0 : i32
    %c0_i32_0 = arith.constant 0 : i32
    %c0_i32_1 = arith.constant 0 : i32
    return %c0_i32, %c0_i32_0 : i32, i32
  }
  func.func @transform_5(%arg0: i32) -> (i32, i32) {
    %c0_i32 = arith.constant 0 : i32
    %c0_i32_0 = arith.constant 0 : i32
    return %arg0, %c0_i32 : i32, i32
  }
}

module attributes {stable_mosaic.version = 14 : i64} {
  func.func @_layer23_body(%arg0: i32, %arg1: memref<2x2000x128xf32, #tpu.memory_space<vmem>>, %arg2: memref<2000x128xf32, #tpu.memory_space<vmem>>, %arg3: memref<2000x1xf32, #tpu.memory_space<vmem>>, %arg4: memref<128x128xf32, #tpu.memory_space<vmem>>, %arg5: memref<1x128xf32, #tpu.memory_space<vmem>>, %arg6: memref<128x128xf32, #tpu.memory_space<vmem>>, %arg7: memref<1x128xf32, #tpu.memory_space<vmem>>, %arg8: memref<2000x128xf32, #tpu.memory_space<vmem>>, %arg9: memref<2000x128xf32, #tpu.memory_space<vmem>>) attributes {dimension_semantics = [#tpu.dimension_semantics<arbitrary>], iteration_bounds = array<i64: 5>, scalar_prefetch = 0 : i64, scratch_operands = 0 : i64, tpu.core_type = #tpu.core_type<tc>, window_params = [{transform_indices = @transform_0, window_bounds = array<i64: 2, 2000, 128>}, {transform_indices = @transform_1, window_bounds = array<i64: 2000, 128>}, {transform_indices = @transform_2, window_bounds = array<i64: 2000, 1>}, {pipeline_mode = #tpu.pipeline_mode<synchronous>, transform_indices = @transform_3, window_bounds = array<i64: 128, 128>}, {pipeline_mode = #tpu.pipeline_mode<synchronous>, transform_indices = @transform_4, window_bounds = array<i64: 1, 128>}, {pipeline_mode = #tpu.pipeline_mode<synchronous>, transform_indices = @transform_5, window_bounds = array<i64: 128, 128>}, {pipeline_mode = #tpu.pipeline_mode<synchronous>, transform_indices = @transform_6, window_bounds = array<i64: 1, 128>}, {transform_indices = @transform_7, window_bounds = array<i64: 2000, 128>}, {transform_indices = @transform_8, window_bounds = array<i64: 2000, 128>}]} {
    %get3A = arith.constant 0 : index
    %get3A_0 = arith.constant 0 : index
    %get3A_1 = arith.constant 0 : index
    %get3A_2 = vector.load %arg1[%get3A, %get3A_0, %get3A_1] : memref<2x2000x128xf32, #tpu.memory_space<vmem>>, vector<1x2000x128xf32>
    %get3A_3 = vector.shape_cast %get3A_2 : vector<1x2000x128xf32> to vector<2000x128xf32>
    %get3A_4 = arith.constant 1 : index
    %get3A_5 = arith.constant 0 : index
    %get3A_6 = arith.constant 0 : index
    %get3A_7 = vector.load %arg1[%get3A_4, %get3A_5, %get3A_6] : memref<2x2000x128xf32, #tpu.memory_space<vmem>>, vector<1x2000x128xf32>
    %get3A_8 = vector.shape_cast %get3A_7 : vector<1x2000x128xf32> to vector<2000x128xf32>
    %add3A = arith.addf %get3A_3, %get3A_8 : vector<2000x128xf32>
    %get3A_9 = arith.constant 0 : index
    %get3A_10 = arith.constant 0 : index
    %get3A_11 = vector.load %arg2[%get3A_9, %get3A_10] : memref<2000x128xf32, #tpu.memory_space<vmem>>, vector<2000x128xf32>
    %add3A_12 = arith.addf %add3A, %get3A_11 : vector<2000x128xf32>
    %get3A_13 = arith.constant 0 : index
    %get3A_14 = arith.constant 0 : index
    %get3A_15 = vector.load %arg3[%get3A_13, %get3A_14] : memref<2000x1xf32, #tpu.memory_space<vmem>>, vector<2000x1xf32>
    %mul3A = vector.broadcast %get3A_15 : vector<2000x1xf32> to vector<2000x128xf32>
    %mul3A_16 = arith.mulf %add3A_12, %mul3A : vector<2000x128xf32>
    %get3A_17 = arith.constant 0 : index
    %get3A_18 = arith.constant 0 : index
    %get3A_19 = vector.load %arg4[%get3A_17, %get3A_18] : memref<128x128xf32, #tpu.memory_space<vmem>>, vector<128x128xf32>
    %dot_general3A = arith.constant dense<0.000000e+00> : vector<2000x128xf32>
    %dot_general3A_20 = tpu.matmul %mul3A_16, %get3A_19, %dot_general3A {dimension_numbers = #tpu.dot_dimension_numbers<[1], [0], [0], [1], [0, 0, 1, 1], [], []>, transpose_lhs_hint = false} : vector<2000x128xf32>, vector<128x128xf32>, vector<2000x128xf32> -> vector<2000x128xf32>
    %get3A_21 = arith.constant 0 : index
    %get3A_22 = arith.constant 0 : index
    %get3A_23 = vector.load %arg5[%get3A_21, %get3A_22] : memref<1x128xf32, #tpu.memory_space<vmem>>, vector<1x128xf32>
    %add3A_24 = vector.broadcast %get3A_23 : vector<1x128xf32> to vector<2000x128xf32>
    %add3A_25 = arith.addf %dot_general3A_20, %add3A_24 : vector<2000x128xf32>
    %swap3A = arith.constant 0 : index
    %swap3A_26 = arith.constant 0 : index
    %swap3A_27 = vector.load %arg8[%swap3A, %swap3A_26] : memref<2000x128xf32, #tpu.memory_space<vmem>>, vector<2000x128xf32>
    tpu.vector_store %arg8[%swap3A, %swap3A_26], %add3A_25 {strides = array<i32>} : memref<2000x128xf32, #tpu.memory_space<vmem>>, vector<2000x128xf32>,
    %get3A_28 = arith.constant 0 : index
    %get3A_29 = arith.constant 0 : index
    %get3A_30 = vector.load %arg6[%get3A_28, %get3A_29] : memref<128x128xf32, #tpu.memory_space<vmem>>, vector<128x128xf32>
    %dot_general3A_31 = arith.constant dense<0.000000e+00> : vector<2000x128xf32>
    %dot_general3A_32 = tpu.matmul %mul3A_16, %get3A_30, %dot_general3A_31 {dimension_numbers = #tpu.dot_dimension_numbers<[1], [0], [0], [1], [0, 0, 1, 1], [], []>, transpose_lhs_hint = false} : vector<2000x128xf32>, vector<128x128xf32>, vector<2000x128xf32> -> vector<2000x128xf32>
    %get3A_33 = arith.constant 0 : index
    %get3A_34 = arith.constant 0 : index
    %get3A_35 = vector.load %arg7[%get3A_33, %get3A_34] : memref<1x128xf32, #tpu.memory_space<vmem>>, vector<1x128xf32>
    %add3A_36 = vector.broadcast %get3A_35 : vector<1x128xf32> to vector<2000x128xf32>
    %add3A_37 = arith.addf %dot_general3A_32, %add3A_36 : vector<2000x128xf32>
    %swap3A_38 = arith.constant 0 : index
    %swap3A_39 = arith.constant 0 : index
    %swap3A_40 = vector.load %arg9[%swap3A_38, %swap3A_39] : memref<2000x128xf32, #tpu.memory_space<vmem>>, vector<2000x128xf32>
    tpu.vector_store %arg9[%swap3A_38, %swap3A_39], %add3A_37 {strides = array<i32>} : memref<2000x128xf32, #tpu.memory_space<vmem>>, vector<2000x128xf32>,
    return
  }
  func.func @transform_0(%arg0: i32) -> (i32, i32, i32) {
    %c0_i32 = arith.constant 0 : i32
    %c0_i32_0 = arith.constant 0 : i32
    %c0_i32_1 = arith.constant 0 : i32
    return %c0_i32, %arg0, %c0_i32_0 : i32, i32, i32
  }
  func.func @transform_1(%arg0: i32) -> (i32, i32) {
    %c0_i32 = arith.constant 0 : i32
    %c0_i32_0 = arith.constant 0 : i32
    return %arg0, %c0_i32 : i32, i32
  }
  func.func @transform_2(%arg0: i32) -> (i32, i32) {
    %c0_i32 = arith.constant 0 : i32
    %c0_i32_0 = arith.constant 0 : i32
    return %arg0, %c0_i32 : i32, i32
  }
  func.func @transform_3(%arg0: i32) -> (i32, i32) {
    %c0_i32 = arith.constant 0 : i32
    %c0_i32_0 = arith.constant 0 : i32
    %c0_i32_1 = arith.constant 0 : i32
    return %c0_i32, %c0_i32_0 : i32, i32
  }
  func.func @transform_4(%arg0: i32) -> (i32, i32) {
    %c0_i32 = arith.constant 0 : i32
    %c0_i32_0 = arith.constant 0 : i32
    %c0_i32_1 = arith.constant 0 : i32
    return %c0_i32, %c0_i32_0 : i32, i32
  }
  func.func @transform_5(%arg0: i32) -> (i32, i32) {
    %c0_i32 = arith.constant 0 : i32
    %c0_i32_0 = arith.constant 0 : i32
    %c0_i32_1 = arith.constant 0 : i32
    return %c0_i32, %c0_i32_0 : i32, i32
  }
  func.func @transform_6(%arg0: i32) -> (i32, i32) {
    %c0_i32 = arith.constant 0 : i32
    %c0_i32_0 = arith.constant 0 : i32
    %c0_i32_1 = arith.constant 0 : i32
    return %c0_i32, %c0_i32_0 : i32, i32
  }
  func.func @transform_7(%arg0: i32) -> (i32, i32) {
    %c0_i32 = arith.constant 0 : i32
    %c0_i32_0 = arith.constant 0 : i32
    return %arg0, %c0_i32 : i32, i32
  }
  func.func @transform_8(%arg0: i32) -> (i32, i32) {
    %c0_i32 = arith.constant 0 : i32
    %c0_i32_0 = arith.constant 0 : i32
    return %arg0, %c0_i32 : i32, i32
  }
}

</mosaic_0001>

<sc_bundles>
// kernel: kernel.11.cloned.1.call-start
scs
__scs_entry_jumppad:
0x0: {  	(pc) =	sbr.rel $0x88, $3  }
0x1: {  	(tag) =	ssettag $0x0;
	lr =	simm.s32 $0x1  }
0x2: {  	[smem:$0x3F99] =	sst lr;
	_ =	strace $0xD0000000  }
0x3: {  	_ = 	snop  }
0x4: {  	_ = 	snop  }
0x5: {  	_ = 	snop  }
0x6: {  	_ = 	snop  }
0x7: {  	_ = 	snop  }
__scs_overlays_trampoline_lowered:
0x8: {  	[smem:$0x3FA8] =	sst s0  }
0x9: {  	[smem:$0x3FA9] =	sst s1  }
0xa: {  	[smem:$0x3FAA] =	sst s2  }
0xb: {  	[smem:$0x3FAB] =	sst s3  }
0xc: {  	[smem:$0x3FAC] =	sst s4  }
0xd: {  	[smem:$0x3FAD] =	sst s5  }
0xe: {  	[smem:$0x3FAE] =	sst s6  }
0xf: {  	[smem:$0x3FAF] =	sst s7  }
0x10: {  	[smem:$0x3FB0] =	sst s8  }
0x11: {  	[smem:$0x3FB1] =	sst s9;
	s0 =	simm.s32 @!p0 $0x0  }
0x12: {  	s1 =	sld [smem:$0x3F97];
	s0 =	simm.s32 @p0 $0x1  }
0x13: {  	[smem:$0x3FB2] =	sst s0;
	s0 =	simm.s32 @!p1 $0x0  }
0x14: {  	s2 =	sld [smem:$0x3F96];
	s0 =	simm.s32 @p1 $0x1  }
0x15: {  	[smem:$0x3FB3] =	sst s0;
	s0 =	simm.s32 @!p2 $0x0  }
0x16: {  	s3 =	sld [smem:$0x3FDB];
	s0 =	simm.s32 @p2 $0x1  }
0x17: {  	s4 =	simm.s32 $0x1BF5;
	[smem:$0x3FB5] =	sst s0  }
0x18: {  	s0 =	sld [smem:$0x3F98];
	_ =	swait.ge [sflag:s4], $0x0  }
0x19: {  	s7 =	sld [smem:$0x3F99]  }
0x1a: {  	s8 =	sadd.s32 $0xFFFFE003, lr  }
0x1b: {  	s9 =	sadd.s32 $0xFFFFFEF7, lr;
	s5 =	simm.s32 $0xFFFFFFFF;
	p2 =	slt.u32 s8, $0xFFFFF086  }
0x1c: {  	p1 =	slt.u32 s9, $0xF7A;
	s5 =	simm.s32 @!p2 $0x0  }
0x1d: {  	s5 =	simm.s32 @p1 $0x1;
	p0 =	seq.s32 s7, s2  }
0x1e: {  	s7 =	smul.u32 @!p0 $0xF7A, s2;
	p2 =	seq.s32 @!p0 s5, $0x0  }
0x1f: {  	s9 =	smul.u32 $0xF7A, s1;
	s8 =	simm.s32 @!p0 $0x1BF5;
	p2 =	por !p2, p0  }
0x20: {  	[sflag:s8] =	ssyncset.s32 @!p0 $0xFFFFF086;
	s6 =	sadd.s32 @!p0 s3, s7;
	s7 =	simm.s32 @!p0 $0x108  }
0x21: {  	s3 =	sadd.s32 s3, s9;
	s6 =	sadd.s32 @!p0 $0x88, s6;
	s7 =	simm.s32 @p2 $0x1082  }
0x22: {  	[simem:s7], [sflag:s8] =	dma.local @!p0 [hbm:s6], $0xF7A  }
0x23: {  	s9 =	sor.u32 $0xD0000000, s2;
	s6 =	simm.s32 $0x108;
	_ =	swait.ge @!p0 [sflag:s8], $0x0  }
0x24: {  	s3 =	sadd.s32 $0x88, s3;
	s6 =	simm.s32 @!p1 $0x1082;
	[sflag:s4] =	ssyncset.s32 $0xFFFFF086  }
0x25: {  	[simem:s6], [sflag:s4] =	dma.local [hbm:s3], $0xF7A  }
0x26: {  	[smem:$0x3F99] =	sst s1;
	(tag) =	ssettag s2;
	_ =	strace s9  }
0x27: {  	s1 =	sld [smem:$0x3FA9]  }
0x28: {  	s2 =	sld [smem:$0x3FAA]  }
0x29: {  	s4 =	sld [smem:$0x3FAC]  }
0x2a: {  	p0 =	seq.s32 s5, $0x0;
	s5 =	sld [smem:$0x3FAD]  }
0x2b: {  	s6 =	sld [smem:$0x3FAE]  }
0x2c: {  	s7 =	sld [smem:$0x3FAF]  }
0x2d: {  	s3 =	simm.s32 $0x108;
	s8 =	sld [smem:$0x3FB0]  }
0x2e: {  	s3 =	simm.s32 @!p0 $0x1082;
	s9 =	sld [smem:$0x3FB1]  }
0x2f: {  	lr =	sadd.s32 s0, s3;
	s0 =	sld [smem:$0x3FA8]  }
0x30: {  	s3 =	sld [smem:$0x3FAB]  }
0x31: {  	[smem:$0x3FB4] =	sst s10  }
0x32: {  	s10 =	sld [smem:$0x3FB2];
	_ =	sdelay $0x3  }
0x33: {  	p0 =	seq.s32 s10, $0x1;
	s10 =	sld [smem:$0x3FB4];
	_ =	sdelay $0x3  }
0x34: {  	[smem:$0x3FB4] =	sst s10  }
0x35: {  	s10 =	sld [smem:$0x3FB3];
	_ =	sdelay $0x3  }
0x36: {  	p1 =	seq.s32 s10, $0x1;
	s10 =	sld [smem:$0x3FB4];
	_ =	sdelay $0x3  }
0x37: {  	[smem:$0x3FB4] =	sst s10  }
0x38: {  	s10 =	sld [smem:$0x3FB5]  }
0x39: {  	_ = 	snop;
	(pc) =	sbr.ind lr, $3  }
0x3a: {  	_ = 	snop  }
0x3b: {  	_ = 	snop  }
0x3c: {  	p2 =	seq.s32 s10, $0x1;
	s10 =	sld [smem:$0x3FB4]  }
0x3d: {  	_ =	shalt  }
0x3e: {  	_ =	shalt  }
0x3f: {  	_ =	shalt  }
0x40: {  	_ =	shalt  }
0x41: {  	_ =	shalt  }
0x42: {  	_ =	shalt  }
0x43: {  	_ =	shalt  }
0x44: {  	_ =	shalt  }
0x45: {  	_ =	shalt  }
0x46: {  	_ =	shalt  }
0x47: {  	_ =	shalt  }
0x48: {  	_ =	shalt  }
0x49: {  	_ =	shalt  }
0x4a: {  	_ =	shalt  }
0x4b: {  	_ =	shalt  }
0x4c: {  	_ =	shalt  }
0x4d: {  	_ =	shalt  }
0x4e: {  	_ =	shalt  }
0x4f: {  	_ =	shalt  }
0x50: {  	_ =	shalt  }
0x51: {  	_ =	shalt  }
0x52: {  	_ =	shalt  }
0x53: {  	_ =	shalt  }
0x54: {  	_ =	shalt  }
0x55: {  	_ =	shalt  }
0x56: {  	_ =	shalt  }
0x57: {  	_ =	shalt  }
0x58: {  	_ =	shalt  }
0x59: {  	_ =	shalt  }
0x5a: {  	_ =	shalt  }
0x5b: {  	_ =	shalt  }
0x5c: {  	_ =	shalt  }
0x5d: {  	_ =	shalt  }
0x5e: {  	_ =	shalt  }
0x5f: {  	_ =	shalt  }
0x60: {  	_ =	shalt  }
0x61: {  	_ =	shalt  }
0x62: {  	_ =	shalt  }
0x63: {  	_ =	shalt  }
0x64: {  	_ =	shalt  }
0x65: {  	_ =	shalt  }
0x66: {  	_ =	shalt  }
0x67: {  	_ =	shalt  }
0x68: {  	_ =	shalt  }
0x69: {  	_ =	shalt  }
0x6a: {  	_ =	shalt  }
0x6b: {  	_ =	shalt  }
0x6c: {  	_ =	shalt  }
0x6d: {  	_ =	shalt  }
0x6e: {  	_ =	shalt  }
0x6f: {  	_ =	shalt  }
0x70: {  	_ =	shalt  }
0x71: {  	_ =	shalt  }
0x72: {  	_ =	shalt  }
0x73: {  	_ =	shalt  }
0x74: {  	_ =	shalt  }
0x75: {  	_ =	shalt  }
0x76: {  	_ =	shalt  }
0x77: {  	_ =	shalt  }
0x78: {  	_ =	shalt  }
0x79: {  	_ =	shalt  }
0x7a: {  	_ =	shalt  }
0x7b: {  	_ =	shalt  }
0x7c: {  	_ =	shalt  }
0x7d: {  	_ =	shalt  }
0x7e: {  	_ =	shalt  }
0x7f: {  	_ =	shalt  }
0x80: {  	_ =	shalt  }
0x81: {  	_ =	shalt  }
0x82: {  	_ =	shalt  }
0x83: {  	_ =	shalt  }
0x84: {  	_ =	shalt  }
0x85: {  	_ =	shalt  }
0x86: {  	_ =	shalt  }
0x87: {  	_ =	shalt  }
.Lfunc_end0:
.L_simem_size_0:
called_computation.1_lowered:
.L_overlay_start_0:
0x88: {  	s2 =	sld [smem:$0x3FD9]  }
0x89: {  	s3 =	sld [smem:$0x3FFE];
	_ =	sdelay $0x1  }
0x8a: {  	s1 =	srdreg.scid  }
0x8b: {  	s0 =	sand.u32 $0x1, s1  }
0x8c: {  	s14 =	sshll.u32 s0, $0xA;
	s2 =	sadd.s32 s3, s2  }
0x8d: {  	s2 =	sadd.s32 s2, s14  }
0x8e: {  	[smem:$0x3FC0] =	sst s2  }
0x8f: {  	_ = 	snop  }
0x90: {  	s2 =	sld [smem:$0x3FD0];
	_ =	sdelay $0x2  }
0x91: {  	s15 =	simm.s32 $0xA;
	s4 =	simm.s32 $0x10  }
0x92: {  	[smem:s4], [sflag:s15] =	dma.local [hbm:s2], $0x1  }
0x93: {  	_ =	swait.eq [sflag:s15], $0x1  }
0x94: {  	[sflag:s15] =	ssyncset.done $0x0  }
0x95: {  	[sflag:s15] =	ssyncadd.s32 $0xFFFFFFFF  }
0x96: {  	s16 =	sld [smem:$0x11];
	(tm) =	ssettm $0x1  }
0x97: {  	s17 =	sld [smem:$0x3FFB];
	_ =	sdelay $0x3  }
0x98: {  	_ =	strace s17  }
0x99: {  	s3 =	sld [smem:$0x3FFC];
	_ =	sdelay $0x3  }
0x9a: {  	_ =	strace s3  }
0x9b: {  	s3 =	sld [smem:$0x3FFD];
	_ =	sdelay $0x3  }
0x9c: {  	_ =	strace s3  }
0x9d: {  	_ =	strace $0x8FFFFFFF  }
0x9e: {  	s18 =	sld [smem:$0x3FDB];
	_ =	sdelay $0x1  }
0x9f: {  	s19 =	simm.s32 $_scs_section_size  }
0xa0: {  	s5 =	simm.s32 $_size__tile_overlayer_lowered;
	s6 =	simm.s32 $_tile_overlayer_lowered  }
0xa1: {  	s22 =	simm.s32 $0x1BFF;
	s21 =	sshll.u32 s6, $0x1;
	s3 =	sadd.s32 s19, s18  }
0xa2: {  	s7 =	simm.s32 $0x0;
	s20 =	sshll.u32 s5, $0x1;
	s5 =	sadd.s32 s21, s3  }
0xa3: {  	[timem:s7], [sflag:s22] =	dma.local [hbm:s5], s20  }
0xa4: {  	_ =	swait.ge [sflag:s22], s20  }
0xa5: {  	s4 =	ssub.s32 $0x0, s20;
	[sflag:s22] =	ssyncset.done $0x0  }
0xa6: {  	[sflag:s22] =	ssyncadd.s32 s4;
	_ =	sdelay $0x1  }
0xa7: {  	s23 =	simm.s32 $0x1B8B  }
0xa8: {  	_ =	swait.ge [sflag:s23], $0x1  }
0xa9: {  	[sflag:s23] =	ssyncset.done $0x0  }
0xaa: {  	s25 =	simm.s32 $0x1B8E;
	s24 =	sld [smem:$0x3FFE];
	[sflag:s23] =	ssyncadd.s32 $0xFFFFFFFF  }
0xab: {  	s26 =	simm.s32 $execute0_lowered;
	[smem:$0x3FD2] =	sst s25  }
0xac: {  	s5 =	sshll.u32 s26, $0x1;
	_ =	strace $0x80000049;
	[dreg:$0x1] =	wrdreg $0xFFFFFFFF  }
0xad: {  	s28 =	simm.s32 $_size_execute0_lowered;
	s3 =	sadd.s32 s3, s5;
	[dreg:$0x0] =	wrdreg $0x0  }
0xae: {  	s5 =	sshll.u32 s28, $0x1;
	[dreg:$0x2] =	wrdreg s3  }
0xaf: {  	[dreg:$0x3] =	wrdreg s5  }
0xb0: {  	[dreg:$0x4] =	wrdreg $0xC0  }
0xb1: {  	_ =	task [dreg:s7], $0x5FFFF  }
0xb2: {  	[dreg:$0x1] =	wrdreg $0xFFFFFFFF  }
0xb3: {  	[dreg:$0x0] =	wrdreg $0x60  }
0xb4: {  	[dreg:$0x2] =	wrdreg s16  }
0xb5: {  	[dreg:$0x3] =	wrdreg s24  }
0xb6: {  	[dreg:$0x4] =	wrdreg $0xAE000  }
0xb7: {  	[dreg:$0x5] =	wrdreg $0x9  }
0xb8: {  	_ =	task.clear_ibuf [dreg:s7], $0x6FFFF;
	_ =	strace $0x90000049  }
0xb9: {  	s29 =	simm.s32 $0x9;
	_ =	strace $0x8000004B  }
0xba: {  	_ =	swait.ge [sflag:s29], $0x1  }
0xbb: {  	[sflag:s29] =	ssyncadd.s32 $0xFFFFFFFF  }
0xbc: {  	_ =	strace $0x9000004B  }
0xbd: {  	_ =	sfence  }
0xbe: {  	s30 =	sld [smem:$0x0];
	_ =	sdelay $0x2  }
0xbf: {  	s31 =	sshll.u32 s1, $0xD;
	s1 =	sshrl.u32 s1, $0x2  }
0xc0: {  	s3 =	sand.u32 $0x4000, s31;
	s1 =	sadd.s32 s1, s30  }
0xc1: {  	s0 =	sor.u32 s3, s0;
	s1 =	sshll.u32 s1, $0x11  }
0xc2: {  	s0 =	sor.u32 s1, s0  }
0xc3: {  	s0 =	sadd.s32 $0x8F2B, s0  }
0xc4: {  	[sflag:s0] =	ssyncadd.remote.s32 $0x1  }
0xc5: {  	_ =	sfence.sel $0xFFFF  }
0xc6: {  	[dreg:$0x0] =	wrdreg $0xFFFFFFFF;
	(pc) =	sbr.abs _section_cstart, $3  }
0xc7: {  	[dreg:$0x1] =	wrdreg $0xFFFFFFFF  }
0xc8: {  	_ =	task.clear_ibuf [dreg:s7], $0x2FFFF;
	_ =	strace $0x9FFFFFFF  }
0xc9: {  	(tm) =	ssettm $0x7FFFFFFF  }
tec
execute0_lowered:
.L_overlay_start_1:
0x0: {  	(tag) =	ssettag $0x1  }
0x1: {  	s0 =	rddreg [dreg:$0x0]  }
0x2: {  	s1 =	rddreg [dreg:$0x1];
	s2 =	srdreg.scid  }
0x3: {  	s3 =	rddreg [dreg:$0x2];
	s11 =	stileid.u32;
	s4 =	simm.s32 $0x0  }
0x4: {  	s15 =	simm.s32 $0x1EA00;
	s16 =	simm.s32 $0x3;
	s28 =	simm.s32 $0x7600  }
0x5: {  	s29 =	simm.s32 $0x500;
	s30 =	simm.s32 $0x9200;
	s6 =	smul.u32 $0x13C00, s11  }
0x6: {  	s31 =	simm.s32 $0x1;
	s2 =	sand.u32 $0x1, s2;
	s19 =	smul.u32 $0x4F000, s11  }
0x7: {  	[smem:$0x7FF] =	sst s4;
	s18 =	sadd.s32 $0x2400, s1;
	s5 =	smul.u32 $0x13C000, s2  }
0x8: {  	s7 =	sshll.u32 s2, $0x4;
	_ =	strace $0x8000004A;
	s8 =	ssub.s32 $0x2, s2  }
0x9: {  	s2 =	smul.u32 $0xB3000, s2;
	s17 =	sor.u32 s11, s7;
	s9 =	sshrl.u32 s8, $0x1  }
0xa: {  	s10 =	sshrl.u32 s19, $0x2;
	s11 =	smul.u32 $0xB300, s11;
	s19 =	simm.s32 $0x600  }
0xb: {  	s5 =	sadd.s32 s6, s5;
	s6 =	smul.u32 $0xB300, s17;
	s8 =	ssub.s32 s8, s9  }
0xc: {  	s17 =	simm.s32 $0x2;
	s5 =	sshrl.u32 s5, $0x3;
	s2 =	sadd.s32 s11, s2  }
0xd: {  	s25 =	smax.u32 s8, $0x1;
	s1 =	sadd.s32 s5, s1;
	s6 =	sshrl.u32 s6, $0x3  }
0xe: {  	s2 =	sadd.s32 $0x600, s2;
	[dreg:$0xa] =	wrdreg s25;
	s25 =	simm.s32 $0x5A00  }
0xf: {  	s5 =	sadd.s32 s18, s6;
	s6 =	sadd.s32 s10, s3;
	s1 =	sadd.s32 $0x2F000, s1  }
0x10: {  	s26 =	sshrl.u32 s2, $0x3;
	s20 =	sadd.s32 $0x20, s5;
	[dreg:$0x9] =	wrdreg s1  }
0x11: {  	s21 =	sadd.s32 $0x40, s5;
	s22 =	sadd.s32 $0x60, s5;
	[dreg:$0x4] =	wrdreg s20  }
0x12: {  	s23 =	sadd.s32 $0x80, s5;
	s24 =	sadd.s32 $0xA0, s5;
	[dreg:$0x5] =	wrdreg s21  }
0x13: {  	s14 =	sadd.s32 s26, s18;
	s18 =	simm.s32 $0x38;
	[dreg:$0x6] =	wrdreg s22  }
0x14: {  	s26 =	simm.s32 $0x400;
	s1 =	simm.s32 $0x0;
	[dreg:$0x7] =	wrdreg s23  }
0x15: {  	[dreg:$0x8] =	wrdreg s24;
	s20 =	simm.s32 $0x100;
	s21 =	simm.s32 $0x2200  }
0x16: {  	v0 =	vimm.f32 $0.0e+00;
	s22 =	simm.s32 $0x200;
	s23 =	simm.s32 $0x3E00;
	s24 =	simm.s32 $0x300  }
.LBB2_1:
0x17: {  	[tilespmem:$0x1EA00] =	vst v0  }
0x18: {  	[tilespmem:$0x1EA10] =	vst v0  }
0x19: {  	[tilespmem:$0x1EA20] =	vst v0  }
0x1a: {  	[tilespmem:$0x1EA30] =	vst v0  }
0x1b: {  	[tilespmem:$0x1EA40] =	vst v0  }
0x1c: {  	[tilespmem:$0x1EA50] =	vst v0  }
0x1d: {  	[tilespmem:$0x1EA60] =	vst v0  }
0x1e: {  	[tilespmem:$0x1EA70] =	vst v0  }
0x1f: {  	[tilespmem:$0x1EA80] =	vst v0  }
0x20: {  	[tilespmem:$0x1EA90] =	vst v0  }
0x21: {  	[tilespmem:$0x1EAA0] =	vst v0  }
0x22: {  	[tilespmem:$0x1EAB0] =	vst v0  }
0x23: {  	[tilespmem:$0x1EAC0] =	vst v0  }
0x24: {  	[tilespmem:$0x1EAD0] =	vst v0  }
0x25: {  	[tilespmem:$0x1EAE0] =	vst v0  }
0x26: {  	[tilespmem:$0x1EAF0] =	vst v0  }
0x27: {  	[tilespmem:$0x1EB00] =	vst v0  }
0x28: {  	[tilespmem:$0x1EB10] =	vst v0  }
0x29: {  	[tilespmem:$0x1EB20] =	vst v0  }
0x2a: {  	[tilespmem:$0x1EB30] =	vst v0  }
0x2b: {  	[tilespmem:$0x1EB40] =	vst v0  }
0x2c: {  	[tilespmem:$0x1EB50] =	vst v0  }
0x2d: {  	[tilespmem:$0x1EB60] =	vst v0  }
0x2e: {  	[tilespmem:$0x1EB70] =	vst v0  }
0x2f: {  	[tilespmem:$0x1EB80] =	vst v0  }
0x30: {  	[tilespmem:$0x1EB90] =	vst v0  }
0x31: {  	[tilespmem:$0x1EBA0] =	vst v0  }
0x32: {  	[tilespmem:$0x1EBB0] =	vst v0  }
0x33: {  	[tilespmem:$0x1EBC0] =	vst v0  }
0x34: {  	[tilespmem:$0x1EBD0] =	vst v0  }
0x35: {  	[tilespmem:$0x1EBE0] =	vst v0  }
0x36: {  	[tilespmem:$0x1EBF0] =	vst v0  }
0x37: {  	[tilespmem:$0x1EC00] =	vst v0  }
0x38: {  	[tilespmem:$0x1EC10] =	vst v0  }
0x39: {  	[tilespmem:$0x1EC20] =	vst v0  }
0x3a: {  	[tilespmem:$0x1EC30] =	vst v0  }
0x3b: {  	[tilespmem:$0x1EC40] =	vst v0  }
0x3c: {  	[tilespmem:$0x1EC50] =	vst v0  }
0x3d: {  	[tilespmem:$0x1EC60] =	vst v0  }
0x3e: {  	[tilespmem:$0x1EC70] =	vst v0  }
0x3f: {  	[tilespmem:$0x1EC80] =	vst v0  }
0x40: {  	[tilespmem:$0x1EC90] =	vst v0  }
0x41: {  	[tilespmem:$0x1ECA0] =	vst v0  }
0x42: {  	[tilespmem:$0x1ECB0] =	vst v0  }
0x43: {  	[tilespmem:$0x1ECC0] =	vst v0  }
0x44: {  	[tilespmem:$0x1ECD0] =	vst v0  }
0x45: {  	[tilespmem:$0x1ECE0] =	vst v0  }
0x46: {  	[tilespmem:$0x1ECF0] =	vst v0  }
0x47: {  	[tilespmem:$0x1ED00] =	vst v0  }
0x48: {  	[tilespmem:$0x1ED10] =	vst v0  }
0x49: {  	[tilespmem:$0x1ED20] =	vst v0  }
0x4a: {  	[tilespmem:$0x1ED30] =	vst v0  }
0x4b: {  	[tilespmem:$0x1ED40] =	vst v0  }
0x4c: {  	[tilespmem:$0x1ED50] =	vst v0  }
0x4d: {  	[tilespmem:$0x1ED60] =	vst v0  }
0x4e: {  	[tilespmem:$0x1ED70] =	vst v0  }
0x4f: {  	[tilespmem:$0x1ED80] =	vst v0  }
0x50: {  	[tilespmem:$0x1ED90] =	vst v0  }
0x51: {  	[tilespmem:$0x1EDA0] =	vst v0  }
0x52: {  	[tilespmem:$0x1EDB0] =	vst v0  }
0x53: {  	[tilespmem:$0x1EDC0] =	vst v0  }
0x54: {  	[tilespmem:$0x1EDD0] =	vst v0  }
0x55: {  	[tilespmem:$0x1EDE0] =	vst v0  }
0x56: {  	[tilespmem:$0x1EDF0] =	vst v0;
	s2 =	sadd.s32 $0x0, s6  }
0x57: {  	[spmem:s2] =	stream.linear.scatter [tilespmem:s15], [sflag:$0x3], $0x400, $0x38;
	[tilespmem:$0x1EE00] =	vst v63  }
0x58: {  	s2 =	simm.s32 $0x1000;
	_ =	swait.ge [sflag:s16], $0x400  }
.LBB2_2:
0x59: {  	s7 =	sshra.s32 s2, $0x2;
	[sflag:s16] =	ssyncset.done $0x0;
	p0 =	sne.s32 s2, $0x4E000  }
.Ltmp0:
0x5a: {  	s7 =	sadd.s32 s7, s6;
	[sflag:s16] =	ssyncadd.s32 $0xFFFFFC00;
	(pc) =	sbr.rel @p0 .LBB2_2-.Ltmp0, $3  }
0x5b: {  	[spmem:s7] =	stream.linear.scatter [tilespmem:s15], [sflag:$0x3], $0x400, $0x38;
	[tilespmem:$0x1EE00] =	vst v63  }
0x5c: {  	s2 =	sadd.s32 $0x1000, s2;
	_ =	sdelay $0x1  }
0x5d: {  	_ =	swait.ge [sflag:s16], $0x400  }
0x5e: {  	[sflag:s16] =	ssyncset.done $0x0  }
0x5f: {  	[sflag:s16] =	ssyncadd.s32 $0xFFFFFC00  }
0x60: {  	s2 =	simm.s32 $0x0;
	[bflag:$0x0] =	sbarrier.arrive $0xFFFF  }
0x61: {  	[tilespmem:s2], [sflag:$0x2] =	stream.linear.gather [hbm4b:s5+s2], $0x100, $0x38;
	[tilespmem:$0x1EE00] =	vst v63  }
0x62: {  	_ =	swait.ge [sflag:s17], $0x100  }
0x63: {  	[sflag:s17] =	ssyncset.done $0x0  }
0x64: {  	[sflag:s17] =	ssyncadd.s32 $0xFFFFFF00  }
0x65: {  	[tilespmem:s19], [sflag:$0x1] =	stream.indirect.gather [hbm4b:s0+s18], $0x80, s2, s18, $0xb8;
	[tilespmem:$0x1EE00] =	vst v63  }
0x66: {  	s7 =	rddreg [dreg:$0x4]  }
0x67: {  	[tilespmem:s20], [sflag:$0x2] =	stream.linear.gather [hbm4b:s7+s2], $0x100, $0x38;
	[tilespmem:$0x1EE00] =	vst v63  }
0x68: {  	_ =	swait.ge [sflag:s17], $0x100  }
0x69: {  	[sflag:s17] =	ssyncset.done $0x0  }
0x6a: {  	[sflag:s17] =	ssyncadd.s32 $0xFFFFFF00  }
0x6b: {  	[tilespmem:s21], [sflag:$0x1] =	stream.indirect.gather [hbm4b:s0+s18], $0x80, s20, s18, $0xb8;
	[tilespmem:$0x1EE00] =	vst v63  }
0x6c: {  	s13 =	rddreg [dreg:$0x5]  }
0x6d: {  	[tilespmem:s22], [sflag:$0x2] =	stream.linear.gather [hbm4b:s13+s2], $0x100, $0x38;
	[tilespmem:$0x1EE00] =	vst v63  }
0x6e: {  	_ =	swait.ge [sflag:s17], $0x100  }
0x6f: {  	[sflag:s17] =	ssyncset.done $0x0  }
0x70: {  	[sflag:s17] =	ssyncadd.s32 $0xFFFFFF00  }
0x71: {  	[tilespmem:s23], [sflag:$0x1] =	stream.indirect.gather [hbm4b:s0+s18], $0x80, s22, s18, $0xb8;
	[tilespmem:$0x1EE00] =	vst v63  }
0x72: {  	s8 =	rddreg [dreg:$0x6]  }
0x73: {  	[tilespmem:s24], [sflag:$0x2] =	stream.linear.gather [hbm4b:s8+s2], $0x100, $0x38;
	[tilespmem:$0x1EE00] =	vst v63  }
0x74: {  	_ =	swait.ge [sflag:s17], $0x100  }
0x75: {  	[sflag:s17] =	ssyncset.done $0x0  }
0x76: {  	[sflag:s17] =	ssyncadd.s32 $0xFFFFFF00  }
0x77: {  	[tilespmem:s25], [sflag:$0x1] =	stream.indirect.gather [hbm4b:s0+s18], $0x80, s24, s18, $0xb8;
	[tilespmem:$0x1EE00] =	vst v63  }
0x78: {  	s10 =	smul.u32 $0xAB, s2;
	s9 =	rddreg [dreg:$0x7]  }
0x79: {  	[tilespmem:s26], [sflag:$0x2] =	stream.linear.gather [hbm4b:s9+s2], $0x100, $0x38;
	[tilespmem:$0x1EE00] =	vst v63  }
0x7a: {  	_ =	swait.ge [sflag:s17], $0x100  }
0x7b: {  	s7 =	sshrl.u32 s10, $0xA;
	[sflag:s17] =	ssyncset.done $0x0  }
0x7c: {  	s7 =	sand.u32 $0x3F, s7;
	[sflag:s17] =	ssyncadd.s32 $0xFFFFFF00  }
0x7d: {  	[tilespmem:s28], [sflag:$0x1] =	stream.indirect.gather [hbm4b:s0+s18], $0x80, s26, s18, $0xb8;
	[tilespmem:$0x1EE00] =	vst v63  }
0x7e: {  	s7 =	smul.u32 $0x6, s7;
	s8 =	rddreg [dreg:$0x8]  }
0x7f: {  	[tilespmem:s29], [sflag:$0x2] =	stream.linear.gather [hbm4b:s8+s2], $0x100, $0x38;
	[tilespmem:$0x1EE00] =	vst v63  }
0x80: {  	s11 =	ssub.s32 $0x0, s7;
	_ =	swait.ge [sflag:s17], $0x100  }
0x81: {  	s7 =	sand.u32 $0xFF, s11;
	[sflag:s17] =	ssyncset.done $0x0  }
0x82: {  	s9 =	simm.s32 $0x1;
	s2 =	smul.u32 $0x7000, s7;
	[sflag:s17] =	ssyncadd.s32 $0xFFFFFF00  }
0x83: {  	[tilespmem:s30], [sflag:$0x1] =	stream.indirect.gather [hbm4b:s0+s18], $0x80, s29, s18, $0xb8;
	[tilespmem:$0x1EE00] =	vst v63  }
0x84: {  	s12 =	smul.u32 $0xAB, s9;
	_ =	swait.ge [sflag:s31], $0x1C00  }
0x85: {  	s8 =	sshll.u32 s7, $0x8;
	s2 =	sshrl.u32 s2, $0x2;
	[sflag:s31] =	ssyncset.done $0x0  }
0x86: {  	s13 =	sor.u32 $0x80, s8;
	s2 =	sadd.s32 $0x600, s2;
	[sflag:s31] =	ssyncadd.s32 $0xFFFFE400  }
0x87: {  	[spmem:s3] =	stream.indirect.scatter.add.f32 [tilespmem:s2], [sflag:$0x2], $0x80, s13, s18, $0xb8;
	[tilespmem:$0x1EE00] =	vst v63  }
0x88: {  	s7 =	sshrl.u32 s12, $0xA;
	_ =	swait.ge [sflag:s17], $0x1C00  }
0x89: {  	s7 =	sand.u32 $0x3F, s7;
	[sflag:s17] =	ssyncset.done $0x0  }
0x8a: {  	s7 =	smul.u32 $0x6, s7;
	[sflag:s17] =	ssyncadd.s32 $0xFFFFE400  }
0x8b: {  	[tilespmem:s8], [sflag:$0x2] =	stream.linear.gather [hbm4b:s14+s4], $0x100, $0x38;
	[tilespmem:$0x1EE00] =	vst v63  }
0x8c: {  	s10 =	simm.s32 $0x2;
	s7 =	ssub.s32 $0x1, s7;
	_ =	swait.ge [sflag:s17], $0x100  }
0x8d: {  	s9 =	sand.u32 $0xFF, s7;
	s7 =	sadd.s32 $0x20, s14;
	[sflag:s17] =	ssyncset.done $0x0  }
.LBB2_4:
0x8e: {  	s11 =	smul.u32 $0x7000, s9  }
0x8f: {  	[sflag:s17] =	ssyncadd.s32 $0xFFFFFF00;
	s12 =	smov.u32 s10;
	s13 =	sadd.s32 $0x1, s10  }
0x90: {  	[tilespmem:s2], [sflag:$0x1] =	stream.indirect.gather [hbm4b:s0+s18], $0x80, s8, s18, $0xb8;
	[tilespmem:$0x1EE00] =	vst v63  }
0x91: {  	p0 =	sne.s32 s10, $0xAC;
	s2 =	sshrl.u32 s11, $0x2;
	_ =	swait.ge [sflag:s31], $0x1C00  }
0x92: {  	s8 =	sshll.u32 s9, $0x8;
	s2 =	sadd.s32 $0x600, s2;
	[sflag:s31] =	ssyncset.done $0x0  }
0x93: {  	s9 =	smul.u32 $0xAB, s12;
	s10 =	sor.u32 $0x80, s8;
	[sflag:s31] =	ssyncadd.s32 $0xFFFFE400  }
0x94: {  	[spmem:s3] =	stream.indirect.scatter.add.f32 [tilespmem:s2], [sflag:$0x2], $0x80, s10, s18, $0xb8;
	[tilespmem:$0x1EE00] =	vst v63  }
0x95: {  	s9 =	sshrl.u32 s9, $0xA;
	_ =	swait.ge [sflag:s17], $0x1C00  }
.Ltmp1:
0x96: {  	s9 =	sand.u32 $0x3F, s9;
	[sflag:s17] =	ssyncset.done $0x0;
	(pc) =	sbr.rel @p0 .LBB2_4-.Ltmp1, $4  }
0x97: {  	s9 =	smul.u32 $0x6, s9;
	[sflag:s17] =	ssyncadd.s32 $0xFFFFE400  }
0x98: {  	[tilespmem:s8], [sflag:$0x2] =	stream.linear.gather [hbm4b:s7+s4], $0x100, $0x38;
	[tilespmem:$0x1EE00] =	vst v63  }
0x99: {  	s10 =	smov.u32 s13;
	s9 =	ssub.s32 s12, s9;
	_ =	swait.ge [sflag:s17], $0x100  }
0x9a: {  	s9 =	sand.u32 $0xFF, s9;
	s7 =	sadd.s32 $0x20, s7;
	[sflag:s17] =	ssyncset.done $0x0  }
0x9b: {  	[sflag:s17] =	ssyncadd.s32 $0xFFFFFF00  }
0x9c: {  	[tilespmem:s2], [sflag:$0x1] =	stream.indirect.gather [hbm4b:s0+s18], $0x80, s8, s18, $0xb8;
	[tilespmem:$0x1EE00] =	vst v63  }
0x9d: {  	s8 =	smul.u32 $0x7000, s9  }
0x9e: {  	_ =	swait.ge [sflag:s31], $0x1C00  }
0x9f: {  	s10 =	sshll.u32 s9, $0x8;
	s2 =	sshrl.u32 s8, $0x2;
	[sflag:s31] =	ssyncset.done $0x0  }
0xa0: {  	s9 =	sor.u32 $0x80, s10;
	s2 =	sadd.s32 $0x600, s2;
	[sflag:s31] =	ssyncadd.s32 $0xFFFFE400  }
0xa1: {  	[spmem:s3] =	stream.indirect.scatter.add.f32 [tilespmem:s2], [sflag:$0x2], $0x80, s9, s18, $0xb8;
	[tilespmem:$0x1EE00] =	vst v63  }
0xa2: {  	_ =	swait.ge [sflag:s17], $0x1C00  }
0xa3: {  	[sflag:s17] =	ssyncset.done $0x0  }
0xa4: {  	[sflag:s17] =	ssyncadd.s32 $0xFFFFE400  }
0xa5: {  	[tilespmem:s10], [sflag:$0x2] =	stream.linear.gather [hbm4b:s7+s4], $0x100, $0x38;
	[tilespmem:$0x1EE00] =	vst v63  }
0xa6: {  	_ =	swait.ge [sflag:s17], $0x100  }
0xa7: {  	[sflag:s17] =	ssyncset.done $0x0  }
0xa8: {  	[sflag:s17] =	ssyncadd.s32 $0xFFFFFF00  }
0xa9: {  	[tilespmem:s2], [sflag:$0x1] =	stream.indirect.gather [hbm4b:s0+s18], $0x80, s10, s18, $0xb8;
	[tilespmem:$0x1EE00] =	vst v63  }
0xaa: {  	_ =	swait.ge [sflag:s31], $0x1C00  }
0xab: {  	[sflag:s31] =	ssyncset.done $0x0  }
0xac: {  	s11 =	simm.s32 $0x580;
	[sflag:s31] =	ssyncadd.s32 $0xFFFFE400  }
0xad: {  	[spmem:s3] =	stream.indirect.scatter.add.f32 [tilespmem:s30], [sflag:$0x2], $0x80, s11, s18, $0xb8;
	[tilespmem:$0x1EE00] =	vst v63  }
0xae: {  	_ =	swait.ge [sflag:s17], $0x1C00  }
0xaf: {  	[sflag:s17] =	ssyncset.done $0x0  }
0xb0: {  	[sflag:s17] =	ssyncadd.s32 $0xFFFFE400  }
0xb1: {  	_ =	swait.ge [sflag:s31], $0x1C00  }
0xb2: {  	[sflag:s31] =	ssyncset.done $0x0  }
0xb3: {  	s12 =	simm.s32 $0x80;
	[sflag:s31] =	ssyncadd.s32 $0xFFFFE400  }
0xb4: {  	[spmem:s3] =	stream.indirect.scatter.add.f32 [tilespmem:s19], [sflag:$0x2], $0x80, s12, s18, $0xb8;
	[tilespmem:$0x1EE00] =	vst v63  }
0xb5: {  	_ =	swait.ge [sflag:s17], $0x1C00  }
0xb6: {  	[sflag:s17] =	ssyncset.done $0x0  }
0xb7: {  	[sflag:s17] =	ssyncadd.s32 $0xFFFFE400  }
0xb8: {  	_ =	swait.ge [sflag:s31], $0x1C00  }
0xb9: {  	[sflag:s31] =	ssyncset.done $0x0  }
0xba: {  	s13 =	simm.s32 $0x180;
	[sflag:s31] =	ssyncadd.s32 $0xFFFFE400  }
0xbb: {  	[spmem:s3] =	stream.indirect.scatter.add.f32 [tilespmem:s21], [sflag:$0x2], $0x80, s13, s18, $0xb8;
	[tilespmem:$0x1EE00] =	vst v63  }
0xbc: {  	_ =	swait.ge [sflag:s17], $0x1C00  }
0xbd: {  	[sflag:s17] =	ssyncset.done $0x0  }
0xbe: {  	[sflag:s17] =	ssyncadd.s32 $0xFFFFE400  }
0xbf: {  	_ =	swait.ge [sflag:s31], $0x1C00  }
0xc0: {  	[sflag:s31] =	ssyncset.done $0x0  }
0xc1: {  	s7 =	simm.s32 $0x280;
	[sflag:s31] =	ssyncadd.s32 $0xFFFFE400  }
0xc2: {  	[spmem:s3] =	stream.indirect.scatter.add.f32 [tilespmem:s23], [sflag:$0x2], $0x80, s7, s18, $0xb8;
	[tilespmem:$0x1EE00] =	vst v63  }
0xc3: {  	_ =	swait.ge [sflag:s17], $0x1C00  }
0xc4: {  	[sflag:s17] =	ssyncset.done $0x0  }
0xc5: {  	[sflag:s17] =	ssyncadd.s32 $0xFFFFE400  }
0xc6: {  	_ =	swait.ge [sflag:s31], $0x1C00  }
0xc7: {  	[sflag:s31] =	ssyncset.done $0x0  }
0xc8: {  	s8 =	simm.s32 $0x380;
	[sflag:s31] =	ssyncadd.s32 $0xFFFFE400  }
0xc9: {  	[spmem:s3] =	stream.indirect.scatter.add.f32 [tilespmem:s25], [sflag:$0x2], $0x80, s8, s18, $0xb8;
	[tilespmem:$0x1EE00] =	vst v63  }
0xca: {  	_ =	swait.ge [sflag:s17], $0x1C00  }
0xcb: {  	[sflag:s17] =	ssyncset.done $0x0  }
0xcc: {  	[sflag:s17] =	ssyncadd.s32 $0xFFFFE400  }
0xcd: {  	_ =	swait.ge [sflag:s31], $0x1C00  }
0xce: {  	[sflag:s31] =	ssyncset.done $0x0  }
0xcf: {  	s9 =	simm.s32 $0x480;
	[sflag:s31] =	ssyncadd.s32 $0xFFFFE400  }
0xd0: {  	[spmem:s3] =	stream.indirect.scatter.add.f32 [tilespmem:s28], [sflag:$0x2], $0x80, s9, s18, $0xb8;
	[tilespmem:$0x1EE00] =	vst v63  }
0xd1: {  	_ =	swait.ge [sflag:s17], $0x1C00  }
0xd2: {  	[sflag:s17] =	ssyncset.done $0x0  }
0xd3: {  	s10 =	stileid.u32;
	[sflag:s17] =	ssyncadd.s32 $0xFFFFE400  }
0xd4: {  	s2 =	sshll.u32 s10, $0x6;
	[bflag:$0x0] =	sbarrier.arrive $0xFFFF  }
0xd5: {  	s2 =	sor.u32 $0x1C03, s2;
	s11 =	sshrl.u32 s6, $0x3;
	s12 =	rddreg [dreg:$0x9]  }
0xd6: {  	[hbm:s12], [sflag:s2] =	dma.local [spmem:s11], $0x2780  }
0xd7: {  	_ =	swait.ge [sflag:s16], $0x2780  }
0xd8: {  	s1 =	sadd.s32 $0x1, s1;
	s13 =	rddreg [dreg:$0xa]  }
0xd9: {  	p0 =	sne.s32 s1, s13  }
.Ltmp2:
0xda: {  	_ = 	snop;
	(pc) =	sbr.rel @p0 .LBB2_1-.Ltmp2, $3  }
0xdb: {  	_ =	sdelay $0x1  }
0xdc: {  	[sflag:s16] =	ssyncset.done $0x0  }
0xdd: {  	[sflag:s16] =	ssyncadd.s32 $0xFFFFD880  }
0xde: {  	_ =	sfence.sel $0x180000  }
0xdf: {  	[bflag:$0x0] =	sbarrier.arrive $0xFFFF  }
0xe0: {  	_ =	strace $0x9000004A  }
0xe1: {  	s0 =	stileid.u32;
	[bflag:$0x2] =	sbarrier.arrive $0xFFFF  }
0xe2: {  	p0 =	sne.s32 s0, $0x0;
	s0 =	rddreg [dreg:$0x3]  }
0xe3: {  	s0 =	sadd.s32 @!p0 $0x100000, s0  }
0xe4: {  	[sflag:s0] =	ssyncadd.tile.s32 @!p0 $0x1;
	_ =	shalt  }
.Lfunc_end2:
_tile_overlayer_lowered:
.L_overlay_start_2:
0xe5: {  	(tag) =	ssettag $0x2  }
0xe6: {  	s0 =	rddreg [dreg:$0x0];
	s2 =	stileid.u32  }
0xe7: {  	s1 =	rddreg [dreg:$0x1];
	p0 =	sne.s32 s2, $0x0  }
0xe8: {  	s3 =	rddreg [dreg:$0x2];
	[bflag:$0x3] =	sbarrier.arrive $0xFFFF;
	s2 =	simm.s32 @!p0 $0x1C03  }
0xe9: {  	[timem:s3], [sflag:s2] =	dma.local @!p0 [hbm:s0], s1  }
0xea: {  	s0 =	simm.s32 @!p0 $0x3  }
0xeb: {  	_ =	swait.ge @!p0 [sflag:s0], s1  }
0xec: {  	s1 =	ssub.s32 @!p0 $0x0, s1;
	[sflag:s0] =	ssyncset.done @!p0 $0x0  }
0xed: {  	[sflag:s0] =	ssyncadd.s32 @!p0 s1  }
0xee: {  	[bflag:$0x3] =	sbarrier.arrive $0xFFFF  }
0xef: {  	_ =	shalt  }

// kernel: kernel.14.cloned.1.call-start
scs
__scs_entry_jumppad:
0x0: {  	(pc) =	sbr.rel $0x88, $3  }
0x1: {  	(tag) =	ssettag $0x0;
	lr =	simm.s32 $0x1  }
0x2: {  	[smem:$0x3F99] =	sst lr;
	_ =	strace $0xD0000000  }
0x3: {  	_ = 	snop  }
0x4: {  	_ = 	snop  }
0x5: {  	_ = 	snop  }
0x6: {  	_ = 	snop  }
0x7: {  	_ = 	snop  }
__scs_overlays_trampoline_lowered:
0x8: {  	[smem:$0x3FA8] =	sst s0  }
0x9: {  	[smem:$0x3FA9] =	sst s1  }
0xa: {  	[smem:$0x3FAA] =	sst s2  }
0xb: {  	[smem:$0x3FAB] =	sst s3  }
0xc: {  	[smem:$0x3FAC] =	sst s4  }
0xd: {  	[smem:$0x3FAD] =	sst s5  }
0xe: {  	[smem:$0x3FAE] =	sst s6  }
0xf: {  	[smem:$0x3FAF] =	sst s7  }
0x10: {  	[smem:$0x3FB0] =	sst s8  }
0x11: {  	[smem:$0x3FB1] =	sst s9;
	s0 =	simm.s32 @!p0 $0x0  }
0x12: {  	s1 =	sld [smem:$0x3F97];
	s0 =	simm.s32 @p0 $0x1  }
0x13: {  	[smem:$0x3FB2] =	sst s0;
	s0 =	simm.s32 @!p1 $0x0  }
0x14: {  	s2 =	sld [smem:$0x3F96];
	s0 =	simm.s32 @p1 $0x1  }
0x15: {  	[smem:$0x3FB3] =	sst s0;
	s0 =	simm.s32 @!p2 $0x0  }
0x16: {  	s3 =	sld [smem:$0x3FDB];
	s0 =	simm.s32 @p2 $0x1  }
0x17: {  	s4 =	simm.s32 $0x1BF5;
	[smem:$0x3FB5] =	sst s0  }
0x18: {  	s0 =	sld [smem:$0x3F98];
	_ =	swait.ge [sflag:s4], $0x0  }
0x19: {  	s7 =	sld [smem:$0x3F99]  }
0x1a: {  	s8 =	sadd.s32 $0xFFFFE003, lr  }
0x1b: {  	s9 =	sadd.s32 $0xFFFFFEF7, lr;
	s5 =	simm.s32 $0xFFFFFFFF;
	p2 =	slt.u32 s8, $0xFFFFF086  }
0x1c: {  	p1 =	slt.u32 s9, $0xF7A;
	s5 =	simm.s32 @!p2 $0x0  }
0x1d: {  	s5 =	simm.s32 @p1 $0x1;
	p0 =	seq.s32 s7, s2  }
0x1e: {  	s7 =	smul.u32 @!p0 $0xF7A, s2;
	p2 =	seq.s32 @!p0 s5, $0x0  }
0x1f: {  	s9 =	smul.u32 $0xF7A, s1;
	s8 =	simm.s32 @!p0 $0x1BF5;
	p2 =	por !p2, p0  }
0x20: {  	[sflag:s8] =	ssyncset.s32 @!p0 $0xFFFFF086;
	s6 =	sadd.s32 @!p0 s3, s7;
	s7 =	simm.s32 @!p0 $0x108  }
0x21: {  	s3 =	sadd.s32 s3, s9;
	s6 =	sadd.s32 @!p0 $0x88, s6;
	s7 =	simm.s32 @p2 $0x1082  }
0x22: {  	[simem:s7], [sflag:s8] =	dma.local @!p0 [hbm:s6], $0xF7A  }
0x23: {  	s9 =	sor.u32 $0xD0000000, s2;
	s6 =	simm.s32 $0x108;
	_ =	swait.ge @!p0 [sflag:s8], $0x0  }
0x24: {  	s3 =	sadd.s32 $0x88, s3;
	s6 =	simm.s32 @!p1 $0x1082;
	[sflag:s4] =	ssyncset.s32 $0xFFFFF086  }
0x25: {  	[simem:s6], [sflag:s4] =	dma.local [hbm:s3], $0xF7A  }
0x26: {  	[smem:$0x3F99] =	sst s1;
	(tag) =	ssettag s2;
	_ =	strace s9  }
0x27: {  	s1 =	sld [smem:$0x3FA9]  }
0x28: {  	s2 =	sld [smem:$0x3FAA]  }
0x29: {  	s4 =	sld [smem:$0x3FAC]  }
0x2a: {  	p0 =	seq.s32 s5, $0x0;
	s5 =	sld [smem:$0x3FAD]  }
0x2b: {  	s6 =	sld [smem:$0x3FAE]  }
0x2c: {  	s7 =	sld [smem:$0x3FAF]  }
0x2d: {  	s3 =	simm.s32 $0x108;
	s8 =	sld [smem:$0x3FB0]  }
0x2e: {  	s3 =	simm.s32 @!p0 $0x1082;
	s9 =	sld [smem:$0x3FB1]  }
0x2f: {  	lr =	sadd.s32 s0, s3;
	s0 =	sld [smem:$0x3FA8]  }
0x30: {  	s3 =	sld [smem:$0x3FAB]  }
0x31: {  	[smem:$0x3FB4] =	sst s10  }
0x32: {  	s10 =	sld [smem:$0x3FB2];
	_ =	sdelay $0x3  }
0x33: {  	p0 =	seq.s32 s10, $0x1;
	s10 =	sld [smem:$0x3FB4];
	_ =	sdelay $0x3  }
0x34: {  	[smem:$0x3FB4] =	sst s10  }
0x35: {  	s10 =	sld [smem:$0x3FB3];
	_ =	sdelay $0x3  }
0x36: {  	p1 =	seq.s32 s10, $0x1;
	s10 =	sld [smem:$0x3FB4];
	_ =	sdelay $0x3  }
0x37: {  	[smem:$0x3FB4] =	sst s10  }
0x38: {  	s10 =	sld [smem:$0x3FB5]  }
0x39: {  	_ = 	snop;
	(pc) =	sbr.ind lr, $3  }
0x3a: {  	_ = 	snop  }
0x3b: {  	_ = 	snop  }
0x3c: {  	p2 =	seq.s32 s10, $0x1;
	s10 =	sld [smem:$0x3FB4]  }
0x3d: {  	_ =	shalt  }
0x3e: {  	_ =	shalt  }
0x3f: {  	_ =	shalt  }
0x40: {  	_ =	shalt  }
0x41: {  	_ =	shalt  }
0x42: {  	_ =	shalt  }
0x43: {  	_ =	shalt  }
0x44: {  	_ =	shalt  }
0x45: {  	_ =	shalt  }
0x46: {  	_ =	shalt  }
0x47: {  	_ =	shalt  }
0x48: {  	_ =	shalt  }
0x49: {  	_ =	shalt  }
0x4a: {  	_ =	shalt  }
0x4b: {  	_ =	shalt  }
0x4c: {  	_ =	shalt  }
0x4d: {  	_ =	shalt  }
0x4e: {  	_ =	shalt  }
0x4f: {  	_ =	shalt  }
0x50: {  	_ =	shalt  }
0x51: {  	_ =	shalt  }
0x52: {  	_ =	shalt  }
0x53: {  	_ =	shalt  }
0x54: {  	_ =	shalt  }
0x55: {  	_ =	shalt  }
0x56: {  	_ =	shalt  }
0x57: {  	_ =	shalt  }
0x58: {  	_ =	shalt  }
0x59: {  	_ =	shalt  }
0x5a: {  	_ =	shalt  }
0x5b: {  	_ =	shalt  }
0x5c: {  	_ =	shalt  }
0x5d: {  	_ =	shalt  }
0x5e: {  	_ =	shalt  }
0x5f: {  	_ =	shalt  }
0x60: {  	_ =	shalt  }
0x61: {  	_ =	shalt  }
0x62: {  	_ =	shalt  }
0x63: {  	_ =	shalt  }
0x64: {  	_ =	shalt  }
0x65: {  	_ =	shalt  }
0x66: {  	_ =	shalt  }
0x67: {  	_ =	shalt  }
0x68: {  	_ =	shalt  }
0x69: {  	_ =	shalt  }
0x6a: {  	_ =	shalt  }
0x6b: {  	_ =	shalt  }
0x6c: {  	_ =	shalt  }
0x6d: {  	_ =	shalt  }
0x6e: {  	_ =	shalt  }
0x6f: {  	_ =	shalt  }
0x70: {  	_ =	shalt  }
0x71: {  	_ =	shalt  }
0x72: {  	_ =	shalt  }
0x73: {  	_ =	shalt  }
0x74: {  	_ =	shalt  }
0x75: {  	_ =	shalt  }
0x76: {  	_ =	shalt  }
0x77: {  	_ =	shalt  }
0x78: {  	_ =	shalt  }
0x79: {  	_ =	shalt  }
0x7a: {  	_ =	shalt  }
0x7b: {  	_ =	shalt  }
0x7c: {  	_ =	shalt  }
0x7d: {  	_ =	shalt  }
0x7e: {  	_ =	shalt  }
0x7f: {  	_ =	shalt  }
0x80: {  	_ =	shalt  }
0x81: {  	_ =	shalt  }
0x82: {  	_ =	shalt  }
0x83: {  	_ =	shalt  }
0x84: {  	_ =	shalt  }
0x85: {  	_ =	shalt  }
0x86: {  	_ =	shalt  }
0x87: {  	_ =	shalt  }
.Lfunc_end0:
.L_simem_size_0:
called_computation.2_lowered:
.L_overlay_start_0:
0x88: {  	s2 =	sld [smem:$0x3FD9]  }
0x89: {  	s3 =	sld [smem:$0x3FFE];
	_ =	sdelay $0x1  }
0x8a: {  	s1 =	srdreg.scid  }
0x8b: {  	s0 =	sand.u32 $0x1, s1  }
0x8c: {  	s14 =	sshll.u32 s0, $0xA;
	s2 =	sadd.s32 s3, s2  }
0x8d: {  	s2 =	sadd.s32 s2, s14  }
0x8e: {  	[smem:$0x3FC0] =	sst s2  }
0x8f: {  	_ = 	snop  }
0x90: {  	s2 =	sld [smem:$0x3FD0];
	_ =	sdelay $0x2  }
0x91: {  	s15 =	simm.s32 $0xA;
	s4 =	simm.s32 $0x10  }
0x92: {  	[smem:s4], [sflag:s15] =	dma.local [hbm:s2], $0x1  }
0x93: {  	_ =	swait.eq [sflag:s15], $0x1  }
0x94: {  	[sflag:s15] =	ssyncset.done $0x0  }
0x95: {  	[sflag:s15] =	ssyncadd.s32 $0xFFFFFFFF  }
0x96: {  	s16 =	sld [smem:$0x11];
	(tm) =	ssettm $0x1  }
0x97: {  	s17 =	sld [smem:$0x3FFB];
	_ =	sdelay $0x3  }
0x98: {  	_ =	strace s17  }
0x99: {  	s3 =	sld [smem:$0x3FFC];
	_ =	sdelay $0x3  }
0x9a: {  	_ =	strace s3  }
0x9b: {  	s3 =	sld [smem:$0x3FFD];
	_ =	sdelay $0x3  }
0x9c: {  	_ =	strace s3  }
0x9d: {  	_ =	strace $0x8FFFFFFF  }
0x9e: {  	s18 =	sld [smem:$0x3FDB];
	_ =	sdelay $0x1  }
0x9f: {  	s19 =	simm.s32 $_scs_section_size  }
0xa0: {  	s5 =	simm.s32 $_size__tile_overlayer_lowered;
	s6 =	simm.s32 $_tile_overlayer_lowered  }
0xa1: {  	s22 =	simm.s32 $0x1BFF;
	s21 =	sshll.u32 s6, $0x1;
	s3 =	sadd.s32 s19, s18  }
0xa2: {  	s7 =	simm.s32 $0x0;
	s20 =	sshll.u32 s5, $0x1;
	s5 =	sadd.s32 s21, s3  }
0xa3: {  	[timem:s7], [sflag:s22] =	dma.local [hbm:s5], s20  }
0xa4: {  	_ =	swait.ge [sflag:s22], s20  }
0xa5: {  	s4 =	ssub.s32 $0x0, s20;
	[sflag:s22] =	ssyncset.done $0x0  }
0xa6: {  	[sflag:s22] =	ssyncadd.s32 s4;
	_ =	sdelay $0x1  }
0xa7: {  	s23 =	simm.s32 $0x1B8B  }
0xa8: {  	_ =	swait.ge [sflag:s23], $0x1  }
0xa9: {  	[sflag:s23] =	ssyncset.done $0x0  }
0xaa: {  	s25 =	simm.s32 $0x1B8E;
	s24 =	sld [smem:$0x3FFE];
	[sflag:s23] =	ssyncadd.s32 $0xFFFFFFFF  }
0xab: {  	s26 =	simm.s32 $execute0_lowered;
	[smem:$0x3FD2] =	sst s25  }
0xac: {  	s5 =	sshll.u32 s26, $0x1;
	_ =	strace $0x8000004C;
	[dreg:$0x1] =	wrdreg $0xFFFFFFFF  }
0xad: {  	s28 =	simm.s32 $_size_execute0_lowered;
	s3 =	sadd.s32 s3, s5;
	[dreg:$0x0] =	wrdreg $0x0  }
0xae: {  	s5 =	sshll.u32 s28, $0x1;
	[dreg:$0x2] =	wrdreg s3  }
0xaf: {  	[dreg:$0x3] =	wrdreg s5  }
0xb0: {  	[dreg:$0x4] =	wrdreg $0xC0  }
0xb1: {  	_ =	task [dreg:s7], $0x5FFFF  }
0xb2: {  	[dreg:$0x1] =	wrdreg $0xFFFFFFFF  }
0xb3: {  	[dreg:$0x0] =	wrdreg $0x60  }
0xb4: {  	[dreg:$0x2] =	wrdreg s16  }
0xb5: {  	[dreg:$0x3] =	wrdreg s24  }
0xb6: {  	[dreg:$0x4] =	wrdreg $0xAE000  }
0xb7: {  	[dreg:$0x5] =	wrdreg $0x9  }
0xb8: {  	_ =	task.clear_ibuf [dreg:s7], $0x6FFFF;
	_ =	strace $0x9000004C  }
0xb9: {  	s29 =	simm.s32 $0x9;
	_ =	strace $0x8000004E  }
0xba: {  	_ =	swait.ge [sflag:s29], $0x1  }
0xbb: {  	[sflag:s29] =	ssyncadd.s32 $0xFFFFFFFF  }
0xbc: {  	_ =	strace $0x9000004E  }
0xbd: {  	_ =	sfence  }
0xbe: {  	s30 =	sld [smem:$0x0];
	_ =	sdelay $0x2  }
0xbf: {  	s31 =	sshll.u32 s1, $0xD;
	s1 =	sshrl.u32 s1, $0x2  }
0xc0: {  	s3 =	sand.u32 $0x4000, s31;
	s1 =	sadd.s32 s1, s30  }
0xc1: {  	s0 =	sor.u32 s3, s0;
	s1 =	sshll.u32 s1, $0x11  }
0xc2: {  	s0 =	sor.u32 s1, s0  }
0xc3: {  	s0 =	sadd.s32 $0x8F2B, s0  }
0xc4: {  	[sflag:s0] =	ssyncadd.remote.s32 $0x1  }
0xc5: {  	_ =	sfence.sel $0xFFFF  }
0xc6: {  	[dreg:$0x0] =	wrdreg $0xFFFFFFFF;
	(pc) =	sbr.abs _section_cstart, $3  }
0xc7: {  	[dreg:$0x1] =	wrdreg $0xFFFFFFFF  }
0xc8: {  	_ =	task.clear_ibuf [dreg:s7], $0x2FFFF;
	_ =	strace $0x9FFFFFFF  }
0xc9: {  	(tm) =	ssettm $0x7FFFFFFF  }
tec
execute0_lowered:
.L_overlay_start_1:
0x0: {  	(tag) =	ssettag $0x1  }
0x1: {  	s0 =	rddreg [dreg:$0x0]  }
0x2: {  	s1 =	rddreg [dreg:$0x1];
	s2 =	srdreg.scid  }
0x3: {  	s3 =	rddreg [dreg:$0x2];
	s11 =	stileid.u32;
	s4 =	simm.s32 $0x0  }
0x4: {  	s15 =	simm.s32 $0x1EA00;
	s16 =	simm.s32 $0x3;
	s28 =	simm.s32 $0x7600  }
0x5: {  	s29 =	simm.s32 $0x500;
	s30 =	simm.s32 $0x9200;
	s6 =	smul.u32 $0x13C00, s11  }
0x6: {  	s31 =	simm.s32 $0x1;
	s2 =	sand.u32 $0x1, s2;
	s19 =	smul.u32 $0x4F000, s11  }
0x7: {  	[smem:$0x7FF] =	sst s4;
	s18 =	sadd.s32 $0x2400, s1;
	s5 =	smul.u32 $0x13C000, s2  }
0x8: {  	s7 =	sshll.u32 s2, $0x4;
	_ =	strace $0x8000004D;
	s8 =	ssub.s32 $0x2, s2  }
0x9: {  	s2 =	smul.u32 $0xB3000, s2;
	s17 =	sor.u32 s11, s7;
	s9 =	sshrl.u32 s8, $0x1  }
0xa: {  	s10 =	sshrl.u32 s19, $0x2;
	s11 =	smul.u32 $0xB300, s11;
	s19 =	simm.s32 $0x600  }
0xb: {  	s5 =	sadd.s32 s6, s5;
	s6 =	smul.u32 $0xB300, s17;
	s8 =	ssub.s32 s8, s9  }
0xc: {  	s17 =	simm.s32 $0x2;
	s5 =	sshrl.u32 s5, $0x3;
	s2 =	sadd.s32 s11, s2  }
0xd: {  	s25 =	smax.u32 s8, $0x1;
	s1 =	sadd.s32 s5, s1;
	s6 =	sshrl.u32 s6, $0x3  }
0xe: {  	s2 =	sadd.s32 $0x600, s2;
	[dreg:$0xa] =	wrdreg s25;
	s25 =	simm.s32 $0x5A00  }
0xf: {  	s5 =	sadd.s32 s18, s6;
	s6 =	sadd.s32 s10, s3;
	s1 =	sadd.s32 $0x2F000, s1  }
0x10: {  	s26 =	sshrl.u32 s2, $0x3;
	s20 =	sadd.s32 $0x20, s5;
	[dreg:$0x9] =	wrdreg s1  }
0x11: {  	s21 =	sadd.s32 $0x40, s5;
	s22 =	sadd.s32 $0x60, s5;
	[dreg:$0x4] =	wrdreg s20  }
0x12: {  	s23 =	sadd.s32 $0x80, s5;
	s24 =	sadd.s32 $0xA0, s5;
	[dreg:$0x5] =	wrdreg s21  }
0x13: {  	s14 =	sadd.s32 s26, s18;
	s18 =	simm.s32 $0x38;
	[dreg:$0x6] =	wrdreg s22  }
0x14: {  	s26 =	simm.s32 $0x400;
	s1 =	simm.s32 $0x0;
	[dreg:$0x7] =	wrdreg s23  }
0x15: {  	[dreg:$0x8] =	wrdreg s24;
	s20 =	simm.s32 $0x100;
	s21 =	simm.s32 $0x2200  }
0x16: {  	v0 =	vimm.f32 $0.0e+00;
	s22 =	simm.s32 $0x200;
	s23 =	simm.s32 $0x3E00;
	s24 =	simm.s32 $0x300  }
.LBB2_1:
0x17: {  	[tilespmem:$0x1EA00] =	vst v0  }
0x18: {  	[tilespmem:$0x1EA10] =	vst v0  }
0x19: {  	[tilespmem:$0x1EA20] =	vst v0  }
0x1a: {  	[tilespmem:$0x1EA30] =	vst v0  }
0x1b: {  	[tilespmem:$0x1EA40] =	vst v0  }
0x1c: {  	[tilespmem:$0x1EA50] =	vst v0  }
0x1d: {  	[tilespmem:$0x1EA60] =	vst v0  }
0x1e: {  	[tilespmem:$0x1EA70] =	vst v0  }
0x1f: {  	[tilespmem:$0x1EA80] =	vst v0  }
0x20: {  	[tilespmem:$0x1EA90] =	vst v0  }
0x21: {  	[tilespmem:$0x1EAA0] =	vst v0  }
0x22: {  	[tilespmem:$0x1EAB0] =	vst v0  }
0x23: {  	[tilespmem:$0x1EAC0] =	vst v0  }
0x24: {  	[tilespmem:$0x1EAD0] =	vst v0  }
0x25: {  	[tilespmem:$0x1EAE0] =	vst v0  }
0x26: {  	[tilespmem:$0x1EAF0] =	vst v0  }
0x27: {  	[tilespmem:$0x1EB00] =	vst v0  }
0x28: {  	[tilespmem:$0x1EB10] =	vst v0  }
0x29: {  	[tilespmem:$0x1EB20] =	vst v0  }
0x2a: {  	[tilespmem:$0x1EB30] =	vst v0  }
0x2b: {  	[tilespmem:$0x1EB40] =	vst v0  }
0x2c: {  	[tilespmem:$0x1EB50] =	vst v0  }
0x2d: {  	[tilespmem:$0x1EB60] =	vst v0  }
0x2e: {  	[tilespmem:$0x1EB70] =	vst v0  }
0x2f: {  	[tilespmem:$0x1EB80] =	vst v0  }
0x30: {  	[tilespmem:$0x1EB90] =	vst v0  }
0x31: {  	[tilespmem:$0x1EBA0] =	vst v0  }
0x32: {  	[tilespmem:$0x1EBB0] =	vst v0  }
0x33: {  	[tilespmem:$0x1EBC0] =	vst v0  }
0x34: {  	[tilespmem:$0x1EBD0] =	vst v0  }
0x35: {  	[tilespmem:$0x1EBE0] =	vst v0  }
0x36: {  	[tilespmem:$0x1EBF0] =	vst v0  }
0x37: {  	[tilespmem:$0x1EC00] =	vst v0  }
0x38: {  	[tilespmem:$0x1EC10] =	vst v0  }
0x39: {  	[tilespmem:$0x1EC20] =	vst v0  }
0x3a: {  	[tilespmem:$0x1EC30] =	vst v0  }
0x3b: {  	[tilespmem:$0x1EC40] =	vst v0  }
0x3c: {  	[tilespmem:$0x1EC50] =	vst v0  }
0x3d: {  	[tilespmem:$0x1EC60] =	vst v0  }
0x3e: {  	[tilespmem:$0x1EC70] =	vst v0  }
0x3f: {  	[tilespmem:$0x1EC80] =	vst v0  }
0x40: {  	[tilespmem:$0x1EC90] =	vst v0  }
0x41: {  	[tilespmem:$0x1ECA0] =	vst v0  }
0x42: {  	[tilespmem:$0x1ECB0] =	vst v0  }
0x43: {  	[tilespmem:$0x1ECC0] =	vst v0  }
0x44: {  	[tilespmem:$0x1ECD0] =	vst v0  }
0x45: {  	[tilespmem:$0x1ECE0] =	vst v0  }
0x46: {  	[tilespmem:$0x1ECF0] =	vst v0  }
0x47: {  	[tilespmem:$0x1ED00] =	vst v0  }
0x48: {  	[tilespmem:$0x1ED10] =	vst v0  }
0x49: {  	[tilespmem:$0x1ED20] =	vst v0  }
0x4a: {  	[tilespmem:$0x1ED30] =	vst v0  }
0x4b: {  	[tilespmem:$0x1ED40] =	vst v0  }
0x4c: {  	[tilespmem:$0x1ED50] =	vst v0  }
0x4d: {  	[tilespmem:$0x1ED60] =	vst v0  }
0x4e: {  	[tilespmem:$0x1ED70] =	vst v0  }
0x4f: {  	[tilespmem:$0x1ED80] =	vst v0  }
0x50: {  	[tilespmem:$0x1ED90] =	vst v0  }
0x51: {  	[tilespmem:$0x1EDA0] =	vst v0  }
0x52: {  	[tilespmem:$0x1EDB0] =	vst v0  }
0x53: {  	[tilespmem:$0x1EDC0] =	vst v0  }
0x54: {  	[tilespmem:$0x1EDD0] =	vst v0  }
0x55: {  	[tilespmem:$0x1EDE0] =	vst v0  }
0x56: {  	[tilespmem:$0x1EDF0] =	vst v0;
	s2 =	sadd.s32 $0x0, s6  }
0x57: {  	[spmem:s2] =	stream.linear.scatter [tilespmem:s15], [sflag:$0x3], $0x400, $0x38;
	[tilespmem:$0x1EE00] =	vst v63  }
0x58: {  	s2 =	simm.s32 $0x1000;
	_ =	swait.ge [sflag:s16], $0x400  }
.LBB2_2:
0x59: {  	s7 =	sshra.s32 s2, $0x2;
	[sflag:s16] =	ssyncset.done $0x0;
	p0 =	sne.s32 s2, $0x4E000  }
.Ltmp0:
0x5a: {  	s7 =	sadd.s32 s7, s6;
	[sflag:s16] =	ssyncadd.s32 $0xFFFFFC00;
	(pc) =	sbr.rel @p0 .LBB2_2-.Ltmp0, $3  }
0x5b: {  	[spmem:s7] =	stream.linear.scatter [tilespmem:s15], [sflag:$0x3], $0x400, $0x38;
	[tilespmem:$0x1EE00] =	vst v63  }
0x5c: {  	s2 =	sadd.s32 $0x1000, s2;
	_ =	sdelay $0x1  }
0x5d: {  	_ =	swait.ge [sflag:s16], $0x400  }
0x5e: {  	[sflag:s16] =	ssyncset.done $0x0  }
0x5f: {  	[sflag:s16] =	ssyncadd.s32 $0xFFFFFC00  }
0x60: {  	s2 =	simm.s32 $0x0;
	[bflag:$0x0] =	sbarrier.arrive $0xFFFF  }
0x61: {  	[tilespmem:s2], [sflag:$0x2] =	stream.linear.gather [hbm4b:s5+s2], $0x100, $0x38;
	[tilespmem:$0x1EE00] =	vst v63  }
0x62: {  	_ =	swait.ge [sflag:s17], $0x100  }
0x63: {  	[sflag:s17] =	ssyncset.done $0x0  }
0x64: {  	[sflag:s17] =	ssyncadd.s32 $0xFFFFFF00  }
0x65: {  	[tilespmem:s19], [sflag:$0x1] =	stream.indirect.gather [hbm4b:s0+s18], $0x80, s2, s18, $0xb8;
	[tilespmem:$0x1EE00] =	vst v63  }
0x66: {  	s7 =	rddreg [dreg:$0x4]  }
0x67: {  	[tilespmem:s20], [sflag:$0x2] =	stream.linear.gather [hbm4b:s7+s2], $0x100, $0x38;
	[tilespmem:$0x1EE00] =	vst v63  }
0x68: {  	_ =	swait.ge [sflag:s17], $0x100  }
0x69: {  	[sflag:s17] =	ssyncset.done $0x0  }
0x6a: {  	[sflag:s17] =	ssyncadd.s32 $0xFFFFFF00  }
0x6b: {  	[tilespmem:s21], [sflag:$0x1] =	stream.indirect.gather [hbm4b:s0+s18], $0x80, s20, s18, $0xb8;
	[tilespmem:$0x1EE00] =	vst v63  }
0x6c: {  	s13 =	rddreg [dreg:$0x5]  }
0x6d: {  	[tilespmem:s22], [sflag:$0x2] =	stream.linear.gather [hbm4b:s13+s2], $0x100, $0x38;
	[tilespmem:$0x1EE00] =	vst v63  }
0x6e: {  	_ =	swait.ge [sflag:s17], $0x100  }
0x6f: {  	[sflag:s17] =	ssyncset.done $0x0  }
0x70: {  	[sflag:s17] =	ssyncadd.s32 $0xFFFFFF00  }
0x71: {  	[tilespmem:s23], [sflag:$0x1] =	stream.indirect.gather [hbm4b:s0+s18], $0x80, s22, s18, $0xb8;
	[tilespmem:$0x1EE00] =	vst v63  }
0x72: {  	s8 =	rddreg [dreg:$0x6]  }
0x73: {  	[tilespmem:s24], [sflag:$0x2] =	stream.linear.gather [hbm4b:s8+s2], $0x100, $0x38;
	[tilespmem:$0x1EE00] =	vst v63  }
0x74: {  	_ =	swait.ge [sflag:s17], $0x100  }
0x75: {  	[sflag:s17] =	ssyncset.done $0x0  }
0x76: {  	[sflag:s17] =	ssyncadd.s32 $0xFFFFFF00  }
0x77: {  	[tilespmem:s25], [sflag:$0x1] =	stream.indirect.gather [hbm4b:s0+s18], $0x80, s24, s18, $0xb8;
	[tilespmem:$0x1EE00] =	vst v63  }
0x78: {  	s10 =	smul.u32 $0xAB, s2;
	s9 =	rddreg [dreg:$0x7]  }
0x79: {  	[tilespmem:s26], [sflag:$0x2] =	stream.linear.gather [hbm4b:s9+s2], $0x100, $0x38;
	[tilespmem:$0x1EE00] =	vst v63  }
0x7a: {  	_ =	swait.ge [sflag:s17], $0x100  }
0x7b: {  	s7 =	sshrl.u32 s10, $0xA;
	[sflag:s17] =	ssyncset.done $0x0  }
0x7c: {  	s7 =	sand.u32 $0x3F, s7;
	[sflag:s17] =	ssyncadd.s32 $0xFFFFFF00  }
0x7d: {  	[tilespmem:s28], [sflag:$0x1] =	stream.indirect.gather [hbm4b:s0+s18], $0x80, s26, s18, $0xb8;
	[tilespmem:$0x1EE00] =	vst v63  }
0x7e: {  	s7 =	smul.u32 $0x6, s7;
	s8 =	rddreg [dreg:$0x8]  }
0x7f: {  	[tilespmem:s29], [sflag:$0x2] =	stream.linear.gather [hbm4b:s8+s2], $0x100, $0x38;
	[tilespmem:$0x1EE00] =	vst v63  }
0x80: {  	s11 =	ssub.s32 $0x0, s7;
	_ =	swait.ge [sflag:s17], $0x100  }
0x81: {  	s7 =	sand.u32 $0xFF, s11;
	[sflag:s17] =	ssyncset.done $0x0  }
0x82: {  	s9 =	simm.s32 $0x1;
	s2 =	smul.u32 $0x7000, s7;
	[sflag:s17] =	ssyncadd.s32 $0xFFFFFF00  }
0x83: {  	[tilespmem:s30], [sflag:$0x1] =	stream.indirect.gather [hbm4b:s0+s18], $0x80, s29, s18, $0xb8;
	[tilespmem:$0x1EE00] =	vst v63  }
0x84: {  	s12 =	smul.u32 $0xAB, s9;
	_ =	swait.ge [sflag:s31], $0x1C00  }
0x85: {  	s8 =	sshll.u32 s7, $0x8;
	s2 =	sshrl.u32 s2, $0x2;
	[sflag:s31] =	ssyncset.done $0x0  }
0x86: {  	s13 =	sor.u32 $0x80, s8;
	s2 =	sadd.s32 $0x600, s2;
	[sflag:s31] =	ssyncadd.s32 $0xFFFFE400  }
0x87: {  	[spmem:s3] =	stream.indirect.scatter.add.f32 [tilespmem:s2], [sflag:$0x2], $0x80, s13, s18, $0xb8;
	[tilespmem:$0x1EE00] =	vst v63  }
0x88: {  	s7 =	sshrl.u32 s12, $0xA;
	_ =	swait.ge [sflag:s17], $0x1C00  }
0x89: {  	s7 =	sand.u32 $0x3F, s7;
	[sflag:s17] =	ssyncset.done $0x0  }
0x8a: {  	s7 =	smul.u32 $0x6, s7;
	[sflag:s17] =	ssyncadd.s32 $0xFFFFE400  }
0x8b: {  	[tilespmem:s8], [sflag:$0x2] =	stream.linear.gather [hbm4b:s14+s4], $0x100, $0x38;
	[tilespmem:$0x1EE00] =	vst v63  }
0x8c: {  	s10 =	simm.s32 $0x2;
	s7 =	ssub.s32 $0x1, s7;
	_ =	swait.ge [sflag:s17], $0x100  }
0x8d: {  	s9 =	sand.u32 $0xFF, s7;
	s7 =	sadd.s32 $0x20, s14;
	[sflag:s17] =	ssyncset.done $0x0  }
.LBB2_4:
0x8e: {  	s11 =	smul.u32 $0x7000, s9  }
0x8f: {  	[sflag:s17] =	ssyncadd.s32 $0xFFFFFF00;
	s12 =	smov.u32 s10;
	s13 =	sadd.s32 $0x1, s10  }
0x90: {  	[tilespmem:s2], [sflag:$0x1] =	stream.indirect.gather [hbm4b:s0+s18], $0x80, s8, s18, $0xb8;
	[tilespmem:$0x1EE00] =	vst v63  }
0x91: {  	p0 =	sne.s32 s10, $0xAC;
	s2 =	sshrl.u32 s11, $0x2;
	_ =	swait.ge [sflag:s31], $0x1C00  }
0x92: {  	s8 =	sshll.u32 s9, $0x8;
	s2 =	sadd.s32 $0x600, s2;
	[sflag:s31] =	ssyncset.done $0x0  }
0x93: {  	s9 =	smul.u32 $0xAB, s12;
	s10 =	sor.u32 $0x80, s8;
	[sflag:s31] =	ssyncadd.s32 $0xFFFFE400  }
0x94: {  	[spmem:s3] =	stream.indirect.scatter.add.f32 [tilespmem:s2], [sflag:$0x2], $0x80, s10, s18, $0xb8;
	[tilespmem:$0x1EE00] =	vst v63  }
0x95: {  	s9 =	sshrl.u32 s9, $0xA;
	_ =	swait.ge [sflag:s17], $0x1C00  }
.Ltmp1:
0x96: {  	s9 =	sand.u32 $0x3F, s9;
	[sflag:s17] =	ssyncset.done $0x0;
	(pc) =	sbr.rel @p0 .LBB2_4-.Ltmp1, $4  }
0x97: {  	s9 =	smul.u32 $0x6, s9;
	[sflag:s17] =	ssyncadd.s32 $0xFFFFE400  }
0x98: {  	[tilespmem:s8], [sflag:$0x2] =	stream.linear.gather [hbm4b:s7+s4], $0x100, $0x38;
	[tilespmem:$0x1EE00] =	vst v63  }
0x99: {  	s10 =	smov.u32 s13;
	s9 =	ssub.s32 s12, s9;
	_ =	swait.ge [sflag:s17], $0x100  }
0x9a: {  	s9 =	sand.u32 $0xFF, s9;
	s7 =	sadd.s32 $0x20, s7;
	[sflag:s17] =	ssyncset.done $0x0  }
0x9b: {  	[sflag:s17] =	ssyncadd.s32 $0xFFFFFF00  }
0x9c: {  	[tilespmem:s2], [sflag:$0x1] =	stream.indirect.gather [hbm4b:s0+s18], $0x80, s8, s18, $0xb8;
	[tilespmem:$0x1EE00] =	vst v63  }
0x9d: {  	s8 =	smul.u32 $0x7000, s9  }
0x9e: {  	_ =	swait.ge [sflag:s31], $0x1C00  }
0x9f: {  	s10 =	sshll.u32 s9, $0x8;
	s2 =	sshrl.u32 s8, $0x2;
	[sflag:s31] =	ssyncset.done $0x0  }
0xa0: {  	s9 =	sor.u32 $0x80, s10;
	s2 =	sadd.s32 $0x600, s2;
	[sflag:s31] =	ssyncadd.s32 $0xFFFFE400  }
0xa1: {  	[spmem:s3] =	stream.indirect.scatter.add.f32 [tilespmem:s2], [sflag:$0x2], $0x80, s9, s18, $0xb8;
	[tilespmem:$0x1EE00] =	vst v63  }
0xa2: {  	_ =	swait.ge [sflag:s17], $0x1C00  }
0xa3: {  	[sflag:s17] =	ssyncset.done $0x0  }
0xa4: {  	[sflag:s17] =	ssyncadd.s32 $0xFFFFE400  }
0xa5: {  	[tilespmem:s10], [sflag:$0x2] =	stream.linear.gather [hbm4b:s7+s4], $0x100, $0x38;
	[tilespmem:$0x1EE00] =	vst v63  }
0xa6: {  	_ =	swait.ge [sflag:s17], $0x100  }
0xa7: {  	[sflag:s17] =	ssyncset.done $0x0  }
0xa8: {  	[sflag:s17] =	ssyncadd.s32 $0xFFFFFF00  }
0xa9: {  	[tilespmem:s2], [sflag:$0x1] =	stream.indirect.gather [hbm4b:s0+s18], $0x80, s10, s18, $0xb8;
	[tilespmem:$0x1EE00] =	vst v63  }
0xaa: {  	_ =	swait.ge [sflag:s31], $0x1C00  }
0xab: {  	[sflag:s31] =	ssyncset.done $0x0  }
0xac: {  	s11 =	simm.s32 $0x580;
	[sflag:s31] =	ssyncadd.s32 $0xFFFFE400  }
0xad: {  	[spmem:s3] =	stream.indirect.scatter.add.f32 [tilespmem:s30], [sflag:$0x2], $0x80, s11, s18, $0xb8;
	[tilespmem:$0x1EE00] =	vst v63  }
0xae: {  	_ =	swait.ge [sflag:s17], $0x1C00  }
0xaf: {  	[sflag:s17] =	ssyncset.done $0x0  }
0xb0: {  	[sflag:s17] =	ssyncadd.s32 $0xFFFFE400  }
0xb1: {  	_ =	swait.ge [sflag:s31], $0x1C00  }
0xb2: {  	[sflag:s31] =	ssyncset.done $0x0  }
0xb3: {  	s12 =	simm.s32 $0x80;
	[sflag:s31] =	ssyncadd.s32 $0xFFFFE400  }
0xb4: {  	[spmem:s3] =	stream.indirect.scatter.add.f32 [tilespmem:s19], [sflag:$0x2], $0x80, s12, s18, $0xb8;
	[tilespmem:$0x1EE00] =	vst v63  }
0xb5: {  	_ =	swait.ge [sflag:s17], $0x1C00  }
0xb6: {  	[sflag:s17] =	ssyncset.done $0x0  }
0xb7: {  	[sflag:s17] =	ssyncadd.s32 $0xFFFFE400  }
0xb8: {  	_ =	swait.ge [sflag:s31], $0x1C00  }
0xb9: {  	[sflag:s31] =	ssyncset.done $0x0  }
0xba: {  	s13 =	simm.s32 $0x180;
	[sflag:s31] =	ssyncadd.s32 $0xFFFFE400  }
0xbb: {  	[spmem:s3] =	stream.indirect.scatter.add.f32 [tilespmem:s21], [sflag:$0x2], $0x80, s13, s18, $0xb8;
	[tilespmem:$0x1EE00] =	vst v63  }
0xbc: {  	_ =	swait.ge [sflag:s17], $0x1C00  }
0xbd: {  	[sflag:s17] =	ssyncset.done $0x0  }
0xbe: {  	[sflag:s17] =	ssyncadd.s32 $0xFFFFE400  }
0xbf: {  	_ =	swait.ge [sflag:s31], $0x1C00  }
0xc0: {  	[sflag:s31] =	ssyncset.done $0x0  }
0xc1: {  	s7 =	simm.s32 $0x280;
	[sflag:s31] =	ssyncadd.s32 $0xFFFFE400  }
0xc2: {  	[spmem:s3] =	stream.indirect.scatter.add.f32 [tilespmem:s23], [sflag:$0x2], $0x80, s7, s18, $0xb8;
	[tilespmem:$0x1EE00] =	vst v63  }
0xc3: {  	_ =	swait.ge [sflag:s17], $0x1C00  }
0xc4: {  	[sflag:s17] =	ssyncset.done $0x0  }
0xc5: {  	[sflag:s17] =	ssyncadd.s32 $0xFFFFE400  }
0xc6: {  	_ =	swait.ge [sflag:s31], $0x1C00  }
0xc7: {  	[sflag:s31] =	ssyncset.done $0x0  }
0xc8: {  	s8 =	simm.s32 $0x380;
	[sflag:s31] =	ssyncadd.s32 $0xFFFFE400  }
0xc9: {  	[spmem:s3] =	stream.indirect.scatter.add.f32 [tilespmem:s25], [sflag:$0x2], $0x80, s8, s18, $0xb8;
	[tilespmem:$0x1EE00] =	vst v63  }
0xca: {  	_ =	swait.ge [sflag:s17], $0x1C00  }
0xcb: {  	[sflag:s17] =	ssyncset.done $0x0  }
0xcc: {  	[sflag:s17] =	ssyncadd.s32 $0xFFFFE400  }
0xcd: {  	_ =	swait.ge [sflag:s31], $0x1C00  }
0xce: {  	[sflag:s31] =	ssyncset.done $0x0  }
0xcf: {  	s9 =	simm.s32 $0x480;
	[sflag:s31] =	ssyncadd.s32 $0xFFFFE400  }
0xd0: {  	[spmem:s3] =	stream.indirect.scatter.add.f32 [tilespmem:s28], [sflag:$0x2], $0x80, s9, s18, $0xb8;
	[tilespmem:$0x1EE00] =	vst v63  }
0xd1: {  	_ =	swait.ge [sflag:s17], $0x1C00  }
0xd2: {  	[sflag:s17] =	ssyncset.done $0x0  }
0xd3: {  	s10 =	stileid.u32;
	[sflag:s17] =	ssyncadd.s32 $0xFFFFE400  }
0xd4: {  	s2 =	sshll.u32 s10, $0x6;
	[bflag:$0x0] =	sbarrier.arrive $0xFFFF  }
0xd5: {  	s2 =	sor.u32 $0x1C03, s2;
	s11 =	sshrl.u32 s6, $0x3;
	s12 =	rddreg [dreg:$0x9]  }
0xd6: {  	[hbm:s12], [sflag:s2] =	dma.local [spmem:s11], $0x2780  }
0xd7: {  	_ =	swait.ge [sflag:s16], $0x2780  }
0xd8: {  	s1 =	sadd.s32 $0x1, s1;
	s13 =	rddreg [dreg:$0xa]  }
0xd9: {  	p0 =	sne.s32 s1, s13  }
.Ltmp2:
0xda: {  	_ = 	snop;
	(pc) =	sbr.rel @p0 .LBB2_1-.Ltmp2, $3  }
0xdb: {  	_ =	sdelay $0x1  }
0xdc: {  	[sflag:s16] =	ssyncset.done $0x0  }
0xdd: {  	[sflag:s16] =	ssyncadd.s32 $0xFFFFD880  }
0xde: {  	_ =	sfence.sel $0x180000  }
0xdf: {  	[bflag:$0x0] =	sbarrier.arrive $0xFFFF  }
0xe0: {  	_ =	strace $0x9000004D  }
0xe1: {  	s0 =	stileid.u32;
	[bflag:$0x2] =	sbarrier.arrive $0xFFFF  }
0xe2: {  	p0 =	sne.s32 s0, $0x0;
	s0 =	rddreg [dreg:$0x3]  }
0xe3: {  	s0 =	sadd.s32 @!p0 $0x100000, s0  }
0xe4: {  	[sflag:s0] =	ssyncadd.tile.s32 @!p0 $0x1;
	_ =	shalt  }
.Lfunc_end2:
_tile_overlayer_lowered:
.L_overlay_start_2:
0xe5: {  	(tag) =	ssettag $0x2  }
0xe6: {  	s0 =	rddreg [dreg:$0x0];
	s2 =	stileid.u32  }
0xe7: {  	s1 =	rddreg [dreg:$0x1];
	p0 =	sne.s32 s2, $0x0  }
0xe8: {  	s3 =	rddreg [dreg:$0x2];
	[bflag:$0x3] =	sbarrier.arrive $0xFFFF;
	s2 =	simm.s32 @!p0 $0x1C03  }
0xe9: {  	[timem:s3], [sflag:s2] =	dma.local @!p0 [hbm:s0], s1  }
0xea: {  	s0 =	simm.s32 @!p0 $0x3  }
0xeb: {  	_ =	swait.ge @!p0 [sflag:s0], s1  }
0xec: {  	s1 =	ssub.s32 @!p0 $0x0, s1;
	[sflag:s0] =	ssyncset.done @!p0 $0x0  }
0xed: {  	[sflag:s0] =	ssyncadd.s32 @!p0 s1  }
0xee: {  	[bflag:$0x3] =	sbarrier.arrive $0xFFFF  }
0xef: {  	_ =	shalt  }

// kernel: kernel.8.cloned.1.call-start
scs
__scs_entry_jumppad:
0x0: {  	(pc) =	sbr.rel $0x88, $3  }
0x1: {  	(tag) =	ssettag $0x0;
	lr =	simm.s32 $0x1  }
0x2: {  	[smem:$0x3F99] =	sst lr;
	_ =	strace $0xD0000000  }
0x3: {  	_ = 	snop  }
0x4: {  	_ = 	snop  }
0x5: {  	_ = 	snop  }
0x6: {  	_ = 	snop  }
0x7: {  	_ = 	snop  }
__scs_overlays_trampoline_lowered:
0x8: {  	[smem:$0x3FA8] =	sst s0  }
0x9: {  	[smem:$0x3FA9] =	sst s1  }
0xa: {  	[smem:$0x3FAA] =	sst s2  }
0xb: {  	[smem:$0x3FAB] =	sst s3  }
0xc: {  	[smem:$0x3FAC] =	sst s4  }
0xd: {  	[smem:$0x3FAD] =	sst s5  }
0xe: {  	[smem:$0x3FAE] =	sst s6  }
0xf: {  	[smem:$0x3FAF] =	sst s7  }
0x10: {  	[smem:$0x3FB0] =	sst s8  }
0x11: {  	[smem:$0x3FB1] =	sst s9;
	s0 =	simm.s32 @!p0 $0x0  }
0x12: {  	s1 =	sld [smem:$0x3F97];
	s0 =	simm.s32 @p0 $0x1  }
0x13: {  	[smem:$0x3FB2] =	sst s0;
	s0 =	simm.s32 @!p1 $0x0  }
0x14: {  	s2 =	sld [smem:$0x3F96];
	s0 =	simm.s32 @p1 $0x1  }
0x15: {  	[smem:$0x3FB3] =	sst s0;
	s0 =	simm.s32 @!p2 $0x0  }
0x16: {  	s3 =	sld [smem:$0x3FDB];
	s0 =	simm.s32 @p2 $0x1  }
0x17: {  	s4 =	simm.s32 $0x1BF5;
	[smem:$0x3FB5] =	sst s0  }
0x18: {  	s0 =	sld [smem:$0x3F98];
	_ =	swait.ge [sflag:s4], $0x0  }
0x19: {  	s7 =	sld [smem:$0x3F99]  }
0x1a: {  	s8 =	sadd.s32 $0xFFFFE003, lr  }
0x1b: {  	s9 =	sadd.s32 $0xFFFFFEF7, lr;
	s5 =	simm.s32 $0xFFFFFFFF;
	p2 =	slt.u32 s8, $0xFFFFF086  }
0x1c: {  	p1 =	slt.u32 s9, $0xF7A;
	s5 =	simm.s32 @!p2 $0x0  }
0x1d: {  	s5 =	simm.s32 @p1 $0x1;
	p0 =	seq.s32 s7, s2  }
0x1e: {  	s7 =	smul.u32 @!p0 $0xF7A, s2;
	p2 =	seq.s32 @!p0 s5, $0x0  }
0x1f: {  	s9 =	smul.u32 $0xF7A, s1;
	s8 =	simm.s32 @!p0 $0x1BF5;
	p2 =	por !p2, p0  }
0x20: {  	[sflag:s8] =	ssyncset.s32 @!p0 $0xFFFFF086;
	s6 =	sadd.s32 @!p0 s3, s7;
	s7 =	simm.s32 @!p0 $0x108  }
0x21: {  	s3 =	sadd.s32 s3, s9;
	s6 =	sadd.s32 @!p0 $0x88, s6;
	s7 =	simm.s32 @p2 $0x1082  }
0x22: {  	[simem:s7], [sflag:s8] =	dma.local @!p0 [hbm:s6], $0xF7A  }
0x23: {  	s9 =	sor.u32 $0xD0000000, s2;
	s6 =	simm.s32 $0x108;
	_ =	swait.ge @!p0 [sflag:s8], $0x0  }
0x24: {  	s3 =	sadd.s32 $0x88, s3;
	s6 =	simm.s32 @!p1 $0x1082;
	[sflag:s4] =	ssyncset.s32 $0xFFFFF086  }
0x25: {  	[simem:s6], [sflag:s4] =	dma.local [hbm:s3], $0xF7A  }
0x26: {  	[smem:$0x3F99] =	sst s1;
	(tag) =	ssettag s2;
	_ =	strace s9  }
0x27: {  	s1 =	sld [smem:$0x3FA9]  }
0x28: {  	s2 =	sld [smem:$0x3FAA]  }
0x29: {  	s4 =	sld [smem:$0x3FAC]  }
0x2a: {  	p0 =	seq.s32 s5, $0x0;
	s5 =	sld [smem:$0x3FAD]  }
0x2b: {  	s6 =	sld [smem:$0x3FAE]  }
0x2c: {  	s7 =	sld [smem:$0x3FAF]  }
0x2d: {  	s3 =	simm.s32 $0x108;
	s8 =	sld [smem:$0x3FB0]  }
0x2e: {  	s3 =	simm.s32 @!p0 $0x1082;
	s9 =	sld [smem:$0x3FB1]  }
0x2f: {  	lr =	sadd.s32 s0, s3;
	s0 =	sld [smem:$0x3FA8]  }
0x30: {  	s3 =	sld [smem:$0x3FAB]  }
0x31: {  	[smem:$0x3FB4] =	sst s10  }
0x32: {  	s10 =	sld [smem:$0x3FB2];
	_ =	sdelay $0x3  }
0x33: {  	p0 =	seq.s32 s10, $0x1;
	s10 =	sld [smem:$0x3FB4];
	_ =	sdelay $0x3  }
0x34: {  	[smem:$0x3FB4] =	sst s10  }
0x35: {  	s10 =	sld [smem:$0x3FB3];
	_ =	sdelay $0x3  }
0x36: {  	p1 =	seq.s32 s10, $0x1;
	s10 =	sld [smem:$0x3FB4];
	_ =	sdelay $0x3  }
0x37: {  	[smem:$0x3FB4] =	sst s10  }
0x38: {  	s10 =	sld [smem:$0x3FB5]  }
0x39: {  	_ = 	snop;
	(pc) =	sbr.ind lr, $3  }
0x3a: {  	_ = 	snop  }
0x3b: {  	_ = 	snop  }
0x3c: {  	p2 =	seq.s32 s10, $0x1;
	s10 =	sld [smem:$0x3FB4]  }
0x3d: {  	_ =	shalt  }
0x3e: {  	_ =	shalt  }
0x3f: {  	_ =	shalt  }
0x40: {  	_ =	shalt  }
0x41: {  	_ =	shalt  }
0x42: {  	_ =	shalt  }
0x43: {  	_ =	shalt  }
0x44: {  	_ =	shalt  }
0x45: {  	_ =	shalt  }
0x46: {  	_ =	shalt  }
0x47: {  	_ =	shalt  }
0x48: {  	_ =	shalt  }
0x49: {  	_ =	shalt  }
0x4a: {  	_ =	shalt  }
0x4b: {  	_ =	shalt  }
0x4c: {  	_ =	shalt  }
0x4d: {  	_ =	shalt  }
0x4e: {  	_ =	shalt  }
0x4f: {  	_ =	shalt  }
0x50: {  	_ =	shalt  }
0x51: {  	_ =	shalt  }
0x52: {  	_ =	shalt  }
0x53: {  	_ =	shalt  }
0x54: {  	_ =	shalt  }
0x55: {  	_ =	shalt  }
0x56: {  	_ =	shalt  }
0x57: {  	_ =	shalt  }
0x58: {  	_ =	shalt  }
0x59: {  	_ =	shalt  }
0x5a: {  	_ =	shalt  }
0x5b: {  	_ =	shalt  }
0x5c: {  	_ =	shalt  }
0x5d: {  	_ =	shalt  }
0x5e: {  	_ =	shalt  }
0x5f: {  	_ =	shalt  }
0x60: {  	_ =	shalt  }
0x61: {  	_ =	shalt  }
0x62: {  	_ =	shalt  }
0x63: {  	_ =	shalt  }
0x64: {  	_ =	shalt  }
0x65: {  	_ =	shalt  }
0x66: {  	_ =	shalt  }
0x67: {  	_ =	shalt  }
0x68: {  	_ =	shalt  }
0x69: {  	_ =	shalt  }
0x6a: {  	_ =	shalt  }
0x6b: {  	_ =	shalt  }
0x6c: {  	_ =	shalt  }
0x6d: {  	_ =	shalt  }
0x6e: {  	_ =	shalt  }
0x6f: {  	_ =	shalt  }
0x70: {  	_ =	shalt  }
0x71: {  	_ =	shalt  }
0x72: {  	_ =	shalt  }
0x73: {  	_ =	shalt  }
0x74: {  	_ =	shalt  }
0x75: {  	_ =	shalt  }
0x76: {  	_ =	shalt  }
0x77: {  	_ =	shalt  }
0x78: {  	_ =	shalt  }
0x79: {  	_ =	shalt  }
0x7a: {  	_ =	shalt  }
0x7b: {  	_ =	shalt  }
0x7c: {  	_ =	shalt  }
0x7d: {  	_ =	shalt  }
0x7e: {  	_ =	shalt  }
0x7f: {  	_ =	shalt  }
0x80: {  	_ =	shalt  }
0x81: {  	_ =	shalt  }
0x82: {  	_ =	shalt  }
0x83: {  	_ =	shalt  }
0x84: {  	_ =	shalt  }
0x85: {  	_ =	shalt  }
0x86: {  	_ =	shalt  }
0x87: {  	_ =	shalt  }
.Lfunc_end0:
.L_simem_size_0:
called_computation_lowered:
.L_overlay_start_0:
0x88: {  	s2 =	sld [smem:$0x3FD9]  }
0x89: {  	s3 =	sld [smem:$0x3FFE];
	_ =	sdelay $0x1  }
0x8a: {  	s1 =	srdreg.scid  }
0x8b: {  	s0 =	sand.u32 $0x1, s1  }
0x8c: {  	s15 =	sshll.u32 s0, $0xA;
	s2 =	sadd.s32 s3, s2  }
0x8d: {  	s2 =	sadd.s32 s2, s15  }
0x8e: {  	[smem:$0x3FC0] =	sst s2  }
0x8f: {  	_ = 	snop  }
0x90: {  	s2 =	sld [smem:$0x3FD0];
	_ =	sdelay $0x2  }
0x91: {  	s16 =	simm.s32 $0xA;
	s4 =	simm.s32 $0x10  }
0x92: {  	[smem:s4], [sflag:s16] =	dma.local [hbm:s2], $0x1  }
0x93: {  	_ =	swait.eq [sflag:s16], $0x1  }
0x94: {  	[sflag:s16] =	ssyncset.done $0x0  }
0x95: {  	s17 =	sld [smem:$0x10];
	[sflag:s16] =	ssyncadd.s32 $0xFFFFFFFF  }
0x96: {  	s18 =	sld [smem:$0x11];
	(tm) =	ssettm $0x1  }
0x97: {  	s19 =	sld [smem:$0x3FFB];
	_ =	sdelay $0x3  }
0x98: {  	_ =	strace s19  }
0x99: {  	s4 =	sld [smem:$0x3FFC];
	_ =	sdelay $0x3  }
0x9a: {  	_ =	strace s4  }
0x9b: {  	s4 =	sld [smem:$0x3FFD];
	_ =	sdelay $0x3  }
0x9c: {  	_ =	strace s4  }
0x9d: {  	_ =	strace $0x8FFFFFFF  }
0x9e: {  	s20 =	sld [smem:$0x3FDB];
	_ =	sdelay $0x1  }
0x9f: {  	s5 =	simm.s32 $_scs_section_size  }
0xa0: {  	s6 =	simm.s32 $_size__tile_overlayer_lowered;
	s7 =	simm.s32 $_tile_overlayer_lowered  }
0xa1: {  	s23 =	simm.s32 $0x1BFF;
	s22 =	sshll.u32 s7, $0x1;
	s4 =	sadd.s32 s5, s20  }
0xa2: {  	s8 =	simm.s32 $0x0;
	s21 =	sshll.u32 s6, $0x1;
	s6 =	sadd.s32 s22, s4  }
0xa3: {  	[timem:s8], [sflag:s23] =	dma.local [hbm:s6], s21  }
0xa4: {  	_ =	swait.ge [sflag:s23], s21  }
0xa5: {  	s5 =	ssub.s32 $0x0, s21;
	[sflag:s23] =	ssyncset.done $0x0  }
0xa6: {  	[sflag:s23] =	ssyncadd.s32 s5;
	_ =	sdelay $0x1  }
0xa7: {  	s24 =	simm.s32 $0x1B8B  }
0xa8: {  	_ =	swait.ge [sflag:s24], $0x1  }
0xa9: {  	[sflag:s24] =	ssyncset.done $0x0  }
0xaa: {  	s25 =	simm.s32 $0x1B8E;
	[sflag:s24] =	ssyncadd.s32 $0xFFFFFFFF  }
0xab: {  	s26 =	simm.s32 $execute0_lowered;
	[smem:$0x3FD2] =	sst s25  }
0xac: {  	s5 =	sshll.u32 s26, $0x1;
	_ =	strace $0x80000046;
	[dreg:$0x1] =	wrdreg $0xFFFFFFFF  }
0xad: {  	s28 =	simm.s32 $_size_execute0_lowered;
	s4 =	sadd.s32 s4, s5;
	[dreg:$0x0] =	wrdreg $0x0  }
0xae: {  	s5 =	sshll.u32 s28, $0x1;
	[dreg:$0x2] =	wrdreg s4  }
0xaf: {  	[dreg:$0x3] =	wrdreg s5  }
0xb0: {  	[dreg:$0x4] =	wrdreg $0xC0  }
0xb1: {  	_ =	task [dreg:s8], $0x5FFFF  }
0xb2: {  	[dreg:$0x1] =	wrdreg $0xFFFFFFFF  }
0xb3: {  	[dreg:$0x0] =	wrdreg $0x60  }
0xb4: {  	[dreg:$0x2] =	wrdreg s18  }
0xb5: {  	[dreg:$0x3] =	wrdreg s17  }
0xb6: {  	[dreg:$0x4] =	wrdreg $0x4F800  }
0xb7: {  	[dreg:$0x5] =	wrdreg $0x9  }
0xb8: {  	_ =	task.clear_ibuf [dreg:s8], $0x6FFFF;
	_ =	strace $0x90000046  }
0xb9: {  	s29 =	simm.s32 $0x9;
	_ =	strace $0x80000048  }
0xba: {  	_ =	swait.ge [sflag:s29], $0x1  }
0xbb: {  	[sflag:s29] =	ssyncadd.s32 $0xFFFFFFFF  }
0xbc: {  	_ =	strace $0x90000048  }
0xbd: {  	_ =	sfence  }
0xbe: {  	s30 =	sld [smem:$0x0];
	_ =	sdelay $0x2  }
0xbf: {  	s31 =	sshll.u32 s1, $0xD;
	s1 =	sshrl.u32 s1, $0x2  }
0xc0: {  	s3 =	sand.u32 $0x4000, s31;
	s1 =	sadd.s32 s1, s30  }
0xc1: {  	s0 =	sor.u32 s3, s0;
	s1 =	sshll.u32 s1, $0x11  }
0xc2: {  	s0 =	sor.u32 s1, s0  }
0xc3: {  	s0 =	sadd.s32 $0x8F2B, s0  }
0xc4: {  	[sflag:s0] =	ssyncadd.remote.s32 $0x1  }
0xc5: {  	_ =	sfence.sel $0xFFFF  }
0xc6: {  	[dreg:$0x0] =	wrdreg $0xFFFFFFFF;
	(pc) =	sbr.abs _section_cstart, $3  }
0xc7: {  	[dreg:$0x1] =	wrdreg $0xFFFFFFFF  }
0xc8: {  	_ =	task.clear_ibuf [dreg:s8], $0x2FFFF;
	_ =	strace $0x9FFFFFFF  }
0xc9: {  	(tm) =	ssettm $0x7FFFFFFF  }
tec
execute0_lowered:
.L_overlay_start_1:
0x0: {  	(tag) =	ssettag $0x1  }
0x1: {  	s0 =	rddreg [dreg:$0x0]  }
0x2: {  	s1 =	rddreg [dreg:$0x1]  }
0x3: {  	s2 =	rddreg [dreg:$0x2];
	s3 =	srdreg.scid;
	s5 =	simm.s32 $0x0  }
0x4: {  	s7 =	stileid.u32;
	s28 =	simm.s32 $0x7140;
	s29 =	simm.s32 $0x7280  }
0x5: {  	s30 =	simm.s32 $0x73C0;
	s31 =	simm.s32 $0x7500;
	s23 =	smul.u32 $0x5000, s7  }
0x6: {  	s4 =	sand.u32 $0x1, s3;
	[smem:$0x7FF] =	sst s5;
	s17 =	smul.u32 $0x140, s7  }
0x7: {  	s3 =	sshll.u32 s4, $0x4;
	s6 =	ssub.s32 $0x2, s4;
	_ =	strace $0x80000047  }
0x8: {  	s25 =	smul.u32 $0x2800, s4;
	s3 =	sor.u32 s7, s3;
	s24 =	sshrl.u32 s6, $0x1  }
0x9: {  	s5 =	sshrl.u32 s23, $0x2;
	s8 =	smul.u32 $0x4E2, s3;
	s22 =	ssub.s32 s6, s24  }
0xa: {  	s3 =	sadd.s32 s17, s2;
	s5 =	sadd.s32 s5, s2;
	s24 =	simm.s32 $0x1  }
0xb: {  	s6 =	sadd.s32 $0x1400, s3;
	s7 =	sadd.s32 $0x2800, s3;
	s9 =	sadd.s32 $0x5000, s3  }
0xc: {  	s10 =	sadd.s32 $0x6400, s3;
	s11 =	sadd.s32 $0x7800, s3;
	s12 =	sadd.s32 $0x8C00, s3  }
0xd: {  	s13 =	sadd.s32 $0xA000, s3;
	s14 =	sadd.s32 $0xB400, s3;
	s15 =	sadd.s32 $0xC800, s3  }
0xe: {  	s16 =	sadd.s32 $0xDC00, s3;
	s18 =	sadd.s32 $0x10400, s3;
	s0 =	sadd.s32 s0, s8  }
0xf: {  	s19 =	sadd.s32 $0x11800, s3;
	[dreg:$0x4] =	wrdreg s0;
	s0 =	sadd.s32 s17, s25  }
0x10: {  	s20 =	sadd.s32 $0x12C00, s3;
	s26 =	smax.u32 s22, $0x1;
	s0 =	sshrl.u32 s0, $0x3  }
0x11: {  	s22 =	simm.s32 $0x7640;
	s8 =	sadd.s32 $0x3C00, s3;
	s21 =	sadd.s32 s1, s0  }
0x12: {  	[dreg:$0x6] =	wrdreg s26;
	s17 =	sadd.s32 $0xF000, s3;
	s0 =	sadd.s32 $0x280, s21  }
0x13: {  	v0 =	vimm.f32 $0.0e+00;
	v1 =	vimm.f32 $1.000000000e+00;
	s25 =	simm.s32 $0x2780;
	[dreg:$0x5] =	wrdreg s0;
	s0 =	simm.s32 $0x0  }
.LBB2_1:
0x14: {  	s1 =	simm.s32 $0x40;
	s2 =	simm.s32 $0x0  }
.LBB2_2:
0x15: {  	p0 =	sne.s32 s1, $0x9FC0;
	[tilespmem:s2+$0x2780] =	vst v0;
	s2 =	smov.u32 s1;
	s1 =	sadd.s32 $0x40, s1  }
.Ltmp0:
0x16: {  	(pc) =	sbr.rel @p0 .LBB2_2-.Ltmp0, $2  }
0x17: {  	_ =	sdelay $0x2  }
0x18: {  	s2 =	sshra.s32 s2, $0x2  }
0x19: {  	[tilespmem:s2+$0x2780] =	vst v0;
	s1 =	simm.s32 $0x0;
	s26 =	rddreg [dreg:$0x4]  }
0x1a: {  	[tilespmem:s1], [sflag:$0x1] =	stream.linear.gather [hbm4b:s26+s1], $0x2710, $0x38;
	[tilespmem:$0x7780] =	vst v63  }
0x1b: {  	_ =	swait.ge [sflag:s24], $0x2710  }
0x1c: {  	[sflag:s24] =	ssyncset.done $0x0  }
0x1d: {  	s2 =	simm.s32 $0x0;
	s1 =	simm.s32 $0x40;
	[sflag:s24] =	ssyncadd.s32 $0xFFFFD8F0  }
.LBB2_4:
0x1e: {  	p0 =	sne.s32 s1, $0x9C00;
	v2 =	vld [tilespmem:s2+$0x0];
	_ =	sdelay $0x3  }
.Ltmp1:
0x1f: {  	(pc) =	sbr.rel @p0 .LBB2_4-.Ltmp1, $2  }
0x20: {  	_ =	sdelay $0x2  }
0x21: {  	s2 =	sshra.s32 s1, $0x2;
	s1 =	sadd.s32 $0x40, s1;
	[tilespmem:v2+s25+$0x0] =	vst.idx.add.f32.msk $0xffff, v1  }
0x22: {  	v2 =	vld [tilespmem:s2+$0x0];
	_ =	sdelay $0x7  }
0x23: {  	s23 =	simm.s32 $0x2780;
	[tilespmem:v2+s25+$0x0] =	vst.idx.add.f32.msk $0xffff, v1  }
0x24: {  	[spmem:s5] =	stream.linear.scatter [tilespmem:s23], [sflag:$0x1], $0x1400, $0x38;
	[tilespmem:$0x7780] =	vst v63  }
0x25: {  	_ =	swait.ge [sflag:s24], $0x1400  }
0x26: {  	[sflag:s24] =	ssyncset.done $0x0  }
0x27: {  	[sflag:s24] =	ssyncadd.s32 $0xFFFFEC00  }
0x28: {  	s1 =	simm.s32 $0x6380;
	[bflag:$0x0] =	sbarrier.arrive $0xFFFF  }
0x29: {  	[tilespmem:s1], [sflag:$0x1] =	stream.linear.gather [spmem:s3], $0x140, $0x38;
	[tilespmem:$0x7780] =	vst v63  }
0x2a: {  	_ =	swait.ge [sflag:s24], $0x140  }
0x2b: {  	[sflag:s24] =	ssyncset.done $0x0  }
0x2c: {  	s26 =	simm.s32 $0x64C0;
	[sflag:s24] =	ssyncadd.s32 $0xFFFFFEC0  }
0x2d: {  	[tilespmem:s26], [sflag:$0x1] =	stream.linear.gather [spmem:s6], $0x140, $0x38;
	[tilespmem:$0x7780] =	vst v63  }
0x2e: {  	_ =	swait.ge [sflag:s24], $0x140  }
0x2f: {  	[sflag:s24] =	ssyncset.done $0x0  }
0x30: {  	s2 =	simm.s32 $0x6600;
	[sflag:s24] =	ssyncadd.s32 $0xFFFFFEC0  }
0x31: {  	[tilespmem:s2], [sflag:$0x1] =	stream.linear.gather [spmem:s7], $0x140, $0x38;
	[tilespmem:$0x7780] =	vst v63  }
0x32: {  	_ =	swait.ge [sflag:s24], $0x140  }
0x33: {  	[sflag:s24] =	ssyncset.done $0x0  }
0x34: {  	s4 =	simm.s32 $0x6740;
	[sflag:s24] =	ssyncadd.s32 $0xFFFFFEC0  }
0x35: {  	[tilespmem:s4], [sflag:$0x1] =	stream.linear.gather [spmem:s8], $0x140, $0x38;
	[tilespmem:$0x7780] =	vst v63  }
0x36: {  	_ =	swait.ge [sflag:s24], $0x140  }
0x37: {  	[sflag:s24] =	ssyncset.done $0x0  }
0x38: {  	s26 =	simm.s32 $0x6880;
	[sflag:s24] =	ssyncadd.s32 $0xFFFFFEC0  }
0x39: {  	[tilespmem:s26], [sflag:$0x1] =	stream.linear.gather [spmem:s9], $0x140, $0x38;
	[tilespmem:$0x7780] =	vst v63  }
0x3a: {  	_ =	swait.ge [sflag:s24], $0x140  }
0x3b: {  	[sflag:s24] =	ssyncset.done $0x0  }
0x3c: {  	s2 =	simm.s32 $0x69C0;
	[sflag:s24] =	ssyncadd.s32 $0xFFFFFEC0  }
0x3d: {  	[tilespmem:s2], [sflag:$0x1] =	stream.linear.gather [spmem:s10], $0x140, $0x38;
	[tilespmem:$0x7780] =	vst v63  }
0x3e: {  	_ =	swait.ge [sflag:s24], $0x140  }
0x3f: {  	[sflag:s24] =	ssyncset.done $0x0  }
0x40: {  	s4 =	simm.s32 $0x6B00;
	[sflag:s24] =	ssyncadd.s32 $0xFFFFFEC0  }
0x41: {  	[tilespmem:s4], [sflag:$0x1] =	stream.linear.gather [spmem:s11], $0x140, $0x38;
	[tilespmem:$0x7780] =	vst v63  }
0x42: {  	_ =	swait.ge [sflag:s24], $0x140  }
0x43: {  	[sflag:s24] =	ssyncset.done $0x0  }
0x44: {  	s26 =	simm.s32 $0x6C40;
	[sflag:s24] =	ssyncadd.s32 $0xFFFFFEC0  }
0x45: {  	[tilespmem:s26], [sflag:$0x1] =	stream.linear.gather [spmem:s12], $0x140, $0x38;
	[tilespmem:$0x7780] =	vst v63  }
0x46: {  	_ =	swait.ge [sflag:s24], $0x140  }
0x47: {  	[sflag:s24] =	ssyncset.done $0x0  }
0x48: {  	s2 =	simm.s32 $0x6D80;
	[sflag:s24] =	ssyncadd.s32 $0xFFFFFEC0  }
0x49: {  	[tilespmem:s2], [sflag:$0x1] =	stream.linear.gather [spmem:s13], $0x140, $0x38;
	[tilespmem:$0x7780] =	vst v63  }
0x4a: {  	_ =	swait.ge [sflag:s24], $0x140  }
0x4b: {  	[sflag:s24] =	ssyncset.done $0x0  }
0x4c: {  	s1 =	simm.s32 $0x6EC0;
	[sflag:s24] =	ssyncadd.s32 $0xFFFFFEC0  }
0x4d: {  	[tilespmem:s1], [sflag:$0x1] =	stream.linear.gather [spmem:s14], $0x140, $0x38;
	[tilespmem:$0x7780] =	vst v63  }
0x4e: {  	_ =	swait.ge [sflag:s24], $0x140  }
0x4f: {  	[sflag:s24] =	ssyncset.done $0x0  }
0x50: {  	s4 =	simm.s32 $0x7000;
	[sflag:s24] =	ssyncadd.s32 $0xFFFFFEC0  }
0x51: {  	[tilespmem:s4], [sflag:$0x1] =	stream.linear.gather [spmem:s15], $0x140, $0x38;
	[tilespmem:$0x7780] =	vst v63  }
0x52: {  	_ =	swait.ge [sflag:s24], $0x140  }
0x53: {  	[sflag:s24] =	ssyncset.done $0x0  }
0x54: {  	[sflag:s24] =	ssyncadd.s32 $0xFFFFFEC0  }
0x55: {  	[tilespmem:s28], [sflag:$0x1] =	stream.linear.gather [spmem:s16], $0x140, $0x38;
	[tilespmem:$0x7780] =	vst v63  }
0x56: {  	_ =	swait.ge [sflag:s24], $0x140  }
0x57: {  	[sflag:s24] =	ssyncset.done $0x0  }
0x58: {  	[sflag:s24] =	ssyncadd.s32 $0xFFFFFEC0  }
0x59: {  	[tilespmem:s29], [sflag:$0x1] =	stream.linear.gather [spmem:s17], $0x140, $0x38;
	[tilespmem:$0x7780] =	vst v63  }
0x5a: {  	_ =	swait.ge [sflag:s24], $0x140  }
0x5b: {  	[sflag:s24] =	ssyncset.done $0x0  }
0x5c: {  	[sflag:s24] =	ssyncadd.s32 $0xFFFFFEC0  }
0x5d: {  	[tilespmem:s30], [sflag:$0x1] =	stream.linear.gather [spmem:s18], $0x140, $0x38;
	[tilespmem:$0x7780] =	vst v63  }
0x5e: {  	_ =	swait.ge [sflag:s24], $0x140  }
0x5f: {  	[sflag:s24] =	ssyncset.done $0x0  }
0x60: {  	[sflag:s24] =	ssyncadd.s32 $0xFFFFFEC0  }
0x61: {  	[tilespmem:s31], [sflag:$0x1] =	stream.linear.gather [spmem:s19], $0x140, $0x38;
	[tilespmem:$0x7780] =	vst v63  }
0x62: {  	_ =	swait.ge [sflag:s24], $0x140  }
0x63: {  	[sflag:s24] =	ssyncset.done $0x0  }
0x64: {  	[sflag:s24] =	ssyncadd.s32 $0xFFFFFEC0  }
0x65: {  	[tilespmem:s22], [sflag:$0x1] =	stream.linear.gather [spmem:s20], $0x140, $0x38;
	[tilespmem:$0x7780] =	vst v63  }
0x66: {  	_ =	swait.ge [sflag:s24], $0x140  }
0x67: {  	[sflag:s24] =	ssyncset.done $0x0  }
0x68: {  	[sflag:s24] =	ssyncadd.s32 $0xFFFFFEC0  }
0x69: {  	v2 =	vld [tilespmem:s1+$0xFFFFF4C0];
	_ =	sdelay $0x1  }
0x6a: {  	s26 =	simm.s32 $0x0;
	v3 =	vld [tilespmem:s1+$0xFFFFF600]  }
0x6b: {  	s2 =	sand.u32 $0x1F0, s26  }
0x6c: {  	v4 =	vld [tilespmem:s2+$0x6600]  }
0x6d: {  	v2 =	vadd.f32 $0.0e+00, v2  }
0x6e: {  	v5 =	vld [tilespmem:s1+$0xFFFFF880]  }
0x6f: {  	v2 =	vadd.f32 v3, v2  }
0x70: {  	v3 =	vld [tilespmem:s2+$0x6880]  }
0x71: {  	v2 =	vadd.f32 v4, v2  }
0x72: {  	v56 =	vld [tilespmem:s1+$0xFFFFFB00]  }
0x73: {  	v2 =	vadd.f32 v5, v2  }
0x74: {  	v57 =	vld [tilespmem:s2+$0x6B00]  }
0x75: {  	v2 =	vadd.f32 v3, v2  }
0x76: {  	v3 =	vld [tilespmem:s1+$0xFFFFFD80]  }
0x77: {  	v2 =	vadd.f32 v56, v2  }
0x78: {  	v58 =	vld [tilespmem:s2+$0x6D80]  }
0x79: {  	v2 =	vadd.f32 v57, v2  }
0x7a: {  	v59 =	vld [tilespmem:s1+$0x0]  }
0x7b: {  	v2 =	vadd.f32 v3, v2  }
0x7c: {  	v3 =	vld [tilespmem:s2+$0x7000]  }
0x7d: {  	v2 =	vadd.f32 v58, v2  }
0x7e: {  	v60 =	vld [tilespmem:s1+$0x280]  }
0x7f: {  	v2 =	vadd.f32 v59, v2  }
0x80: {  	v61 =	vld [tilespmem:s2+$0x7280]  }
0x81: {  	v2 =	vadd.f32 v3, v2  }
0x82: {  	v3 =	vld [tilespmem:s1+$0x500]  }
0x83: {  	v2 =	vadd.f32 v60, v2  }
0x84: {  	v62 =	vld [tilespmem:s2+$0x7500]  }
0x85: {  	v2 =	vadd.f32 v61, v2  }
0x86: {  	v63 =	vld [tilespmem:s1+$0x780]  }
0x87: {  	v2 =	vadd.f32 v3, v2;
	_ =	sdelay $0x1  }
0x88: {  	v2 =	vadd.f32 v62, v2;
	_ =	sdelay $0x1  }
0x89: {  	v2 =	vadd.f32 v63, v2;
	_ =	sdelay $0x1  }
0x8a: {  	s1 =	simm.s32 $0x6ED0;
	[tilespmem:s23+$0x0] =	vst v2  }
0x8b: {  	s4 =	simm.s32 $0x20;
	s2 =	simm.s32 $0x10;
	v2 =	vld [tilespmem:s1+$0xFFFFF4C0]  }
.LBB2_6:
0x8c: {  	p0 =	sne.s32 s4, $0x130  }
0x8d: {  	v3 =	vld [tilespmem:s1+$0xFFFFF600]  }
0x8e: {  	s26 =	sand.u32 $0x1F0, s2;
	s2 =	smov.u32 s4  }
0x8f: {  	v4 =	vld [tilespmem:s26+$0x6600]  }
0x90: {  	v2 =	vadd.f32 $0.0e+00, v2  }
0x91: {  	v5 =	vld [tilespmem:s1+$0xFFFFF880]  }
0x92: {  	v2 =	vadd.f32 v3, v2  }
0x93: {  	v3 =	vld [tilespmem:s26+$0x6880]  }
0x94: {  	v2 =	vadd.f32 v4, v2  }
0x95: {  	v4 =	vld [tilespmem:s1+$0xFFFFFB00]  }
0x96: {  	v2 =	vadd.f32 v5, v2  }
0x97: {  	v5 =	vld [tilespmem:s26+$0x6B00]  }
0x98: {  	v2 =	vadd.f32 v3, v2  }
0x99: {  	v3 =	vld [tilespmem:s1+$0xFFFFFD80]  }
0x9a: {  	v2 =	vadd.f32 v4, v2  }
0x9b: {  	v4 =	vld [tilespmem:s26+$0x6D80]  }
0x9c: {  	v2 =	vadd.f32 v5, v2  }
0x9d: {  	v5 =	vld [tilespmem:s1+$0x0]  }
0x9e: {  	v2 =	vadd.f32 v3, v2  }
0x9f: {  	v3 =	vld [tilespmem:s26+$0x7000]  }
0xa0: {  	v2 =	vadd.f32 v4, v2  }
0xa1: {  	v4 =	vld [tilespmem:s1+$0x280]  }
0xa2: {  	v2 =	vadd.f32 v5, v2  }
0xa3: {  	v5 =	vld [tilespmem:s26+$0x7280]  }
0xa4: {  	v2 =	vadd.f32 v3, v2  }
0xa5: {  	v3 =	vld [tilespmem:s1+$0x500]  }
0xa6: {  	v2 =	vadd.f32 v4, v2  }
0xa7: {  	v4 =	vld [tilespmem:s26+$0x7500]  }
0xa8: {  	v2 =	vadd.f32 v5, v2  }
0xa9: {  	v5 =	vld [tilespmem:s1+$0x780]  }
0xaa: {  	v2 =	vadd.f32 v3, v2;
	_ =	sdelay $0x1  }
0xab: {  	v2 =	vadd.f32 v4, v2  }
.Ltmp2:
0xac: {  	(pc) =	sbr.rel @p0 .LBB2_6-.Ltmp2, $4  }
0xad: {  	v2 =	vadd.f32 v5, v2  }
0xae: {  	s23 =	sadd.s32 $0x10, s23  }
0xaf: {  	s1 =	sadd.s32 $0x10, s1;
	[tilespmem:s23+$0x0] =	vst v2  }
0xb0: {  	s4 =	sadd.s32 $0x10, s4;
	v2 =	vld [tilespmem:s1+$0xFFFFF4C0]  }
0xb1: {  	_ = 	snop  }
0xb2: {  	v3 =	vld [tilespmem:s1+$0xFFFFF600]  }
0xb3: {  	s2 =	sand.u32 $0x1F0, s2  }
0xb4: {  	v4 =	vld [tilespmem:s2+$0x6600]  }
0xb5: {  	v2 =	vadd.f32 $0.0e+00, v2  }
0xb6: {  	v5 =	vld [tilespmem:s1+$0xFFFFF880]  }
0xb7: {  	v2 =	vadd.f32 v3, v2  }
0xb8: {  	v3 =	vld [tilespmem:s2+$0x6880]  }
0xb9: {  	v2 =	vadd.f32 v4, v2  }
0xba: {  	v46 =	vld [tilespmem:s1+$0xFFFFFB00]  }
0xbb: {  	v2 =	vadd.f32 v5, v2  }
0xbc: {  	v47 =	vld [tilespmem:s2+$0x6B00]  }
0xbd: {  	v2 =	vadd.f32 v3, v2  }
0xbe: {  	v3 =	vld [tilespmem:s1+$0xFFFFFD80]  }
0xbf: {  	v2 =	vadd.f32 v46, v2  }
0xc0: {  	v48 =	vld [tilespmem:s2+$0x6D80]  }
0xc1: {  	v2 =	vadd.f32 v47, v2  }
0xc2: {  	v49 =	vld [tilespmem:s1+$0x0]  }
0xc3: {  	v2 =	vadd.f32 v3, v2  }
0xc4: {  	v3 =	vld [tilespmem:s2+$0x7000]  }
0xc5: {  	v2 =	vadd.f32 v48, v2  }
0xc6: {  	v50 =	vld [tilespmem:s1+$0x280]  }
0xc7: {  	v2 =	vadd.f32 v49, v2  }
0xc8: {  	v51 =	vld [tilespmem:s2+$0x7280]  }
0xc9: {  	v2 =	vadd.f32 v3, v2  }
0xca: {  	v3 =	vld [tilespmem:s1+$0x500]  }
0xcb: {  	v2 =	vadd.f32 v50, v2  }
0xcc: {  	v52 =	vld [tilespmem:s2+$0x7500]  }
0xcd: {  	v2 =	vadd.f32 v51, v2  }
0xce: {  	v53 =	vld [tilespmem:s1+$0x780]  }
0xcf: {  	v2 =	vadd.f32 v3, v2;
	_ =	sdelay $0x1  }
0xd0: {  	v2 =	vadd.f32 v52, v2;
	_ =	sdelay $0x1  }
0xd1: {  	v2 =	vadd.f32 v53, v2  }
0xd2: {  	s23 =	sadd.s32 $0x10, s23  }
0xd3: {  	s1 =	simm.s32 $0x0;
	[tilespmem:s23+$0x0] =	vst v2;
	s23 =	simm.s32 $0x2780  }
0xd4: {  	[hbm4b:s21+s1] =	stream.linear.scatter [tilespmem:s23], [sflag:$0x1], $0x140, $0x38;
	[tilespmem:$0x7780] =	vst v63  }
0xd5: {  	_ =	swait.ge [sflag:s24], $0x140  }
0xd6: {  	[sflag:s24] =	ssyncset.done $0x0  }
0xd7: {  	[sflag:s24] =	ssyncadd.s32 $0xFFFFFEC0  }
0xd8: {  	s26 =	simm.s32 $0x3B80;
	[bflag:$0x0] =	sbarrier.arrive $0xFFFF  }
0xd9: {  	[spmem:s5] =	stream.linear.scatter [tilespmem:s26], [sflag:$0x1], $0x1400, $0x38;
	[tilespmem:$0x7780] =	vst v63  }
0xda: {  	_ =	swait.ge [sflag:s24], $0x1400  }
0xdb: {  	[sflag:s24] =	ssyncset.done $0x0  }
0xdc: {  	[sflag:s24] =	ssyncadd.s32 $0xFFFFEC00  }
0xdd: {  	s4 =	simm.s32 $0x6380;
	[bflag:$0x0] =	sbarrier.arrive $0xFFFF  }
0xde: {  	[tilespmem:s4], [sflag:$0x1] =	stream.linear.gather [spmem:s3], $0x140, $0x38;
	[tilespmem:$0x7780] =	vst v63  }
0xdf: {  	_ =	swait.ge [sflag:s24], $0x140  }
0xe0: {  	[sflag:s24] =	ssyncset.done $0x0  }
0xe1: {  	s26 =	simm.s32 $0x64C0;
	[sflag:s24] =	ssyncadd.s32 $0xFFFFFEC0  }
0xe2: {  	[tilespmem:s26], [sflag:$0x1] =	stream.linear.gather [spmem:s6], $0x140, $0x38;
	[tilespmem:$0x7780] =	vst v63  }
0xe3: {  	_ =	swait.ge [sflag:s24], $0x140  }
0xe4: {  	[sflag:s24] =	ssyncset.done $0x0  }
0xe5: {  	s4 =	simm.s32 $0x6600;
	[sflag:s24] =	ssyncadd.s32 $0xFFFFFEC0  }
0xe6: {  	[tilespmem:s4], [sflag:$0x1] =	stream.linear.gather [spmem:s7], $0x140, $0x38;
	[tilespmem:$0x7780] =	vst v63  }
0xe7: {  	_ =	swait.ge [sflag:s24], $0x140  }
0xe8: {  	[sflag:s24] =	ssyncset.done $0x0  }
0xe9: {  	s26 =	simm.s32 $0x6740;
	[sflag:s24] =	ssyncadd.s32 $0xFFFFFEC0  }
0xea: {  	[tilespmem:s26], [sflag:$0x1] =	stream.linear.gather [spmem:s8], $0x140, $0x38;
	[tilespmem:$0x7780] =	vst v63  }
0xeb: {  	_ =	swait.ge [sflag:s24], $0x140  }
0xec: {  	[sflag:s24] =	ssyncset.done $0x0  }
0xed: {  	s4 =	simm.s32 $0x6880;
	[sflag:s24] =	ssyncadd.s32 $0xFFFFFEC0  }
0xee: {  	[tilespmem:s4], [sflag:$0x1] =	stream.linear.gather [spmem:s9], $0x140, $0x38;
	[tilespmem:$0x7780] =	vst v63  }
0xef: {  	_ =	swait.ge [sflag:s24], $0x140  }
0xf0: {  	[sflag:s24] =	ssyncset.done $0x0  }
0xf1: {  	s26 =	simm.s32 $0x69C0;
	[sflag:s24] =	ssyncadd.s32 $0xFFFFFEC0  }
0xf2: {  	[tilespmem:s26], [sflag:$0x1] =	stream.linear.gather [spmem:s10], $0x140, $0x38;
	[tilespmem:$0x7780] =	vst v63  }
0xf3: {  	_ =	swait.ge [sflag:s24], $0x140  }
0xf4: {  	[sflag:s24] =	ssyncset.done $0x0  }
0xf5: {  	s4 =	simm.s32 $0x6B00;
	[sflag:s24] =	ssyncadd.s32 $0xFFFFFEC0  }
0xf6: {  	[tilespmem:s4], [sflag:$0x1] =	stream.linear.gather [spmem:s11], $0x140, $0x38;
	[tilespmem:$0x7780] =	vst v63  }
0xf7: {  	_ =	swait.ge [sflag:s24], $0x140  }
0xf8: {  	[sflag:s24] =	ssyncset.done $0x0  }
0xf9: {  	s26 =	simm.s32 $0x6C40;
	[sflag:s24] =	ssyncadd.s32 $0xFFFFFEC0  }
0xfa: {  	[tilespmem:s26], [sflag:$0x1] =	stream.linear.gather [spmem:s12], $0x140, $0x38;
	[tilespmem:$0x7780] =	vst v63  }
0xfb: {  	_ =	swait.ge [sflag:s24], $0x140  }
0xfc: {  	[sflag:s24] =	ssyncset.done $0x0  }
0xfd: {  	s4 =	simm.s32 $0x6D80;
	[sflag:s24] =	ssyncadd.s32 $0xFFFFFEC0  }
0xfe: {  	[tilespmem:s4], [sflag:$0x1] =	stream.linear.gather [spmem:s13], $0x140, $0x38;
	[tilespmem:$0x7780] =	vst v63  }
0xff: {  	_ =	swait.ge [sflag:s24], $0x140  }
0x100: {  	[sflag:s24] =	ssyncset.done $0x0  }
0x101: {  	s26 =	simm.s32 $0x6EC0;
	[sflag:s24] =	ssyncadd.s32 $0xFFFFFEC0  }
0x102: {  	[tilespmem:s26], [sflag:$0x1] =	stream.linear.gather [spmem:s14], $0x140, $0x38;
	[tilespmem:$0x7780] =	vst v63  }
0x103: {  	_ =	swait.ge [sflag:s24], $0x140  }
0x104: {  	[sflag:s24] =	ssyncset.done $0x0  }
0x105: {  	s4 =	simm.s32 $0x7000;
	[sflag:s24] =	ssyncadd.s32 $0xFFFFFEC0  }
0x106: {  	[tilespmem:s4], [sflag:$0x1] =	stream.linear.gather [spmem:s15], $0x140, $0x38;
	[tilespmem:$0x7780] =	vst v63  }
0x107: {  	_ =	swait.ge [sflag:s24], $0x140  }
0x108: {  	[sflag:s24] =	ssyncset.done $0x0  }
0x109: {  	[sflag:s24] =	ssyncadd.s32 $0xFFFFFEC0  }
0x10a: {  	[tilespmem:s28], [sflag:$0x1] =	stream.linear.gather [spmem:s16], $0x140, $0x38;
	[tilespmem:$0x7780] =	vst v63  }
0x10b: {  	_ =	swait.ge [sflag:s24], $0x140  }
0x10c: {  	[sflag:s24] =	ssyncset.done $0x0  }
0x10d: {  	[sflag:s24] =	ssyncadd.s32 $0xFFFFFEC0  }
0x10e: {  	[tilespmem:s29], [sflag:$0x1] =	stream.linear.gather [spmem:s17], $0x140, $0x38;
	[tilespmem:$0x7780] =	vst v63  }
0x10f: {  	_ =	swait.ge [sflag:s24], $0x140  }
0x110: {  	[sflag:s24] =	ssyncset.done $0x0  }
0x111: {  	[sflag:s24] =	ssyncadd.s32 $0xFFFFFEC0  }
0x112: {  	[tilespmem:s30], [sflag:$0x1] =	stream.linear.gather [spmem:s18], $0x140, $0x38;
	[tilespmem:$0x7780] =	vst v63  }
0x113: {  	_ =	swait.ge [sflag:s24], $0x140  }
0x114: {  	[sflag:s24] =	ssyncset.done $0x0  }
0x115: {  	[sflag:s24] =	ssyncadd.s32 $0xFFFFFEC0  }
0x116: {  	[tilespmem:s31], [sflag:$0x1] =	stream.linear.gather [spmem:s19], $0x140, $0x38;
	[tilespmem:$0x7780] =	vst v63  }
0x117: {  	_ =	swait.ge [sflag:s24], $0x140  }
0x118: {  	[sflag:s24] =	ssyncset.done $0x0  }
0x119: {  	[sflag:s24] =	ssyncadd.s32 $0xFFFFFEC0  }
0x11a: {  	[tilespmem:s22], [sflag:$0x1] =	stream.linear.gather [spmem:s20], $0x140, $0x38;
	[tilespmem:$0x7780] =	vst v63  }
0x11b: {  	_ =	swait.ge [sflag:s24], $0x140  }
0x11c: {  	[sflag:s24] =	ssyncset.done $0x0  }
0x11d: {  	[sflag:s24] =	ssyncadd.s32 $0xFFFFFEC0  }
0x11e: {  	v2 =	vld [tilespmem:s26+$0xFFFFF4C0];
	_ =	sdelay $0x1  }
0x11f: {  	v3 =	vld [tilespmem:s26+$0xFFFFF600]  }
0x120: {  	s1 =	sand.u32 $0x1F0, s1  }
0x121: {  	v54 =	vld [tilespmem:s1+$0x6600]  }
0x122: {  	v2 =	vadd.f32 $0.0e+00, v2  }
0x123: {  	v55 =	vld [tilespmem:s26+$0xFFFFF880]  }
0x124: {  	v2 =	vadd.f32 v3, v2  }
0x125: {  	v3 =	vld [tilespmem:s1+$0x6880]  }
0x126: {  	v2 =	vadd.f32 v54, v2  }
0x127: {  	v56 =	vld [tilespmem:s26+$0xFFFFFB00]  }
0x128: {  	v2 =	vadd.f32 v55, v2  }
0x129: {  	v57 =	vld [tilespmem:s1+$0x6B00]  }
0x12a: {  	v2 =	vadd.f32 v3, v2  }
0x12b: {  	v3 =	vld [tilespmem:s26+$0xFFFFFD80]  }
0x12c: {  	v2 =	vadd.f32 v56, v2  }
0x12d: {  	v58 =	vld [tilespmem:s1+$0x6D80]  }
0x12e: {  	v2 =	vadd.f32 v57, v2  }
0x12f: {  	v59 =	vld [tilespmem:s26+$0x0]  }
0x130: {  	v2 =	vadd.f32 v3, v2  }
0x131: {  	v3 =	vld [tilespmem:s1+$0x7000]  }
0x132: {  	v2 =	vadd.f32 v58, v2  }
0x133: {  	v60 =	vld [tilespmem:s26+$0x280]  }
0x134: {  	v2 =	vadd.f32 v59, v2  }
0x135: {  	v61 =	vld [tilespmem:s1+$0x7280]  }
0x136: {  	v2 =	vadd.f32 v3, v2  }
0x137: {  	v3 =	vld [tilespmem:s26+$0x500]  }
0x138: {  	v2 =	vadd.f32 v60, v2  }
0x139: {  	v62 =	vld [tilespmem:s1+$0x7500]  }
0x13a: {  	v2 =	vadd.f32 v61, v2  }
0x13b: {  	v63 =	vld [tilespmem:s26+$0x780]  }
0x13c: {  	v2 =	vadd.f32 v3, v2;
	_ =	sdelay $0x1  }
0x13d: {  	v2 =	vadd.f32 v62, v2;
	_ =	sdelay $0x1  }
0x13e: {  	v2 =	vadd.f32 v63, v2;
	_ =	sdelay $0x1  }
0x13f: {  	s1 =	simm.s32 $0x6ED0;
	[tilespmem:s23+$0x0] =	vst v2  }
0x140: {  	s2 =	simm.s32 $0x10;
	s4 =	simm.s32 $0x20;
	v2 =	vld [tilespmem:s1+$0xFFFFF4C0]  }
.LBB2_8:
0x141: {  	p0 =	sne.s32 s4, $0x130  }
0x142: {  	v3 =	vld [tilespmem:s1+$0xFFFFF600]  }
0x143: {  	s26 =	sand.u32 $0x1F0, s2;
	s2 =	smov.u32 s4  }
0x144: {  	v4 =	vld [tilespmem:s26+$0x6600]  }
0x145: {  	v2 =	vadd.f32 $0.0e+00, v2  }
0x146: {  	v5 =	vld [tilespmem:s1+$0xFFFFF880]  }
0x147: {  	v2 =	vadd.f32 v3, v2  }
0x148: {  	v3 =	vld [tilespmem:s26+$0x6880]  }
0x149: {  	v2 =	vadd.f32 v4, v2  }
0x14a: {  	v4 =	vld [tilespmem:s1+$0xFFFFFB00]  }
0x14b: {  	v2 =	vadd.f32 v5, v2  }
0x14c: {  	v5 =	vld [tilespmem:s26+$0x6B00]  }
0x14d: {  	v2 =	vadd.f32 v3, v2  }
0x14e: {  	v3 =	vld [tilespmem:s1+$0xFFFFFD80]  }
0x14f: {  	v2 =	vadd.f32 v4, v2  }
0x150: {  	v4 =	vld [tilespmem:s26+$0x6D80]  }
0x151: {  	v2 =	vadd.f32 v5, v2  }
0x152: {  	v5 =	vld [tilespmem:s1+$0x0]  }
0x153: {  	v2 =	vadd.f32 v3, v2  }
0x154: {  	v3 =	vld [tilespmem:s26+$0x7000]  }
0x155: {  	v2 =	vadd.f32 v4, v2  }
0x156: {  	v4 =	vld [tilespmem:s1+$0x280]  }
0x157: {  	v2 =	vadd.f32 v5, v2  }
0x158: {  	v5 =	vld [tilespmem:s26+$0x7280]  }
0x159: {  	v2 =	vadd.f32 v3, v2  }
0x15a: {  	v3 =	vld [tilespmem:s1+$0x500]  }
0x15b: {  	v2 =	vadd.f32 v4, v2  }
0x15c: {  	v4 =	vld [tilespmem:s26+$0x7500]  }
0x15d: {  	v2 =	vadd.f32 v5, v2  }
0x15e: {  	v5 =	vld [tilespmem:s1+$0x780]  }
0x15f: {  	v2 =	vadd.f32 v3, v2;
	_ =	sdelay $0x1  }
0x160: {  	v2 =	vadd.f32 v4, v2  }
.Ltmp3:
0x161: {  	(pc) =	sbr.rel @p0 .LBB2_8-.Ltmp3, $4  }
0x162: {  	v2 =	vadd.f32 v5, v2  }
0x163: {  	s23 =	sadd.s32 $0x10, s23  }
0x164: {  	s1 =	sadd.s32 $0x10, s1;
	[tilespmem:s23+$0x0] =	vst v2  }
0x165: {  	s4 =	sadd.s32 $0x10, s4;
	v2 =	vld [tilespmem:s1+$0xFFFFF4C0]  }
0x166: {  	_ = 	snop  }
0x167: {  	v3 =	vld [tilespmem:s1+$0xFFFFF600]  }
0x168: {  	s2 =	sand.u32 $0x1F0, s2  }
0x169: {  	v4 =	vld [tilespmem:s2+$0x6600]  }
0x16a: {  	v2 =	vadd.f32 $0.0e+00, v2  }
0x16b: {  	v5 =	vld [tilespmem:s1+$0xFFFFF880]  }
0x16c: {  	v2 =	vadd.f32 v3, v2  }
0x16d: {  	v3 =	vld [tilespmem:s2+$0x6880]  }
0x16e: {  	v2 =	vadd.f32 v4, v2  }
0x16f: {  	v56 =	vld [tilespmem:s1+$0xFFFFFB00]  }
0x170: {  	v2 =	vadd.f32 v5, v2  }
0x171: {  	v57 =	vld [tilespmem:s2+$0x6B00]  }
0x172: {  	v2 =	vadd.f32 v3, v2  }
0x173: {  	v3 =	vld [tilespmem:s1+$0xFFFFFD80]  }
0x174: {  	v2 =	vadd.f32 v56, v2  }
0x175: {  	v58 =	vld [tilespmem:s2+$0x6D80]  }
0x176: {  	v2 =	vadd.f32 v57, v2  }
0x177: {  	v59 =	vld [tilespmem:s1+$0x0]  }
0x178: {  	v2 =	vadd.f32 v3, v2  }
0x179: {  	v3 =	vld [tilespmem:s2+$0x7000]  }
0x17a: {  	v2 =	vadd.f32 v58, v2  }
0x17b: {  	v60 =	vld [tilespmem:s1+$0x280]  }
0x17c: {  	v2 =	vadd.f32 v59, v2  }
0x17d: {  	v61 =	vld [tilespmem:s2+$0x7280]  }
0x17e: {  	v2 =	vadd.f32 v3, v2  }
0x17f: {  	v3 =	vld [tilespmem:s1+$0x500]  }
0x180: {  	v2 =	vadd.f32 v60, v2  }
0x181: {  	v62 =	vld [tilespmem:s2+$0x7500]  }
0x182: {  	v2 =	vadd.f32 v61, v2  }
0x183: {  	v63 =	vld [tilespmem:s1+$0x780]  }
0x184: {  	v2 =	vadd.f32 v3, v2;
	_ =	sdelay $0x1  }
0x185: {  	v2 =	vadd.f32 v62, v2;
	_ =	sdelay $0x1  }
0x186: {  	v2 =	vadd.f32 v63, v2  }
0x187: {  	s2 =	sadd.s32 $0x10, s23  }
0x188: {  	s4 =	simm.s32 $0x0;
	s23 =	rddreg [dreg:$0x5];
	[tilespmem:s2+$0x0] =	vst v2  }
0x189: {  	[hbm4b:s23+s4] =	stream.linear.scatter [tilespmem:s25], [sflag:$0x1], $0x140, $0x38;
	[tilespmem:$0x7780] =	vst v63  }
0x18a: {  	_ =	swait.ge [sflag:s24], $0x140  }
0x18b: {  	s0 =	sadd.s32 $0x1, s0;
	s26 =	rddreg [dreg:$0x6]  }
0x18c: {  	p0 =	sne.s32 s0, s26  }
.Ltmp4:
0x18d: {  	_ = 	snop;
	(pc) =	sbr.rel @p0 .LBB2_1-.Ltmp4, $3  }
0x18e: {  	[sflag:s24] =	ssyncset.done $0x0  }
0x18f: {  	[sflag:s24] =	ssyncadd.s32 $0xFFFFFEC0  }
0x190: {  	[bflag:$0x0] =	sbarrier.arrive $0xFFFF;
	_ =	sdelay $0x1  }
0x191: {  	_ =	sfence.sel $0x180000  }
0x192: {  	[bflag:$0x0] =	sbarrier.arrive $0xFFFF  }
0x193: {  	_ =	strace $0x90000047  }
0x194: {  	s0 =	stileid.u32;
	[bflag:$0x2] =	sbarrier.arrive $0xFFFF  }
0x195: {  	p0 =	sne.s32 s0, $0x0;
	s0 =	rddreg [dreg:$0x3]  }
0x196: {  	s0 =	sadd.s32 @!p0 $0x100000, s0  }
0x197: {  	[sflag:s0] =	ssyncadd.tile.s32 @!p0 $0x1;
	_ =	shalt  }
.Lfunc_end2:
_tile_overlayer_lowered:
.L_overlay_start_2:
0x198: {  	(tag) =	ssettag $0x2  }
0x199: {  	s0 =	rddreg [dreg:$0x0];
	s2 =	stileid.u32  }
0x19a: {  	s1 =	rddreg [dreg:$0x1];
	p0 =	sne.s32 s2, $0x0  }
0x19b: {  	s3 =	rddreg [dreg:$0x2];
	[bflag:$0x3] =	sbarrier.arrive $0xFFFF;
	s2 =	simm.s32 @!p0 $0x1C01  }
0x19c: {  	[timem:s3], [sflag:s2] =	dma.local @!p0 [hbm:s0], s1  }
0x19d: {  	s0 =	simm.s32 @!p0 $0x1  }
0x19e: {  	_ =	swait.ge @!p0 [sflag:s0], s1  }
0x19f: {  	s1 =	ssub.s32 @!p0 $0x0, s1;
	[sflag:s0] =	ssyncset.done @!p0 $0x0  }
0x1a0: {  	[sflag:s0] =	ssyncadd.s32 @!p0 s1  }
0x1a1: {  	[bflag:$0x3] =	sbarrier.arrive $0xFFFF  }
0x1a2: {  	_ =	shalt  }

</sc_bundles>
